<compile_context>
chip_gen: v7x
topology: tpu7x:2x2x1
jax: 0.10.2.dev20260603
libtpu: 0.0.44.dev20260713+nightly
codegen_flags: <defaults>
</compile_context>

<pallas_src>
import jax
import jax.numpy as jnp
from jax import lax
from jax.experimental import pallas as pl
from jax.experimental.pallas import tpu as pltpu
from jax.experimental.pallas import tpu_sc as plsc

_N = 10000
_D = 128
_E = 320000

_NSUB = 16
_NCORE = 2
_ROWS_PER_SUB = 640
_ACC = _NSUB * _ROWS_PER_SUB
_CHUNK = 128
_NCHUNK = 2560
_PAD_E = _NCHUNK * _CHUNK
_CPS = _NCHUNK // (_NCORE * _NSUB)
_C0N = 120
_C1N = 40
_BLK = 1000


def _sc_scatter(zb, rc, zmb):
  mesh = plsc.VectorSubcoreMesh(core_axis_name="c", subcore_axis_name="s")
  nslot = 4
  c0n, c1n = _C0N, _C1N
  cmax = max(c0n, c1n)

  def body(zb_hbm, rc_hbm, zmb_hbm, sp_hbm, slab,
           mb0, mb1, mb2, mb3, acc,
           gs0, gs1, gs2, gs3, ss0, ss1, ss2, ss3):
    mb = [mb0, mb1, mb2, mb3]
    gs = [gs0, gs1, gs2, gs3]
    ss = [ss0, ss1, ss2, ss3]
    c = lax.axis_index("c")
    s = lax.axis_index("s")
    ncs = jnp.where(c == 0, c0n, c1n)
    ngrp = ncs // nslot
    base = jnp.where(c == 0, s * c0n, _NSUB * c0n + s * c1n)

    def gather(k, i):
      pltpu.async_copy(zb_hbm.at[slab.at[k, 0]], mb[i], gs[i])

    def wait_gather(k, i):
      pltpu.make_async_copy(zb_hbm.at[slab.at[k, 0]], mb[i], gs[i]).wait()

    def scatter(k, i):
      pltpu.async_copy(mb[i], acc.at[slab.at[k, 1]], ss[i], add=True)

    def wait_scatter(k, i):
      pltpu.make_async_copy(mb[i], acc.at[slab.at[k, 1]], ss[i]).wait()

    @pl.loop(0, _ROWS_PER_SUB // _CHUNK)
    def _(k5):
      pltpu.sync_copy(zmb_hbm, acc.at[pl.ds(s * _ROWS_PER_SUB + k5 * _CHUNK, _CHUNK)])
    pltpu.sync_copy(rc_hbm.at[pl.ds(base, cmax)], slab)
    plsc.subcore_barrier()

    gather(0, 0)
    gather(1, 1)

    @pl.loop(0, ngrp)
    def _(t):
      k4 = t * nslot
      for i in range(2):
        @pl.when(t > 0)
        def _():
          wait_scatter(k4 - 2 + i, 2 + i)
        gather(k4 + 2 + i, 2 + i)
      for i in range(2):
        wait_gather(k4 + i, i)
        scatter(k4 + i, i)
      for i in range(2):
        @pl.when(t < ngrp - 1)
        def _():
          wait_scatter(k4 + i, i)
          gather(k4 + 4 + i, i)
      for i in range(2):
        wait_gather(k4 + 2 + i, 2 + i)
        scatter(k4 + 2 + i, 2 + i)

    for i in range(2):
      wait_scatter(ncs - 4 + i, i)
      wait_scatter(ncs - 2 + i, 2 + i)
    plsc.subcore_barrier()

    @pl.loop(0, _ROWS_PER_SUB // _CHUNK)
    def _(k5):
      off = s * _ROWS_PER_SUB + k5 * _CHUNK
      pltpu.sync_copy(acc.at[pl.ds(off, _CHUNK)],
                      sp_hbm.at[pl.ds(c * _ACC + off, _CHUNK)])

  f = pl.kernel(
      body,
      out_type=jax.ShapeDtypeStruct((_NCORE * _ACC, _D), jnp.bfloat16),
      mesh=mesh,
      compiler_params=pltpu.CompilerParams(use_tc_tiling_on_sc=False),
      scratch_types=(
          [pltpu.VMEM((max(_C0N, _C1N), 2, _CHUNK), jnp.int32)]
          + [pltpu.VMEM((_CHUNK, _D), jnp.bfloat16) for _ in range(4)]
          + [pltpu.VMEM_SHARED((_ACC, _D), jnp.bfloat16)]
          + [pltpu.SemaphoreType.DMA for _ in range(8)]
      ),
  )
  return f(zb, rc, zmb)


def _sc_degree(rc, z16, o16):
  mesh = plsc.VectorSubcoreMesh(core_axis_name="c", subcore_axis_name="s")
  cpw = _NCHUNK // (_NCORE * _NSUB)

  def body(rc_hbm, z16_hbm, o16_hbm, dg_hbm, cbuf, ones_v, dacc):
    c = lax.axis_index("c")
    s = lax.axis_index("s")
    w = c * _NSUB + s

    @pl.loop(0, _ROWS_PER_SUB // _CHUNK)
    def _(k5):
      pltpu.sync_copy(z16_hbm, dacc.at[pl.ds(s * _ROWS_PER_SUB + k5 * _CHUNK, _CHUNK)])
    pltpu.sync_copy(o16_hbm, ones_v)
    pltpu.sync_copy(rc_hbm.at[pl.ds(w * cpw, cpw)], cbuf)
    plsc.subcore_barrier()

    @pl.loop(0, cpw)
    def _(k):
      pltpu.sync_copy(ones_v, dacc.at[cbuf.at[k, 1]], add=True)

    plsc.subcore_barrier()

    @pl.loop(0, _ROWS_PER_SUB // _CHUNK)
    def _(k5):
      off = s * _ROWS_PER_SUB + k5 * _CHUNK
      pltpu.sync_copy(dacc.at[pl.ds(off, _CHUNK)],
                      dg_hbm.at[pl.ds(c * _ACC + off, _CHUNK)])

  f = pl.kernel(
      body,
      out_type=jax.ShapeDtypeStruct((_NCORE * _ACC, 16), jnp.float32),
      mesh=mesh,
      compiler_params=pltpu.CompilerParams(use_tc_tiling_on_sc=False),
      scratch_types=[
          pltpu.VMEM((cpw, 2, _CHUNK), jnp.int32),
          pltpu.VMEM((_CHUNK, 16), jnp.float32),
          pltpu.VMEM_SHARED((_ACC, 16), jnp.float32),
      ],
  )
  return f(rc, z16, o16)


def _tc_first(x, wcat, b):
  def f(x_ref, w_ref, b_ref, zb_ref, z_ref, r_ref):
    y = jnp.dot(x_ref[...], w_ref[...], preferred_element_type=jnp.float32)
    z = y[:, :_D]
    zb_ref[...] = z.astype(jnp.bfloat16)
    z_ref[...] = z
    r_ref[...] = y[:, _D:] + b_ref[...]

  return pl.pallas_call(
      f,
      grid=(_N // _BLK,),
      in_specs=[
          pl.BlockSpec((_BLK, _D), lambda i: (i, 0)),
          pl.BlockSpec((_D, 2 * _D), lambda i: (0, 0)),
          pl.BlockSpec((1, _D), lambda i: (0, 0)),
      ],
      out_specs=[pl.BlockSpec((_BLK, _D), lambda i: (i, 0))] * 3,
      out_shape=[
          jax.ShapeDtypeStruct((_N, _D), jnp.bfloat16),
          jax.ShapeDtypeStruct((_N, _D), jnp.float32),
          jax.ShapeDtypeStruct((_N, _D), jnp.float32),
      ],
  )(x, wcat, b.reshape(1, _D))


def _tc_mid(sp, dg, z, r, wcat, b):
  def f(sp_ref, dg_ref, z_ref, r_ref, w_ref, b_ref, zb_ref, zo_ref, ro_ref):
    ssum = (sp_ref[0].astype(jnp.float32) + sp_ref[1].astype(jnp.float32)
            + z_ref[...])
    deg = 1.0 + dg_ref[0][:, 0:1] + dg_ref[1][:, 0:1]
    h = jnp.maximum(ssum / deg + r_ref[...], 0.0)
    y = jnp.dot(h, w_ref[...], preferred_element_type=jnp.float32)
    z = y[:, :_D]
    zb_ref[...] = z.astype(jnp.bfloat16)
    zo_ref[...] = z
    ro_ref[...] = y[:, _D:] + b_ref[...]

  return pl.pallas_call(
      f,
      grid=(_N // _BLK,),
      in_specs=[
          pl.BlockSpec((_NCORE, _BLK, _D), lambda i: (0, i, 0)),
          pl.BlockSpec((_NCORE, _BLK, 16), lambda i: (0, i, 0)),
          pl.BlockSpec((_BLK, _D), lambda i: (i, 0)),
          pl.BlockSpec((_BLK, _D), lambda i: (i, 0)),
          pl.BlockSpec((_D, 2 * _D), lambda i: (0, 0)),
          pl.BlockSpec((1, _D), lambda i: (0, 0)),
      ],
      out_specs=[pl.BlockSpec((_BLK, _D), lambda i: (i, 0))] * 3,
      out_shape=[
          jax.ShapeDtypeStruct((_N, _D), jnp.bfloat16),
          jax.ShapeDtypeStruct((_N, _D), jnp.float32),
          jax.ShapeDtypeStruct((_N, _D), jnp.float32),
      ],
  )(sp, dg, z, r, wcat, b.reshape(1, _D))


def _tc_final(sp, dg, z, r):
  def f(sp_ref, dg_ref, z_ref, r_ref, o_ref):
    ssum = (sp_ref[0].astype(jnp.float32) + sp_ref[1].astype(jnp.float32)
            + z_ref[...])
    deg = 1.0 + dg_ref[0][:, 0:1] + dg_ref[1][:, 0:1]
    o_ref[...] = jax.nn.sigmoid(jnp.maximum(ssum / deg + r_ref[...], 0.0))

  return pl.pallas_call(
      f,
      grid=(_N // _BLK,),
      in_specs=[
          pl.BlockSpec((_NCORE, _BLK, _D), lambda i: (0, i, 0)),
          pl.BlockSpec((_NCORE, _BLK, 16), lambda i: (0, i, 0)),
          pl.BlockSpec((_BLK, _D), lambda i: (i, 0)),
          pl.BlockSpec((_BLK, _D), lambda i: (i, 0)),
      ],
      out_specs=pl.BlockSpec((_BLK, _D), lambda i: (i, 0)),
      out_shape=jax.ShapeDtypeStruct((_N, _D), jnp.float32),
  )(sp, dg, z, r)


def kernel(x, edge_index, W_out0, b_out0, W_root0,
           W_out1, b_out1, W_root1, W_out2, b_out2, W_root2):
  row = edge_index[0]
  col = edge_index[1]
  pad = _PAD_E - _E
  row2d = jnp.concatenate([row, jnp.zeros((pad,), jnp.int32)]).reshape(_NCHUNK, _CHUNK)
  col2d = jnp.concatenate([col, jnp.full((pad,), _N, jnp.int32)]).reshape(_NCHUNK, _CHUNK)
  rc = jnp.stack([row2d, col2d], axis=1)
  zmb = jnp.zeros((_CHUNK, _D), jnp.bfloat16)
  z16 = jnp.zeros((_CHUNK, 16), jnp.float32)
  o16 = jnp.ones((_CHUNK, 16), jnp.float32)

  wcat0 = jnp.concatenate([W_out0, W_root0], axis=1)
  wcat1 = jnp.concatenate([W_out1, W_root1], axis=1)
  wcat2 = jnp.concatenate([W_out2, W_root2], axis=1)

  dg = _sc_degree(rc, z16, o16).reshape(_NCORE, _ACC, 16)

  zb1, z1, r1 = _tc_first(x, wcat0, b_out0)
  sp1 = _sc_scatter(zb1, rc, zmb).reshape(_NCORE, _ACC, _D)

  zb2, z2, r2 = _tc_mid(sp1, dg, z1, r1, wcat1, b_out1)
  sp2 = _sc_scatter(zb2, rc, zmb).reshape(_NCORE, _ACC, _D)

  zb3, z3, r3 = _tc_mid(sp2, dg, z2, r2, wcat2, b_out2)
  sp3 = _sc_scatter(zb3, rc, zmb).reshape(_NCORE, _ACC, _D)

  return _tc_final(sp3, dg, z3, r3)

# --- scband reference (transcript-rebuilt; emitter-appended) ---
"""Pipeline reference for scband-cluster-gcn-15556371546774 (READ-ONLY COPY).

The authoritative reference and input builder live on the scoring server;
editing this copy changes nothing except your own understanding.
"""

import jax, jax.numpy as jnp
import numpy as np

N = 10000
D_IN = 128
D_HID = 128
D_OUT = 128
E = 320000


def setup_inputs(seed: int = 0) -> dict:
    key = jax.random.key(seed)
    ks = jax.random.split(key, 16)
    x = jax.random.normal(ks[0], (N, D_IN), dtype=jnp.float32)
    edge_index = jax.random.randint(ks[1], (2, E), 0, N, dtype=jnp.int32)
    dims = [(D_IN, D_HID), (D_HID, D_HID), (D_HID, D_OUT)]
    inp = {"x": x, "edge_index": edge_index}
    for i, (di, do) in enumerate(dims):
        sc = float(1.0 / np.sqrt(di))
        inp[f"W_out{i}"] = jax.random.uniform(ks[2 + 3 * i], (di, do), jnp.float32, -sc, sc)
        inp[f"b_out{i}"] = jax.random.uniform(ks[3 + 3 * i], (do,), jnp.float32, -sc, sc)
        inp[f"W_root{i}"] = jax.random.uniform(ks[4 + 3 * i], (di, do), jnp.float32, -sc, sc)
    return inp


def _cluster_gcn_conv(x, row, col, W_out, b_out, W_root):
    # Faithful ClusterGCNConv (diag_lambda=0, add_self_loops=True):
    # edge_weight = deg_inv[col] with deg computed over col after self-loops;
    # out = (scatter_add msgs) @ W_out + b_out + x @ W_root
    n = x.shape[0]
    loop = jnp.arange(n, dtype=row.dtype)
    row2 = jnp.concatenate([row, loop])
    col2 = jnp.concatenate([col, loop])
    deg = jax.ops.segment_sum(jnp.ones(row2.shape[0], dtype=x.dtype), col2, num_segments=n)
    deg_inv = 1.0 / jnp.clip(deg, 1.0, None)
    ew = deg_inv[col2]
    msgs = jnp.take(x, row2, axis=0) * ew[:, None]
    agg = jax.ops.segment_sum(msgs, col2, num_segments=n)
    return agg @ W_out + b_out + x @ W_root


def reference(x, edge_index, W_out0, b_out0, W_root0, W_out1, b_out1, W_root1, W_out2, b_out2, W_root2):
    row, col = edge_index[0], edge_index[1]
    params = [(W_out0, b_out0, W_root0), (W_out1, b_out1, W_root1), (W_out2, b_out2, W_root2)]
    h = x
    for (Wo, bo, Wr) in params:
        h = _cluster_gcn_conv(h, row, col, Wo, bo, Wr)
        h = jax.nn.relu(h)
        # dropout p=0.0 -> identity
    return jax.nn.sigmoid(h)

if __name__ == "__main__":
    import jax
    _d = setup_inputs()
    print(jax.jit(kernel)(*tuple(_d.values())))

</pallas_src>

<mosaic_0001>
#map = affine_map<(d0, d1) -> (0, 0)>
#map1 = affine_map<(d0, d1) -> (0, 0, 0)>
module attributes {stable_mosaic.version = 14 : i64} {
  func.func @body(%arg0: i32, %arg1: i32, %arg2: memref<10000x128xbf16, #tpu.memory_space<hbm>>, %arg3: memref<2560x2x128xi32, #tpu.memory_space<hbm>>, %arg4: memref<128x128xbf16, #tpu.memory_space<hbm>>, %arg5: memref<20480x128xbf16, #tpu.memory_space<hbm>>, %arg6: memref<120x2x128xi32, #tpu.memory_space<vmem>>, %arg7: memref<128x128xbf16, #tpu.memory_space<vmem>>, %arg8: memref<128x128xbf16, #tpu.memory_space<vmem>>, %arg9: memref<128x128xbf16, #tpu.memory_space<vmem>>, %arg10: memref<128x128xbf16, #tpu.memory_space<vmem>>, %arg11: memref<10240x128xbf16, #tpu.memory_space<vmem_shared>>, %arg12: memref<!tpu.dma_semaphore, #tpu.memory_space<semaphore_mem>>, %arg13: memref<!tpu.dma_semaphore, #tpu.memory_space<semaphore_mem>>, %arg14: memref<!tpu.dma_semaphore, #tpu.memory_space<semaphore_mem>>, %arg15: memref<!tpu.dma_semaphore, #tpu.memory_space<semaphore_mem>>, %arg16: memref<!tpu.dma_semaphore, #tpu.memory_space<semaphore_mem>>, %arg17: memref<!tpu.dma_semaphore, #tpu.memory_space<semaphore_mem>>, %arg18: memref<!tpu.dma_semaphore, #tpu.memory_space<semaphore_mem>>, %arg19: memref<!tpu.dma_semaphore, #tpu.memory_space<semaphore_mem>>) attributes {dimension_semantics = [#tpu.dimension_semantics<core_parallel>, #tpu.dimension_semantics<subcore_parallel>], iteration_bounds = array<i64: 2, 16>, scalar_prefetch = 0 : i64, scratch_operands = 14 : i64, tpu.core_type = #tpu.core_type<sc_vector_subcore>, window_params = [{transform_indices = #map}, {transform_indices = #map1}, {transform_indices = #map}, {transform_indices = #map}]} {
    %eq3A = arith.constant 0 : i32
    %eq3A_0 = arith.cmpi eq, %arg0, %eq3A : i32
    %jit3A = arith.constant 120 : i32
    %jit3A_1 = arith.constant 40 : i32
    %select_n3A = arith.select %eq3A_0, %jit3A, %jit3A_1 : i32
    %jit3A_2 = arith.constant 4 : i32
    %div3A = arith.divsi %select_n3A, %jit3A_2 : i32
    %sign3A = arith.constant 0 : i32
    %sign3A_3 = arith.cmpi sgt, %select_n3A, %sign3A : i32
    %sign3A_4 = arith.extui %sign3A_3 : i1 to i32
    %sign3A_5 = arith.constant 0 : i32
    %sign3A_6 = arith.cmpi slt, %select_n3A, %sign3A_5 : i32
    %sign3A_7 = arith.extui %sign3A_6 : i1 to i32
    %sign3A_8 = arith.subi %sign3A_4, %sign3A_7 : i32
    %sign3A_9 = arith.constant 0 : i32
    %sign3A_10 = arith.cmpi sgt, %jit3A_2, %sign3A_9 : i32
    %sign3A_11 = arith.extui %sign3A_10 : i1 to i32
    %sign3A_12 = arith.constant 0 : i32
    %sign3A_13 = arith.cmpi slt, %jit3A_2, %sign3A_12 : i32
    %sign3A_14 = arith.extui %sign3A_13 : i1 to i32
    %sign3A_15 = arith.subi %sign3A_11, %sign3A_14 : i32
    %ne3A = arith.cmpi ne, %sign3A_8, %sign3A_15 : i32
    %rem3A = arith.remsi %select_n3A, %jit3A_2 : i32
    %ne3A_16 = arith.constant 0 : i32
    %ne3A_17 = arith.cmpi ne, %rem3A, %ne3A_16 : i32
    %and3A = arith.andi %ne3A, %ne3A_17 : i1
    %sub3A = arith.constant 1 : i32
    %sub3A_18 = arith.subi %div3A, %sub3A : i32
    %select_n3A_19 = arith.select %and3A, %sub3A_18, %div3A : i32
    %eq3A_20 = arith.constant 0 : i32
    %eq3A_21 = arith.cmpi eq, %arg0, %eq3A_20 : i32
    %mul3A = arith.constant 120 : i32
    %mul3A_22 = arith.muli %arg1, %mul3A : i32
    %mul3A_23 = arith.constant 40 : i32
    %mul3A_24 = arith.muli %arg1, %mul3A_23 : i32
    %add3A = arith.constant 1920 : i32
    %add3A_25 = arith.addi %add3A, %mul3A_24 : i32
    %select_n3A_26 = arith.select %eq3A_21, %mul3A_22, %add3A_25 : i32
    %scan3A = arith.constant 0 : i32
    %scan3A_27 = arith.constant 5 : i32
    %scan3A_28 = arith.addi %scan3A, %scan3A_27 : i32
    %scan3A_29 = arith.constant 1 : i32
    scf.for %scan3A_113 = %scan3A to %scan3A_28 step %scan3A_29  : i32 {
      %mul3A_114 = arith.constant 1 : i32
      %mul3A_115 = arith.muli %scan3A_113, %mul3A_114 : i32
      %add3A_116 = arith.constant 0 : i32
      %add3A_117 = arith.addi %add3A_116, %mul3A_115 : i32
      %mul3A_118 = arith.constant 640 : i32
      %mul3A_119 = arith.muli %arg1, %mul3A_118 : i32
      %mul3A_120 = arith.constant 128 : i32
      %mul3A_121 = arith.muli %add3A_117, %mul3A_120 : i32
      %add3A_122 = arith.addi %mul3A_119, %mul3A_121 : i32
      "tpu.region"() ({
        %run_scoped3A = tpu.sem_alloc : memref<!tpu.dma_semaphore, #tpu.memory_space<semaphore_mem>>
        %dma_start3A_123 = arith.constant 0 : i32
        %dma_start3A_124 = tpu.memref_slice %arg11[%add3A_122, %dma_start3A_123] : memref<10240x128xbf16, #tpu.memory_space<vmem_shared>> -> memref<128x128xbf16, #tpu.memory_space<vmem_shared>>
        tpu.enqueue_dma source(%arg4 : memref<128x128xbf16, #tpu.memory_space<hbm>>) target(%dma_start3A_124 : memref<128x128xbf16, #tpu.memory_space<vmem_shared>>) target_semaphore(%run_scoped3A : memref<!tpu.dma_semaphore, #tpu.memory_space<semaphore_mem>>)
        %dma_wait3A_125 = arith.constant 0 : i32
        %dma_wait3A_126 = tpu.memref_slice %arg11[%add3A_122, %dma_wait3A_125] : memref<10240x128xbf16, #tpu.memory_space<vmem_shared>> -> memref<128x128xbf16, #tpu.memory_space<vmem_shared>>
        tpu.wait_dma2 semaphore(%run_scoped3A : memref<!tpu.dma_semaphore, #tpu.memory_space<semaphore_mem>>) src(%arg4 : memref<128x128xbf16, #tpu.memory_space<hbm>>) dst(%dma_wait3A_126 : memref<128x128xbf16, #tpu.memory_space<vmem_shared>>)
        tpu.yield
      }) : () -> ()
    }
    %scan3A_30 = arith.constant 5 : i32
    "tpu.region"() ({
      %run_scoped3A = tpu.sem_alloc : memref<!tpu.dma_semaphore, #tpu.memory_space<semaphore_mem>>
      %dma_start3A_113 = arith.constant 0 : i32
      %dma_start3A_114 = arith.constant 0 : i32
      %dma_start3A_115 = tpu.memref_slice %arg3[%select_n3A_26, %dma_start3A_113, %dma_start3A_114] : memref<2560x2x128xi32, #tpu.memory_space<hbm>> -> memref<120x2x128xi32, #tpu.memory_space<hbm>>
      %dma_start3A_116 = arith.constant 0 : i32
      %dma_start3A_117 = arith.constant 0 : i32
      %dma_start3A_118 = tpu.memref_slice %arg3[%select_n3A_26, %dma_start3A_116, %dma_start3A_117] : memref<2560x2x128xi32, #tpu.memory_space<hbm>> -> memref<120x2x128xi32, #tpu.memory_space<hbm>>
      tpu.enqueue_dma source(%dma_start3A_118 : memref<120x2x128xi32, #tpu.memory_space<hbm>>) target(%arg6 : memref<120x2x128xi32, #tpu.memory_space<vmem>>) target_semaphore(%run_scoped3A : memref<!tpu.dma_semaphore, #tpu.memory_space<semaphore_mem>>)
      %dma_wait3A_119 = arith.constant 0 : i32
      %dma_wait3A_120 = arith.constant 0 : i32
      %dma_wait3A_121 = tpu.memref_slice %arg3[%select_n3A_26, %dma_wait3A_119, %dma_wait3A_120] : memref<2560x2x128xi32, #tpu.memory_space<hbm>> -> memref<120x2x128xi32, #tpu.memory_space<hbm>>
      %dma_wait3A_122 = arith.constant 0 : i32
      %dma_wait3A_123 = arith.constant 0 : i32
      %dma_wait3A_124 = tpu.memref_slice %arg3[%select_n3A_26, %dma_wait3A_122, %dma_wait3A_123] : memref<2560x2x128xi32, #tpu.memory_space<hbm>> -> memref<120x2x128xi32, #tpu.memory_space<hbm>>
      tpu.wait_dma2 semaphore(%run_scoped3A : memref<!tpu.dma_semaphore, #tpu.memory_space<semaphore_mem>>) src(%dma_wait3A_124 : memref<120x2x128xi32, #tpu.memory_space<hbm>>) dst(%arg6 : memref<120x2x128xi32, #tpu.memory_space<vmem>>)
      tpu.yield
    }) : () -> ()
    %barrier3A = arith.constant 0 : index
    tpu.barrier barrier_id(%barrier3A)
    %dma_start3A = arith.constant 0 : i32
    %dma_start3A_31 = arith.constant 0 : i32
    %dma_start3A_32 = arith.constant 0 : i32
    %dma_start3A_33 = tpu.memref_slice %arg6[%dma_start3A, %dma_start3A_31, %dma_start3A_32] : memref<120x2x128xi32, #tpu.memory_space<vmem>> -> memref<1x1x128xi32, #tpu.memory_space<vmem>>
    %dma_start3A_34 = tpu.memref_squeeze %dma_start3A_33 : memref<1x1x128xi32, #tpu.memory_space<vmem>> -> memref<128xi32, #tpu.memory_space<vmem>>
    %dma_start3A_35 = arith.constant 0 : i32
    %dma_start3A_36 = arith.constant 0 : i32
    %dma_start3A_37 = tpu.memref_slice %arg2[%dma_start3A_35, %dma_start3A_36] : memref<10000x128xbf16, #tpu.memory_space<hbm>> -> memref<10000x128xbf16, #tpu.memory_space<hbm>>
    tpu.enqueue_indirect_dma source(%dma_start3A_37 : memref<10000x128xbf16, #tpu.memory_space<hbm>>) target(%arg7 : memref<128x128xbf16, #tpu.memory_space<vmem>>) offsets(%dma_start3A_34 : memref<128xi32, #tpu.memory_space<vmem>>) semaphore(%arg12 : memref<!tpu.dma_semaphore, #tpu.memory_space<semaphore_mem>>)
    %dma_start3A_38 = arith.constant 1 : i32
    %dma_start3A_39 = arith.constant 0 : i32
    %dma_start3A_40 = arith.constant 0 : i32
    %dma_start3A_41 = tpu.memref_slice %arg6[%dma_start3A_38, %dma_start3A_39, %dma_start3A_40] : memref<120x2x128xi32, #tpu.memory_space<vmem>> -> memref<1x1x128xi32, #tpu.memory_space<vmem>>
    %dma_start3A_42 = tpu.memref_squeeze %dma_start3A_41 : memref<1x1x128xi32, #tpu.memory_space<vmem>> -> memref<128xi32, #tpu.memory_space<vmem>>
    %dma_start3A_43 = arith.constant 0 : i32
    %dma_start3A_44 = arith.constant 0 : i32
    %dma_start3A_45 = tpu.memref_slice %arg2[%dma_start3A_43, %dma_start3A_44] : memref<10000x128xbf16, #tpu.memory_space<hbm>> -> memref<10000x128xbf16, #tpu.memory_space<hbm>>
    tpu.enqueue_indirect_dma source(%dma_start3A_45 : memref<10000x128xbf16, #tpu.memory_space<hbm>>) target(%arg8 : memref<128x128xbf16, #tpu.memory_space<vmem>>) offsets(%dma_start3A_42 : memref<128xi32, #tpu.memory_space<vmem>>) semaphore(%arg13 : memref<!tpu.dma_semaphore, #tpu.memory_space<semaphore_mem>>)
    %sub3A_46 = arith.constant 0 : i32
    %sub3A_47 = arith.subi %select_n3A_19, %sub3A_46 : i32
    %sub3A_48 = arith.constant 1 : i32
    %sub3A_49 = arith.constant 1 : i32
    %sub3A_50 = arith.subi %sub3A_48, %sub3A_49 : i32
    %add3A_51 = arith.addi %sub3A_47, %sub3A_50 : i32
    %div3A_52 = arith.constant 1 : i32
    %div3A_53 = arith.divsi %add3A_51, %div3A_52 : i32
    %while3A = arith.constant 1 : i32
    %while3A_54 = arith.constant 0 : i32
    %while3A_55 = arith.constant 0 : i32
    %while3A_56 = arith.subi %div3A_53, %while3A_55 : i32
    %while3A_57 = arith.addi %while3A_55, %while3A_56 : i32
    %while3A_58 = arith.constant 1 : i32
    %while3A_59 = arith.divsi %while3A_56, %while3A_58 : i32
    %while3A_60 = arith.muli %while3A_59, %while3A_58 : i32
    %while3A_61 = arith.addi %while3A_55, %while3A_60 : i32
    %while3A_62 = arith.constant 1 : i32
    scf.for %while3A_113 = %while3A_55 to %while3A_61 step %while3A_62  : i32 {
      %mul3A_114 = arith.muli %while3A_113, %while3A : i32
      %add3A_115 = arith.addi %while3A_54, %mul3A_114 : i32
      %mul3A_116 = arith.constant 4 : i32
      %mul3A_117 = arith.muli %add3A_115, %mul3A_116 : i32
      %gt3A = arith.constant 0 : i32
      %gt3A_118 = arith.cmpi sgt, %add3A_115, %gt3A : i32
      %convert_element_type3A = arith.extui %gt3A_118 : i1 to i32
      %cond3A = arith.constant 0 : i32
      %cond3A_119 = arith.cmpi ne, %convert_element_type3A, %cond3A : i32
      scf.if %cond3A_119 {
        %sub3A_238 = arith.constant 2 : i32
        %sub3A_239 = arith.subi %mul3A_117, %sub3A_238 : i32
        %add3A_240 = arith.constant 0 : i32
        %add3A_241 = arith.addi %sub3A_239, %add3A_240 : i32
        %dma_wait3A_242 = arith.constant 1 : i32
        %dma_wait3A_243 = arith.constant 0 : i32
        %dma_wait3A_244 = tpu.memref_slice %arg6[%add3A_241, %dma_wait3A_242, %dma_wait3A_243] : memref<120x2x128xi32, #tpu.memory_space<vmem>> -> memref<1x1x128xi32, #tpu.memory_space<vmem>>
        %dma_wait3A_245 = tpu.memref_squeeze %dma_wait3A_244 : memref<1x1x128xi32, #tpu.memory_space<vmem>> -> memref<128xi32, #tpu.memory_space<vmem>>
        %dma_wait3A_246 = arith.constant 0 : i32
        %dma_wait3A_247 = arith.constant 0 : i32
        %dma_wait3A_248 = tpu.memref_slice %arg11[%dma_wait3A_246, %dma_wait3A_247] : memref<10240x128xbf16, #tpu.memory_space<vmem_shared>> -> memref<10240x128xbf16, #tpu.memory_space<vmem_shared>>
        tpu.wait_indirect_dma semaphore(%arg18 : memref<!tpu.dma_semaphore, #tpu.memory_space<semaphore_mem>>) src(%arg9 : memref<128x128xbf16, #tpu.memory_space<vmem>>) dst(%dma_wait3A_248 : memref<10240x128xbf16, #tpu.memory_space<vmem_shared>>)
      } else {
      }
      %add3A_120 = arith.constant 2 : i32
      %add3A_121 = arith.addi %mul3A_117, %add3A_120 : i32
      %add3A_122 = arith.constant 0 : i32
      %add3A_123 = arith.addi %add3A_121, %add3A_122 : i32
      %dma_start3A_124 = arith.constant 0 : i32
      %dma_start3A_125 = arith.constant 0 : i32
      %dma_start3A_126 = tpu.memref_slice %arg6[%add3A_123, %dma_start3A_124, %dma_start3A_125] : memref<120x2x128xi32, #tpu.memory_space<vmem>> -> memref<1x1x128xi32, #tpu.memory_space<vmem>>
      %dma_start3A_127 = tpu.memref_squeeze %dma_start3A_126 : memref<1x1x128xi32, #tpu.memory_space<vmem>> -> memref<128xi32, #tpu.memory_space<vmem>>
      %dma_start3A_128 = arith.constant 0 : i32
      %dma_start3A_129 = arith.constant 0 : i32
      %dma_start3A_130 = tpu.memref_slice %arg2[%dma_start3A_128, %dma_start3A_129] : memref<10000x128xbf16, #tpu.memory_space<hbm>> -> memref<10000x128xbf16, #tpu.memory_space<hbm>>
      tpu.enqueue_indirect_dma source(%dma_start3A_130 : memref<10000x128xbf16, #tpu.memory_space<hbm>>) target(%arg9 : memref<128x128xbf16, #tpu.memory_space<vmem>>) offsets(%dma_start3A_127 : memref<128xi32, #tpu.memory_space<vmem>>) semaphore(%arg14 : memref<!tpu.dma_semaphore, #tpu.memory_space<semaphore_mem>>)
      %gt3A_131 = arith.constant 0 : i32
      %gt3A_132 = arith.cmpi sgt, %add3A_115, %gt3A_131 : i32
      %convert_element_type3A_133 = arith.extui %gt3A_132 : i1 to i32
      %cond3A_134 = arith.constant 0 : i32
      %cond3A_135 = arith.cmpi ne, %convert_element_type3A_133, %cond3A_134 : i32
      scf.if %cond3A_135 {
        %sub3A_238 = arith.constant 2 : i32
        %sub3A_239 = arith.subi %mul3A_117, %sub3A_238 : i32
        %add3A_240 = arith.constant 1 : i32
        %add3A_241 = arith.addi %sub3A_239, %add3A_240 : i32
        %dma_wait3A_242 = arith.constant 1 : i32
        %dma_wait3A_243 = arith.constant 0 : i32
        %dma_wait3A_244 = tpu.memref_slice %arg6[%add3A_241, %dma_wait3A_242, %dma_wait3A_243] : memref<120x2x128xi32, #tpu.memory_space<vmem>> -> memref<1x1x128xi32, #tpu.memory_space<vmem>>
        %dma_wait3A_245 = tpu.memref_squeeze %dma_wait3A_244 : memref<1x1x128xi32, #tpu.memory_space<vmem>> -> memref<128xi32, #tpu.memory_space<vmem>>
        %dma_wait3A_246 = arith.constant 0 : i32
        %dma_wait3A_247 = arith.constant 0 : i32
        %dma_wait3A_248 = tpu.memref_slice %arg11[%dma_wait3A_246, %dma_wait3A_247] : memref<10240x128xbf16, #tpu.memory_space<vmem_shared>> -> memref<10240x128xbf16, #tpu.memory_space<vmem_shared>>
        tpu.wait_indirect_dma semaphore(%arg19 : memref<!tpu.dma_semaphore, #tpu.memory_space<semaphore_mem>>) src(%arg10 : memref<128x128xbf16, #tpu.memory_space<vmem>>) dst(%dma_wait3A_248 : memref<10240x128xbf16, #tpu.memory_space<vmem_shared>>)
      } else {
      }
      %add3A_136 = arith.constant 2 : i32
      %add3A_137 = arith.addi %mul3A_117, %add3A_136 : i32
      %add3A_138 = arith.constant 1 : i32
      %add3A_139 = arith.addi %add3A_137, %add3A_138 : i32
      %dma_start3A_140 = arith.constant 0 : i32
      %dma_start3A_141 = arith.constant 0 : i32
      %dma_start3A_142 = tpu.memref_slice %arg6[%add3A_139, %dma_start3A_140, %dma_start3A_141] : memref<120x2x128xi32, #tpu.memory_space<vmem>> -> memref<1x1x128xi32, #tpu.memory_space<vmem>>
      %dma_start3A_143 = tpu.memref_squeeze %dma_start3A_142 : memref<1x1x128xi32, #tpu.memory_space<vmem>> -> memref<128xi32, #tpu.memory_space<vmem>>
      %dma_start3A_144 = arith.constant 0 : i32
      %dma_start3A_145 = arith.constant 0 : i32
      %dma_start3A_146 = tpu.memref_slice %arg2[%dma_start3A_144, %dma_start3A_145] : memref<10000x128xbf16, #tpu.memory_space<hbm>> -> memref<10000x128xbf16, #tpu.memory_space<hbm>>
      tpu.enqueue_indirect_dma source(%dma_start3A_146 : memref<10000x128xbf16, #tpu.memory_space<hbm>>) target(%arg10 : memref<128x128xbf16, #tpu.memory_space<vmem>>) offsets(%dma_start3A_143 : memref<128xi32, #tpu.memory_space<vmem>>) semaphore(%arg15 : memref<!tpu.dma_semaphore, #tpu.memory_space<semaphore_mem>>)
      %add3A_147 = arith.constant 0 : i32
      %add3A_148 = arith.addi %mul3A_117, %add3A_147 : i32
      %dma_wait3A_149 = arith.constant 0 : i32
      %dma_wait3A_150 = arith.constant 0 : i32
      %dma_wait3A_151 = tpu.memref_slice %arg6[%add3A_148, %dma_wait3A_149, %dma_wait3A_150] : memref<120x2x128xi32, #tpu.memory_space<vmem>> -> memref<1x1x128xi32, #tpu.memory_space<vmem>>
      %dma_wait3A_152 = tpu.memref_squeeze %dma_wait3A_151 : memref<1x1x128xi32, #tpu.memory_space<vmem>> -> memref<128xi32, #tpu.memory_space<vmem>>
      %dma_wait3A_153 = arith.constant 0 : i32
      %dma_wait3A_154 = arith.constant 0 : i32
      %dma_wait3A_155 = tpu.memref_slice %arg2[%dma_wait3A_153, %dma_wait3A_154] : memref<10000x128xbf16, #tpu.memory_space<hbm>> -> memref<10000x128xbf16, #tpu.memory_space<hbm>>
      tpu.wait_indirect_dma semaphore(%arg12 : memref<!tpu.dma_semaphore, #tpu.memory_space<semaphore_mem>>) src(%dma_wait3A_155 : memref<10000x128xbf16, #tpu.memory_space<hbm>>) dst(%arg7 : memref<128x128xbf16, #tpu.memory_space<vmem>>)
      %add3A_156 = arith.constant 0 : i32
      %add3A_157 = arith.addi %mul3A_117, %add3A_156 : i32
      %dma_start3A_158 = arith.constant 1 : i32
      %dma_start3A_159 = arith.constant 0 : i32
      %dma_start3A_160 = tpu.memref_slice %arg6[%add3A_157, %dma_start3A_158, %dma_start3A_159] : memref<120x2x128xi32, #tpu.memory_space<vmem>> -> memref<1x1x128xi32, #tpu.memory_space<vmem>>
      %dma_start3A_161 = tpu.memref_squeeze %dma_start3A_160 : memref<1x1x128xi32, #tpu.memory_space<vmem>> -> memref<128xi32, #tpu.memory_space<vmem>>
      %dma_start3A_162 = arith.constant 0 : i32
      %dma_start3A_163 = arith.constant 0 : i32
      %dma_start3A_164 = tpu.memref_slice %arg11[%dma_start3A_162, %dma_start3A_163] : memref<10240x128xbf16, #tpu.memory_space<vmem_shared>> -> memref<10240x128xbf16, #tpu.memory_space<vmem_shared>>
      tpu.enqueue_indirect_dma source(%arg7 : memref<128x128xbf16, #tpu.memory_space<vmem>>) target(%dma_start3A_164 : memref<10240x128xbf16, #tpu.memory_space<vmem_shared>>) offsets(%dma_start3A_161 : memref<128xi32, #tpu.memory_space<vmem>>) semaphore(%arg16 : memref<!tpu.dma_semaphore, #tpu.memory_space<semaphore_mem>>) {add = true}
      %add3A_165 = arith.constant 1 : i32
      %add3A_166 = arith.addi %mul3A_117, %add3A_165 : i32
      %dma_wait3A_167 = arith.constant 0 : i32
      %dma_wait3A_168 = arith.constant 0 : i32
      %dma_wait3A_169 = tpu.memref_slice %arg6[%add3A_166, %dma_wait3A_167, %dma_wait3A_168] : memref<120x2x128xi32, #tpu.memory_space<vmem>> -> memref<1x1x128xi32, #tpu.memory_space<vmem>>
      %dma_wait3A_170 = tpu.memref_squeeze %dma_wait3A_169 : memref<1x1x128xi32, #tpu.memory_space<vmem>> -> memref<128xi32, #tpu.memory_space<vmem>>
      %dma_wait3A_171 = arith.constant 0 : i32
      %dma_wait3A_172 = arith.constant 0 : i32
      %dma_wait3A_173 = tpu.memref_slice %arg2[%dma_wait3A_171, %dma_wait3A_172] : memref<10000x128xbf16, #tpu.memory_space<hbm>> -> memref<10000x128xbf16, #tpu.memory_space<hbm>>
      tpu.wait_indirect_dma semaphore(%arg13 : memref<!tpu.dma_semaphore, #tpu.memory_space<semaphore_mem>>) src(%dma_wait3A_173 : memref<10000x128xbf16, #tpu.memory_space<hbm>>) dst(%arg8 : memref<128x128xbf16, #tpu.memory_space<vmem>>)
      %add3A_174 = arith.constant 1 : i32
      %add3A_175 = arith.addi %mul3A_117, %add3A_174 : i32
      %dma_start3A_176 = arith.constant 1 : i32
      %dma_start3A_177 = arith.constant 0 : i32
      %dma_start3A_178 = tpu.memref_slice %arg6[%add3A_175, %dma_start3A_176, %dma_start3A_177] : memref<120x2x128xi32, #tpu.memory_space<vmem>> -> memref<1x1x128xi32, #tpu.memory_space<vmem>>
      %dma_start3A_179 = tpu.memref_squeeze %dma_start3A_178 : memref<1x1x128xi32, #tpu.memory_space<vmem>> -> memref<128xi32, #tpu.memory_space<vmem>>
      %dma_start3A_180 = arith.constant 0 : i32
      %dma_start3A_181 = arith.constant 0 : i32
      %dma_start3A_182 = tpu.memref_slice %arg11[%dma_start3A_180, %dma_start3A_181] : memref<10240x128xbf16, #tpu.memory_space<vmem_shared>> -> memref<10240x128xbf16, #tpu.memory_space<vmem_shared>>
      tpu.enqueue_indirect_dma source(%arg8 : memref<128x128xbf16, #tpu.memory_space<vmem>>) target(%dma_start3A_182 : memref<10240x128xbf16, #tpu.memory_space<vmem_shared>>) offsets(%dma_start3A_179 : memref<128xi32, #tpu.memory_space<vmem>>) semaphore(%arg17 : memref<!tpu.dma_semaphore, #tpu.memory_space<semaphore_mem>>) {add = true}
      %sub3A_183 = arith.constant 1 : i32
      %sub3A_184 = arith.subi %select_n3A_19, %sub3A_183 : i32
      %lt3A = arith.cmpi slt, %add3A_115, %sub3A_184 : i32
      %convert_element_type3A_185 = arith.extui %lt3A : i1 to i32
      %cond3A_186 = arith.constant 0 : i32
      %cond3A_187 = arith.cmpi ne, %convert_element_type3A_185, %cond3A_186 : i32
      scf.if %cond3A_187 {
        %add3A_238 = arith.constant 0 : i32
        %add3A_239 = arith.addi %mul3A_117, %add3A_238 : i32
        %dma_wait3A_240 = arith.constant 1 : i32
        %dma_wait3A_241 = arith.constant 0 : i32
        %dma_wait3A_242 = tpu.memref_slice %arg6[%add3A_239, %dma_wait3A_240, %dma_wait3A_241] : memref<120x2x128xi32, #tpu.memory_space<vmem>> -> memref<1x1x128xi32, #tpu.memory_space<vmem>>
        %dma_wait3A_243 = tpu.memref_squeeze %dma_wait3A_242 : memref<1x1x128xi32, #tpu.memory_space<vmem>> -> memref<128xi32, #tpu.memory_space<vmem>>
        %dma_wait3A_244 = arith.constant 0 : i32
        %dma_wait3A_245 = arith.constant 0 : i32
        %dma_wait3A_246 = tpu.memref_slice %arg11[%dma_wait3A_244, %dma_wait3A_245] : memref<10240x128xbf16, #tpu.memory_space<vmem_shared>> -> memref<10240x128xbf16, #tpu.memory_space<vmem_shared>>
        tpu.wait_indirect_dma semaphore(%arg16 : memref<!tpu.dma_semaphore, #tpu.memory_space<semaphore_mem>>) src(%arg7 : memref<128x128xbf16, #tpu.memory_space<vmem>>) dst(%dma_wait3A_246 : memref<10240x128xbf16, #tpu.memory_space<vmem_shared>>)
        %add3A_247 = arith.constant 4 : i32
        %add3A_248 = arith.addi %mul3A_117, %add3A_247 : i32
        %add3A_249 = arith.constant 0 : i32
        %add3A_250 = arith.addi %add3A_248, %add3A_249 : i32
        %dma_start3A_251 = arith.constant 0 : i32
        %dma_start3A_252 = arith.constant 0 : i32
        %dma_start3A_253 = tpu.memref_slice %arg6[%add3A_250, %dma_start3A_251, %dma_start3A_252] : memref<120x2x128xi32, #tpu.memory_space<vmem>> -> memref<1x1x128xi32, #tpu.memory_space<vmem>>
        %dma_start3A_254 = tpu.memref_squeeze %dma_start3A_253 : memref<1x1x128xi32, #tpu.memory_space<vmem>> -> memref<128xi32, #tpu.memory_space<vmem>>
        %dma_start3A_255 = arith.constant 0 : i32
        %dma_start3A_256 = arith.constant 0 : i32
        %dma_start3A_257 = tpu.memref_slice %arg2[%dma_start3A_255, %dma_start3A_256] : memref<10000x128xbf16, #tpu.memory_space<hbm>> -> memref<10000x128xbf16, #tpu.memory_space<hbm>>
        tpu.enqueue_indirect_dma source(%dma_start3A_257 : memref<10000x128xbf16, #tpu.memory_space<hbm>>) target(%arg7 : memref<128x128xbf16, #tpu.memory_space<vmem>>) offsets(%dma_start3A_254 : memref<128xi32, #tpu.memory_space<vmem>>) semaphore(%arg12 : memref<!tpu.dma_semaphore, #tpu.memory_space<semaphore_mem>>)
      } else {
      }
      %sub3A_188 = arith.constant 1 : i32
      %sub3A_189 = arith.subi %select_n3A_19, %sub3A_188 : i32
      %lt3A_190 = arith.cmpi slt, %add3A_115, %sub3A_189 : i32
      %convert_element_type3A_191 = arith.extui %lt3A_190 : i1 to i32
      %cond3A_192 = arith.constant 0 : i32
      %cond3A_193 = arith.cmpi ne, %convert_element_type3A_191, %cond3A_192 : i32
      scf.if %cond3A_193 {
        %add3A_238 = arith.constant 1 : i32
        %add3A_239 = arith.addi %mul3A_117, %add3A_238 : i32
        %dma_wait3A_240 = arith.constant 1 : i32
        %dma_wait3A_241 = arith.constant 0 : i32
        %dma_wait3A_242 = tpu.memref_slice %arg6[%add3A_239, %dma_wait3A_240, %dma_wait3A_241] : memref<120x2x128xi32, #tpu.memory_space<vmem>> -> memref<1x1x128xi32, #tpu.memory_space<vmem>>
        %dma_wait3A_243 = tpu.memref_squeeze %dma_wait3A_242 : memref<1x1x128xi32, #tpu.memory_space<vmem>> -> memref<128xi32, #tpu.memory_space<vmem>>
        %dma_wait3A_244 = arith.constant 0 : i32
        %dma_wait3A_245 = arith.constant 0 : i32
        %dma_wait3A_246 = tpu.memref_slice %arg11[%dma_wait3A_244, %dma_wait3A_245] : memref<10240x128xbf16, #tpu.memory_space<vmem_shared>> -> memref<10240x128xbf16, #tpu.memory_space<vmem_shared>>
        tpu.wait_indirect_dma semaphore(%arg17 : memref<!tpu.dma_semaphore, #tpu.memory_space<semaphore_mem>>) src(%arg8 : memref<128x128xbf16, #tpu.memory_space<vmem>>) dst(%dma_wait3A_246 : memref<10240x128xbf16, #tpu.memory_space<vmem_shared>>)
        %add3A_247 = arith.constant 4 : i32
        %add3A_248 = arith.addi %mul3A_117, %add3A_247 : i32
        %add3A_249 = arith.constant 1 : i32
        %add3A_250 = arith.addi %add3A_248, %add3A_249 : i32
        %dma_start3A_251 = arith.constant 0 : i32
        %dma_start3A_252 = arith.constant 0 : i32
        %dma_start3A_253 = tpu.memref_slice %arg6[%add3A_250, %dma_start3A_251, %dma_start3A_252] : memref<120x2x128xi32, #tpu.memory_space<vmem>> -> memref<1x1x128xi32, #tpu.memory_space<vmem>>
        %dma_start3A_254 = tpu.memref_squeeze %dma_start3A_253 : memref<1x1x128xi32, #tpu.memory_space<vmem>> -> memref<128xi32, #tpu.memory_space<vmem>>
        %dma_start3A_255 = arith.constant 0 : i32
        %dma_start3A_256 = arith.constant 0 : i32
        %dma_start3A_257 = tpu.memref_slice %arg2[%dma_start3A_255, %dma_start3A_256] : memref<10000x128xbf16, #tpu.memory_space<hbm>> -> memref<10000x128xbf16, #tpu.memory_space<hbm>>
        tpu.enqueue_indirect_dma source(%dma_start3A_257 : memref<10000x128xbf16, #tpu.memory_space<hbm>>) target(%arg8 : memref<128x128xbf16, #tpu.memory_space<vmem>>) offsets(%dma_start3A_254 : memref<128xi32, #tpu.memory_space<vmem>>) semaphore(%arg13 : memref<!tpu.dma_semaphore, #tpu.memory_space<semaphore_mem>>)
      } else {
      }
      %add3A_194 = arith.constant 2 : i32
      %add3A_195 = arith.addi %mul3A_117, %add3A_194 : i32
      %add3A_196 = arith.constant 0 : i32
      %add3A_197 = arith.addi %add3A_195, %add3A_196 : i32
      %dma_wait3A_198 = arith.constant 0 : i32
      %dma_wait3A_199 = arith.constant 0 : i32
      %dma_wait3A_200 = tpu.memref_slice %arg6[%add3A_197, %dma_wait3A_198, %dma_wait3A_199] : memref<120x2x128xi32, #tpu.memory_space<vmem>> -> memref<1x1x128xi32, #tpu.memory_space<vmem>>
      %dma_wait3A_201 = tpu.memref_squeeze %dma_wait3A_200 : memref<1x1x128xi32, #tpu.memory_space<vmem>> -> memref<128xi32, #tpu.memory_space<vmem>>
      %dma_wait3A_202 = arith.constant 0 : i32
      %dma_wait3A_203 = arith.constant 0 : i32
      %dma_wait3A_204 = tpu.memref_slice %arg2[%dma_wait3A_202, %dma_wait3A_203] : memref<10000x128xbf16, #tpu.memory_space<hbm>> -> memref<10000x128xbf16, #tpu.memory_space<hbm>>
      tpu.wait_indirect_dma semaphore(%arg14 : memref<!tpu.dma_semaphore, #tpu.memory_space<semaphore_mem>>) src(%dma_wait3A_204 : memref<10000x128xbf16, #tpu.memory_space<hbm>>) dst(%arg9 : memref<128x128xbf16, #tpu.memory_space<vmem>>)
      %add3A_205 = arith.constant 2 : i32
      %add3A_206 = arith.addi %mul3A_117, %add3A_205 : i32
      %add3A_207 = arith.constant 0 : i32
      %add3A_208 = arith.addi %add3A_206, %add3A_207 : i32
      %dma_start3A_209 = arith.constant 1 : i32
      %dma_start3A_210 = arith.constant 0 : i32
      %dma_start3A_211 = tpu.memref_slice %arg6[%add3A_208, %dma_start3A_209, %dma_start3A_210] : memref<120x2x128xi32, #tpu.memory_space<vmem>> -> memref<1x1x128xi32, #tpu.memory_space<vmem>>
      %dma_start3A_212 = tpu.memref_squeeze %dma_start3A_211 : memref<1x1x128xi32, #tpu.memory_space<vmem>> -> memref<128xi32, #tpu.memory_space<vmem>>
      %dma_start3A_213 = arith.constant 0 : i32
      %dma_start3A_214 = arith.constant 0 : i32
      %dma_start3A_215 = tpu.memref_slice %arg11[%dma_start3A_213, %dma_start3A_214] : memref<10240x128xbf16, #tpu.memory_space<vmem_shared>> -> memref<10240x128xbf16, #tpu.memory_space<vmem_shared>>
      tpu.enqueue_indirect_dma source(%arg9 : memref<128x128xbf16, #tpu.memory_space<vmem>>) target(%dma_start3A_215 : memref<10240x128xbf16, #tpu.memory_space<vmem_shared>>) offsets(%dma_start3A_212 : memref<128xi32, #tpu.memory_space<vmem>>) semaphore(%arg18 : memref<!tpu.dma_semaphore, #tpu.memory_space<semaphore_mem>>) {add = true}
      %add3A_216 = arith.constant 2 : i32
      %add3A_217 = arith.addi %mul3A_117, %add3A_216 : i32
      %add3A_218 = arith.constant 1 : i32
      %add3A_219 = arith.addi %add3A_217, %add3A_218 : i32
      %dma_wait3A_220 = arith.constant 0 : i32
      %dma_wait3A_221 = arith.constant 0 : i32
      %dma_wait3A_222 = tpu.memref_slice %arg6[%add3A_219, %dma_wait3A_220, %dma_wait3A_221] : memref<120x2x128xi32, #tpu.memory_space<vmem>> -> memref<1x1x128xi32, #tpu.memory_space<vmem>>
      %dma_wait3A_223 = tpu.memref_squeeze %dma_wait3A_222 : memref<1x1x128xi32, #tpu.memory_space<vmem>> -> memref<128xi32, #tpu.memory_space<vmem>>
      %dma_wait3A_224 = arith.constant 0 : i32
      %dma_wait3A_225 = arith.constant 0 : i32
      %dma_wait3A_226 = tpu.memref_slice %arg2[%dma_wait3A_224, %dma_wait3A_225] : memref<10000x128xbf16, #tpu.memory_space<hbm>> -> memref<10000x128xbf16, #tpu.memory_space<hbm>>
      tpu.wait_indirect_dma semaphore(%arg15 : memref<!tpu.dma_semaphore, #tpu.memory_space<semaphore_mem>>) src(%dma_wait3A_226 : memref<10000x128xbf16, #tpu.memory_space<hbm>>) dst(%arg10 : memref<128x128xbf16, #tpu.memory_space<vmem>>)
      %add3A_227 = arith.constant 2 : i32
      %add3A_228 = arith.addi %mul3A_117, %add3A_227 : i32
      %add3A_229 = arith.constant 1 : i32
      %add3A_230 = arith.addi %add3A_228, %add3A_229 : i32
      %dma_start3A_231 = arith.constant 1 : i32
      %dma_start3A_232 = arith.constant 0 : i32
      %dma_start3A_233 = tpu.memref_slice %arg6[%add3A_230, %dma_start3A_231, %dma_start3A_232] : memref<120x2x128xi32, #tpu.memory_space<vmem>> -> memref<1x1x128xi32, #tpu.memory_space<vmem>>
      %dma_start3A_234 = tpu.memref_squeeze %dma_start3A_233 : memref<1x1x128xi32, #tpu.memory_space<vmem>> -> memref<128xi32, #tpu.memory_space<vmem>>
      %dma_start3A_235 = arith.constant 0 : i32
      %dma_start3A_236 = arith.constant 0 : i32
      %dma_start3A_237 = tpu.memref_slice %arg11[%dma_start3A_235, %dma_start3A_236] : memref<10240x128xbf16, #tpu.memory_space<vmem_shared>> -> memref<10240x128xbf16, #tpu.memory_space<vmem_shared>>
      tpu.enqueue_indirect_dma source(%arg10 : memref<128x128xbf16, #tpu.memory_space<vmem>>) target(%dma_start3A_237 : memref<10240x128xbf16, #tpu.memory_space<vmem_shared>>) offsets(%dma_start3A_234 : memref<128xi32, #tpu.memory_space<vmem>>) semaphore(%arg19 : memref<!tpu.dma_semaphore, #tpu.memory_space<semaphore_mem>>) {add = true}
    }
    %while3A_63 = arith.constant 1 : i32
    scf.for %while3A_113 = %while3A_61 to %while3A_57 step %while3A_63  : i32 {
      %mul3A_114 = arith.muli %while3A_113, %while3A : i32
      %add3A_115 = arith.addi %while3A_54, %mul3A_114 : i32
      %mul3A_116 = arith.constant 4 : i32
      %mul3A_117 = arith.muli %add3A_115, %mul3A_116 : i32
      %gt3A = arith.constant 0 : i32
      %gt3A_118 = arith.cmpi sgt, %add3A_115, %gt3A : i32
      %convert_element_type3A = arith.extui %gt3A_118 : i1 to i32
      %cond3A = arith.constant 0 : i32
      %cond3A_119 = arith.cmpi ne, %convert_element_type3A, %cond3A : i32
      scf.if %cond3A_119 {
        %sub3A_238 = arith.constant 2 : i32
        %sub3A_239 = arith.subi %mul3A_117, %sub3A_238 : i32
        %add3A_240 = arith.constant 0 : i32
        %add3A_241 = arith.addi %sub3A_239, %add3A_240 : i32
        %dma_wait3A_242 = arith.constant 1 : i32
        %dma_wait3A_243 = arith.constant 0 : i32
        %dma_wait3A_244 = tpu.memref_slice %arg6[%add3A_241, %dma_wait3A_242, %dma_wait3A_243] : memref<120x2x128xi32, #tpu.memory_space<vmem>> -> memref<1x1x128xi32, #tpu.memory_space<vmem>>
        %dma_wait3A_245 = tpu.memref_squeeze %dma_wait3A_244 : memref<1x1x128xi32, #tpu.memory_space<vmem>> -> memref<128xi32, #tpu.memory_space<vmem>>
        %dma_wait3A_246 = arith.constant 0 : i32
        %dma_wait3A_247 = arith.constant 0 : i32
        %dma_wait3A_248 = tpu.memref_slice %arg11[%dma_wait3A_246, %dma_wait3A_247] : memref<10240x128xbf16, #tpu.memory_space<vmem_shared>> -> memref<10240x128xbf16, #tpu.memory_space<vmem_shared>>
        tpu.wait_indirect_dma semaphore(%arg18 : memref<!tpu.dma_semaphore, #tpu.memory_space<semaphore_mem>>) src(%arg9 : memref<128x128xbf16, #tpu.memory_space<vmem>>) dst(%dma_wait3A_248 : memref<10240x128xbf16, #tpu.memory_space<vmem_shared>>)
      } else {
      }
      %add3A_120 = arith.constant 2 : i32
      %add3A_121 = arith.addi %mul3A_117, %add3A_120 : i32
      %add3A_122 = arith.constant 0 : i32
      %add3A_123 = arith.addi %add3A_121, %add3A_122 : i32
      %dma_start3A_124 = arith.constant 0 : i32
      %dma_start3A_125 = arith.constant 0 : i32
      %dma_start3A_126 = tpu.memref_slice %arg6[%add3A_123, %dma_start3A_124, %dma_start3A_125] : memref<120x2x128xi32, #tpu.memory_space<vmem>> -> memref<1x1x128xi32, #tpu.memory_space<vmem>>
      %dma_start3A_127 = tpu.memref_squeeze %dma_start3A_126 : memref<1x1x128xi32, #tpu.memory_space<vmem>> -> memref<128xi32, #tpu.memory_space<vmem>>
      %dma_start3A_128 = arith.constant 0 : i32
      %dma_start3A_129 = arith.constant 0 : i32
      %dma_start3A_130 = tpu.memref_slice %arg2[%dma_start3A_128, %dma_start3A_129] : memref<10000x128xbf16, #tpu.memory_space<hbm>> -> memref<10000x128xbf16, #tpu.memory_space<hbm>>
      tpu.enqueue_indirect_dma source(%dma_start3A_130 : memref<10000x128xbf16, #tpu.memory_space<hbm>>) target(%arg9 : memref<128x128xbf16, #tpu.memory_space<vmem>>) offsets(%dma_start3A_127 : memref<128xi32, #tpu.memory_space<vmem>>) semaphore(%arg14 : memref<!tpu.dma_semaphore, #tpu.memory_space<semaphore_mem>>)
      %gt3A_131 = arith.constant 0 : i32
      %gt3A_132 = arith.cmpi sgt, %add3A_115, %gt3A_131 : i32
      %convert_element_type3A_133 = arith.extui %gt3A_132 : i1 to i32
      %cond3A_134 = arith.constant 0 : i32
      %cond3A_135 = arith.cmpi ne, %convert_element_type3A_133, %cond3A_134 : i32
      scf.if %cond3A_135 {
        %sub3A_238 = arith.constant 2 : i32
        %sub3A_239 = arith.subi %mul3A_117, %sub3A_238 : i32
        %add3A_240 = arith.constant 1 : i32
        %add3A_241 = arith.addi %sub3A_239, %add3A_240 : i32
        %dma_wait3A_242 = arith.constant 1 : i32
        %dma_wait3A_243 = arith.constant 0 : i32
        %dma_wait3A_244 = tpu.memref_slice %arg6[%add3A_241, %dma_wait3A_242, %dma_wait3A_243] : memref<120x2x128xi32, #tpu.memory_space<vmem>> -> memref<1x1x128xi32, #tpu.memory_space<vmem>>
        %dma_wait3A_245 = tpu.memref_squeeze %dma_wait3A_244 : memref<1x1x128xi32, #tpu.memory_space<vmem>> -> memref<128xi32, #tpu.memory_space<vmem>>
        %dma_wait3A_246 = arith.constant 0 : i32
        %dma_wait3A_247 = arith.constant 0 : i32
        %dma_wait3A_248 = tpu.memref_slice %arg11[%dma_wait3A_246, %dma_wait3A_247] : memref<10240x128xbf16, #tpu.memory_space<vmem_shared>> -> memref<10240x128xbf16, #tpu.memory_space<vmem_shared>>
        tpu.wait_indirect_dma semaphore(%arg19 : memref<!tpu.dma_semaphore, #tpu.memory_space<semaphore_mem>>) src(%arg10 : memref<128x128xbf16, #tpu.memory_space<vmem>>) dst(%dma_wait3A_248 : memref<10240x128xbf16, #tpu.memory_space<vmem_shared>>)
      } else {
      }
      %add3A_136 = arith.constant 2 : i32
      %add3A_137 = arith.addi %mul3A_117, %add3A_136 : i32
      %add3A_138 = arith.constant 1 : i32
      %add3A_139 = arith.addi %add3A_137, %add3A_138 : i32
      %dma_start3A_140 = arith.constant 0 : i32
      %dma_start3A_141 = arith.constant 0 : i32
      %dma_start3A_142 = tpu.memref_slice %arg6[%add3A_139, %dma_start3A_140, %dma_start3A_141] : memref<120x2x128xi32, #tpu.memory_space<vmem>> -> memref<1x1x128xi32, #tpu.memory_space<vmem>>
      %dma_start3A_143 = tpu.memref_squeeze %dma_start3A_142 : memref<1x1x128xi32, #tpu.memory_space<vmem>> -> memref<128xi32, #tpu.memory_space<vmem>>
      %dma_start3A_144 = arith.constant 0 : i32
      %dma_start3A_145 = arith.constant 0 : i32
      %dma_start3A_146 = tpu.memref_slice %arg2[%dma_start3A_144, %dma_start3A_145] : memref<10000x128xbf16, #tpu.memory_space<hbm>> -> memref<10000x128xbf16, #tpu.memory_space<hbm>>
      tpu.enqueue_indirect_dma source(%dma_start3A_146 : memref<10000x128xbf16, #tpu.memory_space<hbm>>) target(%arg10 : memref<128x128xbf16, #tpu.memory_space<vmem>>) offsets(%dma_start3A_143 : memref<128xi32, #tpu.memory_space<vmem>>) semaphore(%arg15 : memref<!tpu.dma_semaphore, #tpu.memory_space<semaphore_mem>>)
      %add3A_147 = arith.constant 0 : i32
      %add3A_148 = arith.addi %mul3A_117, %add3A_147 : i32
      %dma_wait3A_149 = arith.constant 0 : i32
      %dma_wait3A_150 = arith.constant 0 : i32
      %dma_wait3A_151 = tpu.memref_slice %arg6[%add3A_148, %dma_wait3A_149, %dma_wait3A_150] : memref<120x2x128xi32, #tpu.memory_space<vmem>> -> memref<1x1x128xi32, #tpu.memory_space<vmem>>
      %dma_wait3A_152 = tpu.memref_squeeze %dma_wait3A_151 : memref<1x1x128xi32, #tpu.memory_space<vmem>> -> memref<128xi32, #tpu.memory_space<vmem>>
      %dma_wait3A_153 = arith.constant 0 : i32
      %dma_wait3A_154 = arith.constant 0 : i32
      %dma_wait3A_155 = tpu.memref_slice %arg2[%dma_wait3A_153, %dma_wait3A_154] : memref<10000x128xbf16, #tpu.memory_space<hbm>> -> memref<10000x128xbf16, #tpu.memory_space<hbm>>
      tpu.wait_indirect_dma semaphore(%arg12 : memref<!tpu.dma_semaphore, #tpu.memory_space<semaphore_mem>>) src(%dma_wait3A_155 : memref<10000x128xbf16, #tpu.memory_space<hbm>>) dst(%arg7 : memref<128x128xbf16, #tpu.memory_space<vmem>>)
      %add3A_156 = arith.constant 0 : i32
      %add3A_157 = arith.addi %mul3A_117, %add3A_156 : i32
      %dma_start3A_158 = arith.constant 1 : i32
      %dma_start3A_159 = arith.constant 0 : i32
      %dma_start3A_160 = tpu.memref_slice %arg6[%add3A_157, %dma_start3A_158, %dma_start3A_159] : memref<120x2x128xi32, #tpu.memory_space<vmem>> -> memref<1x1x128xi32, #tpu.memory_space<vmem>>
      %dma_start3A_161 = tpu.memref_squeeze %dma_start3A_160 : memref<1x1x128xi32, #tpu.memory_space<vmem>> -> memref<128xi32, #tpu.memory_space<vmem>>
      %dma_start3A_162 = arith.constant 0 : i32
      %dma_start3A_163 = arith.constant 0 : i32
      %dma_start3A_164 = tpu.memref_slice %arg11[%dma_start3A_162, %dma_start3A_163] : memref<10240x128xbf16, #tpu.memory_space<vmem_shared>> -> memref<10240x128xbf16, #tpu.memory_space<vmem_shared>>
      tpu.enqueue_indirect_dma source(%arg7 : memref<128x128xbf16, #tpu.memory_space<vmem>>) target(%dma_start3A_164 : memref<10240x128xbf16, #tpu.memory_space<vmem_shared>>) offsets(%dma_start3A_161 : memref<128xi32, #tpu.memory_space<vmem>>) semaphore(%arg16 : memref<!tpu.dma_semaphore, #tpu.memory_space<semaphore_mem>>) {add = true}
      %add3A_165 = arith.constant 1 : i32
      %add3A_166 = arith.addi %mul3A_117, %add3A_165 : i32
      %dma_wait3A_167 = arith.constant 0 : i32
      %dma_wait3A_168 = arith.constant 0 : i32
      %dma_wait3A_169 = tpu.memref_slice %arg6[%add3A_166, %dma_wait3A_167, %dma_wait3A_168] : memref<120x2x128xi32, #tpu.memory_space<vmem>> -> memref<1x1x128xi32, #tpu.memory_space<vmem>>
      %dma_wait3A_170 = tpu.memref_squeeze %dma_wait3A_169 : memref<1x1x128xi32, #tpu.memory_space<vmem>> -> memref<128xi32, #tpu.memory_space<vmem>>
      %dma_wait3A_171 = arith.constant 0 : i32
      %dma_wait3A_172 = arith.constant 0 : i32
      %dma_wait3A_173 = tpu.memref_slice %arg2[%dma_wait3A_171, %dma_wait3A_172] : memref<10000x128xbf16, #tpu.memory_space<hbm>> -> memref<10000x128xbf16, #tpu.memory_space<hbm>>
      tpu.wait_indirect_dma semaphore(%arg13 : memref<!tpu.dma_semaphore, #tpu.memory_space<semaphore_mem>>) src(%dma_wait3A_173 : memref<10000x128xbf16, #tpu.memory_space<hbm>>) dst(%arg8 : memref<128x128xbf16, #tpu.memory_space<vmem>>)
      %add3A_174 = arith.constant 1 : i32
      %add3A_175 = arith.addi %mul3A_117, %add3A_174 : i32
      %dma_start3A_176 = arith.constant 1 : i32
      %dma_start3A_177 = arith.constant 0 : i32
      %dma_start3A_178 = tpu.memref_slice %arg6[%add3A_175, %dma_start3A_176, %dma_start3A_177] : memref<120x2x128xi32, #tpu.memory_space<vmem>> -> memref<1x1x128xi32, #tpu.memory_space<vmem>>
      %dma_start3A_179 = tpu.memref_squeeze %dma_start3A_178 : memref<1x1x128xi32, #tpu.memory_space<vmem>> -> memref<128xi32, #tpu.memory_space<vmem>>
      %dma_start3A_180 = arith.constant 0 : i32
      %dma_start3A_181 = arith.constant 0 : i32
      %dma_start3A_182 = tpu.memref_slice %arg11[%dma_start3A_180, %dma_start3A_181] : memref<10240x128xbf16, #tpu.memory_space<vmem_shared>> -> memref<10240x128xbf16, #tpu.memory_space<vmem_shared>>
      tpu.enqueue_indirect_dma source(%arg8 : memref<128x128xbf16, #tpu.memory_space<vmem>>) target(%dma_start3A_182 : memref<10240x128xbf16, #tpu.memory_space<vmem_shared>>) offsets(%dma_start3A_179 : memref<128xi32, #tpu.memory_space<vmem>>) semaphore(%arg17 : memref<!tpu.dma_semaphore, #tpu.memory_space<semaphore_mem>>) {add = true}
      %sub3A_183 = arith.constant 1 : i32
      %sub3A_184 = arith.subi %select_n3A_19, %sub3A_183 : i32
      %lt3A = arith.cmpi slt, %add3A_115, %sub3A_184 : i32
      %convert_element_type3A_185 = arith.extui %lt3A : i1 to i32
      %cond3A_186 = arith.constant 0 : i32
      %cond3A_187 = arith.cmpi ne, %convert_element_type3A_185, %cond3A_186 : i32
      scf.if %cond3A_187 {
        %add3A_238 = arith.constant 0 : i32
        %add3A_239 = arith.addi %mul3A_117, %add3A_238 : i32
        %dma_wait3A_240 = arith.constant 1 : i32
        %dma_wait3A_241 = arith.constant 0 : i32
        %dma_wait3A_242 = tpu.memref_slice %arg6[%add3A_239, %dma_wait3A_240, %dma_wait3A_241] : memref<120x2x128xi32, #tpu.memory_space<vmem>> -> memref<1x1x128xi32, #tpu.memory_space<vmem>>
        %dma_wait3A_243 = tpu.memref_squeeze %dma_wait3A_242 : memref<1x1x128xi32, #tpu.memory_space<vmem>> -> memref<128xi32, #tpu.memory_space<vmem>>
        %dma_wait3A_244 = arith.constant 0 : i32
        %dma_wait3A_245 = arith.constant 0 : i32
        %dma_wait3A_246 = tpu.memref_slice %arg11[%dma_wait3A_244, %dma_wait3A_245] : memref<10240x128xbf16, #tpu.memory_space<vmem_shared>> -> memref<10240x128xbf16, #tpu.memory_space<vmem_shared>>
        tpu.wait_indirect_dma semaphore(%arg16 : memref<!tpu.dma_semaphore, #tpu.memory_space<semaphore_mem>>) src(%arg7 : memref<128x128xbf16, #tpu.memory_space<vmem>>) dst(%dma_wait3A_246 : memref<10240x128xbf16, #tpu.memory_space<vmem_shared>>)
        %add3A_247 = arith.constant 4 : i32
        %add3A_248 = arith.addi %mul3A_117, %add3A_247 : i32
        %add3A_249 = arith.constant 0 : i32
        %add3A_250 = arith.addi %add3A_248, %add3A_249 : i32
        %dma_start3A_251 = arith.constant 0 : i32
        %dma_start3A_252 = arith.constant 0 : i32
        %dma_start3A_253 = tpu.memref_slice %arg6[%add3A_250, %dma_start3A_251, %dma_start3A_252] : memref<120x2x128xi32, #tpu.memory_space<vmem>> -> memref<1x1x128xi32, #tpu.memory_space<vmem>>
        %dma_start3A_254 = tpu.memref_squeeze %dma_start3A_253 : memref<1x1x128xi32, #tpu.memory_space<vmem>> -> memref<128xi32, #tpu.memory_space<vmem>>
        %dma_start3A_255 = arith.constant 0 : i32
        %dma_start3A_256 = arith.constant 0 : i32
        %dma_start3A_257 = tpu.memref_slice %arg2[%dma_start3A_255, %dma_start3A_256] : memref<10000x128xbf16, #tpu.memory_space<hbm>> -> memref<10000x128xbf16, #tpu.memory_space<hbm>>
        tpu.enqueue_indirect_dma source(%dma_start3A_257 : memref<10000x128xbf16, #tpu.memory_space<hbm>>) target(%arg7 : memref<128x128xbf16, #tpu.memory_space<vmem>>) offsets(%dma_start3A_254 : memref<128xi32, #tpu.memory_space<vmem>>) semaphore(%arg12 : memref<!tpu.dma_semaphore, #tpu.memory_space<semaphore_mem>>)
      } else {
      }
      %sub3A_188 = arith.constant 1 : i32
      %sub3A_189 = arith.subi %select_n3A_19, %sub3A_188 : i32
      %lt3A_190 = arith.cmpi slt, %add3A_115, %sub3A_189 : i32
      %convert_element_type3A_191 = arith.extui %lt3A_190 : i1 to i32
      %cond3A_192 = arith.constant 0 : i32
      %cond3A_193 = arith.cmpi ne, %convert_element_type3A_191, %cond3A_192 : i32
      scf.if %cond3A_193 {
        %add3A_238 = arith.constant 1 : i32
        %add3A_239 = arith.addi %mul3A_117, %add3A_238 : i32
        %dma_wait3A_240 = arith.constant 1 : i32
        %dma_wait3A_241 = arith.constant 0 : i32
        %dma_wait3A_242 = tpu.memref_slice %arg6[%add3A_239, %dma_wait3A_240, %dma_wait3A_241] : memref<120x2x128xi32, #tpu.memory_space<vmem>> -> memref<1x1x128xi32, #tpu.memory_space<vmem>>
        %dma_wait3A_243 = tpu.memref_squeeze %dma_wait3A_242 : memref<1x1x128xi32, #tpu.memory_space<vmem>> -> memref<128xi32, #tpu.memory_space<vmem>>
        %dma_wait3A_244 = arith.constant 0 : i32
        %dma_wait3A_245 = arith.constant 0 : i32
        %dma_wait3A_246 = tpu.memref_slice %arg11[%dma_wait3A_244, %dma_wait3A_245] : memref<10240x128xbf16, #tpu.memory_space<vmem_shared>> -> memref<10240x128xbf16, #tpu.memory_space<vmem_shared>>
        tpu.wait_indirect_dma semaphore(%arg17 : memref<!tpu.dma_semaphore, #tpu.memory_space<semaphore_mem>>) src(%arg8 : memref<128x128xbf16, #tpu.memory_space<vmem>>) dst(%dma_wait3A_246 : memref<10240x128xbf16, #tpu.memory_space<vmem_shared>>)
        %add3A_247 = arith.constant 4 : i32
        %add3A_248 = arith.addi %mul3A_117, %add3A_247 : i32
        %add3A_249 = arith.constant 1 : i32
        %add3A_250 = arith.addi %add3A_248, %add3A_249 : i32
        %dma_start3A_251 = arith.constant 0 : i32
        %dma_start3A_252 = arith.constant 0 : i32
        %dma_start3A_253 = tpu.memref_slice %arg6[%add3A_250, %dma_start3A_251, %dma_start3A_252] : memref<120x2x128xi32, #tpu.memory_space<vmem>> -> memref<1x1x128xi32, #tpu.memory_space<vmem>>
        %dma_start3A_254 = tpu.memref_squeeze %dma_start3A_253 : memref<1x1x128xi32, #tpu.memory_space<vmem>> -> memref<128xi32, #tpu.memory_space<vmem>>
        %dma_start3A_255 = arith.constant 0 : i32
        %dma_start3A_256 = arith.constant 0 : i32
        %dma_start3A_257 = tpu.memref_slice %arg2[%dma_start3A_255, %dma_start3A_256] : memref<10000x128xbf16, #tpu.memory_space<hbm>> -> memref<10000x128xbf16, #tpu.memory_space<hbm>>
        tpu.enqueue_indirect_dma source(%dma_start3A_257 : memref<10000x128xbf16, #tpu.memory_space<hbm>>) target(%arg8 : memref<128x128xbf16, #tpu.memory_space<vmem>>) offsets(%dma_start3A_254 : memref<128xi32, #tpu.memory_space<vmem>>) semaphore(%arg13 : memref<!tpu.dma_semaphore, #tpu.memory_space<semaphore_mem>>)
      } else {
      }
      %add3A_194 = arith.constant 2 : i32
      %add3A_195 = arith.addi %mul3A_117, %add3A_194 : i32
      %add3A_196 = arith.constant 0 : i32
      %add3A_197 = arith.addi %add3A_195, %add3A_196 : i32
      %dma_wait3A_198 = arith.constant 0 : i32
      %dma_wait3A_199 = arith.constant 0 : i32
      %dma_wait3A_200 = tpu.memref_slice %arg6[%add3A_197, %dma_wait3A_198, %dma_wait3A_199] : memref<120x2x128xi32, #tpu.memory_space<vmem>> -> memref<1x1x128xi32, #tpu.memory_space<vmem>>
      %dma_wait3A_201 = tpu.memref_squeeze %dma_wait3A_200 : memref<1x1x128xi32, #tpu.memory_space<vmem>> -> memref<128xi32, #tpu.memory_space<vmem>>
      %dma_wait3A_202 = arith.constant 0 : i32
      %dma_wait3A_203 = arith.constant 0 : i32
      %dma_wait3A_204 = tpu.memref_slice %arg2[%dma_wait3A_202, %dma_wait3A_203] : memref<10000x128xbf16, #tpu.memory_space<hbm>> -> memref<10000x128xbf16, #tpu.memory_space<hbm>>
      tpu.wait_indirect_dma semaphore(%arg14 : memref<!tpu.dma_semaphore, #tpu.memory_space<semaphore_mem>>) src(%dma_wait3A_204 : memref<10000x128xbf16, #tpu.memory_space<hbm>>) dst(%arg9 : memref<128x128xbf16, #tpu.memory_space<vmem>>)
      %add3A_205 = arith.constant 2 : i32
      %add3A_206 = arith.addi %mul3A_117, %add3A_205 : i32
      %add3A_207 = arith.constant 0 : i32
      %add3A_208 = arith.addi %add3A_206, %add3A_207 : i32
      %dma_start3A_209 = arith.constant 1 : i32
      %dma_start3A_210 = arith.constant 0 : i32
      %dma_start3A_211 = tpu.memref_slice %arg6[%add3A_208, %dma_start3A_209, %dma_start3A_210] : memref<120x2x128xi32, #tpu.memory_space<vmem>> -> memref<1x1x128xi32, #tpu.memory_space<vmem>>
      %dma_start3A_212 = tpu.memref_squeeze %dma_start3A_211 : memref<1x1x128xi32, #tpu.memory_space<vmem>> -> memref<128xi32, #tpu.memory_space<vmem>>
      %dma_start3A_213 = arith.constant 0 : i32
      %dma_start3A_214 = arith.constant 0 : i32
      %dma_start3A_215 = tpu.memref_slice %arg11[%dma_start3A_213, %dma_start3A_214] : memref<10240x128xbf16, #tpu.memory_space<vmem_shared>> -> memref<10240x128xbf16, #tpu.memory_space<vmem_shared>>
      tpu.enqueue_indirect_dma source(%arg9 : memref<128x128xbf16, #tpu.memory_space<vmem>>) target(%dma_start3A_215 : memref<10240x128xbf16, #tpu.memory_space<vmem_shared>>) offsets(%dma_start3A_212 : memref<128xi32, #tpu.memory_space<vmem>>) semaphore(%arg18 : memref<!tpu.dma_semaphore, #tpu.memory_space<semaphore_mem>>) {add = true}
      %add3A_216 = arith.constant 2 : i32
      %add3A_217 = arith.addi %mul3A_117, %add3A_216 : i32
      %add3A_218 = arith.constant 1 : i32
      %add3A_219 = arith.addi %add3A_217, %add3A_218 : i32
      %dma_wait3A_220 = arith.constant 0 : i32
      %dma_wait3A_221 = arith.constant 0 : i32
      %dma_wait3A_222 = tpu.memref_slice %arg6[%add3A_219, %dma_wait3A_220, %dma_wait3A_221] : memref<120x2x128xi32, #tpu.memory_space<vmem>> -> memref<1x1x128xi32, #tpu.memory_space<vmem>>
      %dma_wait3A_223 = tpu.memref_squeeze %dma_wait3A_222 : memref<1x1x128xi32, #tpu.memory_space<vmem>> -> memref<128xi32, #tpu.memory_space<vmem>>
      %dma_wait3A_224 = arith.constant 0 : i32
      %dma_wait3A_225 = arith.constant 0 : i32
      %dma_wait3A_226 = tpu.memref_slice %arg2[%dma_wait3A_224, %dma_wait3A_225] : memref<10000x128xbf16, #tpu.memory_space<hbm>> -> memref<10000x128xbf16, #tpu.memory_space<hbm>>
      tpu.wait_indirect_dma semaphore(%arg15 : memref<!tpu.dma_semaphore, #tpu.memory_space<semaphore_mem>>) src(%dma_wait3A_226 : memref<10000x128xbf16, #tpu.memory_space<hbm>>) dst(%arg10 : memref<128x128xbf16, #tpu.memory_space<vmem>>)
      %add3A_227 = arith.constant 2 : i32
      %add3A_228 = arith.addi %mul3A_117, %add3A_227 : i32
      %add3A_229 = arith.constant 1 : i32
      %add3A_230 = arith.addi %add3A_228, %add3A_229 : i32
      %dma_start3A_231 = arith.constant 1 : i32
      %dma_start3A_232 = arith.constant 0 : i32
      %dma_start3A_233 = tpu.memref_slice %arg6[%add3A_230, %dma_start3A_231, %dma_start3A_232] : memref<120x2x128xi32, #tpu.memory_space<vmem>> -> memref<1x1x128xi32, #tpu.memory_space<vmem>>
      %dma_start3A_234 = tpu.memref_squeeze %dma_start3A_233 : memref<1x1x128xi32, #tpu.memory_space<vmem>> -> memref<128xi32, #tpu.memory_space<vmem>>
      %dma_start3A_235 = arith.constant 0 : i32
      %dma_start3A_236 = arith.constant 0 : i32
      %dma_start3A_237 = tpu.memref_slice %arg11[%dma_start3A_235, %dma_start3A_236] : memref<10240x128xbf16, #tpu.memory_space<vmem_shared>> -> memref<10240x128xbf16, #tpu.memory_space<vmem_shared>>
      tpu.enqueue_indirect_dma source(%arg10 : memref<128x128xbf16, #tpu.memory_space<vmem>>) target(%dma_start3A_237 : memref<10240x128xbf16, #tpu.memory_space<vmem_shared>>) offsets(%dma_start3A_234 : memref<128xi32, #tpu.memory_space<vmem>>) semaphore(%arg19 : memref<!tpu.dma_semaphore, #tpu.memory_space<semaphore_mem>>) {add = true}
    }
    %sub3A_64 = arith.constant 4 : i32
    %sub3A_65 = arith.subi %select_n3A, %sub3A_64 : i32
    %add3A_66 = arith.constant 0 : i32
    %add3A_67 = arith.addi %sub3A_65, %add3A_66 : i32
    %dma_wait3A = arith.constant 1 : i32
    %dma_wait3A_68 = arith.constant 0 : i32
    %dma_wait3A_69 = tpu.memref_slice %arg6[%add3A_67, %dma_wait3A, %dma_wait3A_68] : memref<120x2x128xi32, #tpu.memory_space<vmem>> -> memref<1x1x128xi32, #tpu.memory_space<vmem>>
    %dma_wait3A_70 = tpu.memref_squeeze %dma_wait3A_69 : memref<1x1x128xi32, #tpu.memory_space<vmem>> -> memref<128xi32, #tpu.memory_space<vmem>>
    %dma_wait3A_71 = arith.constant 0 : i32
    %dma_wait3A_72 = arith.constant 0 : i32
    %dma_wait3A_73 = tpu.memref_slice %arg11[%dma_wait3A_71, %dma_wait3A_72] : memref<10240x128xbf16, #tpu.memory_space<vmem_shared>> -> memref<10240x128xbf16, #tpu.memory_space<vmem_shared>>
    tpu.wait_indirect_dma semaphore(%arg16 : memref<!tpu.dma_semaphore, #tpu.memory_space<semaphore_mem>>) src(%arg7 : memref<128x128xbf16, #tpu.memory_space<vmem>>) dst(%dma_wait3A_73 : memref<10240x128xbf16, #tpu.memory_space<vmem_shared>>)
    %sub3A_74 = arith.constant 2 : i32
    %sub3A_75 = arith.subi %select_n3A, %sub3A_74 : i32
    %add3A_76 = arith.constant 0 : i32
    %add3A_77 = arith.addi %sub3A_75, %add3A_76 : i32
    %dma_wait3A_78 = arith.constant 1 : i32
    %dma_wait3A_79 = arith.constant 0 : i32
    %dma_wait3A_80 = tpu.memref_slice %arg6[%add3A_77, %dma_wait3A_78, %dma_wait3A_79] : memref<120x2x128xi32, #tpu.memory_space<vmem>> -> memref<1x1x128xi32, #tpu.memory_space<vmem>>
    %dma_wait3A_81 = tpu.memref_squeeze %dma_wait3A_80 : memref<1x1x128xi32, #tpu.memory_space<vmem>> -> memref<128xi32, #tpu.memory_space<vmem>>
    %dma_wait3A_82 = arith.constant 0 : i32
    %dma_wait3A_83 = arith.constant 0 : i32
    %dma_wait3A_84 = tpu.memref_slice %arg11[%dma_wait3A_82, %dma_wait3A_83] : memref<10240x128xbf16, #tpu.memory_space<vmem_shared>> -> memref<10240x128xbf16, #tpu.memory_space<vmem_shared>>
    tpu.wait_indirect_dma semaphore(%arg18 : memref<!tpu.dma_semaphore, #tpu.memory_space<semaphore_mem>>) src(%arg9 : memref<128x128xbf16, #tpu.memory_space<vmem>>) dst(%dma_wait3A_84 : memref<10240x128xbf16, #tpu.memory_space<vmem_shared>>)
    %sub3A_85 = arith.constant 4 : i32
    %sub3A_86 = arith.subi %select_n3A, %sub3A_85 : i32
    %add3A_87 = arith.constant 1 : i32
    %add3A_88 = arith.addi %sub3A_86, %add3A_87 : i32
    %dma_wait3A_89 = arith.constant 1 : i32
    %dma_wait3A_90 = arith.constant 0 : i32
    %dma_wait3A_91 = tpu.memref_slice %arg6[%add3A_88, %dma_wait3A_89, %dma_wait3A_90] : memref<120x2x128xi32, #tpu.memory_space<vmem>> -> memref<1x1x128xi32, #tpu.memory_space<vmem>>
    %dma_wait3A_92 = tpu.memref_squeeze %dma_wait3A_91 : memref<1x1x128xi32, #tpu.memory_space<vmem>> -> memref<128xi32, #tpu.memory_space<vmem>>
    %dma_wait3A_93 = arith.constant 0 : i32
    %dma_wait3A_94 = arith.constant 0 : i32
    %dma_wait3A_95 = tpu.memref_slice %arg11[%dma_wait3A_93, %dma_wait3A_94] : memref<10240x128xbf16, #tpu.memory_space<vmem_shared>> -> memref<10240x128xbf16, #tpu.memory_space<vmem_shared>>
    tpu.wait_indirect_dma semaphore(%arg17 : memref<!tpu.dma_semaphore, #tpu.memory_space<semaphore_mem>>) src(%arg8 : memref<128x128xbf16, #tpu.memory_space<vmem>>) dst(%dma_wait3A_95 : memref<10240x128xbf16, #tpu.memory_space<vmem_shared>>)
    %sub3A_96 = arith.constant 2 : i32
    %sub3A_97 = arith.subi %select_n3A, %sub3A_96 : i32
    %add3A_98 = arith.constant 1 : i32
    %add3A_99 = arith.addi %sub3A_97, %add3A_98 : i32
    %dma_wait3A_100 = arith.constant 1 : i32
    %dma_wait3A_101 = arith.constant 0 : i32
    %dma_wait3A_102 = tpu.memref_slice %arg6[%add3A_99, %dma_wait3A_100, %dma_wait3A_101] : memref<120x2x128xi32, #tpu.memory_space<vmem>> -> memref<1x1x128xi32, #tpu.memory_space<vmem>>
    %dma_wait3A_103 = tpu.memref_squeeze %dma_wait3A_102 : memref<1x1x128xi32, #tpu.memory_space<vmem>> -> memref<128xi32, #tpu.memory_space<vmem>>
    %dma_wait3A_104 = arith.constant 0 : i32
    %dma_wait3A_105 = arith.constant 0 : i32
    %dma_wait3A_106 = tpu.memref_slice %arg11[%dma_wait3A_104, %dma_wait3A_105] : memref<10240x128xbf16, #tpu.memory_space<vmem_shared>> -> memref<10240x128xbf16, #tpu.memory_space<vmem_shared>>
    tpu.wait_indirect_dma semaphore(%arg19 : memref<!tpu.dma_semaphore, #tpu.memory_space<semaphore_mem>>) src(%arg10 : memref<128x128xbf16, #tpu.memory_space<vmem>>) dst(%dma_wait3A_106 : memref<10240x128xbf16, #tpu.memory_space<vmem_shared>>)
    %barrier3A_107 = arith.constant 0 : index
    tpu.barrier barrier_id(%barrier3A_107)
    %scan3A_108 = arith.constant 0 : i32
    %scan3A_109 = arith.constant 5 : i32
    %scan3A_110 = arith.addi %scan3A_108, %scan3A_109 : i32
    %scan3A_111 = arith.constant 1 : i32
    scf.for %scan3A_113 = %scan3A_108 to %scan3A_110 step %scan3A_111  : i32 {
      %mul3A_114 = arith.constant 1 : i32
      %mul3A_115 = arith.muli %scan3A_113, %mul3A_114 : i32
      %add3A_116 = arith.constant 0 : i32
      %add3A_117 = arith.addi %add3A_116, %mul3A_115 : i32
      %mul3A_118 = arith.constant 640 : i32
      %mul3A_119 = arith.muli %arg1, %mul3A_118 : i32
      %mul3A_120 = arith.constant 128 : i32
      %mul3A_121 = arith.muli %add3A_117, %mul3A_120 : i32
      %add3A_122 = arith.addi %mul3A_119, %mul3A_121 : i32
      %mul3A_123 = arith.constant 10240 : i32
      %mul3A_124 = arith.muli %arg0, %mul3A_123 : i32
      %add3A_125 = arith.addi %mul3A_124, %add3A_122 : i32
      "tpu.region"() ({
        %run_scoped3A = tpu.sem_alloc : memref<!tpu.dma_semaphore, #tpu.memory_space<semaphore_mem>>
        %dma_start3A_126 = arith.constant 0 : i32
        %dma_start3A_127 = tpu.memref_slice %arg5[%add3A_125, %dma_start3A_126] : memref<20480x128xbf16, #tpu.memory_space<hbm>> -> memref<128x128xbf16, #tpu.memory_space<hbm>>
        %dma_start3A_128 = arith.constant 0 : i32
        %dma_start3A_129 = tpu.memref_slice %arg11[%add3A_122, %dma_start3A_128] : memref<10240x128xbf16, #tpu.memory_space<vmem_shared>> -> memref<128x128xbf16, #tpu.memory_space<vmem_shared>>
        tpu.enqueue_dma source(%dma_start3A_129 : memref<128x128xbf16, #tpu.memory_space<vmem_shared>>) target(%dma_start3A_127 : memref<128x128xbf16, #tpu.memory_space<hbm>>) target_semaphore(%run_scoped3A : memref<!tpu.dma_semaphore, #tpu.memory_space<semaphore_mem>>)
        %dma_wait3A_130 = arith.constant 0 : i32
        %dma_wait3A_131 = tpu.memref_slice %arg5[%add3A_125, %dma_wait3A_130] : memref<20480x128xbf16, #tpu.memory_space<hbm>> -> memref<128x128xbf16, #tpu.memory_space<hbm>>
        %dma_wait3A_132 = arith.constant 0 : i32
        %dma_wait3A_133 = tpu.memref_slice %arg11[%add3A_122, %dma_wait3A_132] : memref<10240x128xbf16, #tpu.memory_space<vmem_shared>> -> memref<128x128xbf16, #tpu.memory_space<vmem_shared>>
        tpu.wait_dma2 semaphore(%run_scoped3A : memref<!tpu.dma_semaphore, #tpu.memory_space<semaphore_mem>>) src(%dma_wait3A_133 : memref<128x128xbf16, #tpu.memory_space<vmem_shared>>) dst(%dma_wait3A_131 : memref<128x128xbf16, #tpu.memory_space<hbm>>)
        tpu.yield
      }) : () -> ()
    }
    %scan3A_112 = arith.constant 5 : i32
    return
  }
}

#map = affine_map<(d0, d1) -> (0, 0)>
#map1 = affine_map<(d0, d1) -> (0, 0, 0)>
module attributes {stable_mosaic.version = 14 : i64} {
  func.func @body(%arg0: i32, %arg1: i32, %arg2: memref<10000x128xbf16, #tpu.memory_space<hbm>>, %arg3: memref<2560x2x128xi32, #tpu.memory_space<hbm>>, %arg4: memref<128x128xbf16, #tpu.memory_space<hbm>>, %arg5: memref<20480x128xbf16, #tpu.memory_space<hbm>>, %arg6: memref<120x2x128xi32, #tpu.memory_space<vmem>>, %arg7: memref<128x128xbf16, #tpu.memory_space<vmem>>, %arg8: memref<128x128xbf16, #tpu.memory_space<vmem>>, %arg9: memref<128x128xbf16, #tpu.memory_space<vmem>>, %arg10: memref<128x128xbf16, #tpu.memory_space<vmem>>, %arg11: memref<10240x128xbf16, #tpu.memory_space<vmem_shared>>, %arg12: memref<!tpu.dma_semaphore, #tpu.memory_space<semaphore_mem>>, %arg13: memref<!tpu.dma_semaphore, #tpu.memory_space<semaphore_mem>>, %arg14: memref<!tpu.dma_semaphore, #tpu.memory_space<semaphore_mem>>, %arg15: memref<!tpu.dma_semaphore, #tpu.memory_space<semaphore_mem>>, %arg16: memref<!tpu.dma_semaphore, #tpu.memory_space<semaphore_mem>>, %arg17: memref<!tpu.dma_semaphore, #tpu.memory_space<semaphore_mem>>, %arg18: memref<!tpu.dma_semaphore, #tpu.memory_space<semaphore_mem>>, %arg19: memref<!tpu.dma_semaphore, #tpu.memory_space<semaphore_mem>>) attributes {dimension_semantics = [#tpu.dimension_semantics<core_parallel>, #tpu.dimension_semantics<subcore_parallel>], iteration_bounds = array<i64: 2, 16>, scalar_prefetch = 0 : i64, scratch_operands = 14 : i64, tpu.core_type = #tpu.core_type<sc_vector_subcore>, window_params = [{transform_indices = #map}, {transform_indices = #map1}, {transform_indices = #map}, {transform_indices = #map}]} {
    %eq3A = arith.constant 0 : i32
    %eq3A_0 = arith.cmpi eq, %arg0, %eq3A : i32
    %jit3A = arith.constant 120 : i32
    %jit3A_1 = arith.constant 40 : i32
    %select_n3A = arith.select %eq3A_0, %jit3A, %jit3A_1 : i32
    %jit3A_2 = arith.constant 4 : i32
    %div3A = arith.divsi %select_n3A, %jit3A_2 : i32
    %sign3A = arith.constant 0 : i32
    %sign3A_3 = arith.cmpi sgt, %select_n3A, %sign3A : i32
    %sign3A_4 = arith.extui %sign3A_3 : i1 to i32
    %sign3A_5 = arith.constant 0 : i32
    %sign3A_6 = arith.cmpi slt, %select_n3A, %sign3A_5 : i32
    %sign3A_7 = arith.extui %sign3A_6 : i1 to i32
    %sign3A_8 = arith.subi %sign3A_4, %sign3A_7 : i32
    %sign3A_9 = arith.constant 0 : i32
    %sign3A_10 = arith.cmpi sgt, %jit3A_2, %sign3A_9 : i32
    %sign3A_11 = arith.extui %sign3A_10 : i1 to i32
    %sign3A_12 = arith.constant 0 : i32
    %sign3A_13 = arith.cmpi slt, %jit3A_2, %sign3A_12 : i32
    %sign3A_14 = arith.extui %sign3A_13 : i1 to i32
    %sign3A_15 = arith.subi %sign3A_11, %sign3A_14 : i32
    %ne3A = arith.cmpi ne, %sign3A_8, %sign3A_15 : i32
    %rem3A = arith.remsi %select_n3A, %jit3A_2 : i32
    %ne3A_16 = arith.constant 0 : i32
    %ne3A_17 = arith.cmpi ne, %rem3A, %ne3A_16 : i32
    %and3A = arith.andi %ne3A, %ne3A_17 : i1
    %sub3A = arith.constant 1 : i32
    %sub3A_18 = arith.subi %div3A, %sub3A : i32
    %select_n3A_19 = arith.select %and3A, %sub3A_18, %div3A : i32
    %eq3A_20 = arith.constant 0 : i32
    %eq3A_21 = arith.cmpi eq, %arg0, %eq3A_20 : i32
    %mul3A = arith.constant 120 : i32
    %mul3A_22 = arith.muli %arg1, %mul3A : i32
    %mul3A_23 = arith.constant 40 : i32
    %mul3A_24 = arith.muli %arg1, %mul3A_23 : i32
    %add3A = arith.constant 1920 : i32
    %add3A_25 = arith.addi %add3A, %mul3A_24 : i32
    %select_n3A_26 = arith.select %eq3A_21, %mul3A_22, %add3A_25 : i32
    %scan3A = arith.constant 0 : i32
    %scan3A_27 = arith.constant 5 : i32
    %scan3A_28 = arith.addi %scan3A, %scan3A_27 : i32
    %scan3A_29 = arith.constant 1 : i32
    scf.for %scan3A_113 = %scan3A to %scan3A_28 step %scan3A_29  : i32 {
      %mul3A_114 = arith.constant 1 : i32
      %mul3A_115 = arith.muli %scan3A_113, %mul3A_114 : i32
      %add3A_116 = arith.constant 0 : i32
      %add3A_117 = arith.addi %add3A_116, %mul3A_115 : i32
      %mul3A_118 = arith.constant 640 : i32
      %mul3A_119 = arith.muli %arg1, %mul3A_118 : i32
      %mul3A_120 = arith.constant 128 : i32
      %mul3A_121 = arith.muli %add3A_117, %mul3A_120 : i32
      %add3A_122 = arith.addi %mul3A_119, %mul3A_121 : i32
      "tpu.region"() ({
        %run_scoped3A = tpu.sem_alloc : memref<!tpu.dma_semaphore, #tpu.memory_space<semaphore_mem>>
        %dma_start3A_123 = arith.constant 0 : i32
        %dma_start3A_124 = tpu.memref_slice %arg11[%add3A_122, %dma_start3A_123] : memref<10240x128xbf16, #tpu.memory_space<vmem_shared>> -> memref<128x128xbf16, #tpu.memory_space<vmem_shared>>
        tpu.enqueue_dma source(%arg4 : memref<128x128xbf16, #tpu.memory_space<hbm>>) target(%dma_start3A_124 : memref<128x128xbf16, #tpu.memory_space<vmem_shared>>) target_semaphore(%run_scoped3A : memref<!tpu.dma_semaphore, #tpu.memory_space<semaphore_mem>>)
        %dma_wait3A_125 = arith.constant 0 : i32
        %dma_wait3A_126 = tpu.memref_slice %arg11[%add3A_122, %dma_wait3A_125] : memref<10240x128xbf16, #tpu.memory_space<vmem_shared>> -> memref<128x128xbf16, #tpu.memory_space<vmem_shared>>
        tpu.wait_dma2 semaphore(%run_scoped3A : memref<!tpu.dma_semaphore, #tpu.memory_space<semaphore_mem>>) src(%arg4 : memref<128x128xbf16, #tpu.memory_space<hbm>>) dst(%dma_wait3A_126 : memref<128x128xbf16, #tpu.memory_space<vmem_shared>>)
        tpu.yield
      }) : () -> ()
    }
    %scan3A_30 = arith.constant 5 : i32
    "tpu.region"() ({
      %run_scoped3A = tpu.sem_alloc : memref<!tpu.dma_semaphore, #tpu.memory_space<semaphore_mem>>
      %dma_start3A_113 = arith.constant 0 : i32
      %dma_start3A_114 = arith.constant 0 : i32
      %dma_start3A_115 = tpu.memref_slice %arg3[%select_n3A_26, %dma_start3A_113, %dma_start3A_114] : memref<2560x2x128xi32, #tpu.memory_space<hbm>> -> memref<120x2x128xi32, #tpu.memory_space<hbm>>
      %dma_start3A_116 = arith.constant 0 : i32
      %dma_start3A_117 = arith.constant 0 : i32
      %dma_start3A_118 = tpu.memref_slice %arg3[%select_n3A_26, %dma_start3A_116, %dma_start3A_117] : memref<2560x2x128xi32, #tpu.memory_space<hbm>> -> memref<120x2x128xi32, #tpu.memory_space<hbm>>
      tpu.enqueue_dma source(%dma_start3A_118 : memref<120x2x128xi32, #tpu.memory_space<hbm>>) target(%arg6 : memref<120x2x128xi32, #tpu.memory_space<vmem>>) target_semaphore(%run_scoped3A : memref<!tpu.dma_semaphore, #tpu.memory_space<semaphore_mem>>)
      %dma_wait3A_119 = arith.constant 0 : i32
      %dma_wait3A_120 = arith.constant 0 : i32
      %dma_wait3A_121 = tpu.memref_slice %arg3[%select_n3A_26, %dma_wait3A_119, %dma_wait3A_120] : memref<2560x2x128xi32, #tpu.memory_space<hbm>> -> memref<120x2x128xi32, #tpu.memory_space<hbm>>
      %dma_wait3A_122 = arith.constant 0 : i32
      %dma_wait3A_123 = arith.constant 0 : i32
      %dma_wait3A_124 = tpu.memref_slice %arg3[%select_n3A_26, %dma_wait3A_122, %dma_wait3A_123] : memref<2560x2x128xi32, #tpu.memory_space<hbm>> -> memref<120x2x128xi32, #tpu.memory_space<hbm>>
      tpu.wait_dma2 semaphore(%run_scoped3A : memref<!tpu.dma_semaphore, #tpu.memory_space<semaphore_mem>>) src(%dma_wait3A_124 : memref<120x2x128xi32, #tpu.memory_space<hbm>>) dst(%arg6 : memref<120x2x128xi32, #tpu.memory_space<vmem>>)
      tpu.yield
    }) : () -> ()
    %barrier3A = arith.constant 0 : index
    tpu.barrier barrier_id(%barrier3A)
    %dma_start3A = arith.constant 0 : i32
    %dma_start3A_31 = arith.constant 0 : i32
    %dma_start3A_32 = arith.constant 0 : i32
    %dma_start3A_33 = tpu.memref_slice %arg6[%dma_start3A, %dma_start3A_31, %dma_start3A_32] : memref<120x2x128xi32, #tpu.memory_space<vmem>> -> memref<1x1x128xi32, #tpu.memory_space<vmem>>
    %dma_start3A_34 = tpu.memref_squeeze %dma_start3A_33 : memref<1x1x128xi32, #tpu.memory_space<vmem>> -> memref<128xi32, #tpu.memory_space<vmem>>
    %dma_start3A_35 = arith.constant 0 : i32
    %dma_start3A_36 = arith.constant 0 : i32
    %dma_start3A_37 = tpu.memref_slice %arg2[%dma_start3A_35, %dma_start3A_36] : memref<10000x128xbf16, #tpu.memory_space<hbm>> -> memref<10000x128xbf16, #tpu.memory_space<hbm>>
    tpu.enqueue_indirect_dma source(%dma_start3A_37 : memref<10000x128xbf16, #tpu.memory_space<hbm>>) target(%arg7 : memref<128x128xbf16, #tpu.memory_space<vmem>>) offsets(%dma_start3A_34 : memref<128xi32, #tpu.memory_space<vmem>>) semaphore(%arg12 : memref<!tpu.dma_semaphore, #tpu.memory_space<semaphore_mem>>)
    %dma_start3A_38 = arith.constant 1 : i32
    %dma_start3A_39 = arith.constant 0 : i32
    %dma_start3A_40 = arith.constant 0 : i32
    %dma_start3A_41 = tpu.memref_slice %arg6[%dma_start3A_38, %dma_start3A_39, %dma_start3A_40] : memref<120x2x128xi32, #tpu.memory_space<vmem>> -> memref<1x1x128xi32, #tpu.memory_space<vmem>>
    %dma_start3A_42 = tpu.memref_squeeze %dma_start3A_41 : memref<1x1x128xi32, #tpu.memory_space<vmem>> -> memref<128xi32, #tpu.memory_space<vmem>>
    %dma_start3A_43 = arith.constant 0 : i32
    %dma_start3A_44 = arith.constant 0 : i32
    %dma_start3A_45 = tpu.memref_slice %arg2[%dma_start3A_43, %dma_start3A_44] : memref<10000x128xbf16, #tpu.memory_space<hbm>> -> memref<10000x128xbf16, #tpu.memory_space<hbm>>
    tpu.enqueue_indirect_dma source(%dma_start3A_45 : memref<10000x128xbf16, #tpu.memory_space<hbm>>) target(%arg8 : memref<128x128xbf16, #tpu.memory_space<vmem>>) offsets(%dma_start3A_42 : memref<128xi32, #tpu.memory_space<vmem>>) semaphore(%arg13 : memref<!tpu.dma_semaphore, #tpu.memory_space<semaphore_mem>>)
    %sub3A_46 = arith.constant 0 : i32
    %sub3A_47 = arith.subi %select_n3A_19, %sub3A_46 : i32
    %sub3A_48 = arith.constant 1 : i32
    %sub3A_49 = arith.constant 1 : i32
    %sub3A_50 = arith.subi %sub3A_48, %sub3A_49 : i32
    %add3A_51 = arith.addi %sub3A_47, %sub3A_50 : i32
    %div3A_52 = arith.constant 1 : i32
    %div3A_53 = arith.divsi %add3A_51, %div3A_52 : i32
    %while3A = arith.constant 1 : i32
    %while3A_54 = arith.constant 0 : i32
    %while3A_55 = arith.constant 0 : i32
    %while3A_56 = arith.subi %div3A_53, %while3A_55 : i32
    %while3A_57 = arith.addi %while3A_55, %while3A_56 : i32
    %while3A_58 = arith.constant 1 : i32
    %while3A_59 = arith.divsi %while3A_56, %while3A_58 : i32
    %while3A_60 = arith.muli %while3A_59, %while3A_58 : i32
    %while3A_61 = arith.addi %while3A_55, %while3A_60 : i32
    %while3A_62 = arith.constant 1 : i32
    scf.for %while3A_113 = %while3A_55 to %while3A_61 step %while3A_62  : i32 {
      %mul3A_114 = arith.muli %while3A_113, %while3A : i32
      %add3A_115 = arith.addi %while3A_54, %mul3A_114 : i32
      %mul3A_116 = arith.constant 4 : i32
      %mul3A_117 = arith.muli %add3A_115, %mul3A_116 : i32
      %gt3A = arith.constant 0 : i32
      %gt3A_118 = arith.cmpi sgt, %add3A_115, %gt3A : i32
      %convert_element_type3A = arith.extui %gt3A_118 : i1 to i32
      %cond3A = arith.constant 0 : i32
      %cond3A_119 = arith.cmpi ne, %convert_element_type3A, %cond3A : i32
      scf.if %cond3A_119 {
        %sub3A_238 = arith.constant 2 : i32
        %sub3A_239 = arith.subi %mul3A_117, %sub3A_238 : i32
        %add3A_240 = arith.constant 0 : i32
        %add3A_241 = arith.addi %sub3A_239, %add3A_240 : i32
        %dma_wait3A_242 = arith.constant 1 : i32
        %dma_wait3A_243 = arith.constant 0 : i32
        %dma_wait3A_244 = tpu.memref_slice %arg6[%add3A_241, %dma_wait3A_242, %dma_wait3A_243] : memref<120x2x128xi32, #tpu.memory_space<vmem>> -> memref<1x1x128xi32, #tpu.memory_space<vmem>>
        %dma_wait3A_245 = tpu.memref_squeeze %dma_wait3A_244 : memref<1x1x128xi32, #tpu.memory_space<vmem>> -> memref<128xi32, #tpu.memory_space<vmem>>
        %dma_wait3A_246 = arith.constant 0 : i32
        %dma_wait3A_247 = arith.constant 0 : i32
        %dma_wait3A_248 = tpu.memref_slice %arg11[%dma_wait3A_246, %dma_wait3A_247] : memref<10240x128xbf16, #tpu.memory_space<vmem_shared>> -> memref<10240x128xbf16, #tpu.memory_space<vmem_shared>>
        tpu.wait_indirect_dma semaphore(%arg18 : memref<!tpu.dma_semaphore, #tpu.memory_space<semaphore_mem>>) src(%arg9 : memref<128x128xbf16, #tpu.memory_space<vmem>>) dst(%dma_wait3A_248 : memref<10240x128xbf16, #tpu.memory_space<vmem_shared>>)
      } else {
      }
      %add3A_120 = arith.constant 2 : i32
      %add3A_121 = arith.addi %mul3A_117, %add3A_120 : i32
      %add3A_122 = arith.constant 0 : i32
      %add3A_123 = arith.addi %add3A_121, %add3A_122 : i32
      %dma_start3A_124 = arith.constant 0 : i32
      %dma_start3A_125 = arith.constant 0 : i32
      %dma_start3A_126 = tpu.memref_slice %arg6[%add3A_123, %dma_start3A_124, %dma_start3A_125] : memref<120x2x128xi32, #tpu.memory_space<vmem>> -> memref<1x1x128xi32, #tpu.memory_space<vmem>>
      %dma_start3A_127 = tpu.memref_squeeze %dma_start3A_126 : memref<1x1x128xi32, #tpu.memory_space<vmem>> -> memref<128xi32, #tpu.memory_space<vmem>>
      %dma_start3A_128 = arith.constant 0 : i32
      %dma_start3A_129 = arith.constant 0 : i32
      %dma_start3A_130 = tpu.memref_slice %arg2[%dma_start3A_128, %dma_start3A_129] : memref<10000x128xbf16, #tpu.memory_space<hbm>> -> memref<10000x128xbf16, #tpu.memory_space<hbm>>
      tpu.enqueue_indirect_dma source(%dma_start3A_130 : memref<10000x128xbf16, #tpu.memory_space<hbm>>) target(%arg9 : memref<128x128xbf16, #tpu.memory_space<vmem>>) offsets(%dma_start3A_127 : memref<128xi32, #tpu.memory_space<vmem>>) semaphore(%arg14 : memref<!tpu.dma_semaphore, #tpu.memory_space<semaphore_mem>>)
      %gt3A_131 = arith.constant 0 : i32
      %gt3A_132 = arith.cmpi sgt, %add3A_115, %gt3A_131 : i32
      %convert_element_type3A_133 = arith.extui %gt3A_132 : i1 to i32
      %cond3A_134 = arith.constant 0 : i32
      %cond3A_135 = arith.cmpi ne, %convert_element_type3A_133, %cond3A_134 : i32
      scf.if %cond3A_135 {
        %sub3A_238 = arith.constant 2 : i32
        %sub3A_239 = arith.subi %mul3A_117, %sub3A_238 : i32
        %add3A_240 = arith.constant 1 : i32
        %add3A_241 = arith.addi %sub3A_239, %add3A_240 : i32
        %dma_wait3A_242 = arith.constant 1 : i32
        %dma_wait3A_243 = arith.constant 0 : i32
        %dma_wait3A_244 = tpu.memref_slice %arg6[%add3A_241, %dma_wait3A_242, %dma_wait3A_243] : memref<120x2x128xi32, #tpu.memory_space<vmem>> -> memref<1x1x128xi32, #tpu.memory_space<vmem>>
        %dma_wait3A_245 = tpu.memref_squeeze %dma_wait3A_244 : memref<1x1x128xi32, #tpu.memory_space<vmem>> -> memref<128xi32, #tpu.memory_space<vmem>>
        %dma_wait3A_246 = arith.constant 0 : i32
        %dma_wait3A_247 = arith.constant 0 : i32
        %dma_wait3A_248 = tpu.memref_slice %arg11[%dma_wait3A_246, %dma_wait3A_247] : memref<10240x128xbf16, #tpu.memory_space<vmem_shared>> -> memref<10240x128xbf16, #tpu.memory_space<vmem_shared>>
        tpu.wait_indirect_dma semaphore(%arg19 : memref<!tpu.dma_semaphore, #tpu.memory_space<semaphore_mem>>) src(%arg10 : memref<128x128xbf16, #tpu.memory_space<vmem>>) dst(%dma_wait3A_248 : memref<10240x128xbf16, #tpu.memory_space<vmem_shared>>)
      } else {
      }
      %add3A_136 = arith.constant 2 : i32
      %add3A_137 = arith.addi %mul3A_117, %add3A_136 : i32
      %add3A_138 = arith.constant 1 : i32
      %add3A_139 = arith.addi %add3A_137, %add3A_138 : i32
      %dma_start3A_140 = arith.constant 0 : i32
      %dma_start3A_141 = arith.constant 0 : i32
      %dma_start3A_142 = tpu.memref_slice %arg6[%add3A_139, %dma_start3A_140, %dma_start3A_141] : memref<120x2x128xi32, #tpu.memory_space<vmem>> -> memref<1x1x128xi32, #tpu.memory_space<vmem>>
      %dma_start3A_143 = tpu.memref_squeeze %dma_start3A_142 : memref<1x1x128xi32, #tpu.memory_space<vmem>> -> memref<128xi32, #tpu.memory_space<vmem>>
      %dma_start3A_144 = arith.constant 0 : i32
      %dma_start3A_145 = arith.constant 0 : i32
      %dma_start3A_146 = tpu.memref_slice %arg2[%dma_start3A_144, %dma_start3A_145] : memref<10000x128xbf16, #tpu.memory_space<hbm>> -> memref<10000x128xbf16, #tpu.memory_space<hbm>>
      tpu.enqueue_indirect_dma source(%dma_start3A_146 : memref<10000x128xbf16, #tpu.memory_space<hbm>>) target(%arg10 : memref<128x128xbf16, #tpu.memory_space<vmem>>) offsets(%dma_start3A_143 : memref<128xi32, #tpu.memory_space<vmem>>) semaphore(%arg15 : memref<!tpu.dma_semaphore, #tpu.memory_space<semaphore_mem>>)
      %add3A_147 = arith.constant 0 : i32
      %add3A_148 = arith.addi %mul3A_117, %add3A_147 : i32
      %dma_wait3A_149 = arith.constant 0 : i32
      %dma_wait3A_150 = arith.constant 0 : i32
      %dma_wait3A_151 = tpu.memref_slice %arg6[%add3A_148, %dma_wait3A_149, %dma_wait3A_150] : memref<120x2x128xi32, #tpu.memory_space<vmem>> -> memref<1x1x128xi32, #tpu.memory_space<vmem>>
      %dma_wait3A_152 = tpu.memref_squeeze %dma_wait3A_151 : memref<1x1x128xi32, #tpu.memory_space<vmem>> -> memref<128xi32, #tpu.memory_space<vmem>>
      %dma_wait3A_153 = arith.constant 0 : i32
      %dma_wait3A_154 = arith.constant 0 : i32
      %dma_wait3A_155 = tpu.memref_slice %arg2[%dma_wait3A_153, %dma_wait3A_154] : memref<10000x128xbf16, #tpu.memory_space<hbm>> -> memref<10000x128xbf16, #tpu.memory_space<hbm>>
      tpu.wait_indirect_dma semaphore(%arg12 : memref<!tpu.dma_semaphore, #tpu.memory_space<semaphore_mem>>) src(%dma_wait3A_155 : memref<10000x128xbf16, #tpu.memory_space<hbm>>) dst(%arg7 : memref<128x128xbf16, #tpu.memory_space<vmem>>)
      %add3A_156 = arith.constant 0 : i32
      %add3A_157 = arith.addi %mul3A_117, %add3A_156 : i32
      %dma_start3A_158 = arith.constant 1 : i32
      %dma_start3A_159 = arith.constant 0 : i32
      %dma_start3A_160 = tpu.memref_slice %arg6[%add3A_157, %dma_start3A_158, %dma_start3A_159] : memref<120x2x128xi32, #tpu.memory_space<vmem>> -> memref<1x1x128xi32, #tpu.memory_space<vmem>>
      %dma_start3A_161 = tpu.memref_squeeze %dma_start3A_160 : memref<1x1x128xi32, #tpu.memory_space<vmem>> -> memref<128xi32, #tpu.memory_space<vmem>>
      %dma_start3A_162 = arith.constant 0 : i32
      %dma_start3A_163 = arith.constant 0 : i32
      %dma_start3A_164 = tpu.memref_slice %arg11[%dma_start3A_162, %dma_start3A_163] : memref<10240x128xbf16, #tpu.memory_space<vmem_shared>> -> memref<10240x128xbf16, #tpu.memory_space<vmem_shared>>
      tpu.enqueue_indirect_dma source(%arg7 : memref<128x128xbf16, #tpu.memory_space<vmem>>) target(%dma_start3A_164 : memref<10240x128xbf16, #tpu.memory_space<vmem_shared>>) offsets(%dma_start3A_161 : memref<128xi32, #tpu.memory_space<vmem>>) semaphore(%arg16 : memref<!tpu.dma_semaphore, #tpu.memory_space<semaphore_mem>>) {add = true}
      %add3A_165 = arith.constant 1 : i32
      %add3A_166 = arith.addi %mul3A_117, %add3A_165 : i32
      %dma_wait3A_167 = arith.constant 0 : i32
      %dma_wait3A_168 = arith.constant 0 : i32
      %dma_wait3A_169 = tpu.memref_slice %arg6[%add3A_166, %dma_wait3A_167, %dma_wait3A_168] : memref<120x2x128xi32, #tpu.memory_space<vmem>> -> memref<1x1x128xi32, #tpu.memory_space<vmem>>
      %dma_wait3A_170 = tpu.memref_squeeze %dma_wait3A_169 : memref<1x1x128xi32, #tpu.memory_space<vmem>> -> memref<128xi32, #tpu.memory_space<vmem>>
      %dma_wait3A_171 = arith.constant 0 : i32
      %dma_wait3A_172 = arith.constant 0 : i32
      %dma_wait3A_173 = tpu.memref_slice %arg2[%dma_wait3A_171, %dma_wait3A_172] : memref<10000x128xbf16, #tpu.memory_space<hbm>> -> memref<10000x128xbf16, #tpu.memory_space<hbm>>
      tpu.wait_indirect_dma semaphore(%arg13 : memref<!tpu.dma_semaphore, #tpu.memory_space<semaphore_mem>>) src(%dma_wait3A_173 : memref<10000x128xbf16, #tpu.memory_space<hbm>>) dst(%arg8 : memref<128x128xbf16, #tpu.memory_space<vmem>>)
      %add3A_174 = arith.constant 1 : i32
      %add3A_175 = arith.addi %mul3A_117, %add3A_174 : i32
      %dma_start3A_176 = arith.constant 1 : i32
      %dma_start3A_177 = arith.constant 0 : i32
      %dma_start3A_178 = tpu.memref_slice %arg6[%add3A_175, %dma_start3A_176, %dma_start3A_177] : memref<120x2x128xi32, #tpu.memory_space<vmem>> -> memref<1x1x128xi32, #tpu.memory_space<vmem>>
      %dma_start3A_179 = tpu.memref_squeeze %dma_start3A_178 : memref<1x1x128xi32, #tpu.memory_space<vmem>> -> memref<128xi32, #tpu.memory_space<vmem>>
      %dma_start3A_180 = arith.constant 0 : i32
      %dma_start3A_181 = arith.constant 0 : i32
      %dma_start3A_182 = tpu.memref_slice %arg11[%dma_start3A_180, %dma_start3A_181] : memref<10240x128xbf16, #tpu.memory_space<vmem_shared>> -> memref<10240x128xbf16, #tpu.memory_space<vmem_shared>>
      tpu.enqueue_indirect_dma source(%arg8 : memref<128x128xbf16, #tpu.memory_space<vmem>>) target(%dma_start3A_182 : memref<10240x128xbf16, #tpu.memory_space<vmem_shared>>) offsets(%dma_start3A_179 : memref<128xi32, #tpu.memory_space<vmem>>) semaphore(%arg17 : memref<!tpu.dma_semaphore, #tpu.memory_space<semaphore_mem>>) {add = true}
      %sub3A_183 = arith.constant 1 : i32
      %sub3A_184 = arith.subi %select_n3A_19, %sub3A_183 : i32
      %lt3A = arith.cmpi slt, %add3A_115, %sub3A_184 : i32
      %convert_element_type3A_185 = arith.extui %lt3A : i1 to i32
      %cond3A_186 = arith.constant 0 : i32
      %cond3A_187 = arith.cmpi ne, %convert_element_type3A_185, %cond3A_186 : i32
      scf.if %cond3A_187 {
        %add3A_238 = arith.constant 0 : i32
        %add3A_239 = arith.addi %mul3A_117, %add3A_238 : i32
        %dma_wait3A_240 = arith.constant 1 : i32
        %dma_wait3A_241 = arith.constant 0 : i32
        %dma_wait3A_242 = tpu.memref_slice %arg6[%add3A_239, %dma_wait3A_240, %dma_wait3A_241] : memref<120x2x128xi32, #tpu.memory_space<vmem>> -> memref<1x1x128xi32, #tpu.memory_space<vmem>>
        %dma_wait3A_243 = tpu.memref_squeeze %dma_wait3A_242 : memref<1x1x128xi32, #tpu.memory_space<vmem>> -> memref<128xi32, #tpu.memory_space<vmem>>
        %dma_wait3A_244 = arith.constant 0 : i32
        %dma_wait3A_245 = arith.constant 0 : i32
        %dma_wait3A_246 = tpu.memref_slice %arg11[%dma_wait3A_244, %dma_wait3A_245] : memref<10240x128xbf16, #tpu.memory_space<vmem_shared>> -> memref<10240x128xbf16, #tpu.memory_space<vmem_shared>>
        tpu.wait_indirect_dma semaphore(%arg16 : memref<!tpu.dma_semaphore, #tpu.memory_space<semaphore_mem>>) src(%arg7 : memref<128x128xbf16, #tpu.memory_space<vmem>>) dst(%dma_wait3A_246 : memref<10240x128xbf16, #tpu.memory_space<vmem_shared>>)
        %add3A_247 = arith.constant 4 : i32
        %add3A_248 = arith.addi %mul3A_117, %add3A_247 : i32
        %add3A_249 = arith.constant 0 : i32
        %add3A_250 = arith.addi %add3A_248, %add3A_249 : i32
        %dma_start3A_251 = arith.constant 0 : i32
        %dma_start3A_252 = arith.constant 0 : i32
        %dma_start3A_253 = tpu.memref_slice %arg6[%add3A_250, %dma_start3A_251, %dma_start3A_252] : memref<120x2x128xi32, #tpu.memory_space<vmem>> -> memref<1x1x128xi32, #tpu.memory_space<vmem>>
        %dma_start3A_254 = tpu.memref_squeeze %dma_start3A_253 : memref<1x1x128xi32, #tpu.memory_space<vmem>> -> memref<128xi32, #tpu.memory_space<vmem>>
        %dma_start3A_255 = arith.constant 0 : i32
        %dma_start3A_256 = arith.constant 0 : i32
        %dma_start3A_257 = tpu.memref_slice %arg2[%dma_start3A_255, %dma_start3A_256] : memref<10000x128xbf16, #tpu.memory_space<hbm>> -> memref<10000x128xbf16, #tpu.memory_space<hbm>>
        tpu.enqueue_indirect_dma source(%dma_start3A_257 : memref<10000x128xbf16, #tpu.memory_space<hbm>>) target(%arg7 : memref<128x128xbf16, #tpu.memory_space<vmem>>) offsets(%dma_start3A_254 : memref<128xi32, #tpu.memory_space<vmem>>) semaphore(%arg12 : memref<!tpu.dma_semaphore, #tpu.memory_space<semaphore_mem>>)
      } else {
      }
      %sub3A_188 = arith.constant 1 : i32
      %sub3A_189 = arith.subi %select_n3A_19, %sub3A_188 : i32
      %lt3A_190 = arith.cmpi slt, %add3A_115, %sub3A_189 : i32
      %convert_element_type3A_191 = arith.extui %lt3A_190 : i1 to i32
      %cond3A_192 = arith.constant 0 : i32
      %cond3A_193 = arith.cmpi ne, %convert_element_type3A_191, %cond3A_192 : i32
      scf.if %cond3A_193 {
        %add3A_238 = arith.constant 1 : i32
        %add3A_239 = arith.addi %mul3A_117, %add3A_238 : i32
        %dma_wait3A_240 = arith.constant 1 : i32
        %dma_wait3A_241 = arith.constant 0 : i32
        %dma_wait3A_242 = tpu.memref_slice %arg6[%add3A_239, %dma_wait3A_240, %dma_wait3A_241] : memref<120x2x128xi32, #tpu.memory_space<vmem>> -> memref<1x1x128xi32, #tpu.memory_space<vmem>>
        %dma_wait3A_243 = tpu.memref_squeeze %dma_wait3A_242 : memref<1x1x128xi32, #tpu.memory_space<vmem>> -> memref<128xi32, #tpu.memory_space<vmem>>
        %dma_wait3A_244 = arith.constant 0 : i32
        %dma_wait3A_245 = arith.constant 0 : i32
        %dma_wait3A_246 = tpu.memref_slice %arg11[%dma_wait3A_244, %dma_wait3A_245] : memref<10240x128xbf16, #tpu.memory_space<vmem_shared>> -> memref<10240x128xbf16, #tpu.memory_space<vmem_shared>>
        tpu.wait_indirect_dma semaphore(%arg17 : memref<!tpu.dma_semaphore, #tpu.memory_space<semaphore_mem>>) src(%arg8 : memref<128x128xbf16, #tpu.memory_space<vmem>>) dst(%dma_wait3A_246 : memref<10240x128xbf16, #tpu.memory_space<vmem_shared>>)
        %add3A_247 = arith.constant 4 : i32
        %add3A_248 = arith.addi %mul3A_117, %add3A_247 : i32
        %add3A_249 = arith.constant 1 : i32
        %add3A_250 = arith.addi %add3A_248, %add3A_249 : i32
        %dma_start3A_251 = arith.constant 0 : i32
        %dma_start3A_252 = arith.constant 0 : i32
        %dma_start3A_253 = tpu.memref_slice %arg6[%add3A_250, %dma_start3A_251, %dma_start3A_252] : memref<120x2x128xi32, #tpu.memory_space<vmem>> -> memref<1x1x128xi32, #tpu.memory_space<vmem>>
        %dma_start3A_254 = tpu.memref_squeeze %dma_start3A_253 : memref<1x1x128xi32, #tpu.memory_space<vmem>> -> memref<128xi32, #tpu.memory_space<vmem>>
        %dma_start3A_255 = arith.constant 0 : i32
        %dma_start3A_256 = arith.constant 0 : i32
        %dma_start3A_257 = tpu.memref_slice %arg2[%dma_start3A_255, %dma_start3A_256] : memref<10000x128xbf16, #tpu.memory_space<hbm>> -> memref<10000x128xbf16, #tpu.memory_space<hbm>>
        tpu.enqueue_indirect_dma source(%dma_start3A_257 : memref<10000x128xbf16, #tpu.memory_space<hbm>>) target(%arg8 : memref<128x128xbf16, #tpu.memory_space<vmem>>) offsets(%dma_start3A_254 : memref<128xi32, #tpu.memory_space<vmem>>) semaphore(%arg13 : memref<!tpu.dma_semaphore, #tpu.memory_space<semaphore_mem>>)
      } else {
      }
      %add3A_194 = arith.constant 2 : i32
      %add3A_195 = arith.addi %mul3A_117, %add3A_194 : i32
      %add3A_196 = arith.constant 0 : i32
      %add3A_197 = arith.addi %add3A_195, %add3A_196 : i32
      %dma_wait3A_198 = arith.constant 0 : i32
      %dma_wait3A_199 = arith.constant 0 : i32
      %dma_wait3A_200 = tpu.memref_slice %arg6[%add3A_197, %dma_wait3A_198, %dma_wait3A_199] : memref<120x2x128xi32, #tpu.memory_space<vmem>> -> memref<1x1x128xi32, #tpu.memory_space<vmem>>
      %dma_wait3A_201 = tpu.memref_squeeze %dma_wait3A_200 : memref<1x1x128xi32, #tpu.memory_space<vmem>> -> memref<128xi32, #tpu.memory_space<vmem>>
      %dma_wait3A_202 = arith.constant 0 : i32
      %dma_wait3A_203 = arith.constant 0 : i32
      %dma_wait3A_204 = tpu.memref_slice %arg2[%dma_wait3A_202, %dma_wait3A_203] : memref<10000x128xbf16, #tpu.memory_space<hbm>> -> memref<10000x128xbf16, #tpu.memory_space<hbm>>
      tpu.wait_indirect_dma semaphore(%arg14 : memref<!tpu.dma_semaphore, #tpu.memory_space<semaphore_mem>>) src(%dma_wait3A_204 : memref<10000x128xbf16, #tpu.memory_space<hbm>>) dst(%arg9 : memref<128x128xbf16, #tpu.memory_space<vmem>>)
      %add3A_205 = arith.constant 2 : i32
      %add3A_206 = arith.addi %mul3A_117, %add3A_205 : i32
      %add3A_207 = arith.constant 0 : i32
      %add3A_208 = arith.addi %add3A_206, %add3A_207 : i32
      %dma_start3A_209 = arith.constant 1 : i32
      %dma_start3A_210 = arith.constant 0 : i32
      %dma_start3A_211 = tpu.memref_slice %arg6[%add3A_208, %dma_start3A_209, %dma_start3A_210] : memref<120x2x128xi32, #tpu.memory_space<vmem>> -> memref<1x1x128xi32, #tpu.memory_space<vmem>>
      %dma_start3A_212 = tpu.memref_squeeze %dma_start3A_211 : memref<1x1x128xi32, #tpu.memory_space<vmem>> -> memref<128xi32, #tpu.memory_space<vmem>>
      %dma_start3A_213 = arith.constant 0 : i32
      %dma_start3A_214 = arith.constant 0 : i32
      %dma_start3A_215 = tpu.memref_slice %arg11[%dma_start3A_213, %dma_start3A_214] : memref<10240x128xbf16, #tpu.memory_space<vmem_shared>> -> memref<10240x128xbf16, #tpu.memory_space<vmem_shared>>
      tpu.enqueue_indirect_dma source(%arg9 : memref<128x128xbf16, #tpu.memory_space<vmem>>) target(%dma_start3A_215 : memref<10240x128xbf16, #tpu.memory_space<vmem_shared>>) offsets(%dma_start3A_212 : memref<128xi32, #tpu.memory_space<vmem>>) semaphore(%arg18 : memref<!tpu.dma_semaphore, #tpu.memory_space<semaphore_mem>>) {add = true}
      %add3A_216 = arith.constant 2 : i32
      %add3A_217 = arith.addi %mul3A_117, %add3A_216 : i32
      %add3A_218 = arith.constant 1 : i32
      %add3A_219 = arith.addi %add3A_217, %add3A_218 : i32
      %dma_wait3A_220 = arith.constant 0 : i32
      %dma_wait3A_221 = arith.constant 0 : i32
      %dma_wait3A_222 = tpu.memref_slice %arg6[%add3A_219, %dma_wait3A_220, %dma_wait3A_221] : memref<120x2x128xi32, #tpu.memory_space<vmem>> -> memref<1x1x128xi32, #tpu.memory_space<vmem>>
      %dma_wait3A_223 = tpu.memref_squeeze %dma_wait3A_222 : memref<1x1x128xi32, #tpu.memory_space<vmem>> -> memref<128xi32, #tpu.memory_space<vmem>>
      %dma_wait3A_224 = arith.constant 0 : i32
      %dma_wait3A_225 = arith.constant 0 : i32
      %dma_wait3A_226 = tpu.memref_slice %arg2[%dma_wait3A_224, %dma_wait3A_225] : memref<10000x128xbf16, #tpu.memory_space<hbm>> -> memref<10000x128xbf16, #tpu.memory_space<hbm>>
      tpu.wait_indirect_dma semaphore(%arg15 : memref<!tpu.dma_semaphore, #tpu.memory_space<semaphore_mem>>) src(%dma_wait3A_226 : memref<10000x128xbf16, #tpu.memory_space<hbm>>) dst(%arg10 : memref<128x128xbf16, #tpu.memory_space<vmem>>)
      %add3A_227 = arith.constant 2 : i32
      %add3A_228 = arith.addi %mul3A_117, %add3A_227 : i32
      %add3A_229 = arith.constant 1 : i32
      %add3A_230 = arith.addi %add3A_228, %add3A_229 : i32
      %dma_start3A_231 = arith.constant 1 : i32
      %dma_start3A_232 = arith.constant 0 : i32
      %dma_start3A_233 = tpu.memref_slice %arg6[%add3A_230, %dma_start3A_231, %dma_start3A_232] : memref<120x2x128xi32, #tpu.memory_space<vmem>> -> memref<1x1x128xi32, #tpu.memory_space<vmem>>
      %dma_start3A_234 = tpu.memref_squeeze %dma_start3A_233 : memref<1x1x128xi32, #tpu.memory_space<vmem>> -> memref<128xi32, #tpu.memory_space<vmem>>
      %dma_start3A_235 = arith.constant 0 : i32
      %dma_start3A_236 = arith.constant 0 : i32
      %dma_start3A_237 = tpu.memref_slice %arg11[%dma_start3A_235, %dma_start3A_236] : memref<10240x128xbf16, #tpu.memory_space<vmem_shared>> -> memref<10240x128xbf16, #tpu.memory_space<vmem_shared>>
      tpu.enqueue_indirect_dma source(%arg10 : memref<128x128xbf16, #tpu.memory_space<vmem>>) target(%dma_start3A_237 : memref<10240x128xbf16, #tpu.memory_space<vmem_shared>>) offsets(%dma_start3A_234 : memref<128xi32, #tpu.memory_space<vmem>>) semaphore(%arg19 : memref<!tpu.dma_semaphore, #tpu.memory_space<semaphore_mem>>) {add = true}
    }
    %while3A_63 = arith.constant 1 : i32
    scf.for %while3A_113 = %while3A_61 to %while3A_57 step %while3A_63  : i32 {
      %mul3A_114 = arith.muli %while3A_113, %while3A : i32
      %add3A_115 = arith.addi %while3A_54, %mul3A_114 : i32
      %mul3A_116 = arith.constant 4 : i32
      %mul3A_117 = arith.muli %add3A_115, %mul3A_116 : i32
      %gt3A = arith.constant 0 : i32
      %gt3A_118 = arith.cmpi sgt, %add3A_115, %gt3A : i32
      %convert_element_type3A = arith.extui %gt3A_118 : i1 to i32
      %cond3A = arith.constant 0 : i32
      %cond3A_119 = arith.cmpi ne, %convert_element_type3A, %cond3A : i32
      scf.if %cond3A_119 {
        %sub3A_238 = arith.constant 2 : i32
        %sub3A_239 = arith.subi %mul3A_117, %sub3A_238 : i32
        %add3A_240 = arith.constant 0 : i32
        %add3A_241 = arith.addi %sub3A_239, %add3A_240 : i32
        %dma_wait3A_242 = arith.constant 1 : i32
        %dma_wait3A_243 = arith.constant 0 : i32
        %dma_wait3A_244 = tpu.memref_slice %arg6[%add3A_241, %dma_wait3A_242, %dma_wait3A_243] : memref<120x2x128xi32, #tpu.memory_space<vmem>> -> memref<1x1x128xi32, #tpu.memory_space<vmem>>
        %dma_wait3A_245 = tpu.memref_squeeze %dma_wait3A_244 : memref<1x1x128xi32, #tpu.memory_space<vmem>> -> memref<128xi32, #tpu.memory_space<vmem>>
        %dma_wait3A_246 = arith.constant 0 : i32
        %dma_wait3A_247 = arith.constant 0 : i32
        %dma_wait3A_248 = tpu.memref_slice %arg11[%dma_wait3A_246, %dma_wait3A_247] : memref<10240x128xbf16, #tpu.memory_space<vmem_shared>> -> memref<10240x128xbf16, #tpu.memory_space<vmem_shared>>
        tpu.wait_indirect_dma semaphore(%arg18 : memref<!tpu.dma_semaphore, #tpu.memory_space<semaphore_mem>>) src(%arg9 : memref<128x128xbf16, #tpu.memory_space<vmem>>) dst(%dma_wait3A_248 : memref<10240x128xbf16, #tpu.memory_space<vmem_shared>>)
      } else {
      }
      %add3A_120 = arith.constant 2 : i32
      %add3A_121 = arith.addi %mul3A_117, %add3A_120 : i32
      %add3A_122 = arith.constant 0 : i32
      %add3A_123 = arith.addi %add3A_121, %add3A_122 : i32
      %dma_start3A_124 = arith.constant 0 : i32
      %dma_start3A_125 = arith.constant 0 : i32
      %dma_start3A_126 = tpu.memref_slice %arg6[%add3A_123, %dma_start3A_124, %dma_start3A_125] : memref<120x2x128xi32, #tpu.memory_space<vmem>> -> memref<1x1x128xi32, #tpu.memory_space<vmem>>
      %dma_start3A_127 = tpu.memref_squeeze %dma_start3A_126 : memref<1x1x128xi32, #tpu.memory_space<vmem>> -> memref<128xi32, #tpu.memory_space<vmem>>
      %dma_start3A_128 = arith.constant 0 : i32
      %dma_start3A_129 = arith.constant 0 : i32
      %dma_start3A_130 = tpu.memref_slice %arg2[%dma_start3A_128, %dma_start3A_129] : memref<10000x128xbf16, #tpu.memory_space<hbm>> -> memref<10000x128xbf16, #tpu.memory_space<hbm>>
      tpu.enqueue_indirect_dma source(%dma_start3A_130 : memref<10000x128xbf16, #tpu.memory_space<hbm>>) target(%arg9 : memref<128x128xbf16, #tpu.memory_space<vmem>>) offsets(%dma_start3A_127 : memref<128xi32, #tpu.memory_space<vmem>>) semaphore(%arg14 : memref<!tpu.dma_semaphore, #tpu.memory_space<semaphore_mem>>)
      %gt3A_131 = arith.constant 0 : i32
      %gt3A_132 = arith.cmpi sgt, %add3A_115, %gt3A_131 : i32
      %convert_element_type3A_133 = arith.extui %gt3A_132 : i1 to i32
      %cond3A_134 = arith.constant 0 : i32
      %cond3A_135 = arith.cmpi ne, %convert_element_type3A_133, %cond3A_134 : i32
      scf.if %cond3A_135 {
        %sub3A_238 = arith.constant 2 : i32
        %sub3A_239 = arith.subi %mul3A_117, %sub3A_238 : i32
        %add3A_240 = arith.constant 1 : i32
        %add3A_241 = arith.addi %sub3A_239, %add3A_240 : i32
        %dma_wait3A_242 = arith.constant 1 : i32
        %dma_wait3A_243 = arith.constant 0 : i32
        %dma_wait3A_244 = tpu.memref_slice %arg6[%add3A_241, %dma_wait3A_242, %dma_wait3A_243] : memref<120x2x128xi32, #tpu.memory_space<vmem>> -> memref<1x1x128xi32, #tpu.memory_space<vmem>>
        %dma_wait3A_245 = tpu.memref_squeeze %dma_wait3A_244 : memref<1x1x128xi32, #tpu.memory_space<vmem>> -> memref<128xi32, #tpu.memory_space<vmem>>
        %dma_wait3A_246 = arith.constant 0 : i32
        %dma_wait3A_247 = arith.constant 0 : i32
        %dma_wait3A_248 = tpu.memref_slice %arg11[%dma_wait3A_246, %dma_wait3A_247] : memref<10240x128xbf16, #tpu.memory_space<vmem_shared>> -> memref<10240x128xbf16, #tpu.memory_space<vmem_shared>>
        tpu.wait_indirect_dma semaphore(%arg19 : memref<!tpu.dma_semaphore, #tpu.memory_space<semaphore_mem>>) src(%arg10 : memref<128x128xbf16, #tpu.memory_space<vmem>>) dst(%dma_wait3A_248 : memref<10240x128xbf16, #tpu.memory_space<vmem_shared>>)
      } else {
      }
      %add3A_136 = arith.constant 2 : i32
      %add3A_137 = arith.addi %mul3A_117, %add3A_136 : i32
      %add3A_138 = arith.constant 1 : i32
      %add3A_139 = arith.addi %add3A_137, %add3A_138 : i32
      %dma_start3A_140 = arith.constant 0 : i32
      %dma_start3A_141 = arith.constant 0 : i32
      %dma_start3A_142 = tpu.memref_slice %arg6[%add3A_139, %dma_start3A_140, %dma_start3A_141] : memref<120x2x128xi32, #tpu.memory_space<vmem>> -> memref<1x1x128xi32, #tpu.memory_space<vmem>>
      %dma_start3A_143 = tpu.memref_squeeze %dma_start3A_142 : memref<1x1x128xi32, #tpu.memory_space<vmem>> -> memref<128xi32, #tpu.memory_space<vmem>>
      %dma_start3A_144 = arith.constant 0 : i32
      %dma_start3A_145 = arith.constant 0 : i32
      %dma_start3A_146 = tpu.memref_slice %arg2[%dma_start3A_144, %dma_start3A_145] : memref<10000x128xbf16, #tpu.memory_space<hbm>> -> memref<10000x128xbf16, #tpu.memory_space<hbm>>
      tpu.enqueue_indirect_dma source(%dma_start3A_146 : memref<10000x128xbf16, #tpu.memory_space<hbm>>) target(%arg10 : memref<128x128xbf16, #tpu.memory_space<vmem>>) offsets(%dma_start3A_143 : memref<128xi32, #tpu.memory_space<vmem>>) semaphore(%arg15 : memref<!tpu.dma_semaphore, #tpu.memory_space<semaphore_mem>>)
      %add3A_147 = arith.constant 0 : i32
      %add3A_148 = arith.addi %mul3A_117, %add3A_147 : i32
      %dma_wait3A_149 = arith.constant 0 : i32
      %dma_wait3A_150 = arith.constant 0 : i32
      %dma_wait3A_151 = tpu.memref_slice %arg6[%add3A_148, %dma_wait3A_149, %dma_wait3A_150] : memref<120x2x128xi32, #tpu.memory_space<vmem>> -> memref<1x1x128xi32, #tpu.memory_space<vmem>>
      %dma_wait3A_152 = tpu.memref_squeeze %dma_wait3A_151 : memref<1x1x128xi32, #tpu.memory_space<vmem>> -> memref<128xi32, #tpu.memory_space<vmem>>
      %dma_wait3A_153 = arith.constant 0 : i32
      %dma_wait3A_154 = arith.constant 0 : i32
      %dma_wait3A_155 = tpu.memref_slice %arg2[%dma_wait3A_153, %dma_wait3A_154] : memref<10000x128xbf16, #tpu.memory_space<hbm>> -> memref<10000x128xbf16, #tpu.memory_space<hbm>>
      tpu.wait_indirect_dma semaphore(%arg12 : memref<!tpu.dma_semaphore, #tpu.memory_space<semaphore_mem>>) src(%dma_wait3A_155 : memref<10000x128xbf16, #tpu.memory_space<hbm>>) dst(%arg7 : memref<128x128xbf16, #tpu.memory_space<vmem>>)
      %add3A_156 = arith.constant 0 : i32
      %add3A_157 = arith.addi %mul3A_117, %add3A_156 : i32
      %dma_start3A_158 = arith.constant 1 : i32
      %dma_start3A_159 = arith.constant 0 : i32
      %dma_start3A_160 = tpu.memref_slice %arg6[%add3A_157, %dma_start3A_158, %dma_start3A_159] : memref<120x2x128xi32, #tpu.memory_space<vmem>> -> memref<1x1x128xi32, #tpu.memory_space<vmem>>
      %dma_start3A_161 = tpu.memref_squeeze %dma_start3A_160 : memref<1x1x128xi32, #tpu.memory_space<vmem>> -> memref<128xi32, #tpu.memory_space<vmem>>
      %dma_start3A_162 = arith.constant 0 : i32
      %dma_start3A_163 = arith.constant 0 : i32
      %dma_start3A_164 = tpu.memref_slice %arg11[%dma_start3A_162, %dma_start3A_163] : memref<10240x128xbf16, #tpu.memory_space<vmem_shared>> -> memref<10240x128xbf16, #tpu.memory_space<vmem_shared>>
      tpu.enqueue_indirect_dma source(%arg7 : memref<128x128xbf16, #tpu.memory_space<vmem>>) target(%dma_start3A_164 : memref<10240x128xbf16, #tpu.memory_space<vmem_shared>>) offsets(%dma_start3A_161 : memref<128xi32, #tpu.memory_space<vmem>>) semaphore(%arg16 : memref<!tpu.dma_semaphore, #tpu.memory_space<semaphore_mem>>) {add = true}
      %add3A_165 = arith.constant 1 : i32
      %add3A_166 = arith.addi %mul3A_117, %add3A_165 : i32
      %dma_wait3A_167 = arith.constant 0 : i32
      %dma_wait3A_168 = arith.constant 0 : i32
      %dma_wait3A_169 = tpu.memref_slice %arg6[%add3A_166, %dma_wait3A_167, %dma_wait3A_168] : memref<120x2x128xi32, #tpu.memory_space<vmem>> -> memref<1x1x128xi32, #tpu.memory_space<vmem>>
      %dma_wait3A_170 = tpu.memref_squeeze %dma_wait3A_169 : memref<1x1x128xi32, #tpu.memory_space<vmem>> -> memref<128xi32, #tpu.memory_space<vmem>>
      %dma_wait3A_171 = arith.constant 0 : i32
      %dma_wait3A_172 = arith.constant 0 : i32
      %dma_wait3A_173 = tpu.memref_slice %arg2[%dma_wait3A_171, %dma_wait3A_172] : memref<10000x128xbf16, #tpu.memory_space<hbm>> -> memref<10000x128xbf16, #tpu.memory_space<hbm>>
      tpu.wait_indirect_dma semaphore(%arg13 : memref<!tpu.dma_semaphore, #tpu.memory_space<semaphore_mem>>) src(%dma_wait3A_173 : memref<10000x128xbf16, #tpu.memory_space<hbm>>) dst(%arg8 : memref<128x128xbf16, #tpu.memory_space<vmem>>)
      %add3A_174 = arith.constant 1 : i32
      %add3A_175 = arith.addi %mul3A_117, %add3A_174 : i32
      %dma_start3A_176 = arith.constant 1 : i32
      %dma_start3A_177 = arith.constant 0 : i32
      %dma_start3A_178 = tpu.memref_slice %arg6[%add3A_175, %dma_start3A_176, %dma_start3A_177] : memref<120x2x128xi32, #tpu.memory_space<vmem>> -> memref<1x1x128xi32, #tpu.memory_space<vmem>>
      %dma_start3A_179 = tpu.memref_squeeze %dma_start3A_178 : memref<1x1x128xi32, #tpu.memory_space<vmem>> -> memref<128xi32, #tpu.memory_space<vmem>>
      %dma_start3A_180 = arith.constant 0 : i32
      %dma_start3A_181 = arith.constant 0 : i32
      %dma_start3A_182 = tpu.memref_slice %arg11[%dma_start3A_180, %dma_start3A_181] : memref<10240x128xbf16, #tpu.memory_space<vmem_shared>> -> memref<10240x128xbf16, #tpu.memory_space<vmem_shared>>
      tpu.enqueue_indirect_dma source(%arg8 : memref<128x128xbf16, #tpu.memory_space<vmem>>) target(%dma_start3A_182 : memref<10240x128xbf16, #tpu.memory_space<vmem_shared>>) offsets(%dma_start3A_179 : memref<128xi32, #tpu.memory_space<vmem>>) semaphore(%arg17 : memref<!tpu.dma_semaphore, #tpu.memory_space<semaphore_mem>>) {add = true}
      %sub3A_183 = arith.constant 1 : i32
      %sub3A_184 = arith.subi %select_n3A_19, %sub3A_183 : i32
      %lt3A = arith.cmpi slt, %add3A_115, %sub3A_184 : i32
      %convert_element_type3A_185 = arith.extui %lt3A : i1 to i32
      %cond3A_186 = arith.constant 0 : i32
      %cond3A_187 = arith.cmpi ne, %convert_element_type3A_185, %cond3A_186 : i32
      scf.if %cond3A_187 {
        %add3A_238 = arith.constant 0 : i32
        %add3A_239 = arith.addi %mul3A_117, %add3A_238 : i32
        %dma_wait3A_240 = arith.constant 1 : i32
        %dma_wait3A_241 = arith.constant 0 : i32
        %dma_wait3A_242 = tpu.memref_slice %arg6[%add3A_239, %dma_wait3A_240, %dma_wait3A_241] : memref<120x2x128xi32, #tpu.memory_space<vmem>> -> memref<1x1x128xi32, #tpu.memory_space<vmem>>
        %dma_wait3A_243 = tpu.memref_squeeze %dma_wait3A_242 : memref<1x1x128xi32, #tpu.memory_space<vmem>> -> memref<128xi32, #tpu.memory_space<vmem>>
        %dma_wait3A_244 = arith.constant 0 : i32
        %dma_wait3A_245 = arith.constant 0 : i32
        %dma_wait3A_246 = tpu.memref_slice %arg11[%dma_wait3A_244, %dma_wait3A_245] : memref<10240x128xbf16, #tpu.memory_space<vmem_shared>> -> memref<10240x128xbf16, #tpu.memory_space<vmem_shared>>
        tpu.wait_indirect_dma semaphore(%arg16 : memref<!tpu.dma_semaphore, #tpu.memory_space<semaphore_mem>>) src(%arg7 : memref<128x128xbf16, #tpu.memory_space<vmem>>) dst(%dma_wait3A_246 : memref<10240x128xbf16, #tpu.memory_space<vmem_shared>>)
        %add3A_247 = arith.constant 4 : i32
        %add3A_248 = arith.addi %mul3A_117, %add3A_247 : i32
        %add3A_249 = arith.constant 0 : i32
        %add3A_250 = arith.addi %add3A_248, %add3A_249 : i32
        %dma_start3A_251 = arith.constant 0 : i32
        %dma_start3A_252 = arith.constant 0 : i32
        %dma_start3A_253 = tpu.memref_slice %arg6[%add3A_250, %dma_start3A_251, %dma_start3A_252] : memref<120x2x128xi32, #tpu.memory_space<vmem>> -> memref<1x1x128xi32, #tpu.memory_space<vmem>>
        %dma_start3A_254 = tpu.memref_squeeze %dma_start3A_253 : memref<1x1x128xi32, #tpu.memory_space<vmem>> -> memref<128xi32, #tpu.memory_space<vmem>>
        %dma_start3A_255 = arith.constant 0 : i32
        %dma_start3A_256 = arith.constant 0 : i32
        %dma_start3A_257 = tpu.memref_slice %arg2[%dma_start3A_255, %dma_start3A_256] : memref<10000x128xbf16, #tpu.memory_space<hbm>> -> memref<10000x128xbf16, #tpu.memory_space<hbm>>
        tpu.enqueue_indirect_dma source(%dma_start3A_257 : memref<10000x128xbf16, #tpu.memory_space<hbm>>) target(%arg7 : memref<128x128xbf16, #tpu.memory_space<vmem>>) offsets(%dma_start3A_254 : memref<128xi32, #tpu.memory_space<vmem>>) semaphore(%arg12 : memref<!tpu.dma_semaphore, #tpu.memory_space<semaphore_mem>>)
      } else {
      }
      %sub3A_188 = arith.constant 1 : i32
      %sub3A_189 = arith.subi %select_n3A_19, %sub3A_188 : i32
      %lt3A_190 = arith.cmpi slt, %add3A_115, %sub3A_189 : i32
      %convert_element_type3A_191 = arith.extui %lt3A_190 : i1 to i32
      %cond3A_192 = arith.constant 0 : i32
      %cond3A_193 = arith.cmpi ne, %convert_element_type3A_191, %cond3A_192 : i32
      scf.if %cond3A_193 {
        %add3A_238 = arith.constant 1 : i32
        %add3A_239 = arith.addi %mul3A_117, %add3A_238 : i32
        %dma_wait3A_240 = arith.constant 1 : i32
        %dma_wait3A_241 = arith.constant 0 : i32
        %dma_wait3A_242 = tpu.memref_slice %arg6[%add3A_239, %dma_wait3A_240, %dma_wait3A_241] : memref<120x2x128xi32, #tpu.memory_space<vmem>> -> memref<1x1x128xi32, #tpu.memory_space<vmem>>
        %dma_wait3A_243 = tpu.memref_squeeze %dma_wait3A_242 : memref<1x1x128xi32, #tpu.memory_space<vmem>> -> memref<128xi32, #tpu.memory_space<vmem>>
        %dma_wait3A_244 = arith.constant 0 : i32
        %dma_wait3A_245 = arith.constant 0 : i32
        %dma_wait3A_246 = tpu.memref_slice %arg11[%dma_wait3A_244, %dma_wait3A_245] : memref<10240x128xbf16, #tpu.memory_space<vmem_shared>> -> memref<10240x128xbf16, #tpu.memory_space<vmem_shared>>
        tpu.wait_indirect_dma semaphore(%arg17 : memref<!tpu.dma_semaphore, #tpu.memory_space<semaphore_mem>>) src(%arg8 : memref<128x128xbf16, #tpu.memory_space<vmem>>) dst(%dma_wait3A_246 : memref<10240x128xbf16, #tpu.memory_space<vmem_shared>>)
        %add3A_247 = arith.constant 4 : i32
        %add3A_248 = arith.addi %mul3A_117, %add3A_247 : i32
        %add3A_249 = arith.constant 1 : i32
        %add3A_250 = arith.addi %add3A_248, %add3A_249 : i32
        %dma_start3A_251 = arith.constant 0 : i32
        %dma_start3A_252 = arith.constant 0 : i32
        %dma_start3A_253 = tpu.memref_slice %arg6[%add3A_250, %dma_start3A_251, %dma_start3A_252] : memref<120x2x128xi32, #tpu.memory_space<vmem>> -> memref<1x1x128xi32, #tpu.memory_space<vmem>>
        %dma_start3A_254 = tpu.memref_squeeze %dma_start3A_253 : memref<1x1x128xi32, #tpu.memory_space<vmem>> -> memref<128xi32, #tpu.memory_space<vmem>>
        %dma_start3A_255 = arith.constant 0 : i32
        %dma_start3A_256 = arith.constant 0 : i32
        %dma_start3A_257 = tpu.memref_slice %arg2[%dma_start3A_255, %dma_start3A_256] : memref<10000x128xbf16, #tpu.memory_space<hbm>> -> memref<10000x128xbf16, #tpu.memory_space<hbm>>
        tpu.enqueue_indirect_dma source(%dma_start3A_257 : memref<10000x128xbf16, #tpu.memory_space<hbm>>) target(%arg8 : memref<128x128xbf16, #tpu.memory_space<vmem>>) offsets(%dma_start3A_254 : memref<128xi32, #tpu.memory_space<vmem>>) semaphore(%arg13 : memref<!tpu.dma_semaphore, #tpu.memory_space<semaphore_mem>>)
      } else {
      }
      %add3A_194 = arith.constant 2 : i32
      %add3A_195 = arith.addi %mul3A_117, %add3A_194 : i32
      %add3A_196 = arith.constant 0 : i32
      %add3A_197 = arith.addi %add3A_195, %add3A_196 : i32
      %dma_wait3A_198 = arith.constant 0 : i32
      %dma_wait3A_199 = arith.constant 0 : i32
      %dma_wait3A_200 = tpu.memref_slice %arg6[%add3A_197, %dma_wait3A_198, %dma_wait3A_199] : memref<120x2x128xi32, #tpu.memory_space<vmem>> -> memref<1x1x128xi32, #tpu.memory_space<vmem>>
      %dma_wait3A_201 = tpu.memref_squeeze %dma_wait3A_200 : memref<1x1x128xi32, #tpu.memory_space<vmem>> -> memref<128xi32, #tpu.memory_space<vmem>>
      %dma_wait3A_202 = arith.constant 0 : i32
      %dma_wait3A_203 = arith.constant 0 : i32
      %dma_wait3A_204 = tpu.memref_slice %arg2[%dma_wait3A_202, %dma_wait3A_203] : memref<10000x128xbf16, #tpu.memory_space<hbm>> -> memref<10000x128xbf16, #tpu.memory_space<hbm>>
      tpu.wait_indirect_dma semaphore(%arg14 : memref<!tpu.dma_semaphore, #tpu.memory_space<semaphore_mem>>) src(%dma_wait3A_204 : memref<10000x128xbf16, #tpu.memory_space<hbm>>) dst(%arg9 : memref<128x128xbf16, #tpu.memory_space<vmem>>)
      %add3A_205 = arith.constant 2 : i32
      %add3A_206 = arith.addi %mul3A_117, %add3A_205 : i32
      %add3A_207 = arith.constant 0 : i32
      %add3A_208 = arith.addi %add3A_206, %add3A_207 : i32
      %dma_start3A_209 = arith.constant 1 : i32
      %dma_start3A_210 = arith.constant 0 : i32
      %dma_start3A_211 = tpu.memref_slice %arg6[%add3A_208, %dma_start3A_209, %dma_start3A_210] : memref<120x2x128xi32, #tpu.memory_space<vmem>> -> memref<1x1x128xi32, #tpu.memory_space<vmem>>
      %dma_start3A_212 = tpu.memref_squeeze %dma_start3A_211 : memref<1x1x128xi32, #tpu.memory_space<vmem>> -> memref<128xi32, #tpu.memory_space<vmem>>
      %dma_start3A_213 = arith.constant 0 : i32
      %dma_start3A_214 = arith.constant 0 : i32
      %dma_start3A_215 = tpu.memref_slice %arg11[%dma_start3A_213, %dma_start3A_214] : memref<10240x128xbf16, #tpu.memory_space<vmem_shared>> -> memref<10240x128xbf16, #tpu.memory_space<vmem_shared>>
      tpu.enqueue_indirect_dma source(%arg9 : memref<128x128xbf16, #tpu.memory_space<vmem>>) target(%dma_start3A_215 : memref<10240x128xbf16, #tpu.memory_space<vmem_shared>>) offsets(%dma_start3A_212 : memref<128xi32, #tpu.memory_space<vmem>>) semaphore(%arg18 : memref<!tpu.dma_semaphore, #tpu.memory_space<semaphore_mem>>) {add = true}
      %add3A_216 = arith.constant 2 : i32
      %add3A_217 = arith.addi %mul3A_117, %add3A_216 : i32
      %add3A_218 = arith.constant 1 : i32
      %add3A_219 = arith.addi %add3A_217, %add3A_218 : i32
      %dma_wait3A_220 = arith.constant 0 : i32
      %dma_wait3A_221 = arith.constant 0 : i32
      %dma_wait3A_222 = tpu.memref_slice %arg6[%add3A_219, %dma_wait3A_220, %dma_wait3A_221] : memref<120x2x128xi32, #tpu.memory_space<vmem>> -> memref<1x1x128xi32, #tpu.memory_space<vmem>>
      %dma_wait3A_223 = tpu.memref_squeeze %dma_wait3A_222 : memref<1x1x128xi32, #tpu.memory_space<vmem>> -> memref<128xi32, #tpu.memory_space<vmem>>
      %dma_wait3A_224 = arith.constant 0 : i32
      %dma_wait3A_225 = arith.constant 0 : i32
      %dma_wait3A_226 = tpu.memref_slice %arg2[%dma_wait3A_224, %dma_wait3A_225] : memref<10000x128xbf16, #tpu.memory_space<hbm>> -> memref<10000x128xbf16, #tpu.memory_space<hbm>>
      tpu.wait_indirect_dma semaphore(%arg15 : memref<!tpu.dma_semaphore, #tpu.memory_space<semaphore_mem>>) src(%dma_wait3A_226 : memref<10000x128xbf16, #tpu.memory_space<hbm>>) dst(%arg10 : memref<128x128xbf16, #tpu.memory_space<vmem>>)
      %add3A_227 = arith.constant 2 : i32
      %add3A_228 = arith.addi %mul3A_117, %add3A_227 : i32
      %add3A_229 = arith.constant 1 : i32
      %add3A_230 = arith.addi %add3A_228, %add3A_229 : i32
      %dma_start3A_231 = arith.constant 1 : i32
      %dma_start3A_232 = arith.constant 0 : i32
      %dma_start3A_233 = tpu.memref_slice %arg6[%add3A_230, %dma_start3A_231, %dma_start3A_232] : memref<120x2x128xi32, #tpu.memory_space<vmem>> -> memref<1x1x128xi32, #tpu.memory_space<vmem>>
      %dma_start3A_234 = tpu.memref_squeeze %dma_start3A_233 : memref<1x1x128xi32, #tpu.memory_space<vmem>> -> memref<128xi32, #tpu.memory_space<vmem>>
      %dma_start3A_235 = arith.constant 0 : i32
      %dma_start3A_236 = arith.constant 0 : i32
      %dma_start3A_237 = tpu.memref_slice %arg11[%dma_start3A_235, %dma_start3A_236] : memref<10240x128xbf16, #tpu.memory_space<vmem_shared>> -> memref<10240x128xbf16, #tpu.memory_space<vmem_shared>>
      tpu.enqueue_indirect_dma source(%arg10 : memref<128x128xbf16, #tpu.memory_space<vmem>>) target(%dma_start3A_237 : memref<10240x128xbf16, #tpu.memory_space<vmem_shared>>) offsets(%dma_start3A_234 : memref<128xi32, #tpu.memory_space<vmem>>) semaphore(%arg19 : memref<!tpu.dma_semaphore, #tpu.memory_space<semaphore_mem>>) {add = true}
    }
    %sub3A_64 = arith.constant 4 : i32
    %sub3A_65 = arith.subi %select_n3A, %sub3A_64 : i32
    %add3A_66 = arith.constant 0 : i32
    %add3A_67 = arith.addi %sub3A_65, %add3A_66 : i32
    %dma_wait3A = arith.constant 1 : i32
    %dma_wait3A_68 = arith.constant 0 : i32
    %dma_wait3A_69 = tpu.memref_slice %arg6[%add3A_67, %dma_wait3A, %dma_wait3A_68] : memref<120x2x128xi32, #tpu.memory_space<vmem>> -> memref<1x1x128xi32, #tpu.memory_space<vmem>>
    %dma_wait3A_70 = tpu.memref_squeeze %dma_wait3A_69 : memref<1x1x128xi32, #tpu.memory_space<vmem>> -> memref<128xi32, #tpu.memory_space<vmem>>
    %dma_wait3A_71 = arith.constant 0 : i32
    %dma_wait3A_72 = arith.constant 0 : i32
    %dma_wait3A_73 = tpu.memref_slice %arg11[%dma_wait3A_71, %dma_wait3A_72] : memref<10240x128xbf16, #tpu.memory_space<vmem_shared>> -> memref<10240x128xbf16, #tpu.memory_space<vmem_shared>>
    tpu.wait_indirect_dma semaphore(%arg16 : memref<!tpu.dma_semaphore, #tpu.memory_space<semaphore_mem>>) src(%arg7 : memref<128x128xbf16, #tpu.memory_space<vmem>>) dst(%dma_wait3A_73 : memref<10240x128xbf16, #tpu.memory_space<vmem_shared>>)
    %sub3A_74 = arith.constant 2 : i32
    %sub3A_75 = arith.subi %select_n3A, %sub3A_74 : i32
    %add3A_76 = arith.constant 0 : i32
    %add3A_77 = arith.addi %sub3A_75, %add3A_76 : i32
    %dma_wait3A_78 = arith.constant 1 : i32
    %dma_wait3A_79 = arith.constant 0 : i32
    %dma_wait3A_80 = tpu.memref_slice %arg6[%add3A_77, %dma_wait3A_78, %dma_wait3A_79] : memref<120x2x128xi32, #tpu.memory_space<vmem>> -> memref<1x1x128xi32, #tpu.memory_space<vmem>>
    %dma_wait3A_81 = tpu.memref_squeeze %dma_wait3A_80 : memref<1x1x128xi32, #tpu.memory_space<vmem>> -> memref<128xi32, #tpu.memory_space<vmem>>
    %dma_wait3A_82 = arith.constant 0 : i32
    %dma_wait3A_83 = arith.constant 0 : i32
    %dma_wait3A_84 = tpu.memref_slice %arg11[%dma_wait3A_82, %dma_wait3A_83] : memref<10240x128xbf16, #tpu.memory_space<vmem_shared>> -> memref<10240x128xbf16, #tpu.memory_space<vmem_shared>>
    tpu.wait_indirect_dma semaphore(%arg18 : memref<!tpu.dma_semaphore, #tpu.memory_space<semaphore_mem>>) src(%arg9 : memref<128x128xbf16, #tpu.memory_space<vmem>>) dst(%dma_wait3A_84 : memref<10240x128xbf16, #tpu.memory_space<vmem_shared>>)
    %sub3A_85 = arith.constant 4 : i32
    %sub3A_86 = arith.subi %select_n3A, %sub3A_85 : i32
    %add3A_87 = arith.constant 1 : i32
    %add3A_88 = arith.addi %sub3A_86, %add3A_87 : i32
    %dma_wait3A_89 = arith.constant 1 : i32
    %dma_wait3A_90 = arith.constant 0 : i32
    %dma_wait3A_91 = tpu.memref_slice %arg6[%add3A_88, %dma_wait3A_89, %dma_wait3A_90] : memref<120x2x128xi32, #tpu.memory_space<vmem>> -> memref<1x1x128xi32, #tpu.memory_space<vmem>>
    %dma_wait3A_92 = tpu.memref_squeeze %dma_wait3A_91 : memref<1x1x128xi32, #tpu.memory_space<vmem>> -> memref<128xi32, #tpu.memory_space<vmem>>
    %dma_wait3A_93 = arith.constant 0 : i32
    %dma_wait3A_94 = arith.constant 0 : i32
    %dma_wait3A_95 = tpu.memref_slice %arg11[%dma_wait3A_93, %dma_wait3A_94] : memref<10240x128xbf16, #tpu.memory_space<vmem_shared>> -> memref<10240x128xbf16, #tpu.memory_space<vmem_shared>>
    tpu.wait_indirect_dma semaphore(%arg17 : memref<!tpu.dma_semaphore, #tpu.memory_space<semaphore_mem>>) src(%arg8 : memref<128x128xbf16, #tpu.memory_space<vmem>>) dst(%dma_wait3A_95 : memref<10240x128xbf16, #tpu.memory_space<vmem_shared>>)
    %sub3A_96 = arith.constant 2 : i32
    %sub3A_97 = arith.subi %select_n3A, %sub3A_96 : i32
    %add3A_98 = arith.constant 1 : i32
    %add3A_99 = arith.addi %sub3A_97, %add3A_98 : i32
    %dma_wait3A_100 = arith.constant 1 : i32
    %dma_wait3A_101 = arith.constant 0 : i32
    %dma_wait3A_102 = tpu.memref_slice %arg6[%add3A_99, %dma_wait3A_100, %dma_wait3A_101] : memref<120x2x128xi32, #tpu.memory_space<vmem>> -> memref<1x1x128xi32, #tpu.memory_space<vmem>>
    %dma_wait3A_103 = tpu.memref_squeeze %dma_wait3A_102 : memref<1x1x128xi32, #tpu.memory_space<vmem>> -> memref<128xi32, #tpu.memory_space<vmem>>
    %dma_wait3A_104 = arith.constant 0 : i32
    %dma_wait3A_105 = arith.constant 0 : i32
    %dma_wait3A_106 = tpu.memref_slice %arg11[%dma_wait3A_104, %dma_wait3A_105] : memref<10240x128xbf16, #tpu.memory_space<vmem_shared>> -> memref<10240x128xbf16, #tpu.memory_space<vmem_shared>>
    tpu.wait_indirect_dma semaphore(%arg19 : memref<!tpu.dma_semaphore, #tpu.memory_space<semaphore_mem>>) src(%arg10 : memref<128x128xbf16, #tpu.memory_space<vmem>>) dst(%dma_wait3A_106 : memref<10240x128xbf16, #tpu.memory_space<vmem_shared>>)
    %barrier3A_107 = arith.constant 0 : index
    tpu.barrier barrier_id(%barrier3A_107)
    %scan3A_108 = arith.constant 0 : i32
    %scan3A_109 = arith.constant 5 : i32
    %scan3A_110 = arith.addi %scan3A_108, %scan3A_109 : i32
    %scan3A_111 = arith.constant 1 : i32
    scf.for %scan3A_113 = %scan3A_108 to %scan3A_110 step %scan3A_111  : i32 {
      %mul3A_114 = arith.constant 1 : i32
      %mul3A_115 = arith.muli %scan3A_113, %mul3A_114 : i32
      %add3A_116 = arith.constant 0 : i32
      %add3A_117 = arith.addi %add3A_116, %mul3A_115 : i32
      %mul3A_118 = arith.constant 640 : i32
      %mul3A_119 = arith.muli %arg1, %mul3A_118 : i32
      %mul3A_120 = arith.constant 128 : i32
      %mul3A_121 = arith.muli %add3A_117, %mul3A_120 : i32
      %add3A_122 = arith.addi %mul3A_119, %mul3A_121 : i32
      %mul3A_123 = arith.constant 10240 : i32
      %mul3A_124 = arith.muli %arg0, %mul3A_123 : i32
      %add3A_125 = arith.addi %mul3A_124, %add3A_122 : i32
      "tpu.region"() ({
        %run_scoped3A = tpu.sem_alloc : memref<!tpu.dma_semaphore, #tpu.memory_space<semaphore_mem>>
        %dma_start3A_126 = arith.constant 0 : i32
        %dma_start3A_127 = tpu.memref_slice %arg5[%add3A_125, %dma_start3A_126] : memref<20480x128xbf16, #tpu.memory_space<hbm>> -> memref<128x128xbf16, #tpu.memory_space<hbm>>
        %dma_start3A_128 = arith.constant 0 : i32
        %dma_start3A_129 = tpu.memref_slice %arg11[%add3A_122, %dma_start3A_128] : memref<10240x128xbf16, #tpu.memory_space<vmem_shared>> -> memref<128x128xbf16, #tpu.memory_space<vmem_shared>>
        tpu.enqueue_dma source(%dma_start3A_129 : memref<128x128xbf16, #tpu.memory_space<vmem_shared>>) target(%dma_start3A_127 : memref<128x128xbf16, #tpu.memory_space<hbm>>) target_semaphore(%run_scoped3A : memref<!tpu.dma_semaphore, #tpu.memory_space<semaphore_mem>>)
        %dma_wait3A_130 = arith.constant 0 : i32
        %dma_wait3A_131 = tpu.memref_slice %arg5[%add3A_125, %dma_wait3A_130] : memref<20480x128xbf16, #tpu.memory_space<hbm>> -> memref<128x128xbf16, #tpu.memory_space<hbm>>
        %dma_wait3A_132 = arith.constant 0 : i32
        %dma_wait3A_133 = tpu.memref_slice %arg11[%add3A_122, %dma_wait3A_132] : memref<10240x128xbf16, #tpu.memory_space<vmem_shared>> -> memref<128x128xbf16, #tpu.memory_space<vmem_shared>>
        tpu.wait_dma2 semaphore(%run_scoped3A : memref<!tpu.dma_semaphore, #tpu.memory_space<semaphore_mem>>) src(%dma_wait3A_133 : memref<128x128xbf16, #tpu.memory_space<vmem_shared>>) dst(%dma_wait3A_131 : memref<128x128xbf16, #tpu.memory_space<hbm>>)
        tpu.yield
      }) : () -> ()
    }
    %scan3A_112 = arith.constant 5 : i32
    return
  }
}

#map = affine_map<(d0, d1) -> (0, 0, 0)>
#map1 = affine_map<(d0, d1) -> (0, 0)>
module attributes {stable_mosaic.version = 14 : i64} {
  func.func @body(%arg0: i32, %arg1: i32, %arg2: memref<2560x2x128xi32, #tpu.memory_space<hbm>>, %arg3: memref<128x16xf32, #tpu.memory_space<hbm>>, %arg4: memref<128x16xf32, #tpu.memory_space<hbm>>, %arg5: memref<20480x16xf32, #tpu.memory_space<hbm>>, %arg6: memref<80x2x128xi32, #tpu.memory_space<vmem>>, %arg7: memref<128x16xf32, #tpu.memory_space<vmem>>, %arg8: memref<10240x16xf32, #tpu.memory_space<vmem_shared>>) attributes {dimension_semantics = [#tpu.dimension_semantics<core_parallel>, #tpu.dimension_semantics<subcore_parallel>], iteration_bounds = array<i64: 2, 16>, scalar_prefetch = 0 : i64, scratch_operands = 3 : i64, tpu.core_type = #tpu.core_type<sc_vector_subcore>, window_params = [{transform_indices = #map}, {transform_indices = #map1}, {transform_indices = #map1}, {transform_indices = #map1}]} {
    %mul3A = arith.constant 16 : i32
    %mul3A_0 = arith.muli %arg0, %mul3A : i32
    %add3A = arith.addi %mul3A_0, %arg1 : i32
    %scan3A = arith.constant 0 : i32
    %scan3A_1 = arith.constant 5 : i32
    %scan3A_2 = arith.addi %scan3A, %scan3A_1 : i32
    %scan3A_3 = arith.constant 1 : i32
    scf.for %scan3A_18 = %scan3A to %scan3A_2 step %scan3A_3  : i32 {
      %mul3A_19 = arith.constant 1 : i32
      %mul3A_20 = arith.muli %scan3A_18, %mul3A_19 : i32
      %add3A_21 = arith.constant 0 : i32
      %add3A_22 = arith.addi %add3A_21, %mul3A_20 : i32
      %mul3A_23 = arith.constant 640 : i32
      %mul3A_24 = arith.muli %arg1, %mul3A_23 : i32
      %mul3A_25 = arith.constant 128 : i32
      %mul3A_26 = arith.muli %add3A_22, %mul3A_25 : i32
      %add3A_27 = arith.addi %mul3A_24, %mul3A_26 : i32
      "tpu.region"() ({
        %run_scoped3A = tpu.sem_alloc : memref<!tpu.dma_semaphore, #tpu.memory_space<semaphore_mem>>
        %dma_start3A = arith.constant 0 : i32
        %dma_start3A_28 = tpu.memref_slice %arg8[%add3A_27, %dma_start3A] : memref<10240x16xf32, #tpu.memory_space<vmem_shared>> -> memref<128x16xf32, #tpu.memory_space<vmem_shared>>
        tpu.enqueue_dma source(%arg3 : memref<128x16xf32, #tpu.memory_space<hbm>>) target(%dma_start3A_28 : memref<128x16xf32, #tpu.memory_space<vmem_shared>>) target_semaphore(%run_scoped3A : memref<!tpu.dma_semaphore, #tpu.memory_space<semaphore_mem>>)
        %dma_wait3A = arith.constant 0 : i32
        %dma_wait3A_29 = tpu.memref_slice %arg8[%add3A_27, %dma_wait3A] : memref<10240x16xf32, #tpu.memory_space<vmem_shared>> -> memref<128x16xf32, #tpu.memory_space<vmem_shared>>
        tpu.wait_dma2 semaphore(%run_scoped3A : memref<!tpu.dma_semaphore, #tpu.memory_space<semaphore_mem>>) src(%arg3 : memref<128x16xf32, #tpu.memory_space<hbm>>) dst(%dma_wait3A_29 : memref<128x16xf32, #tpu.memory_space<vmem_shared>>)
        tpu.yield
      }) : () -> ()
    }
    %scan3A_4 = arith.constant 5 : i32
    "tpu.region"() ({
      %run_scoped3A = tpu.sem_alloc : memref<!tpu.dma_semaphore, #tpu.memory_space<semaphore_mem>>
      tpu.enqueue_dma source(%arg4 : memref<128x16xf32, #tpu.memory_space<hbm>>) target(%arg7 : memref<128x16xf32, #tpu.memory_space<vmem>>) target_semaphore(%run_scoped3A : memref<!tpu.dma_semaphore, #tpu.memory_space<semaphore_mem>>)
      tpu.wait_dma2 semaphore(%run_scoped3A : memref<!tpu.dma_semaphore, #tpu.memory_space<semaphore_mem>>) src(%arg4 : memref<128x16xf32, #tpu.memory_space<hbm>>) dst(%arg7 : memref<128x16xf32, #tpu.memory_space<vmem>>)
      tpu.yield
    }) : () -> ()
    %mul3A_5 = arith.constant 80 : i32
    %mul3A_6 = arith.muli %add3A, %mul3A_5 : i32
    "tpu.region"() ({
      %run_scoped3A = tpu.sem_alloc : memref<!tpu.dma_semaphore, #tpu.memory_space<semaphore_mem>>
      %dma_start3A = arith.constant 0 : i32
      %dma_start3A_18 = arith.constant 0 : i32
      %dma_start3A_19 = tpu.memref_slice %arg2[%mul3A_6, %dma_start3A, %dma_start3A_18] : memref<2560x2x128xi32, #tpu.memory_space<hbm>> -> memref<80x2x128xi32, #tpu.memory_space<hbm>>
      %dma_start3A_20 = arith.constant 0 : i32
      %dma_start3A_21 = arith.constant 0 : i32
      %dma_start3A_22 = tpu.memref_slice %arg2[%mul3A_6, %dma_start3A_20, %dma_start3A_21] : memref<2560x2x128xi32, #tpu.memory_space<hbm>> -> memref<80x2x128xi32, #tpu.memory_space<hbm>>
      tpu.enqueue_dma source(%dma_start3A_22 : memref<80x2x128xi32, #tpu.memory_space<hbm>>) target(%arg6 : memref<80x2x128xi32, #tpu.memory_space<vmem>>) target_semaphore(%run_scoped3A : memref<!tpu.dma_semaphore, #tpu.memory_space<semaphore_mem>>)
      %dma_wait3A = arith.constant 0 : i32
      %dma_wait3A_23 = arith.constant 0 : i32
      %dma_wait3A_24 = tpu.memref_slice %arg2[%mul3A_6, %dma_wait3A, %dma_wait3A_23] : memref<2560x2x128xi32, #tpu.memory_space<hbm>> -> memref<80x2x128xi32, #tpu.memory_space<hbm>>
      %dma_wait3A_25 = arith.constant 0 : i32
      %dma_wait3A_26 = arith.constant 0 : i32
      %dma_wait3A_27 = tpu.memref_slice %arg2[%mul3A_6, %dma_wait3A_25, %dma_wait3A_26] : memref<2560x2x128xi32, #tpu.memory_space<hbm>> -> memref<80x2x128xi32, #tpu.memory_space<hbm>>
      tpu.wait_dma2 semaphore(%run_scoped3A : memref<!tpu.dma_semaphore, #tpu.memory_space<semaphore_mem>>) src(%dma_wait3A_27 : memref<80x2x128xi32, #tpu.memory_space<hbm>>) dst(%arg6 : memref<80x2x128xi32, #tpu.memory_space<vmem>>)
      tpu.yield
    }) : () -> ()
    %barrier3A = arith.constant 0 : index
    tpu.barrier barrier_id(%barrier3A)
    %scan3A_7 = arith.constant 0 : i32
    %scan3A_8 = arith.constant 80 : i32
    %scan3A_9 = arith.addi %scan3A_7, %scan3A_8 : i32
    %scan3A_10 = arith.constant 1 : i32
    scf.for %scan3A_18 = %scan3A_7 to %scan3A_9 step %scan3A_10  : i32 {
      %mul3A_19 = arith.constant 1 : i32
      %mul3A_20 = arith.muli %scan3A_18, %mul3A_19 : i32
      %add3A_21 = arith.constant 0 : i32
      %add3A_22 = arith.addi %add3A_21, %mul3A_20 : i32
      %run_scoped3A = arith.constant 1 : i32
      "tpu.region"() ({
        %run_scoped3A_23 = tpu.sem_alloc : memref<!tpu.dma_semaphore, #tpu.memory_space<semaphore_mem>>
        %dma_start3A = arith.constant 0 : i32
        %dma_start3A_24 = tpu.memref_slice %arg6[%add3A_22, %run_scoped3A, %dma_start3A] : memref<80x2x128xi32, #tpu.memory_space<vmem>> -> memref<1x1x128xi32, #tpu.memory_space<vmem>>
        %dma_start3A_25 = tpu.memref_squeeze %dma_start3A_24 : memref<1x1x128xi32, #tpu.memory_space<vmem>> -> memref<128xi32, #tpu.memory_space<vmem>>
        %dma_start3A_26 = arith.constant 0 : i32
        %dma_start3A_27 = arith.constant 0 : i32
        %dma_start3A_28 = tpu.memref_slice %arg8[%dma_start3A_26, %dma_start3A_27] : memref<10240x16xf32, #tpu.memory_space<vmem_shared>> -> memref<10240x16xf32, #tpu.memory_space<vmem_shared>>
        tpu.enqueue_indirect_dma source(%arg7 : memref<128x16xf32, #tpu.memory_space<vmem>>) target(%dma_start3A_28 : memref<10240x16xf32, #tpu.memory_space<vmem_shared>>) offsets(%dma_start3A_25 : memref<128xi32, #tpu.memory_space<vmem>>) semaphore(%run_scoped3A_23 : memref<!tpu.dma_semaphore, #tpu.memory_space<semaphore_mem>>) {add = true}
        %dma_wait3A = arith.constant 0 : i32
        %dma_wait3A_29 = tpu.memref_slice %arg6[%add3A_22, %run_scoped3A, %dma_wait3A] : memref<80x2x128xi32, #tpu.memory_space<vmem>> -> memref<1x1x128xi32, #tpu.memory_space<vmem>>
        %dma_wait3A_30 = tpu.memref_squeeze %dma_wait3A_29 : memref<1x1x128xi32, #tpu.memory_space<vmem>> -> memref<128xi32, #tpu.memory_space<vmem>>
        %dma_wait3A_31 = arith.constant 0 : i32
        %dma_wait3A_32 = arith.constant 0 : i32
        %dma_wait3A_33 = tpu.memref_slice %arg8[%dma_wait3A_31, %dma_wait3A_32] : memref<10240x16xf32, #tpu.memory_space<vmem_shared>> -> memref<10240x16xf32, #tpu.memory_space<vmem_shared>>
        tpu.wait_indirect_dma semaphore(%run_scoped3A_23 : memref<!tpu.dma_semaphore, #tpu.memory_space<semaphore_mem>>) src(%arg7 : memref<128x16xf32, #tpu.memory_space<vmem>>) dst(%dma_wait3A_33 : memref<10240x16xf32, #tpu.memory_space<vmem_shared>>)
        tpu.yield
      }) : () -> ()
    }
    %scan3A_11 = arith.constant 80 : i32
    %barrier3A_12 = arith.constant 0 : index
    tpu.barrier barrier_id(%barrier3A_12)
    %scan3A_13 = arith.constant 0 : i32
    %scan3A_14 = arith.constant 5 : i32
    %scan3A_15 = arith.addi %scan3A_13, %scan3A_14 : i32
    %scan3A_16 = arith.constant 1 : i32
    scf.for %scan3A_18 = %scan3A_13 to %scan3A_15 step %scan3A_16  : i32 {
      %mul3A_19 = arith.constant 1 : i32
      %mul3A_20 = arith.muli %scan3A_18, %mul3A_19 : i32
      %add3A_21 = arith.constant 0 : i32
      %add3A_22 = arith.addi %add3A_21, %mul3A_20 : i32
      %mul3A_23 = arith.constant 640 : i32
      %mul3A_24 = arith.muli %arg1, %mul3A_23 : i32
      %mul3A_25 = arith.constant 128 : i32
      %mul3A_26 = arith.muli %add3A_22, %mul3A_25 : i32
      %add3A_27 = arith.addi %mul3A_24, %mul3A_26 : i32
      %mul3A_28 = arith.constant 10240 : i32
      %mul3A_29 = arith.muli %arg0, %mul3A_28 : i32
      %add3A_30 = arith.addi %mul3A_29, %add3A_27 : i32
      "tpu.region"() ({
        %run_scoped3A = tpu.sem_alloc : memref<!tpu.dma_semaphore, #tpu.memory_space<semaphore_mem>>
        %dma_start3A = arith.constant 0 : i32
        %dma_start3A_31 = tpu.memref_slice %arg5[%add3A_30, %dma_start3A] : memref<20480x16xf32, #tpu.memory_space<hbm>> -> memref<128x16xf32, #tpu.memory_space<hbm>>
        %dma_start3A_32 = arith.constant 0 : i32
        %dma_start3A_33 = tpu.memref_slice %arg8[%add3A_27, %dma_start3A_32] : memref<10240x16xf32, #tpu.memory_space<vmem_shared>> -> memref<128x16xf32, #tpu.memory_space<vmem_shared>>
        tpu.enqueue_dma source(%dma_start3A_33 : memref<128x16xf32, #tpu.memory_space<vmem_shared>>) target(%dma_start3A_31 : memref<128x16xf32, #tpu.memory_space<hbm>>) target_semaphore(%run_scoped3A : memref<!tpu.dma_semaphore, #tpu.memory_space<semaphore_mem>>)
        %dma_wait3A = arith.constant 0 : i32
        %dma_wait3A_34 = tpu.memref_slice %arg5[%add3A_30, %dma_wait3A] : memref<20480x16xf32, #tpu.memory_space<hbm>> -> memref<128x16xf32, #tpu.memory_space<hbm>>
        %dma_wait3A_35 = arith.constant 0 : i32
        %dma_wait3A_36 = tpu.memref_slice %arg8[%add3A_27, %dma_wait3A_35] : memref<10240x16xf32, #tpu.memory_space<vmem_shared>> -> memref<128x16xf32, #tpu.memory_space<vmem_shared>>
        tpu.wait_dma2 semaphore(%run_scoped3A : memref<!tpu.dma_semaphore, #tpu.memory_space<semaphore_mem>>) src(%dma_wait3A_36 : memref<128x16xf32, #tpu.memory_space<vmem_shared>>) dst(%dma_wait3A_34 : memref<128x16xf32, #tpu.memory_space<hbm>>)
        tpu.yield
      }) : () -> ()
    }
    %scan3A_17 = arith.constant 5 : i32
    return
  }
}

#map = affine_map<(d0, d1) -> (0, 0)>
#map1 = affine_map<(d0, d1) -> (0, 0, 0)>
module attributes {stable_mosaic.version = 14 : i64} {
  func.func @body(%arg0: i32, %arg1: i32, %arg2: memref<10000x128xbf16, #tpu.memory_space<hbm>>, %arg3: memref<2560x2x128xi32, #tpu.memory_space<hbm>>, %arg4: memref<128x128xbf16, #tpu.memory_space<hbm>>, %arg5: memref<20480x128xbf16, #tpu.memory_space<hbm>>, %arg6: memref<120x2x128xi32, #tpu.memory_space<vmem>>, %arg7: memref<128x128xbf16, #tpu.memory_space<vmem>>, %arg8: memref<128x128xbf16, #tpu.memory_space<vmem>>, %arg9: memref<128x128xbf16, #tpu.memory_space<vmem>>, %arg10: memref<128x128xbf16, #tpu.memory_space<vmem>>, %arg11: memref<10240x128xbf16, #tpu.memory_space<vmem_shared>>, %arg12: memref<!tpu.dma_semaphore, #tpu.memory_space<semaphore_mem>>, %arg13: memref<!tpu.dma_semaphore, #tpu.memory_space<semaphore_mem>>, %arg14: memref<!tpu.dma_semaphore, #tpu.memory_space<semaphore_mem>>, %arg15: memref<!tpu.dma_semaphore, #tpu.memory_space<semaphore_mem>>, %arg16: memref<!tpu.dma_semaphore, #tpu.memory_space<semaphore_mem>>, %arg17: memref<!tpu.dma_semaphore, #tpu.memory_space<semaphore_mem>>, %arg18: memref<!tpu.dma_semaphore, #tpu.memory_space<semaphore_mem>>, %arg19: memref<!tpu.dma_semaphore, #tpu.memory_space<semaphore_mem>>) attributes {dimension_semantics = [#tpu.dimension_semantics<core_parallel>, #tpu.dimension_semantics<subcore_parallel>], iteration_bounds = array<i64: 2, 16>, scalar_prefetch = 0 : i64, scratch_operands = 14 : i64, tpu.core_type = #tpu.core_type<sc_vector_subcore>, window_params = [{transform_indices = #map}, {transform_indices = #map1}, {transform_indices = #map}, {transform_indices = #map}]} {
    %eq3A = arith.constant 0 : i32
    %eq3A_0 = arith.cmpi eq, %arg0, %eq3A : i32
    %jit3A = arith.constant 120 : i32
    %jit3A_1 = arith.constant 40 : i32
    %select_n3A = arith.select %eq3A_0, %jit3A, %jit3A_1 : i32
    %jit3A_2 = arith.constant 4 : i32
    %div3A = arith.divsi %select_n3A, %jit3A_2 : i32
    %sign3A = arith.constant 0 : i32
    %sign3A_3 = arith.cmpi sgt, %select_n3A, %sign3A : i32
    %sign3A_4 = arith.extui %sign3A_3 : i1 to i32
    %sign3A_5 = arith.constant 0 : i32
    %sign3A_6 = arith.cmpi slt, %select_n3A, %sign3A_5 : i32
    %sign3A_7 = arith.extui %sign3A_6 : i1 to i32
    %sign3A_8 = arith.subi %sign3A_4, %sign3A_7 : i32
    %sign3A_9 = arith.constant 0 : i32
    %sign3A_10 = arith.cmpi sgt, %jit3A_2, %sign3A_9 : i32
    %sign3A_11 = arith.extui %sign3A_10 : i1 to i32
    %sign3A_12 = arith.constant 0 : i32
    %sign3A_13 = arith.cmpi slt, %jit3A_2, %sign3A_12 : i32
    %sign3A_14 = arith.extui %sign3A_13 : i1 to i32
    %sign3A_15 = arith.subi %sign3A_11, %sign3A_14 : i32
    %ne3A = arith.cmpi ne, %sign3A_8, %sign3A_15 : i32
    %rem3A = arith.remsi %select_n3A, %jit3A_2 : i32
    %ne3A_16 = arith.constant 0 : i32
    %ne3A_17 = arith.cmpi ne, %rem3A, %ne3A_16 : i32
    %and3A = arith.andi %ne3A, %ne3A_17 : i1
    %sub3A = arith.constant 1 : i32
    %sub3A_18 = arith.subi %div3A, %sub3A : i32
    %select_n3A_19 = arith.select %and3A, %sub3A_18, %div3A : i32
    %eq3A_20 = arith.constant 0 : i32
    %eq3A_21 = arith.cmpi eq, %arg0, %eq3A_20 : i32
    %mul3A = arith.constant 120 : i32
    %mul3A_22 = arith.muli %arg1, %mul3A : i32
    %mul3A_23 = arith.constant 40 : i32
    %mul3A_24 = arith.muli %arg1, %mul3A_23 : i32
    %add3A = arith.constant 1920 : i32
    %add3A_25 = arith.addi %add3A, %mul3A_24 : i32
    %select_n3A_26 = arith.select %eq3A_21, %mul3A_22, %add3A_25 : i32
    %scan3A = arith.constant 0 : i32
    %scan3A_27 = arith.constant 5 : i32
    %scan3A_28 = arith.addi %scan3A, %scan3A_27 : i32
    %scan3A_29 = arith.constant 1 : i32
    scf.for %scan3A_113 = %scan3A to %scan3A_28 step %scan3A_29  : i32 {
      %mul3A_114 = arith.constant 1 : i32
      %mul3A_115 = arith.muli %scan3A_113, %mul3A_114 : i32
      %add3A_116 = arith.constant 0 : i32
      %add3A_117 = arith.addi %add3A_116, %mul3A_115 : i32
      %mul3A_118 = arith.constant 640 : i32
      %mul3A_119 = arith.muli %arg1, %mul3A_118 : i32
      %mul3A_120 = arith.constant 128 : i32
      %mul3A_121 = arith.muli %add3A_117, %mul3A_120 : i32
      %add3A_122 = arith.addi %mul3A_119, %mul3A_121 : i32
      "tpu.region"() ({
        %run_scoped3A = tpu.sem_alloc : memref<!tpu.dma_semaphore, #tpu.memory_space<semaphore_mem>>
        %dma_start3A_123 = arith.constant 0 : i32
        %dma_start3A_124 = tpu.memref_slice %arg11[%add3A_122, %dma_start3A_123] : memref<10240x128xbf16, #tpu.memory_space<vmem_shared>> -> memref<128x128xbf16, #tpu.memory_space<vmem_shared>>
        tpu.enqueue_dma source(%arg4 : memref<128x128xbf16, #tpu.memory_space<hbm>>) target(%dma_start3A_124 : memref<128x128xbf16, #tpu.memory_space<vmem_shared>>) target_semaphore(%run_scoped3A : memref<!tpu.dma_semaphore, #tpu.memory_space<semaphore_mem>>)
        %dma_wait3A_125 = arith.constant 0 : i32
        %dma_wait3A_126 = tpu.memref_slice %arg11[%add3A_122, %dma_wait3A_125] : memref<10240x128xbf16, #tpu.memory_space<vmem_shared>> -> memref<128x128xbf16, #tpu.memory_space<vmem_shared>>
        tpu.wait_dma2 semaphore(%run_scoped3A : memref<!tpu.dma_semaphore, #tpu.memory_space<semaphore_mem>>) src(%arg4 : memref<128x128xbf16, #tpu.memory_space<hbm>>) dst(%dma_wait3A_126 : memref<128x128xbf16, #tpu.memory_space<vmem_shared>>)
        tpu.yield
      }) : () -> ()
    }
    %scan3A_30 = arith.constant 5 : i32
    "tpu.region"() ({
      %run_scoped3A = tpu.sem_alloc : memref<!tpu.dma_semaphore, #tpu.memory_space<semaphore_mem>>
      %dma_start3A_113 = arith.constant 0 : i32
      %dma_start3A_114 = arith.constant 0 : i32
      %dma_start3A_115 = tpu.memref_slice %arg3[%select_n3A_26, %dma_start3A_113, %dma_start3A_114] : memref<2560x2x128xi32, #tpu.memory_space<hbm>> -> memref<120x2x128xi32, #tpu.memory_space<hbm>>
      %dma_start3A_116 = arith.constant 0 : i32
      %dma_start3A_117 = arith.constant 0 : i32
      %dma_start3A_118 = tpu.memref_slice %arg3[%select_n3A_26, %dma_start3A_116, %dma_start3A_117] : memref<2560x2x128xi32, #tpu.memory_space<hbm>> -> memref<120x2x128xi32, #tpu.memory_space<hbm>>
      tpu.enqueue_dma source(%dma_start3A_118 : memref<120x2x128xi32, #tpu.memory_space<hbm>>) target(%arg6 : memref<120x2x128xi32, #tpu.memory_space<vmem>>) target_semaphore(%run_scoped3A : memref<!tpu.dma_semaphore, #tpu.memory_space<semaphore_mem>>)
      %dma_wait3A_119 = arith.constant 0 : i32
      %dma_wait3A_120 = arith.constant 0 : i32
      %dma_wait3A_121 = tpu.memref_slice %arg3[%select_n3A_26, %dma_wait3A_119, %dma_wait3A_120] : memref<2560x2x128xi32, #tpu.memory_space<hbm>> -> memref<120x2x128xi32, #tpu.memory_space<hbm>>
      %dma_wait3A_122 = arith.constant 0 : i32
      %dma_wait3A_123 = arith.constant 0 : i32
      %dma_wait3A_124 = tpu.memref_slice %arg3[%select_n3A_26, %dma_wait3A_122, %dma_wait3A_123] : memref<2560x2x128xi32, #tpu.memory_space<hbm>> -> memref<120x2x128xi32, #tpu.memory_space<hbm>>
      tpu.wait_dma2 semaphore(%run_scoped3A : memref<!tpu.dma_semaphore, #tpu.memory_space<semaphore_mem>>) src(%dma_wait3A_124 : memref<120x2x128xi32, #tpu.memory_space<hbm>>) dst(%arg6 : memref<120x2x128xi32, #tpu.memory_space<vmem>>)
      tpu.yield
    }) : () -> ()
    %barrier3A = arith.constant 0 : index
    tpu.barrier barrier_id(%barrier3A)
    %dma_start3A = arith.constant 0 : i32
    %dma_start3A_31 = arith.constant 0 : i32
    %dma_start3A_32 = arith.constant 0 : i32
    %dma_start3A_33 = tpu.memref_slice %arg6[%dma_start3A, %dma_start3A_31, %dma_start3A_32] : memref<120x2x128xi32, #tpu.memory_space<vmem>> -> memref<1x1x128xi32, #tpu.memory_space<vmem>>
    %dma_start3A_34 = tpu.memref_squeeze %dma_start3A_33 : memref<1x1x128xi32, #tpu.memory_space<vmem>> -> memref<128xi32, #tpu.memory_space<vmem>>
    %dma_start3A_35 = arith.constant 0 : i32
    %dma_start3A_36 = arith.constant 0 : i32
    %dma_start3A_37 = tpu.memref_slice %arg2[%dma_start3A_35, %dma_start3A_36] : memref<10000x128xbf16, #tpu.memory_space<hbm>> -> memref<10000x128xbf16, #tpu.memory_space<hbm>>
    tpu.enqueue_indirect_dma source(%dma_start3A_37 : memref<10000x128xbf16, #tpu.memory_space<hbm>>) target(%arg7 : memref<128x128xbf16, #tpu.memory_space<vmem>>) offsets(%dma_start3A_34 : memref<128xi32, #tpu.memory_space<vmem>>) semaphore(%arg12 : memref<!tpu.dma_semaphore, #tpu.memory_space<semaphore_mem>>)
    %dma_start3A_38 = arith.constant 1 : i32
    %dma_start3A_39 = arith.constant 0 : i32
    %dma_start3A_40 = arith.constant 0 : i32
    %dma_start3A_41 = tpu.memref_slice %arg6[%dma_start3A_38, %dma_start3A_39, %dma_start3A_40] : memref<120x2x128xi32, #tpu.memory_space<vmem>> -> memref<1x1x128xi32, #tpu.memory_space<vmem>>
    %dma_start3A_42 = tpu.memref_squeeze %dma_start3A_41 : memref<1x1x128xi32, #tpu.memory_space<vmem>> -> memref<128xi32, #tpu.memory_space<vmem>>
    %dma_start3A_43 = arith.constant 0 : i32
    %dma_start3A_44 = arith.constant 0 : i32
    %dma_start3A_45 = tpu.memref_slice %arg2[%dma_start3A_43, %dma_start3A_44] : memref<10000x128xbf16, #tpu.memory_space<hbm>> -> memref<10000x128xbf16, #tpu.memory_space<hbm>>
    tpu.enqueue_indirect_dma source(%dma_start3A_45 : memref<10000x128xbf16, #tpu.memory_space<hbm>>) target(%arg8 : memref<128x128xbf16, #tpu.memory_space<vmem>>) offsets(%dma_start3A_42 : memref<128xi32, #tpu.memory_space<vmem>>) semaphore(%arg13 : memref<!tpu.dma_semaphore, #tpu.memory_space<semaphore_mem>>)
    %sub3A_46 = arith.constant 0 : i32
    %sub3A_47 = arith.subi %select_n3A_19, %sub3A_46 : i32
    %sub3A_48 = arith.constant 1 : i32
    %sub3A_49 = arith.constant 1 : i32
    %sub3A_50 = arith.subi %sub3A_48, %sub3A_49 : i32
    %add3A_51 = arith.addi %sub3A_47, %sub3A_50 : i32
    %div3A_52 = arith.constant 1 : i32
    %div3A_53 = arith.divsi %add3A_51, %div3A_52 : i32
    %while3A = arith.constant 1 : i32
    %while3A_54 = arith.constant 0 : i32
    %while3A_55 = arith.constant 0 : i32
    %while3A_56 = arith.subi %div3A_53, %while3A_55 : i32
    %while3A_57 = arith.addi %while3A_55, %while3A_56 : i32
    %while3A_58 = arith.constant 1 : i32
    %while3A_59 = arith.divsi %while3A_56, %while3A_58 : i32
    %while3A_60 = arith.muli %while3A_59, %while3A_58 : i32
    %while3A_61 = arith.addi %while3A_55, %while3A_60 : i32
    %while3A_62 = arith.constant 1 : i32
    scf.for %while3A_113 = %while3A_55 to %while3A_61 step %while3A_62  : i32 {
      %mul3A_114 = arith.muli %while3A_113, %while3A : i32
      %add3A_115 = arith.addi %while3A_54, %mul3A_114 : i32
      %mul3A_116 = arith.constant 4 : i32
      %mul3A_117 = arith.muli %add3A_115, %mul3A_116 : i32
      %gt3A = arith.constant 0 : i32
      %gt3A_118 = arith.cmpi sgt, %add3A_115, %gt3A : i32
      %convert_element_type3A = arith.extui %gt3A_118 : i1 to i32
      %cond3A = arith.constant 0 : i32
      %cond3A_119 = arith.cmpi ne, %convert_element_type3A, %cond3A : i32
      scf.if %cond3A_119 {
        %sub3A_238 = arith.constant 2 : i32
        %sub3A_239 = arith.subi %mul3A_117, %sub3A_238 : i32
        %add3A_240 = arith.constant 0 : i32
        %add3A_241 = arith.addi %sub3A_239, %add3A_240 : i32
        %dma_wait3A_242 = arith.constant 1 : i32
        %dma_wait3A_243 = arith.constant 0 : i32
        %dma_wait3A_244 = tpu.memref_slice %arg6[%add3A_241, %dma_wait3A_242, %dma_wait3A_243] : memref<120x2x128xi32, #tpu.memory_space<vmem>> -> memref<1x1x128xi32, #tpu.memory_space<vmem>>
        %dma_wait3A_245 = tpu.memref_squeeze %dma_wait3A_244 : memref<1x1x128xi32, #tpu.memory_space<vmem>> -> memref<128xi32, #tpu.memory_space<vmem>>
        %dma_wait3A_246 = arith.constant 0 : i32
        %dma_wait3A_247 = arith.constant 0 : i32
        %dma_wait3A_248 = tpu.memref_slice %arg11[%dma_wait3A_246, %dma_wait3A_247] : memref<10240x128xbf16, #tpu.memory_space<vmem_shared>> -> memref<10240x128xbf16, #tpu.memory_space<vmem_shared>>
        tpu.wait_indirect_dma semaphore(%arg18 : memref<!tpu.dma_semaphore, #tpu.memory_space<semaphore_mem>>) src(%arg9 : memref<128x128xbf16, #tpu.memory_space<vmem>>) dst(%dma_wait3A_248 : memref<10240x128xbf16, #tpu.memory_space<vmem_shared>>)
      } else {
      }
      %add3A_120 = arith.constant 2 : i32
      %add3A_121 = arith.addi %mul3A_117, %add3A_120 : i32
      %add3A_122 = arith.constant 0 : i32
      %add3A_123 = arith.addi %add3A_121, %add3A_122 : i32
      %dma_start3A_124 = arith.constant 0 : i32
      %dma_start3A_125 = arith.constant 0 : i32
      %dma_start3A_126 = tpu.memref_slice %arg6[%add3A_123, %dma_start3A_124, %dma_start3A_125] : memref<120x2x128xi32, #tpu.memory_space<vmem>> -> memref<1x1x128xi32, #tpu.memory_space<vmem>>
      %dma_start3A_127 = tpu.memref_squeeze %dma_start3A_126 : memref<1x1x128xi32, #tpu.memory_space<vmem>> -> memref<128xi32, #tpu.memory_space<vmem>>
      %dma_start3A_128 = arith.constant 0 : i32
      %dma_start3A_129 = arith.constant 0 : i32
      %dma_start3A_130 = tpu.memref_slice %arg2[%dma_start3A_128, %dma_start3A_129] : memref<10000x128xbf16, #tpu.memory_space<hbm>> -> memref<10000x128xbf16, #tpu.memory_space<hbm>>
      tpu.enqueue_indirect_dma source(%dma_start3A_130 : memref<10000x128xbf16, #tpu.memory_space<hbm>>) target(%arg9 : memref<128x128xbf16, #tpu.memory_space<vmem>>) offsets(%dma_start3A_127 : memref<128xi32, #tpu.memory_space<vmem>>) semaphore(%arg14 : memref<!tpu.dma_semaphore, #tpu.memory_space<semaphore_mem>>)
      %gt3A_131 = arith.constant 0 : i32
      %gt3A_132 = arith.cmpi sgt, %add3A_115, %gt3A_131 : i32
      %convert_element_type3A_133 = arith.extui %gt3A_132 : i1 to i32
      %cond3A_134 = arith.constant 0 : i32
      %cond3A_135 = arith.cmpi ne, %convert_element_type3A_133, %cond3A_134 : i32
      scf.if %cond3A_135 {
        %sub3A_238 = arith.constant 2 : i32
        %sub3A_239 = arith.subi %mul3A_117, %sub3A_238 : i32
        %add3A_240 = arith.constant 1 : i32
        %add3A_241 = arith.addi %sub3A_239, %add3A_240 : i32
        %dma_wait3A_242 = arith.constant 1 : i32
        %dma_wait3A_243 = arith.constant 0 : i32
        %dma_wait3A_244 = tpu.memref_slice %arg6[%add3A_241, %dma_wait3A_242, %dma_wait3A_243] : memref<120x2x128xi32, #tpu.memory_space<vmem>> -> memref<1x1x128xi32, #tpu.memory_space<vmem>>
        %dma_wait3A_245 = tpu.memref_squeeze %dma_wait3A_244 : memref<1x1x128xi32, #tpu.memory_space<vmem>> -> memref<128xi32, #tpu.memory_space<vmem>>
        %dma_wait3A_246 = arith.constant 0 : i32
        %dma_wait3A_247 = arith.constant 0 : i32
        %dma_wait3A_248 = tpu.memref_slice %arg11[%dma_wait3A_246, %dma_wait3A_247] : memref<10240x128xbf16, #tpu.memory_space<vmem_shared>> -> memref<10240x128xbf16, #tpu.memory_space<vmem_shared>>
        tpu.wait_indirect_dma semaphore(%arg19 : memref<!tpu.dma_semaphore, #tpu.memory_space<semaphore_mem>>) src(%arg10 : memref<128x128xbf16, #tpu.memory_space<vmem>>) dst(%dma_wait3A_248 : memref<10240x128xbf16, #tpu.memory_space<vmem_shared>>)
      } else {
      }
      %add3A_136 = arith.constant 2 : i32
      %add3A_137 = arith.addi %mul3A_117, %add3A_136 : i32
      %add3A_138 = arith.constant 1 : i32
      %add3A_139 = arith.addi %add3A_137, %add3A_138 : i32
      %dma_start3A_140 = arith.constant 0 : i32
      %dma_start3A_141 = arith.constant 0 : i32
      %dma_start3A_142 = tpu.memref_slice %arg6[%add3A_139, %dma_start3A_140, %dma_start3A_141] : memref<120x2x128xi32, #tpu.memory_space<vmem>> -> memref<1x1x128xi32, #tpu.memory_space<vmem>>
      %dma_start3A_143 = tpu.memref_squeeze %dma_start3A_142 : memref<1x1x128xi32, #tpu.memory_space<vmem>> -> memref<128xi32, #tpu.memory_space<vmem>>
      %dma_start3A_144 = arith.constant 0 : i32
      %dma_start3A_145 = arith.constant 0 : i32
      %dma_start3A_146 = tpu.memref_slice %arg2[%dma_start3A_144, %dma_start3A_145] : memref<10000x128xbf16, #tpu.memory_space<hbm>> -> memref<10000x128xbf16, #tpu.memory_space<hbm>>
      tpu.enqueue_indirect_dma source(%dma_start3A_146 : memref<10000x128xbf16, #tpu.memory_space<hbm>>) target(%arg10 : memref<128x128xbf16, #tpu.memory_space<vmem>>) offsets(%dma_start3A_143 : memref<128xi32, #tpu.memory_space<vmem>>) semaphore(%arg15 : memref<!tpu.dma_semaphore, #tpu.memory_space<semaphore_mem>>)
      %add3A_147 = arith.constant 0 : i32
      %add3A_148 = arith.addi %mul3A_117, %add3A_147 : i32
      %dma_wait3A_149 = arith.constant 0 : i32
      %dma_wait3A_150 = arith.constant 0 : i32
      %dma_wait3A_151 = tpu.memref_slice %arg6[%add3A_148, %dma_wait3A_149, %dma_wait3A_150] : memref<120x2x128xi32, #tpu.memory_space<vmem>> -> memref<1x1x128xi32, #tpu.memory_space<vmem>>
      %dma_wait3A_152 = tpu.memref_squeeze %dma_wait3A_151 : memref<1x1x128xi32, #tpu.memory_space<vmem>> -> memref<128xi32, #tpu.memory_space<vmem>>
      %dma_wait3A_153 = arith.constant 0 : i32
      %dma_wait3A_154 = arith.constant 0 : i32
      %dma_wait3A_155 = tpu.memref_slice %arg2[%dma_wait3A_153, %dma_wait3A_154] : memref<10000x128xbf16, #tpu.memory_space<hbm>> -> memref<10000x128xbf16, #tpu.memory_space<hbm>>
      tpu.wait_indirect_dma semaphore(%arg12 : memref<!tpu.dma_semaphore, #tpu.memory_space<semaphore_mem>>) src(%dma_wait3A_155 : memref<10000x128xbf16, #tpu.memory_space<hbm>>) dst(%arg7 : memref<128x128xbf16, #tpu.memory_space<vmem>>)
      %add3A_156 = arith.constant 0 : i32
      %add3A_157 = arith.addi %mul3A_117, %add3A_156 : i32
      %dma_start3A_158 = arith.constant 1 : i32
      %dma_start3A_159 = arith.constant 0 : i32
      %dma_start3A_160 = tpu.memref_slice %arg6[%add3A_157, %dma_start3A_158, %dma_start3A_159] : memref<120x2x128xi32, #tpu.memory_space<vmem>> -> memref<1x1x128xi32, #tpu.memory_space<vmem>>
      %dma_start3A_161 = tpu.memref_squeeze %dma_start3A_160 : memref<1x1x128xi32, #tpu.memory_space<vmem>> -> memref<128xi32, #tpu.memory_space<vmem>>
      %dma_start3A_162 = arith.constant 0 : i32
      %dma_start3A_163 = arith.constant 0 : i32
      %dma_start3A_164 = tpu.memref_slice %arg11[%dma_start3A_162, %dma_start3A_163] : memref<10240x128xbf16, #tpu.memory_space<vmem_shared>> -> memref<10240x128xbf16, #tpu.memory_space<vmem_shared>>
      tpu.enqueue_indirect_dma source(%arg7 : memref<128x128xbf16, #tpu.memory_space<vmem>>) target(%dma_start3A_164 : memref<10240x128xbf16, #tpu.memory_space<vmem_shared>>) offsets(%dma_start3A_161 : memref<128xi32, #tpu.memory_space<vmem>>) semaphore(%arg16 : memref<!tpu.dma_semaphore, #tpu.memory_space<semaphore_mem>>) {add = true}
      %add3A_165 = arith.constant 1 : i32
      %add3A_166 = arith.addi %mul3A_117, %add3A_165 : i32
      %dma_wait3A_167 = arith.constant 0 : i32
      %dma_wait3A_168 = arith.constant 0 : i32
      %dma_wait3A_169 = tpu.memref_slice %arg6[%add3A_166, %dma_wait3A_167, %dma_wait3A_168] : memref<120x2x128xi32, #tpu.memory_space<vmem>> -> memref<1x1x128xi32, #tpu.memory_space<vmem>>
      %dma_wait3A_170 = tpu.memref_squeeze %dma_wait3A_169 : memref<1x1x128xi32, #tpu.memory_space<vmem>> -> memref<128xi32, #tpu.memory_space<vmem>>
      %dma_wait3A_171 = arith.constant 0 : i32
      %dma_wait3A_172 = arith.constant 0 : i32
      %dma_wait3A_173 = tpu.memref_slice %arg2[%dma_wait3A_171, %dma_wait3A_172] : memref<10000x128xbf16, #tpu.memory_space<hbm>> -> memref<10000x128xbf16, #tpu.memory_space<hbm>>
      tpu.wait_indirect_dma semaphore(%arg13 : memref<!tpu.dma_semaphore, #tpu.memory_space<semaphore_mem>>) src(%dma_wait3A_173 : memref<10000x128xbf16, #tpu.memory_space<hbm>>) dst(%arg8 : memref<128x128xbf16, #tpu.memory_space<vmem>>)
      %add3A_174 = arith.constant 1 : i32
      %add3A_175 = arith.addi %mul3A_117, %add3A_174 : i32
      %dma_start3A_176 = arith.constant 1 : i32
      %dma_start3A_177 = arith.constant 0 : i32
      %dma_start3A_178 = tpu.memref_slice %arg6[%add3A_175, %dma_start3A_176, %dma_start3A_177] : memref<120x2x128xi32, #tpu.memory_space<vmem>> -> memref<1x1x128xi32, #tpu.memory_space<vmem>>
      %dma_start3A_179 = tpu.memref_squeeze %dma_start3A_178 : memref<1x1x128xi32, #tpu.memory_space<vmem>> -> memref<128xi32, #tpu.memory_space<vmem>>
      %dma_start3A_180 = arith.constant 0 : i32
      %dma_start3A_181 = arith.constant 0 : i32
      %dma_start3A_182 = tpu.memref_slice %arg11[%dma_start3A_180, %dma_start3A_181] : memref<10240x128xbf16, #tpu.memory_space<vmem_shared>> -> memref<10240x128xbf16, #tpu.memory_space<vmem_shared>>
      tpu.enqueue_indirect_dma source(%arg8 : memref<128x128xbf16, #tpu.memory_space<vmem>>) target(%dma_start3A_182 : memref<10240x128xbf16, #tpu.memory_space<vmem_shared>>) offsets(%dma_start3A_179 : memref<128xi32, #tpu.memory_space<vmem>>) semaphore(%arg17 : memref<!tpu.dma_semaphore, #tpu.memory_space<semaphore_mem>>) {add = true}
      %sub3A_183 = arith.constant 1 : i32
      %sub3A_184 = arith.subi %select_n3A_19, %sub3A_183 : i32
      %lt3A = arith.cmpi slt, %add3A_115, %sub3A_184 : i32
      %convert_element_type3A_185 = arith.extui %lt3A : i1 to i32
      %cond3A_186 = arith.constant 0 : i32
      %cond3A_187 = arith.cmpi ne, %convert_element_type3A_185, %cond3A_186 : i32
      scf.if %cond3A_187 {
        %add3A_238 = arith.constant 0 : i32
        %add3A_239 = arith.addi %mul3A_117, %add3A_238 : i32
        %dma_wait3A_240 = arith.constant 1 : i32
        %dma_wait3A_241 = arith.constant 0 : i32
        %dma_wait3A_242 = tpu.memref_slice %arg6[%add3A_239, %dma_wait3A_240, %dma_wait3A_241] : memref<120x2x128xi32, #tpu.memory_space<vmem>> -> memref<1x1x128xi32, #tpu.memory_space<vmem>>
        %dma_wait3A_243 = tpu.memref_squeeze %dma_wait3A_242 : memref<1x1x128xi32, #tpu.memory_space<vmem>> -> memref<128xi32, #tpu.memory_space<vmem>>
        %dma_wait3A_244 = arith.constant 0 : i32
        %dma_wait3A_245 = arith.constant 0 : i32
        %dma_wait3A_246 = tpu.memref_slice %arg11[%dma_wait3A_244, %dma_wait3A_245] : memref<10240x128xbf16, #tpu.memory_space<vmem_shared>> -> memref<10240x128xbf16, #tpu.memory_space<vmem_shared>>
        tpu.wait_indirect_dma semaphore(%arg16 : memref<!tpu.dma_semaphore, #tpu.memory_space<semaphore_mem>>) src(%arg7 : memref<128x128xbf16, #tpu.memory_space<vmem>>) dst(%dma_wait3A_246 : memref<10240x128xbf16, #tpu.memory_space<vmem_shared>>)
        %add3A_247 = arith.constant 4 : i32
        %add3A_248 = arith.addi %mul3A_117, %add3A_247 : i32
        %add3A_249 = arith.constant 0 : i32
        %add3A_250 = arith.addi %add3A_248, %add3A_249 : i32
        %dma_start3A_251 = arith.constant 0 : i32
        %dma_start3A_252 = arith.constant 0 : i32
        %dma_start3A_253 = tpu.memref_slice %arg6[%add3A_250, %dma_start3A_251, %dma_start3A_252] : memref<120x2x128xi32, #tpu.memory_space<vmem>> -> memref<1x1x128xi32, #tpu.memory_space<vmem>>
        %dma_start3A_254 = tpu.memref_squeeze %dma_start3A_253 : memref<1x1x128xi32, #tpu.memory_space<vmem>> -> memref<128xi32, #tpu.memory_space<vmem>>
        %dma_start3A_255 = arith.constant 0 : i32
        %dma_start3A_256 = arith.constant 0 : i32
        %dma_start3A_257 = tpu.memref_slice %arg2[%dma_start3A_255, %dma_start3A_256] : memref<10000x128xbf16, #tpu.memory_space<hbm>> -> memref<10000x128xbf16, #tpu.memory_space<hbm>>
        tpu.enqueue_indirect_dma source(%dma_start3A_257 : memref<10000x128xbf16, #tpu.memory_space<hbm>>) target(%arg7 : memref<128x128xbf16, #tpu.memory_space<vmem>>) offsets(%dma_start3A_254 : memref<128xi32, #tpu.memory_space<vmem>>) semaphore(%arg12 : memref<!tpu.dma_semaphore, #tpu.memory_space<semaphore_mem>>)
      } else {
      }
      %sub3A_188 = arith.constant 1 : i32
      %sub3A_189 = arith.subi %select_n3A_19, %sub3A_188 : i32
      %lt3A_190 = arith.cmpi slt, %add3A_115, %sub3A_189 : i32
      %convert_element_type3A_191 = arith.extui %lt3A_190 : i1 to i32
      %cond3A_192 = arith.constant 0 : i32
      %cond3A_193 = arith.cmpi ne, %convert_element_type3A_191, %cond3A_192 : i32
      scf.if %cond3A_193 {
        %add3A_238 = arith.constant 1 : i32
        %add3A_239 = arith.addi %mul3A_117, %add3A_238 : i32
        %dma_wait3A_240 = arith.constant 1 : i32
        %dma_wait3A_241 = arith.constant 0 : i32
        %dma_wait3A_242 = tpu.memref_slice %arg6[%add3A_239, %dma_wait3A_240, %dma_wait3A_241] : memref<120x2x128xi32, #tpu.memory_space<vmem>> -> memref<1x1x128xi32, #tpu.memory_space<vmem>>
        %dma_wait3A_243 = tpu.memref_squeeze %dma_wait3A_242 : memref<1x1x128xi32, #tpu.memory_space<vmem>> -> memref<128xi32, #tpu.memory_space<vmem>>
        %dma_wait3A_244 = arith.constant 0 : i32
        %dma_wait3A_245 = arith.constant 0 : i32
        %dma_wait3A_246 = tpu.memref_slice %arg11[%dma_wait3A_244, %dma_wait3A_245] : memref<10240x128xbf16, #tpu.memory_space<vmem_shared>> -> memref<10240x128xbf16, #tpu.memory_space<vmem_shared>>
        tpu.wait_indirect_dma semaphore(%arg17 : memref<!tpu.dma_semaphore, #tpu.memory_space<semaphore_mem>>) src(%arg8 : memref<128x128xbf16, #tpu.memory_space<vmem>>) dst(%dma_wait3A_246 : memref<10240x128xbf16, #tpu.memory_space<vmem_shared>>)
        %add3A_247 = arith.constant 4 : i32
        %add3A_248 = arith.addi %mul3A_117, %add3A_247 : i32
        %add3A_249 = arith.constant 1 : i32
        %add3A_250 = arith.addi %add3A_248, %add3A_249 : i32
        %dma_start3A_251 = arith.constant 0 : i32
        %dma_start3A_252 = arith.constant 0 : i32
        %dma_start3A_253 = tpu.memref_slice %arg6[%add3A_250, %dma_start3A_251, %dma_start3A_252] : memref<120x2x128xi32, #tpu.memory_space<vmem>> -> memref<1x1x128xi32, #tpu.memory_space<vmem>>
        %dma_start3A_254 = tpu.memref_squeeze %dma_start3A_253 : memref<1x1x128xi32, #tpu.memory_space<vmem>> -> memref<128xi32, #tpu.memory_space<vmem>>
        %dma_start3A_255 = arith.constant 0 : i32
        %dma_start3A_256 = arith.constant 0 : i32
        %dma_start3A_257 = tpu.memref_slice %arg2[%dma_start3A_255, %dma_start3A_256] : memref<10000x128xbf16, #tpu.memory_space<hbm>> -> memref<10000x128xbf16, #tpu.memory_space<hbm>>
        tpu.enqueue_indirect_dma source(%dma_start3A_257 : memref<10000x128xbf16, #tpu.memory_space<hbm>>) target(%arg8 : memref<128x128xbf16, #tpu.memory_space<vmem>>) offsets(%dma_start3A_254 : memref<128xi32, #tpu.memory_space<vmem>>) semaphore(%arg13 : memref<!tpu.dma_semaphore, #tpu.memory_space<semaphore_mem>>)
      } else {
      }
      %add3A_194 = arith.constant 2 : i32
      %add3A_195 = arith.addi %mul3A_117, %add3A_194 : i32
      %add3A_196 = arith.constant 0 : i32
      %add3A_197 = arith.addi %add3A_195, %add3A_196 : i32
      %dma_wait3A_198 = arith.constant 0 : i32
      %dma_wait3A_199 = arith.constant 0 : i32
      %dma_wait3A_200 = tpu.memref_slice %arg6[%add3A_197, %dma_wait3A_198, %dma_wait3A_199] : memref<120x2x128xi32, #tpu.memory_space<vmem>> -> memref<1x1x128xi32, #tpu.memory_space<vmem>>
      %dma_wait3A_201 = tpu.memref_squeeze %dma_wait3A_200 : memref<1x1x128xi32, #tpu.memory_space<vmem>> -> memref<128xi32, #tpu.memory_space<vmem>>
      %dma_wait3A_202 = arith.constant 0 : i32
      %dma_wait3A_203 = arith.constant 0 : i32
      %dma_wait3A_204 = tpu.memref_slice %arg2[%dma_wait3A_202, %dma_wait3A_203] : memref<10000x128xbf16, #tpu.memory_space<hbm>> -> memref<10000x128xbf16, #tpu.memory_space<hbm>>
      tpu.wait_indirect_dma semaphore(%arg14 : memref<!tpu.dma_semaphore, #tpu.memory_space<semaphore_mem>>) src(%dma_wait3A_204 : memref<10000x128xbf16, #tpu.memory_space<hbm>>) dst(%arg9 : memref<128x128xbf16, #tpu.memory_space<vmem>>)
      %add3A_205 = arith.constant 2 : i32
      %add3A_206 = arith.addi %mul3A_117, %add3A_205 : i32
      %add3A_207 = arith.constant 0 : i32
      %add3A_208 = arith.addi %add3A_206, %add3A_207 : i32
      %dma_start3A_209 = arith.constant 1 : i32
      %dma_start3A_210 = arith.constant 0 : i32
      %dma_start3A_211 = tpu.memref_slice %arg6[%add3A_208, %dma_start3A_209, %dma_start3A_210] : memref<120x2x128xi32, #tpu.memory_space<vmem>> -> memref<1x1x128xi32, #tpu.memory_space<vmem>>
      %dma_start3A_212 = tpu.memref_squeeze %dma_start3A_211 : memref<1x1x128xi32, #tpu.memory_space<vmem>> -> memref<128xi32, #tpu.memory_space<vmem>>
      %dma_start3A_213 = arith.constant 0 : i32
      %dma_start3A_214 = arith.constant 0 : i32
      %dma_start3A_215 = tpu.memref_slice %arg11[%dma_start3A_213, %dma_start3A_214] : memref<10240x128xbf16, #tpu.memory_space<vmem_shared>> -> memref<10240x128xbf16, #tpu.memory_space<vmem_shared>>
      tpu.enqueue_indirect_dma source(%arg9 : memref<128x128xbf16, #tpu.memory_space<vmem>>) target(%dma_start3A_215 : memref<10240x128xbf16, #tpu.memory_space<vmem_shared>>) offsets(%dma_start3A_212 : memref<128xi32, #tpu.memory_space<vmem>>) semaphore(%arg18 : memref<!tpu.dma_semaphore, #tpu.memory_space<semaphore_mem>>) {add = true}
      %add3A_216 = arith.constant 2 : i32
      %add3A_217 = arith.addi %mul3A_117, %add3A_216 : i32
      %add3A_218 = arith.constant 1 : i32
      %add3A_219 = arith.addi %add3A_217, %add3A_218 : i32
      %dma_wait3A_220 = arith.constant 0 : i32
      %dma_wait3A_221 = arith.constant 0 : i32
      %dma_wait3A_222 = tpu.memref_slice %arg6[%add3A_219, %dma_wait3A_220, %dma_wait3A_221] : memref<120x2x128xi32, #tpu.memory_space<vmem>> -> memref<1x1x128xi32, #tpu.memory_space<vmem>>
      %dma_wait3A_223 = tpu.memref_squeeze %dma_wait3A_222 : memref<1x1x128xi32, #tpu.memory_space<vmem>> -> memref<128xi32, #tpu.memory_space<vmem>>
      %dma_wait3A_224 = arith.constant 0 : i32
      %dma_wait3A_225 = arith.constant 0 : i32
      %dma_wait3A_226 = tpu.memref_slice %arg2[%dma_wait3A_224, %dma_wait3A_225] : memref<10000x128xbf16, #tpu.memory_space<hbm>> -> memref<10000x128xbf16, #tpu.memory_space<hbm>>
      tpu.wait_indirect_dma semaphore(%arg15 : memref<!tpu.dma_semaphore, #tpu.memory_space<semaphore_mem>>) src(%dma_wait3A_226 : memref<10000x128xbf16, #tpu.memory_space<hbm>>) dst(%arg10 : memref<128x128xbf16, #tpu.memory_space<vmem>>)
      %add3A_227 = arith.constant 2 : i32
      %add3A_228 = arith.addi %mul3A_117, %add3A_227 : i32
      %add3A_229 = arith.constant 1 : i32
      %add3A_230 = arith.addi %add3A_228, %add3A_229 : i32
      %dma_start3A_231 = arith.constant 1 : i32
      %dma_start3A_232 = arith.constant 0 : i32
      %dma_start3A_233 = tpu.memref_slice %arg6[%add3A_230, %dma_start3A_231, %dma_start3A_232] : memref<120x2x128xi32, #tpu.memory_space<vmem>> -> memref<1x1x128xi32, #tpu.memory_space<vmem>>
      %dma_start3A_234 = tpu.memref_squeeze %dma_start3A_233 : memref<1x1x128xi32, #tpu.memory_space<vmem>> -> memref<128xi32, #tpu.memory_space<vmem>>
      %dma_start3A_235 = arith.constant 0 : i32
      %dma_start3A_236 = arith.constant 0 : i32
      %dma_start3A_237 = tpu.memref_slice %arg11[%dma_start3A_235, %dma_start3A_236] : memref<10240x128xbf16, #tpu.memory_space<vmem_shared>> -> memref<10240x128xbf16, #tpu.memory_space<vmem_shared>>
      tpu.enqueue_indirect_dma source(%arg10 : memref<128x128xbf16, #tpu.memory_space<vmem>>) target(%dma_start3A_237 : memref<10240x128xbf16, #tpu.memory_space<vmem_shared>>) offsets(%dma_start3A_234 : memref<128xi32, #tpu.memory_space<vmem>>) semaphore(%arg19 : memref<!tpu.dma_semaphore, #tpu.memory_space<semaphore_mem>>) {add = true}
    }
    %while3A_63 = arith.constant 1 : i32
    scf.for %while3A_113 = %while3A_61 to %while3A_57 step %while3A_63  : i32 {
      %mul3A_114 = arith.muli %while3A_113, %while3A : i32
      %add3A_115 = arith.addi %while3A_54, %mul3A_114 : i32
      %mul3A_116 = arith.constant 4 : i32
      %mul3A_117 = arith.muli %add3A_115, %mul3A_116 : i32
      %gt3A = arith.constant 0 : i32
      %gt3A_118 = arith.cmpi sgt, %add3A_115, %gt3A : i32
      %convert_element_type3A = arith.extui %gt3A_118 : i1 to i32
      %cond3A = arith.constant 0 : i32
      %cond3A_119 = arith.cmpi ne, %convert_element_type3A, %cond3A : i32
      scf.if %cond3A_119 {
        %sub3A_238 = arith.constant 2 : i32
        %sub3A_239 = arith.subi %mul3A_117, %sub3A_238 : i32
        %add3A_240 = arith.constant 0 : i32
        %add3A_241 = arith.addi %sub3A_239, %add3A_240 : i32
        %dma_wait3A_242 = arith.constant 1 : i32
        %dma_wait3A_243 = arith.constant 0 : i32
        %dma_wait3A_244 = tpu.memref_slice %arg6[%add3A_241, %dma_wait3A_242, %dma_wait3A_243] : memref<120x2x128xi32, #tpu.memory_space<vmem>> -> memref<1x1x128xi32, #tpu.memory_space<vmem>>
        %dma_wait3A_245 = tpu.memref_squeeze %dma_wait3A_244 : memref<1x1x128xi32, #tpu.memory_space<vmem>> -> memref<128xi32, #tpu.memory_space<vmem>>
        %dma_wait3A_246 = arith.constant 0 : i32
        %dma_wait3A_247 = arith.constant 0 : i32
        %dma_wait3A_248 = tpu.memref_slice %arg11[%dma_wait3A_246, %dma_wait3A_247] : memref<10240x128xbf16, #tpu.memory_space<vmem_shared>> -> memref<10240x128xbf16, #tpu.memory_space<vmem_shared>>
        tpu.wait_indirect_dma semaphore(%arg18 : memref<!tpu.dma_semaphore, #tpu.memory_space<semaphore_mem>>) src(%arg9 : memref<128x128xbf16, #tpu.memory_space<vmem>>) dst(%dma_wait3A_248 : memref<10240x128xbf16, #tpu.memory_space<vmem_shared>>)
      } else {
      }
      %add3A_120 = arith.constant 2 : i32
      %add3A_121 = arith.addi %mul3A_117, %add3A_120 : i32
      %add3A_122 = arith.constant 0 : i32
      %add3A_123 = arith.addi %add3A_121, %add3A_122 : i32
      %dma_start3A_124 = arith.constant 0 : i32
      %dma_start3A_125 = arith.constant 0 : i32
      %dma_start3A_126 = tpu.memref_slice %arg6[%add3A_123, %dma_start3A_124, %dma_start3A_125] : memref<120x2x128xi32, #tpu.memory_space<vmem>> -> memref<1x1x128xi32, #tpu.memory_space<vmem>>
      %dma_start3A_127 = tpu.memref_squeeze %dma_start3A_126 : memref<1x1x128xi32, #tpu.memory_space<vmem>> -> memref<128xi32, #tpu.memory_space<vmem>>
      %dma_start3A_128 = arith.constant 0 : i32
      %dma_start3A_129 = arith.constant 0 : i32
      %dma_start3A_130 = tpu.memref_slice %arg2[%dma_start3A_128, %dma_start3A_129] : memref<10000x128xbf16, #tpu.memory_space<hbm>> -> memref<10000x128xbf16, #tpu.memory_space<hbm>>
      tpu.enqueue_indirect_dma source(%dma_start3A_130 : memref<10000x128xbf16, #tpu.memory_space<hbm>>) target(%arg9 : memref<128x128xbf16, #tpu.memory_space<vmem>>) offsets(%dma_start3A_127 : memref<128xi32, #tpu.memory_space<vmem>>) semaphore(%arg14 : memref<!tpu.dma_semaphore, #tpu.memory_space<semaphore_mem>>)
      %gt3A_131 = arith.constant 0 : i32
      %gt3A_132 = arith.cmpi sgt, %add3A_115, %gt3A_131 : i32
      %convert_element_type3A_133 = arith.extui %gt3A_132 : i1 to i32
      %cond3A_134 = arith.constant 0 : i32
      %cond3A_135 = arith.cmpi ne, %convert_element_type3A_133, %cond3A_134 : i32
      scf.if %cond3A_135 {
        %sub3A_238 = arith.constant 2 : i32
        %sub3A_239 = arith.subi %mul3A_117, %sub3A_238 : i32
        %add3A_240 = arith.constant 1 : i32
        %add3A_241 = arith.addi %sub3A_239, %add3A_240 : i32
        %dma_wait3A_242 = arith.constant 1 : i32
        %dma_wait3A_243 = arith.constant 0 : i32
        %dma_wait3A_244 = tpu.memref_slice %arg6[%add3A_241, %dma_wait3A_242, %dma_wait3A_243] : memref<120x2x128xi32, #tpu.memory_space<vmem>> -> memref<1x1x128xi32, #tpu.memory_space<vmem>>
        %dma_wait3A_245 = tpu.memref_squeeze %dma_wait3A_244 : memref<1x1x128xi32, #tpu.memory_space<vmem>> -> memref<128xi32, #tpu.memory_space<vmem>>
        %dma_wait3A_246 = arith.constant 0 : i32
        %dma_wait3A_247 = arith.constant 0 : i32
        %dma_wait3A_248 = tpu.memref_slice %arg11[%dma_wait3A_246, %dma_wait3A_247] : memref<10240x128xbf16, #tpu.memory_space<vmem_shared>> -> memref<10240x128xbf16, #tpu.memory_space<vmem_shared>>
        tpu.wait_indirect_dma semaphore(%arg19 : memref<!tpu.dma_semaphore, #tpu.memory_space<semaphore_mem>>) src(%arg10 : memref<128x128xbf16, #tpu.memory_space<vmem>>) dst(%dma_wait3A_248 : memref<10240x128xbf16, #tpu.memory_space<vmem_shared>>)
      } else {
      }
      %add3A_136 = arith.constant 2 : i32
      %add3A_137 = arith.addi %mul3A_117, %add3A_136 : i32
      %add3A_138 = arith.constant 1 : i32
      %add3A_139 = arith.addi %add3A_137, %add3A_138 : i32
      %dma_start3A_140 = arith.constant 0 : i32
      %dma_start3A_141 = arith.constant 0 : i32
      %dma_start3A_142 = tpu.memref_slice %arg6[%add3A_139, %dma_start3A_140, %dma_start3A_141] : memref<120x2x128xi32, #tpu.memory_space<vmem>> -> memref<1x1x128xi32, #tpu.memory_space<vmem>>
      %dma_start3A_143 = tpu.memref_squeeze %dma_start3A_142 : memref<1x1x128xi32, #tpu.memory_space<vmem>> -> memref<128xi32, #tpu.memory_space<vmem>>
      %dma_start3A_144 = arith.constant 0 : i32
      %dma_start3A_145 = arith.constant 0 : i32
      %dma_start3A_146 = tpu.memref_slice %arg2[%dma_start3A_144, %dma_start3A_145] : memref<10000x128xbf16, #tpu.memory_space<hbm>> -> memref<10000x128xbf16, #tpu.memory_space<hbm>>
      tpu.enqueue_indirect_dma source(%dma_start3A_146 : memref<10000x128xbf16, #tpu.memory_space<hbm>>) target(%arg10 : memref<128x128xbf16, #tpu.memory_space<vmem>>) offsets(%dma_start3A_143 : memref<128xi32, #tpu.memory_space<vmem>>) semaphore(%arg15 : memref<!tpu.dma_semaphore, #tpu.memory_space<semaphore_mem>>)
      %add3A_147 = arith.constant 0 : i32
      %add3A_148 = arith.addi %mul3A_117, %add3A_147 : i32
      %dma_wait3A_149 = arith.constant 0 : i32
      %dma_wait3A_150 = arith.constant 0 : i32
      %dma_wait3A_151 = tpu.memref_slice %arg6[%add3A_148, %dma_wait3A_149, %dma_wait3A_150] : memref<120x2x128xi32, #tpu.memory_space<vmem>> -> memref<1x1x128xi32, #tpu.memory_space<vmem>>
      %dma_wait3A_152 = tpu.memref_squeeze %dma_wait3A_151 : memref<1x1x128xi32, #tpu.memory_space<vmem>> -> memref<128xi32, #tpu.memory_space<vmem>>
      %dma_wait3A_153 = arith.constant 0 : i32
      %dma_wait3A_154 = arith.constant 0 : i32
      %dma_wait3A_155 = tpu.memref_slice %arg2[%dma_wait3A_153, %dma_wait3A_154] : memref<10000x128xbf16, #tpu.memory_space<hbm>> -> memref<10000x128xbf16, #tpu.memory_space<hbm>>
      tpu.wait_indirect_dma semaphore(%arg12 : memref<!tpu.dma_semaphore, #tpu.memory_space<semaphore_mem>>) src(%dma_wait3A_155 : memref<10000x128xbf16, #tpu.memory_space<hbm>>) dst(%arg7 : memref<128x128xbf16, #tpu.memory_space<vmem>>)
      %add3A_156 = arith.constant 0 : i32
      %add3A_157 = arith.addi %mul3A_117, %add3A_156 : i32
      %dma_start3A_158 = arith.constant 1 : i32
      %dma_start3A_159 = arith.constant 0 : i32
      %dma_start3A_160 = tpu.memref_slice %arg6[%add3A_157, %dma_start3A_158, %dma_start3A_159] : memref<120x2x128xi32, #tpu.memory_space<vmem>> -> memref<1x1x128xi32, #tpu.memory_space<vmem>>
      %dma_start3A_161 = tpu.memref_squeeze %dma_start3A_160 : memref<1x1x128xi32, #tpu.memory_space<vmem>> -> memref<128xi32, #tpu.memory_space<vmem>>
      %dma_start3A_162 = arith.constant 0 : i32
      %dma_start3A_163 = arith.constant 0 : i32
      %dma_start3A_164 = tpu.memref_slice %arg11[%dma_start3A_162, %dma_start3A_163] : memref<10240x128xbf16, #tpu.memory_space<vmem_shared>> -> memref<10240x128xbf16, #tpu.memory_space<vmem_shared>>
      tpu.enqueue_indirect_dma source(%arg7 : memref<128x128xbf16, #tpu.memory_space<vmem>>) target(%dma_start3A_164 : memref<10240x128xbf16, #tpu.memory_space<vmem_shared>>) offsets(%dma_start3A_161 : memref<128xi32, #tpu.memory_space<vmem>>) semaphore(%arg16 : memref<!tpu.dma_semaphore, #tpu.memory_space<semaphore_mem>>) {add = true}
      %add3A_165 = arith.constant 1 : i32
      %add3A_166 = arith.addi %mul3A_117, %add3A_165 : i32
      %dma_wait3A_167 = arith.constant 0 : i32
      %dma_wait3A_168 = arith.constant 0 : i32
      %dma_wait3A_169 = tpu.memref_slice %arg6[%add3A_166, %dma_wait3A_167, %dma_wait3A_168] : memref<120x2x128xi32, #tpu.memory_space<vmem>> -> memref<1x1x128xi32, #tpu.memory_space<vmem>>
      %dma_wait3A_170 = tpu.memref_squeeze %dma_wait3A_169 : memref<1x1x128xi32, #tpu.memory_space<vmem>> -> memref<128xi32, #tpu.memory_space<vmem>>
      %dma_wait3A_171 = arith.constant 0 : i32
      %dma_wait3A_172 = arith.constant 0 : i32
      %dma_wait3A_173 = tpu.memref_slice %arg2[%dma_wait3A_171, %dma_wait3A_172] : memref<10000x128xbf16, #tpu.memory_space<hbm>> -> memref<10000x128xbf16, #tpu.memory_space<hbm>>
      tpu.wait_indirect_dma semaphore(%arg13 : memref<!tpu.dma_semaphore, #tpu.memory_space<semaphore_mem>>) src(%dma_wait3A_173 : memref<10000x128xbf16, #tpu.memory_space<hbm>>) dst(%arg8 : memref<128x128xbf16, #tpu.memory_space<vmem>>)
      %add3A_174 = arith.constant 1 : i32
      %add3A_175 = arith.addi %mul3A_117, %add3A_174 : i32
      %dma_start3A_176 = arith.constant 1 : i32
      %dma_start3A_177 = arith.constant 0 : i32
      %dma_start3A_178 = tpu.memref_slice %arg6[%add3A_175, %dma_start3A_176, %dma_start3A_177] : memref<120x2x128xi32, #tpu.memory_space<vmem>> -> memref<1x1x128xi32, #tpu.memory_space<vmem>>
      %dma_start3A_179 = tpu.memref_squeeze %dma_start3A_178 : memref<1x1x128xi32, #tpu.memory_space<vmem>> -> memref<128xi32, #tpu.memory_space<vmem>>
      %dma_start3A_180 = arith.constant 0 : i32
      %dma_start3A_181 = arith.constant 0 : i32
      %dma_start3A_182 = tpu.memref_slice %arg11[%dma_start3A_180, %dma_start3A_181] : memref<10240x128xbf16, #tpu.memory_space<vmem_shared>> -> memref<10240x128xbf16, #tpu.memory_space<vmem_shared>>
      tpu.enqueue_indirect_dma source(%arg8 : memref<128x128xbf16, #tpu.memory_space<vmem>>) target(%dma_start3A_182 : memref<10240x128xbf16, #tpu.memory_space<vmem_shared>>) offsets(%dma_start3A_179 : memref<128xi32, #tpu.memory_space<vmem>>) semaphore(%arg17 : memref<!tpu.dma_semaphore, #tpu.memory_space<semaphore_mem>>) {add = true}
      %sub3A_183 = arith.constant 1 : i32
      %sub3A_184 = arith.subi %select_n3A_19, %sub3A_183 : i32
      %lt3A = arith.cmpi slt, %add3A_115, %sub3A_184 : i32
      %convert_element_type3A_185 = arith.extui %lt3A : i1 to i32
      %cond3A_186 = arith.constant 0 : i32
      %cond3A_187 = arith.cmpi ne, %convert_element_type3A_185, %cond3A_186 : i32
      scf.if %cond3A_187 {
        %add3A_238 = arith.constant 0 : i32
        %add3A_239 = arith.addi %mul3A_117, %add3A_238 : i32
        %dma_wait3A_240 = arith.constant 1 : i32
        %dma_wait3A_241 = arith.constant 0 : i32
        %dma_wait3A_242 = tpu.memref_slice %arg6[%add3A_239, %dma_wait3A_240, %dma_wait3A_241] : memref<120x2x128xi32, #tpu.memory_space<vmem>> -> memref<1x1x128xi32, #tpu.memory_space<vmem>>
        %dma_wait3A_243 = tpu.memref_squeeze %dma_wait3A_242 : memref<1x1x128xi32, #tpu.memory_space<vmem>> -> memref<128xi32, #tpu.memory_space<vmem>>
        %dma_wait3A_244 = arith.constant 0 : i32
        %dma_wait3A_245 = arith.constant 0 : i32
        %dma_wait3A_246 = tpu.memref_slice %arg11[%dma_wait3A_244, %dma_wait3A_245] : memref<10240x128xbf16, #tpu.memory_space<vmem_shared>> -> memref<10240x128xbf16, #tpu.memory_space<vmem_shared>>
        tpu.wait_indirect_dma semaphore(%arg16 : memref<!tpu.dma_semaphore, #tpu.memory_space<semaphore_mem>>) src(%arg7 : memref<128x128xbf16, #tpu.memory_space<vmem>>) dst(%dma_wait3A_246 : memref<10240x128xbf16, #tpu.memory_space<vmem_shared>>)
        %add3A_247 = arith.constant 4 : i32
        %add3A_248 = arith.addi %mul3A_117, %add3A_247 : i32
        %add3A_249 = arith.constant 0 : i32
        %add3A_250 = arith.addi %add3A_248, %add3A_249 : i32
        %dma_start3A_251 = arith.constant 0 : i32
        %dma_start3A_252 = arith.constant 0 : i32
        %dma_start3A_253 = tpu.memref_slice %arg6[%add3A_250, %dma_start3A_251, %dma_start3A_252] : memref<120x2x128xi32, #tpu.memory_space<vmem>> -> memref<1x1x128xi32, #tpu.memory_space<vmem>>
        %dma_start3A_254 = tpu.memref_squeeze %dma_start3A_253 : memref<1x1x128xi32, #tpu.memory_space<vmem>> -> memref<128xi32, #tpu.memory_space<vmem>>
        %dma_start3A_255 = arith.constant 0 : i32
        %dma_start3A_256 = arith.constant 0 : i32
        %dma_start3A_257 = tpu.memref_slice %arg2[%dma_start3A_255, %dma_start3A_256] : memref<10000x128xbf16, #tpu.memory_space<hbm>> -> memref<10000x128xbf16, #tpu.memory_space<hbm>>
        tpu.enqueue_indirect_dma source(%dma_start3A_257 : memref<10000x128xbf16, #tpu.memory_space<hbm>>) target(%arg7 : memref<128x128xbf16, #tpu.memory_space<vmem>>) offsets(%dma_start3A_254 : memref<128xi32, #tpu.memory_space<vmem>>) semaphore(%arg12 : memref<!tpu.dma_semaphore, #tpu.memory_space<semaphore_mem>>)
      } else {
      }
      %sub3A_188 = arith.constant 1 : i32
      %sub3A_189 = arith.subi %select_n3A_19, %sub3A_188 : i32
      %lt3A_190 = arith.cmpi slt, %add3A_115, %sub3A_189 : i32
      %convert_element_type3A_191 = arith.extui %lt3A_190 : i1 to i32
      %cond3A_192 = arith.constant 0 : i32
      %cond3A_193 = arith.cmpi ne, %convert_element_type3A_191, %cond3A_192 : i32
      scf.if %cond3A_193 {
        %add3A_238 = arith.constant 1 : i32
        %add3A_239 = arith.addi %mul3A_117, %add3A_238 : i32
        %dma_wait3A_240 = arith.constant 1 : i32
        %dma_wait3A_241 = arith.constant 0 : i32
        %dma_wait3A_242 = tpu.memref_slice %arg6[%add3A_239, %dma_wait3A_240, %dma_wait3A_241] : memref<120x2x128xi32, #tpu.memory_space<vmem>> -> memref<1x1x128xi32, #tpu.memory_space<vmem>>
        %dma_wait3A_243 = tpu.memref_squeeze %dma_wait3A_242 : memref<1x1x128xi32, #tpu.memory_space<vmem>> -> memref<128xi32, #tpu.memory_space<vmem>>
        %dma_wait3A_244 = arith.constant 0 : i32
        %dma_wait3A_245 = arith.constant 0 : i32
        %dma_wait3A_246 = tpu.memref_slice %arg11[%dma_wait3A_244, %dma_wait3A_245] : memref<10240x128xbf16, #tpu.memory_space<vmem_shared>> -> memref<10240x128xbf16, #tpu.memory_space<vmem_shared>>
        tpu.wait_indirect_dma semaphore(%arg17 : memref<!tpu.dma_semaphore, #tpu.memory_space<semaphore_mem>>) src(%arg8 : memref<128x128xbf16, #tpu.memory_space<vmem>>) dst(%dma_wait3A_246 : memref<10240x128xbf16, #tpu.memory_space<vmem_shared>>)
        %add3A_247 = arith.constant 4 : i32
        %add3A_248 = arith.addi %mul3A_117, %add3A_247 : i32
        %add3A_249 = arith.constant 1 : i32
        %add3A_250 = arith.addi %add3A_248, %add3A_249 : i32
        %dma_start3A_251 = arith.constant 0 : i32
        %dma_start3A_252 = arith.constant 0 : i32
        %dma_start3A_253 = tpu.memref_slice %arg6[%add3A_250, %dma_start3A_251, %dma_start3A_252] : memref<120x2x128xi32, #tpu.memory_space<vmem>> -> memref<1x1x128xi32, #tpu.memory_space<vmem>>
        %dma_start3A_254 = tpu.memref_squeeze %dma_start3A_253 : memref<1x1x128xi32, #tpu.memory_space<vmem>> -> memref<128xi32, #tpu.memory_space<vmem>>
        %dma_start3A_255 = arith.constant 0 : i32
        %dma_start3A_256 = arith.constant 0 : i32
        %dma_start3A_257 = tpu.memref_slice %arg2[%dma_start3A_255, %dma_start3A_256] : memref<10000x128xbf16, #tpu.memory_space<hbm>> -> memref<10000x128xbf16, #tpu.memory_space<hbm>>
        tpu.enqueue_indirect_dma source(%dma_start3A_257 : memref<10000x128xbf16, #tpu.memory_space<hbm>>) target(%arg8 : memref<128x128xbf16, #tpu.memory_space<vmem>>) offsets(%dma_start3A_254 : memref<128xi32, #tpu.memory_space<vmem>>) semaphore(%arg13 : memref<!tpu.dma_semaphore, #tpu.memory_space<semaphore_mem>>)
      } else {
      }
      %add3A_194 = arith.constant 2 : i32
      %add3A_195 = arith.addi %mul3A_117, %add3A_194 : i32
      %add3A_196 = arith.constant 0 : i32
      %add3A_197 = arith.addi %add3A_195, %add3A_196 : i32
      %dma_wait3A_198 = arith.constant 0 : i32
      %dma_wait3A_199 = arith.constant 0 : i32
      %dma_wait3A_200 = tpu.memref_slice %arg6[%add3A_197, %dma_wait3A_198, %dma_wait3A_199] : memref<120x2x128xi32, #tpu.memory_space<vmem>> -> memref<1x1x128xi32, #tpu.memory_space<vmem>>
      %dma_wait3A_201 = tpu.memref_squeeze %dma_wait3A_200 : memref<1x1x128xi32, #tpu.memory_space<vmem>> -> memref<128xi32, #tpu.memory_space<vmem>>
      %dma_wait3A_202 = arith.constant 0 : i32
      %dma_wait3A_203 = arith.constant 0 : i32
      %dma_wait3A_204 = tpu.memref_slice %arg2[%dma_wait3A_202, %dma_wait3A_203] : memref<10000x128xbf16, #tpu.memory_space<hbm>> -> memref<10000x128xbf16, #tpu.memory_space<hbm>>
      tpu.wait_indirect_dma semaphore(%arg14 : memref<!tpu.dma_semaphore, #tpu.memory_space<semaphore_mem>>) src(%dma_wait3A_204 : memref<10000x128xbf16, #tpu.memory_space<hbm>>) dst(%arg9 : memref<128x128xbf16, #tpu.memory_space<vmem>>)
      %add3A_205 = arith.constant 2 : i32
      %add3A_206 = arith.addi %mul3A_117, %add3A_205 : i32
      %add3A_207 = arith.constant 0 : i32
      %add3A_208 = arith.addi %add3A_206, %add3A_207 : i32
      %dma_start3A_209 = arith.constant 1 : i32
      %dma_start3A_210 = arith.constant 0 : i32
      %dma_start3A_211 = tpu.memref_slice %arg6[%add3A_208, %dma_start3A_209, %dma_start3A_210] : memref<120x2x128xi32, #tpu.memory_space<vmem>> -> memref<1x1x128xi32, #tpu.memory_space<vmem>>
      %dma_start3A_212 = tpu.memref_squeeze %dma_start3A_211 : memref<1x1x128xi32, #tpu.memory_space<vmem>> -> memref<128xi32, #tpu.memory_space<vmem>>
      %dma_start3A_213 = arith.constant 0 : i32
      %dma_start3A_214 = arith.constant 0 : i32
      %dma_start3A_215 = tpu.memref_slice %arg11[%dma_start3A_213, %dma_start3A_214] : memref<10240x128xbf16, #tpu.memory_space<vmem_shared>> -> memref<10240x128xbf16, #tpu.memory_space<vmem_shared>>
      tpu.enqueue_indirect_dma source(%arg9 : memref<128x128xbf16, #tpu.memory_space<vmem>>) target(%dma_start3A_215 : memref<10240x128xbf16, #tpu.memory_space<vmem_shared>>) offsets(%dma_start3A_212 : memref<128xi32, #tpu.memory_space<vmem>>) semaphore(%arg18 : memref<!tpu.dma_semaphore, #tpu.memory_space<semaphore_mem>>) {add = true}
      %add3A_216 = arith.constant 2 : i32
      %add3A_217 = arith.addi %mul3A_117, %add3A_216 : i32
      %add3A_218 = arith.constant 1 : i32
      %add3A_219 = arith.addi %add3A_217, %add3A_218 : i32
      %dma_wait3A_220 = arith.constant 0 : i32
      %dma_wait3A_221 = arith.constant 0 : i32
      %dma_wait3A_222 = tpu.memref_slice %arg6[%add3A_219, %dma_wait3A_220, %dma_wait3A_221] : memref<120x2x128xi32, #tpu.memory_space<vmem>> -> memref<1x1x128xi32, #tpu.memory_space<vmem>>
      %dma_wait3A_223 = tpu.memref_squeeze %dma_wait3A_222 : memref<1x1x128xi32, #tpu.memory_space<vmem>> -> memref<128xi32, #tpu.memory_space<vmem>>
      %dma_wait3A_224 = arith.constant 0 : i32
      %dma_wait3A_225 = arith.constant 0 : i32
      %dma_wait3A_226 = tpu.memref_slice %arg2[%dma_wait3A_224, %dma_wait3A_225] : memref<10000x128xbf16, #tpu.memory_space<hbm>> -> memref<10000x128xbf16, #tpu.memory_space<hbm>>
      tpu.wait_indirect_dma semaphore(%arg15 : memref<!tpu.dma_semaphore, #tpu.memory_space<semaphore_mem>>) src(%dma_wait3A_226 : memref<10000x128xbf16, #tpu.memory_space<hbm>>) dst(%arg10 : memref<128x128xbf16, #tpu.memory_space<vmem>>)
      %add3A_227 = arith.constant 2 : i32
      %add3A_228 = arith.addi %mul3A_117, %add3A_227 : i32
      %add3A_229 = arith.constant 1 : i32
      %add3A_230 = arith.addi %add3A_228, %add3A_229 : i32
      %dma_start3A_231 = arith.constant 1 : i32
      %dma_start3A_232 = arith.constant 0 : i32
      %dma_start3A_233 = tpu.memref_slice %arg6[%add3A_230, %dma_start3A_231, %dma_start3A_232] : memref<120x2x128xi32, #tpu.memory_space<vmem>> -> memref<1x1x128xi32, #tpu.memory_space<vmem>>
      %dma_start3A_234 = tpu.memref_squeeze %dma_start3A_233 : memref<1x1x128xi32, #tpu.memory_space<vmem>> -> memref<128xi32, #tpu.memory_space<vmem>>
      %dma_start3A_235 = arith.constant 0 : i32
      %dma_start3A_236 = arith.constant 0 : i32
      %dma_start3A_237 = tpu.memref_slice %arg11[%dma_start3A_235, %dma_start3A_236] : memref<10240x128xbf16, #tpu.memory_space<vmem_shared>> -> memref<10240x128xbf16, #tpu.memory_space<vmem_shared>>
      tpu.enqueue_indirect_dma source(%arg10 : memref<128x128xbf16, #tpu.memory_space<vmem>>) target(%dma_start3A_237 : memref<10240x128xbf16, #tpu.memory_space<vmem_shared>>) offsets(%dma_start3A_234 : memref<128xi32, #tpu.memory_space<vmem>>) semaphore(%arg19 : memref<!tpu.dma_semaphore, #tpu.memory_space<semaphore_mem>>) {add = true}
    }
    %sub3A_64 = arith.constant 4 : i32
    %sub3A_65 = arith.subi %select_n3A, %sub3A_64 : i32
    %add3A_66 = arith.constant 0 : i32
    %add3A_67 = arith.addi %sub3A_65, %add3A_66 : i32
    %dma_wait3A = arith.constant 1 : i32
    %dma_wait3A_68 = arith.constant 0 : i32
    %dma_wait3A_69 = tpu.memref_slice %arg6[%add3A_67, %dma_wait3A, %dma_wait3A_68] : memref<120x2x128xi32, #tpu.memory_space<vmem>> -> memref<1x1x128xi32, #tpu.memory_space<vmem>>
    %dma_wait3A_70 = tpu.memref_squeeze %dma_wait3A_69 : memref<1x1x128xi32, #tpu.memory_space<vmem>> -> memref<128xi32, #tpu.memory_space<vmem>>
    %dma_wait3A_71 = arith.constant 0 : i32
    %dma_wait3A_72 = arith.constant 0 : i32
    %dma_wait3A_73 = tpu.memref_slice %arg11[%dma_wait3A_71, %dma_wait3A_72] : memref<10240x128xbf16, #tpu.memory_space<vmem_shared>> -> memref<10240x128xbf16, #tpu.memory_space<vmem_shared>>
    tpu.wait_indirect_dma semaphore(%arg16 : memref<!tpu.dma_semaphore, #tpu.memory_space<semaphore_mem>>) src(%arg7 : memref<128x128xbf16, #tpu.memory_space<vmem>>) dst(%dma_wait3A_73 : memref<10240x128xbf16, #tpu.memory_space<vmem_shared>>)
    %sub3A_74 = arith.constant 2 : i32
    %sub3A_75 = arith.subi %select_n3A, %sub3A_74 : i32
    %add3A_76 = arith.constant 0 : i32
    %add3A_77 = arith.addi %sub3A_75, %add3A_76 : i32
    %dma_wait3A_78 = arith.constant 1 : i32
    %dma_wait3A_79 = arith.constant 0 : i32
    %dma_wait3A_80 = tpu.memref_slice %arg6[%add3A_77, %dma_wait3A_78, %dma_wait3A_79] : memref<120x2x128xi32, #tpu.memory_space<vmem>> -> memref<1x1x128xi32, #tpu.memory_space<vmem>>
    %dma_wait3A_81 = tpu.memref_squeeze %dma_wait3A_80 : memref<1x1x128xi32, #tpu.memory_space<vmem>> -> memref<128xi32, #tpu.memory_space<vmem>>
    %dma_wait3A_82 = arith.constant 0 : i32
    %dma_wait3A_83 = arith.constant 0 : i32
    %dma_wait3A_84 = tpu.memref_slice %arg11[%dma_wait3A_82, %dma_wait3A_83] : memref<10240x128xbf16, #tpu.memory_space<vmem_shared>> -> memref<10240x128xbf16, #tpu.memory_space<vmem_shared>>
    tpu.wait_indirect_dma semaphore(%arg18 : memref<!tpu.dma_semaphore, #tpu.memory_space<semaphore_mem>>) src(%arg9 : memref<128x128xbf16, #tpu.memory_space<vmem>>) dst(%dma_wait3A_84 : memref<10240x128xbf16, #tpu.memory_space<vmem_shared>>)
    %sub3A_85 = arith.constant 4 : i32
    %sub3A_86 = arith.subi %select_n3A, %sub3A_85 : i32
    %add3A_87 = arith.constant 1 : i32
    %add3A_88 = arith.addi %sub3A_86, %add3A_87 : i32
    %dma_wait3A_89 = arith.constant 1 : i32
    %dma_wait3A_90 = arith.constant 0 : i32
    %dma_wait3A_91 = tpu.memref_slice %arg6[%add3A_88, %dma_wait3A_89, %dma_wait3A_90] : memref<120x2x128xi32, #tpu.memory_space<vmem>> -> memref<1x1x128xi32, #tpu.memory_space<vmem>>
    %dma_wait3A_92 = tpu.memref_squeeze %dma_wait3A_91 : memref<1x1x128xi32, #tpu.memory_space<vmem>> -> memref<128xi32, #tpu.memory_space<vmem>>
    %dma_wait3A_93 = arith.constant 0 : i32
    %dma_wait3A_94 = arith.constant 0 : i32
    %dma_wait3A_95 = tpu.memref_slice %arg11[%dma_wait3A_93, %dma_wait3A_94] : memref<10240x128xbf16, #tpu.memory_space<vmem_shared>> -> memref<10240x128xbf16, #tpu.memory_space<vmem_shared>>
    tpu.wait_indirect_dma semaphore(%arg17 : memref<!tpu.dma_semaphore, #tpu.memory_space<semaphore_mem>>) src(%arg8 : memref<128x128xbf16, #tpu.memory_space<vmem>>) dst(%dma_wait3A_95 : memref<10240x128xbf16, #tpu.memory_space<vmem_shared>>)
    %sub3A_96 = arith.constant 2 : i32
    %sub3A_97 = arith.subi %select_n3A, %sub3A_96 : i32
    %add3A_98 = arith.constant 1 : i32
    %add3A_99 = arith.addi %sub3A_97, %add3A_98 : i32
    %dma_wait3A_100 = arith.constant 1 : i32
    %dma_wait3A_101 = arith.constant 0 : i32
    %dma_wait3A_102 = tpu.memref_slice %arg6[%add3A_99, %dma_wait3A_100, %dma_wait3A_101] : memref<120x2x128xi32, #tpu.memory_space<vmem>> -> memref<1x1x128xi32, #tpu.memory_space<vmem>>
    %dma_wait3A_103 = tpu.memref_squeeze %dma_wait3A_102 : memref<1x1x128xi32, #tpu.memory_space<vmem>> -> memref<128xi32, #tpu.memory_space<vmem>>
    %dma_wait3A_104 = arith.constant 0 : i32
    %dma_wait3A_105 = arith.constant 0 : i32
    %dma_wait3A_106 = tpu.memref_slice %arg11[%dma_wait3A_104, %dma_wait3A_105] : memref<10240x128xbf16, #tpu.memory_space<vmem_shared>> -> memref<10240x128xbf16, #tpu.memory_space<vmem_shared>>
    tpu.wait_indirect_dma semaphore(%arg19 : memref<!tpu.dma_semaphore, #tpu.memory_space<semaphore_mem>>) src(%arg10 : memref<128x128xbf16, #tpu.memory_space<vmem>>) dst(%dma_wait3A_106 : memref<10240x128xbf16, #tpu.memory_space<vmem_shared>>)
    %barrier3A_107 = arith.constant 0 : index
    tpu.barrier barrier_id(%barrier3A_107)
    %scan3A_108 = arith.constant 0 : i32
    %scan3A_109 = arith.constant 5 : i32
    %scan3A_110 = arith.addi %scan3A_108, %scan3A_109 : i32
    %scan3A_111 = arith.constant 1 : i32
    scf.for %scan3A_113 = %scan3A_108 to %scan3A_110 step %scan3A_111  : i32 {
      %mul3A_114 = arith.constant 1 : i32
      %mul3A_115 = arith.muli %scan3A_113, %mul3A_114 : i32
      %add3A_116 = arith.constant 0 : i32
      %add3A_117 = arith.addi %add3A_116, %mul3A_115 : i32
      %mul3A_118 = arith.constant 640 : i32
      %mul3A_119 = arith.muli %arg1, %mul3A_118 : i32
      %mul3A_120 = arith.constant 128 : i32
      %mul3A_121 = arith.muli %add3A_117, %mul3A_120 : i32
      %add3A_122 = arith.addi %mul3A_119, %mul3A_121 : i32
      %mul3A_123 = arith.constant 10240 : i32
      %mul3A_124 = arith.muli %arg0, %mul3A_123 : i32
      %add3A_125 = arith.addi %mul3A_124, %add3A_122 : i32
      "tpu.region"() ({
        %run_scoped3A = tpu.sem_alloc : memref<!tpu.dma_semaphore, #tpu.memory_space<semaphore_mem>>
        %dma_start3A_126 = arith.constant 0 : i32
        %dma_start3A_127 = tpu.memref_slice %arg5[%add3A_125, %dma_start3A_126] : memref<20480x128xbf16, #tpu.memory_space<hbm>> -> memref<128x128xbf16, #tpu.memory_space<hbm>>
        %dma_start3A_128 = arith.constant 0 : i32
        %dma_start3A_129 = tpu.memref_slice %arg11[%add3A_122, %dma_start3A_128] : memref<10240x128xbf16, #tpu.memory_space<vmem_shared>> -> memref<128x128xbf16, #tpu.memory_space<vmem_shared>>
        tpu.enqueue_dma source(%dma_start3A_129 : memref<128x128xbf16, #tpu.memory_space<vmem_shared>>) target(%dma_start3A_127 : memref<128x128xbf16, #tpu.memory_space<hbm>>) target_semaphore(%run_scoped3A : memref<!tpu.dma_semaphore, #tpu.memory_space<semaphore_mem>>)
        %dma_wait3A_130 = arith.constant 0 : i32
        %dma_wait3A_131 = tpu.memref_slice %arg5[%add3A_125, %dma_wait3A_130] : memref<20480x128xbf16, #tpu.memory_space<hbm>> -> memref<128x128xbf16, #tpu.memory_space<hbm>>
        %dma_wait3A_132 = arith.constant 0 : i32
        %dma_wait3A_133 = tpu.memref_slice %arg11[%add3A_122, %dma_wait3A_132] : memref<10240x128xbf16, #tpu.memory_space<vmem_shared>> -> memref<128x128xbf16, #tpu.memory_space<vmem_shared>>
        tpu.wait_dma2 semaphore(%run_scoped3A : memref<!tpu.dma_semaphore, #tpu.memory_space<semaphore_mem>>) src(%dma_wait3A_133 : memref<128x128xbf16, #tpu.memory_space<vmem_shared>>) dst(%dma_wait3A_131 : memref<128x128xbf16, #tpu.memory_space<hbm>>)
        tpu.yield
      }) : () -> ()
    }
    %scan3A_112 = arith.constant 5 : i32
    return
  }
}

module attributes {stable_mosaic.version = 14 : i64} {
  func.func @f(%arg0: i32, %arg1: memref<1000x128xf32, #tpu.memory_space<vmem>>, %arg2: memref<128x256xf32, #tpu.memory_space<vmem>>, %arg3: memref<1x128xf32, #tpu.memory_space<vmem>>, %arg4: memref<1000x128xbf16, #tpu.memory_space<vmem>>, %arg5: memref<1000x128xf32, #tpu.memory_space<vmem>>, %arg6: memref<1000x128xf32, #tpu.memory_space<vmem>>) attributes {dimension_semantics = [#tpu.dimension_semantics<arbitrary>], iteration_bounds = array<i64: 10>, scalar_prefetch = 0 : i64, scratch_operands = 0 : i64, tpu.core_type = #tpu.core_type<tc>, window_params = [{transform_indices = @transform_0, window_bounds = array<i64: 1000, 128>}, {pipeline_mode = #tpu.pipeline_mode<synchronous>, transform_indices = @transform_1, window_bounds = array<i64: 128, 256>}, {pipeline_mode = #tpu.pipeline_mode<synchronous>, transform_indices = @transform_2, window_bounds = array<i64: 1, 128>}, {transform_indices = @transform_3, window_bounds = array<i64: 1000, 128>}, {transform_indices = @transform_4, window_bounds = array<i64: 1000, 128>}, {transform_indices = @transform_5, window_bounds = array<i64: 1000, 128>}]} {
    %get3A = arith.constant 0 : index
    %get3A_0 = arith.constant 0 : index
    %get3A_1 = vector.load %arg1[%get3A, %get3A_0] : memref<1000x128xf32, #tpu.memory_space<vmem>>, vector<1000x128xf32>
    %get3A_2 = arith.constant 0 : index
    %get3A_3 = arith.constant 0 : index
    %get3A_4 = vector.load %arg2[%get3A_2, %get3A_3] : memref<128x256xf32, #tpu.memory_space<vmem>>, vector<128x256xf32>
    %dot_general3A = arith.constant dense<0.000000e+00> : vector<1000x256xf32>
    %dot_general3A_5 = tpu.matmul %get3A_1, %get3A_4, %dot_general3A {dimension_numbers = #tpu.dot_dimension_numbers<[1], [0], [0], [1], [0, 0, 1, 1], [], []>, transpose_lhs_hint = false} : vector<1000x128xf32>, vector<128x256xf32>, vector<1000x256xf32> -> vector<1000x256xf32>
    %slice3A = vector.extract_strided_slice %dot_general3A_5 {offsets = [0, 0], sizes = [1000, 128], strides = [1, 1]} : vector<1000x256xf32> to vector<1000x128xf32>
    %convert_element_type3A = arith.truncf %slice3A : vector<1000x128xf32> to vector<1000x128xbf16>
    %swap3A = arith.constant 0 : index
    %swap3A_6 = arith.constant 0 : index
    %swap3A_7 = vector.load %arg4[%swap3A, %swap3A_6] : memref<1000x128xbf16, #tpu.memory_space<vmem>>, vector<1000x128xbf16>
    tpu.vector_store %arg4[%swap3A, %swap3A_6], %convert_element_type3A {strides = array<i32>} : memref<1000x128xbf16, #tpu.memory_space<vmem>>, vector<1000x128xbf16>,
    %swap3A_8 = arith.constant 0 : index
    %swap3A_9 = arith.constant 0 : index
    %swap3A_10 = vector.load %arg5[%swap3A_8, %swap3A_9] : memref<1000x128xf32, #tpu.memory_space<vmem>>, vector<1000x128xf32>
    tpu.vector_store %arg5[%swap3A_8, %swap3A_9], %slice3A {strides = array<i32>} : memref<1000x128xf32, #tpu.memory_space<vmem>>, vector<1000x128xf32>,
    %slice3A_11 = vector.extract_strided_slice %dot_general3A_5 {offsets = [0, 128], sizes = [1000, 128], strides = [1, 1]} : vector<1000x256xf32> to vector<1000x128xf32>
    %get3A_12 = arith.constant 0 : index
    %get3A_13 = arith.constant 0 : index
    %get3A_14 = vector.load %arg3[%get3A_12, %get3A_13] : memref<1x128xf32, #tpu.memory_space<vmem>>, vector<1x128xf32>
    %add3A = vector.broadcast %get3A_14 : vector<1x128xf32> to vector<1000x128xf32>
    %add3A_15 = arith.addf %slice3A_11, %add3A : vector<1000x128xf32>
    %swap3A_16 = arith.constant 0 : index
    %swap3A_17 = arith.constant 0 : index
    %swap3A_18 = vector.load %arg6[%swap3A_16, %swap3A_17] : memref<1000x128xf32, #tpu.memory_space<vmem>>, vector<1000x128xf32>
    tpu.vector_store %arg6[%swap3A_16, %swap3A_17], %add3A_15 {strides = array<i32>} : memref<1000x128xf32, #tpu.memory_space<vmem>>, vector<1000x128xf32>,
    return
  }
  func.func @transform_0(%arg0: i32) -> (i32, i32) {
    %c0_i32 = arith.constant 0 : i32
    %c0_i32_0 = arith.constant 0 : i32
    return %arg0, %c0_i32 : i32, i32
  }
  func.func @transform_1(%arg0: i32) -> (i32, i32) {
    %c0_i32 = arith.constant 0 : i32
    %c0_i32_0 = arith.constant 0 : i32
    %c0_i32_1 = arith.constant 0 : i32
    return %c0_i32, %c0_i32_0 : i32, i32
  }
  func.func @transform_2(%arg0: i32) -> (i32, i32) {
    %c0_i32 = arith.constant 0 : i32
    %c0_i32_0 = arith.constant 0 : i32
    %c0_i32_1 = arith.constant 0 : i32
    return %c0_i32, %c0_i32_0 : i32, i32
  }
  func.func @transform_3(%arg0: i32) -> (i32, i32) {
    %c0_i32 = arith.constant 0 : i32
    %c0_i32_0 = arith.constant 0 : i32
    return %arg0, %c0_i32 : i32, i32
  }
  func.func @transform_4(%arg0: i32) -> (i32, i32) {
    %c0_i32 = arith.constant 0 : i32
    %c0_i32_0 = arith.constant 0 : i32
    return %arg0, %c0_i32 : i32, i32
  }
  func.func @transform_5(%arg0: i32) -> (i32, i32) {
    %c0_i32 = arith.constant 0 : i32
    %c0_i32_0 = arith.constant 0 : i32
    return %arg0, %c0_i32 : i32, i32
  }
}

module attributes {stable_mosaic.version = 14 : i64} {
  func.func @f(%arg0: i32, %arg1: memref<2x1000x128xbf16, #tpu.memory_space<vmem>>, %arg2: memref<2x1000x16xf32, #tpu.memory_space<vmem>>, %arg3: memref<1000x128xf32, #tpu.memory_space<vmem>>, %arg4: memref<1000x128xf32, #tpu.memory_space<vmem>>, %arg5: memref<128x256xf32, #tpu.memory_space<vmem>>, %arg6: memref<1x128xf32, #tpu.memory_space<vmem>>, %arg7: memref<1000x128xbf16, #tpu.memory_space<vmem>>, %arg8: memref<1000x128xf32, #tpu.memory_space<vmem>>, %arg9: memref<1000x128xf32, #tpu.memory_space<vmem>>) attributes {dimension_semantics = [#tpu.dimension_semantics<arbitrary>], iteration_bounds = array<i64: 10>, scalar_prefetch = 0 : i64, scratch_operands = 0 : i64, tpu.core_type = #tpu.core_type<tc>, window_params = [{transform_indices = @transform_0, window_bounds = array<i64: 2, 1000, 128>}, {transform_indices = @transform_1, window_bounds = array<i64: 2, 1000, 16>}, {transform_indices = @transform_2, window_bounds = array<i64: 1000, 128>}, {transform_indices = @transform_3, window_bounds = array<i64: 1000, 128>}, {pipeline_mode = #tpu.pipeline_mode<synchronous>, transform_indices = @transform_4, window_bounds = array<i64: 128, 256>}, {pipeline_mode = #tpu.pipeline_mode<synchronous>, transform_indices = @transform_5, window_bounds = array<i64: 1, 128>}, {transform_indices = @transform_6, window_bounds = array<i64: 1000, 128>}, {transform_indices = @transform_7, window_bounds = array<i64: 1000, 128>}, {transform_indices = @transform_8, window_bounds = array<i64: 1000, 128>}]} {
    %get3A = arith.constant 0 : index
    %get3A_0 = arith.constant 0 : index
    %get3A_1 = arith.constant 0 : index
    %get3A_2 = vector.load %arg1[%get3A, %get3A_0, %get3A_1] : memref<2x1000x128xbf16, #tpu.memory_space<vmem>>, vector<1x1000x128xbf16>
    %get3A_3 = vector.shape_cast %get3A_2 : vector<1x1000x128xbf16> to vector<1000x128xbf16>
    %convert_element_type3A = arith.extf %get3A_3 : vector<1000x128xbf16> to vector<1000x128xf32>
    %get3A_4 = arith.constant 1 : index
    %get3A_5 = arith.constant 0 : index
    %get3A_6 = arith.constant 0 : index
    %get3A_7 = vector.load %arg1[%get3A_4, %get3A_5, %get3A_6] : memref<2x1000x128xbf16, #tpu.memory_space<vmem>>, vector<1x1000x128xbf16>
    %get3A_8 = vector.shape_cast %get3A_7 : vector<1x1000x128xbf16> to vector<1000x128xbf16>
    %convert_element_type3A_9 = arith.extf %get3A_8 : vector<1000x128xbf16> to vector<1000x128xf32>
    %add3A = arith.addf %convert_element_type3A, %convert_element_type3A_9 : vector<1000x128xf32>
    %get3A_10 = arith.constant 0 : index
    %get3A_11 = arith.constant 0 : index
    %get3A_12 = vector.load %arg3[%get3A_10, %get3A_11] : memref<1000x128xf32, #tpu.memory_space<vmem>>, vector<1000x128xf32>
    %add3A_13 = arith.addf %add3A, %get3A_12 : vector<1000x128xf32>
    %get3A_14 = arith.constant 0 : index
    %get3A_15 = arith.constant 0 : index
    %get3A_16 = arith.constant 0 : index
    %get3A_17 = vector.load %arg2[%get3A_14, %get3A_15, %get3A_16] : memref<2x1000x16xf32, #tpu.memory_space<vmem>>, vector<1x1000x16xf32>
    %get3A_18 = vector.shape_cast %get3A_17 : vector<1x1000x16xf32> to vector<1000x16xf32>
    %slice3A = vector.extract_strided_slice %get3A_18 {offsets = [0, 0], sizes = [1000, 1], strides = [1, 1]} : vector<1000x16xf32> to vector<1000x1xf32>
    %add3A_19 = arith.constant 1.000000e+00 : f32
    %add3A_20 = vector.broadcast %add3A_19 : f32 to vector<1000x1xf32>
    %add3A_21 = arith.addf %add3A_20, %slice3A : vector<1000x1xf32>
    %get3A_22 = arith.constant 1 : index
    %get3A_23 = arith.constant 0 : index
    %get3A_24 = arith.constant 0 : index
    %get3A_25 = vector.load %arg2[%get3A_22, %get3A_23, %get3A_24] : memref<2x1000x16xf32, #tpu.memory_space<vmem>>, vector<1x1000x16xf32>
    %get3A_26 = vector.shape_cast %get3A_25 : vector<1x1000x16xf32> to vector<1000x16xf32>
    %slice3A_27 = vector.extract_strided_slice %get3A_26 {offsets = [0, 0], sizes = [1000, 1], strides = [1, 1]} : vector<1000x16xf32> to vector<1000x1xf32>
    %add3A_28 = arith.addf %add3A_21, %slice3A_27 : vector<1000x1xf32>
    %div3A = vector.broadcast %add3A_28 : vector<1000x1xf32> to vector<1000x128xf32>
    %div3A_29 = arith.divf %add3A_13, %div3A : vector<1000x128xf32>
    %get3A_30 = arith.constant 0 : index
    %get3A_31 = arith.constant 0 : index
    %get3A_32 = vector.load %arg4[%get3A_30, %get3A_31] : memref<1000x128xf32, #tpu.memory_space<vmem>>, vector<1000x128xf32>
    %add3A_33 = arith.addf %div3A_29, %get3A_32 : vector<1000x128xf32>
    %max3A = arith.constant 0.000000e+00 : f32
    %max3A_34 = vector.broadcast %max3A : f32 to vector<1000x128xf32>
    %max3A_35 = arith.maximumf %add3A_33, %max3A_34 : vector<1000x128xf32>
    %get3A_36 = arith.constant 0 : index
    %get3A_37 = arith.constant 0 : index
    %get3A_38 = vector.load %arg5[%get3A_36, %get3A_37] : memref<128x256xf32, #tpu.memory_space<vmem>>, vector<128x256xf32>
    %dot_general3A = arith.constant dense<0.000000e+00> : vector<1000x256xf32>
    %dot_general3A_39 = tpu.matmul %max3A_35, %get3A_38, %dot_general3A {dimension_numbers = #tpu.dot_dimension_numbers<[1], [0], [0], [1], [0, 0, 1, 1], [], []>, transpose_lhs_hint = false} : vector<1000x128xf32>, vector<128x256xf32>, vector<1000x256xf32> -> vector<1000x256xf32>
    %slice3A_40 = vector.extract_strided_slice %dot_general3A_39 {offsets = [0, 0], sizes = [1000, 128], strides = [1, 1]} : vector<1000x256xf32> to vector<1000x128xf32>
    %convert_element_type3A_41 = arith.truncf %slice3A_40 : vector<1000x128xf32> to vector<1000x128xbf16>
    %swap3A = arith.constant 0 : index
    %swap3A_42 = arith.constant 0 : index
    %swap3A_43 = vector.load %arg7[%swap3A, %swap3A_42] : memref<1000x128xbf16, #tpu.memory_space<vmem>>, vector<1000x128xbf16>
    tpu.vector_store %arg7[%swap3A, %swap3A_42], %convert_element_type3A_41 {strides = array<i32>} : memref<1000x128xbf16, #tpu.memory_space<vmem>>, vector<1000x128xbf16>,
    %swap3A_44 = arith.constant 0 : index
    %swap3A_45 = arith.constant 0 : index
    %swap3A_46 = vector.load %arg8[%swap3A_44, %swap3A_45] : memref<1000x128xf32, #tpu.memory_space<vmem>>, vector<1000x128xf32>
    tpu.vector_store %arg8[%swap3A_44, %swap3A_45], %slice3A_40 {strides = array<i32>} : memref<1000x128xf32, #tpu.memory_space<vmem>>, vector<1000x128xf32>,
    %slice3A_47 = vector.extract_strided_slice %dot_general3A_39 {offsets = [0, 128], sizes = [1000, 128], strides = [1, 1]} : vector<1000x256xf32> to vector<1000x128xf32>
    %get3A_48 = arith.constant 0 : index
    %get3A_49 = arith.constant 0 : index
    %get3A_50 = vector.load %arg6[%get3A_48, %get3A_49] : memref<1x128xf32, #tpu.memory_space<vmem>>, vector<1x128xf32>
    %add3A_51 = vector.broadcast %get3A_50 : vector<1x128xf32> to vector<1000x128xf32>
    %add3A_52 = arith.addf %slice3A_47, %add3A_51 : vector<1000x128xf32>
    %swap3A_53 = arith.constant 0 : index
    %swap3A_54 = arith.constant 0 : index
    %swap3A_55 = vector.load %arg9[%swap3A_53, %swap3A_54] : memref<1000x128xf32, #tpu.memory_space<vmem>>, vector<1000x128xf32>
    tpu.vector_store %arg9[%swap3A_53, %swap3A_54], %add3A_52 {strides = array<i32>} : memref<1000x128xf32, #tpu.memory_space<vmem>>, vector<1000x128xf32>,
    return
  }
  func.func @transform_0(%arg0: i32) -> (i32, i32, i32) {
    %c0_i32 = arith.constant 0 : i32
    %c0_i32_0 = arith.constant 0 : i32
    %c0_i32_1 = arith.constant 0 : i32
    return %c0_i32, %arg0, %c0_i32_0 : i32, i32, i32
  }
  func.func @transform_1(%arg0: i32) -> (i32, i32, i32) {
    %c0_i32 = arith.constant 0 : i32
    %c0_i32_0 = arith.constant 0 : i32
    %c0_i32_1 = arith.constant 0 : i32
    return %c0_i32, %arg0, %c0_i32_0 : i32, i32, i32
  }
  func.func @transform_2(%arg0: i32) -> (i32, i32) {
    %c0_i32 = arith.constant 0 : i32
    %c0_i32_0 = arith.constant 0 : i32
    return %arg0, %c0_i32 : i32, i32
  }
  func.func @transform_3(%arg0: i32) -> (i32, i32) {
    %c0_i32 = arith.constant 0 : i32
    %c0_i32_0 = arith.constant 0 : i32
    return %arg0, %c0_i32 : i32, i32
  }
  func.func @transform_4(%arg0: i32) -> (i32, i32) {
    %c0_i32 = arith.constant 0 : i32
    %c0_i32_0 = arith.constant 0 : i32
    %c0_i32_1 = arith.constant 0 : i32
    return %c0_i32, %c0_i32_0 : i32, i32
  }
  func.func @transform_5(%arg0: i32) -> (i32, i32) {
    %c0_i32 = arith.constant 0 : i32
    %c0_i32_0 = arith.constant 0 : i32
    %c0_i32_1 = arith.constant 0 : i32
    return %c0_i32, %c0_i32_0 : i32, i32
  }
  func.func @transform_6(%arg0: i32) -> (i32, i32) {
    %c0_i32 = arith.constant 0 : i32
    %c0_i32_0 = arith.constant 0 : i32
    return %arg0, %c0_i32 : i32, i32
  }
  func.func @transform_7(%arg0: i32) -> (i32, i32) {
    %c0_i32 = arith.constant 0 : i32
    %c0_i32_0 = arith.constant 0 : i32
    return %arg0, %c0_i32 : i32, i32
  }
  func.func @transform_8(%arg0: i32) -> (i32, i32) {
    %c0_i32 = arith.constant 0 : i32
    %c0_i32_0 = arith.constant 0 : i32
    return %arg0, %c0_i32 : i32, i32
  }
}

module attributes {stable_mosaic.version = 14 : i64} {
  func.func @f(%arg0: i32, %arg1: memref<2x1000x128xbf16, #tpu.memory_space<vmem>>, %arg2: memref<2x1000x16xf32, #tpu.memory_space<vmem>>, %arg3: memref<1000x128xf32, #tpu.memory_space<vmem>>, %arg4: memref<1000x128xf32, #tpu.memory_space<vmem>>, %arg5: memref<1000x128xf32, #tpu.memory_space<vmem>>) attributes {dimension_semantics = [#tpu.dimension_semantics<arbitrary>], iteration_bounds = array<i64: 10>, scalar_prefetch = 0 : i64, scratch_operands = 0 : i64, tpu.core_type = #tpu.core_type<tc>, window_params = [{transform_indices = @transform_0, window_bounds = array<i64: 2, 1000, 128>}, {transform_indices = @transform_1, window_bounds = array<i64: 2, 1000, 16>}, {transform_indices = @transform_2, window_bounds = array<i64: 1000, 128>}, {transform_indices = @transform_3, window_bounds = array<i64: 1000, 128>}, {transform_indices = @transform_4, window_bounds = array<i64: 1000, 128>}]} {
    %get3A = arith.constant 0 : index
    %get3A_0 = arith.constant 0 : index
    %get3A_1 = arith.constant 0 : index
    %get3A_2 = vector.load %arg1[%get3A, %get3A_0, %get3A_1] : memref<2x1000x128xbf16, #tpu.memory_space<vmem>>, vector<1x1000x128xbf16>
    %get3A_3 = vector.shape_cast %get3A_2 : vector<1x1000x128xbf16> to vector<1000x128xbf16>
    %convert_element_type3A = arith.extf %get3A_3 : vector<1000x128xbf16> to vector<1000x128xf32>
    %get3A_4 = arith.constant 1 : index
    %get3A_5 = arith.constant 0 : index
    %get3A_6 = arith.constant 0 : index
    %get3A_7 = vector.load %arg1[%get3A_4, %get3A_5, %get3A_6] : memref<2x1000x128xbf16, #tpu.memory_space<vmem>>, vector<1x1000x128xbf16>
    %get3A_8 = vector.shape_cast %get3A_7 : vector<1x1000x128xbf16> to vector<1000x128xbf16>
    %convert_element_type3A_9 = arith.extf %get3A_8 : vector<1000x128xbf16> to vector<1000x128xf32>
    %add3A = arith.addf %convert_element_type3A, %convert_element_type3A_9 : vector<1000x128xf32>
    %get3A_10 = arith.constant 0 : index
    %get3A_11 = arith.constant 0 : index
    %get3A_12 = vector.load %arg3[%get3A_10, %get3A_11] : memref<1000x128xf32, #tpu.memory_space<vmem>>, vector<1000x128xf32>
    %add3A_13 = arith.addf %add3A, %get3A_12 : vector<1000x128xf32>
    %get3A_14 = arith.constant 0 : index
    %get3A_15 = arith.constant 0 : index
    %get3A_16 = arith.constant 0 : index
    %get3A_17 = vector.load %arg2[%get3A_14, %get3A_15, %get3A_16] : memref<2x1000x16xf32, #tpu.memory_space<vmem>>, vector<1x1000x16xf32>
    %get3A_18 = vector.shape_cast %get3A_17 : vector<1x1000x16xf32> to vector<1000x16xf32>
    %slice3A = vector.extract_strided_slice %get3A_18 {offsets = [0, 0], sizes = [1000, 1], strides = [1, 1]} : vector<1000x16xf32> to vector<1000x1xf32>
    %add3A_19 = arith.constant 1.000000e+00 : f32
    %add3A_20 = vector.broadcast %add3A_19 : f32 to vector<1000x1xf32>
    %add3A_21 = arith.addf %add3A_20, %slice3A : vector<1000x1xf32>
    %get3A_22 = arith.constant 1 : index
    %get3A_23 = arith.constant 0 : index
    %get3A_24 = arith.constant 0 : index
    %get3A_25 = vector.load %arg2[%get3A_22, %get3A_23, %get3A_24] : memref<2x1000x16xf32, #tpu.memory_space<vmem>>, vector<1x1000x16xf32>
    %get3A_26 = vector.shape_cast %get3A_25 : vector<1x1000x16xf32> to vector<1000x16xf32>
    %slice3A_27 = vector.extract_strided_slice %get3A_26 {offsets = [0, 0], sizes = [1000, 1], strides = [1, 1]} : vector<1000x16xf32> to vector<1000x1xf32>
    %add3A_28 = arith.addf %add3A_21, %slice3A_27 : vector<1000x1xf32>
    %div3A = vector.broadcast %add3A_28 : vector<1000x1xf32> to vector<1000x128xf32>
    %div3A_29 = arith.divf %add3A_13, %div3A : vector<1000x128xf32>
    %get3A_30 = arith.constant 0 : index
    %get3A_31 = arith.constant 0 : index
    %get3A_32 = vector.load %arg4[%get3A_30, %get3A_31] : memref<1000x128xf32, #tpu.memory_space<vmem>>, vector<1000x128xf32>
    %add3A_33 = arith.addf %div3A_29, %get3A_32 : vector<1000x128xf32>
    %max3A = arith.constant 0.000000e+00 : f32
    %max3A_34 = vector.broadcast %max3A : f32 to vector<1000x128xf32>
    %max3A_35 = arith.maximumf %add3A_33, %max3A_34 : vector<1000x128xf32>
    %logistic3A = arith.negf %max3A_35 : vector<1000x128xf32>
    %logistic3A_36 = math.exp %logistic3A : vector<1000x128xf32>
    %logistic3A_37 = arith.constant 1.000000e+00 : f32
    %logistic3A_38 = vector.broadcast %logistic3A_37 : f32 to vector<1000x128xf32>
    %logistic3A_39 = arith.addf %logistic3A_38, %logistic3A_36 : vector<1000x128xf32>
    %logistic3A_40 = arith.divf %logistic3A_38, %logistic3A_39 : vector<1000x128xf32>
    %swap3A = arith.constant 0 : index
    %swap3A_41 = arith.constant 0 : index
    %swap3A_42 = vector.load %arg5[%swap3A, %swap3A_41] : memref<1000x128xf32, #tpu.memory_space<vmem>>, vector<1000x128xf32>
    tpu.vector_store %arg5[%swap3A, %swap3A_41], %logistic3A_40 {strides = array<i32>} : memref<1000x128xf32, #tpu.memory_space<vmem>>, vector<1000x128xf32>,
    return
  }
  func.func @transform_0(%arg0: i32) -> (i32, i32, i32) {
    %c0_i32 = arith.constant 0 : i32
    %c0_i32_0 = arith.constant 0 : i32
    %c0_i32_1 = arith.constant 0 : i32
    return %c0_i32, %arg0, %c0_i32_0 : i32, i32, i32
  }
  func.func @transform_1(%arg0: i32) -> (i32, i32, i32) {
    %c0_i32 = arith.constant 0 : i32
    %c0_i32_0 = arith.constant 0 : i32
    %c0_i32_1 = arith.constant 0 : i32
    return %c0_i32, %arg0, %c0_i32_0 : i32, i32, i32
  }
  func.func @transform_2(%arg0: i32) -> (i32, i32) {
    %c0_i32 = arith.constant 0 : i32
    %c0_i32_0 = arith.constant 0 : i32
    return %arg0, %c0_i32 : i32, i32
  }
  func.func @transform_3(%arg0: i32) -> (i32, i32) {
    %c0_i32 = arith.constant 0 : i32
    %c0_i32_0 = arith.constant 0 : i32
    return %arg0, %c0_i32 : i32, i32
  }
  func.func @transform_4(%arg0: i32) -> (i32, i32) {
    %c0_i32 = arith.constant 0 : i32
    %c0_i32_0 = arith.constant 0 : i32
    return %arg0, %c0_i32 : i32, i32
  }
}

</mosaic_0001>

<sc_bundles>
// kernel: kernel.10.cloned.1.call-start
scs
__scs_entry_jumppad:
0x0: {  	(pc) =	sbr.rel $0x88, $3  }
0x1: {  	(tag) =	ssettag $0x0;
	lr =	simm.s32 $0x1  }
0x2: {  	[smem:$0x3F96] =	sst lr;
	_ =	strace $0xD0000000  }
0x3: {  	_ = 	snop  }
0x4: {  	_ = 	snop  }
0x5: {  	_ = 	snop  }
0x6: {  	_ = 	snop  }
0x7: {  	_ = 	snop  }
__scs_overlays_trampoline_lowered:
0x8: {  	[smem:$0x3FA5] =	sst s0  }
0x9: {  	[smem:$0x3FA6] =	sst s1  }
0xa: {  	[smem:$0x3FA7] =	sst s2  }
0xb: {  	[smem:$0x3FA8] =	sst s3  }
0xc: {  	[smem:$0x3FA9] =	sst s4  }
0xd: {  	[smem:$0x3FAA] =	sst s5  }
0xe: {  	[smem:$0x3FAB] =	sst s6  }
0xf: {  	[smem:$0x3FAC] =	sst s7  }
0x10: {  	[smem:$0x3FAD] =	sst s8  }
0x11: {  	[smem:$0x3FAE] =	sst s9;
	s0 =	simm.s32 @!p0 $0x0  }
0x12: {  	s1 =	sld [smem:$0x3F94];
	s0 =	simm.s32 @p0 $0x1  }
0x13: {  	[smem:$0x3FAF] =	sst s0;
	s0 =	simm.s32 @!p1 $0x0  }
0x14: {  	s2 =	sld [smem:$0x3F93];
	s0 =	simm.s32 @p1 $0x1  }
0x15: {  	[smem:$0x3FB0] =	sst s0;
	s0 =	simm.s32 @!p2 $0x0  }
0x16: {  	s3 =	sld [smem:$0x3FDB];
	s0 =	simm.s32 @p2 $0x1  }
0x17: {  	s4 =	simm.s32 $0x1BF5;
	[smem:$0x3FB2] =	sst s0  }
0x18: {  	s0 =	sld [smem:$0x3F95];
	_ =	swait.ge [sflag:s4], $0x0  }
0x19: {  	s7 =	sld [smem:$0x3F96]  }
0x1a: {  	s8 =	sadd.s32 $0xFFFFE003, lr  }
0x1b: {  	s9 =	sadd.s32 $0xFFFFFEF7, lr;
	s5 =	simm.s32 $0xFFFFFFFF;
	p2 =	slt.u32 s8, $0xFFFFF086  }
0x1c: {  	p1 =	slt.u32 s9, $0xF7A;
	s5 =	simm.s32 @!p2 $0x0  }
0x1d: {  	s5 =	simm.s32 @p1 $0x1;
	p0 =	seq.s32 s7, s2  }
0x1e: {  	s7 =	smul.u32 @!p0 $0xF7A, s2;
	p2 =	seq.s32 @!p0 s5, $0x0  }
0x1f: {  	s9 =	smul.u32 $0xF7A, s1;
	s8 =	simm.s32 @!p0 $0x1BF5;
	p2 =	por !p2, p0  }
0x20: {  	[sflag:s8] =	ssyncset.s32 @!p0 $0xFFFFF086;
	s6 =	sadd.s32 @!p0 s3, s7;
	s7 =	simm.s32 @!p0 $0x108  }
0x21: {  	s3 =	sadd.s32 s3, s9;
	s6 =	sadd.s32 @!p0 $0x88, s6;
	s7 =	simm.s32 @p2 $0x1082  }
0x22: {  	[simem:s7], [sflag:s8] =	dma.local @!p0 [hbm:s6], $0xF7A  }
0x23: {  	s9 =	sor.u32 $0xD0000000, s2;
	s6 =	simm.s32 $0x108;
	_ =	swait.ge @!p0 [sflag:s8], $0x0  }
0x24: {  	s3 =	sadd.s32 $0x88, s3;
	s6 =	simm.s32 @!p1 $0x1082;
	[sflag:s4] =	ssyncset.s32 $0xFFFFF086  }
0x25: {  	[simem:s6], [sflag:s4] =	dma.local [hbm:s3], $0xF7A  }
0x26: {  	[smem:$0x3F96] =	sst s1;
	(tag) =	ssettag s2;
	_ =	strace s9  }
0x27: {  	s1 =	sld [smem:$0x3FA6]  }
0x28: {  	s2 =	sld [smem:$0x3FA7]  }
0x29: {  	s4 =	sld [smem:$0x3FA9]  }
0x2a: {  	p0 =	seq.s32 s5, $0x0;
	s5 =	sld [smem:$0x3FAA]  }
0x2b: {  	s6 =	sld [smem:$0x3FAB]  }
0x2c: {  	s7 =	sld [smem:$0x3FAC]  }
0x2d: {  	s3 =	simm.s32 $0x108;
	s8 =	sld [smem:$0x3FAD]  }
0x2e: {  	s3 =	simm.s32 @!p0 $0x1082;
	s9 =	sld [smem:$0x3FAE]  }
0x2f: {  	lr =	sadd.s32 s0, s3;
	s0 =	sld [smem:$0x3FA5]  }
0x30: {  	s3 =	sld [smem:$0x3FA8]  }
0x31: {  	[smem:$0x3FB1] =	sst s10  }
0x32: {  	s10 =	sld [smem:$0x3FAF];
	_ =	sdelay $0x3  }
0x33: {  	p0 =	seq.s32 s10, $0x1;
	s10 =	sld [smem:$0x3FB1];
	_ =	sdelay $0x3  }
0x34: {  	[smem:$0x3FB1] =	sst s10  }
0x35: {  	s10 =	sld [smem:$0x3FB0];
	_ =	sdelay $0x3  }
0x36: {  	p1 =	seq.s32 s10, $0x1;
	s10 =	sld [smem:$0x3FB1];
	_ =	sdelay $0x3  }
0x37: {  	[smem:$0x3FB1] =	sst s10  }
0x38: {  	s10 =	sld [smem:$0x3FB2]  }
0x39: {  	_ = 	snop;
	(pc) =	sbr.ind lr, $3  }
0x3a: {  	_ = 	snop  }
0x3b: {  	_ = 	snop  }
0x3c: {  	p2 =	seq.s32 s10, $0x1;
	s10 =	sld [smem:$0x3FB1]  }
0x3d: {  	_ =	shalt  }
0x3e: {  	_ =	shalt  }
0x3f: {  	_ =	shalt  }
0x40: {  	_ =	shalt  }
0x41: {  	_ =	shalt  }
0x42: {  	_ =	shalt  }
0x43: {  	_ =	shalt  }
0x44: {  	_ =	shalt  }
0x45: {  	_ =	shalt  }
0x46: {  	_ =	shalt  }
0x47: {  	_ =	shalt  }
0x48: {  	_ =	shalt  }
0x49: {  	_ =	shalt  }
0x4a: {  	_ =	shalt  }
0x4b: {  	_ =	shalt  }
0x4c: {  	_ =	shalt  }
0x4d: {  	_ =	shalt  }
0x4e: {  	_ =	shalt  }
0x4f: {  	_ =	shalt  }
0x50: {  	_ =	shalt  }
0x51: {  	_ =	shalt  }
0x52: {  	_ =	shalt  }
0x53: {  	_ =	shalt  }
0x54: {  	_ =	shalt  }
0x55: {  	_ =	shalt  }
0x56: {  	_ =	shalt  }
0x57: {  	_ =	shalt  }
0x58: {  	_ =	shalt  }
0x59: {  	_ =	shalt  }
0x5a: {  	_ =	shalt  }
0x5b: {  	_ =	shalt  }
0x5c: {  	_ =	shalt  }
0x5d: {  	_ =	shalt  }
0x5e: {  	_ =	shalt  }
0x5f: {  	_ =	shalt  }
0x60: {  	_ =	shalt  }
0x61: {  	_ =	shalt  }
0x62: {  	_ =	shalt  }
0x63: {  	_ =	shalt  }
0x64: {  	_ =	shalt  }
0x65: {  	_ =	shalt  }
0x66: {  	_ =	shalt  }
0x67: {  	_ =	shalt  }
0x68: {  	_ =	shalt  }
0x69: {  	_ =	shalt  }
0x6a: {  	_ =	shalt  }
0x6b: {  	_ =	shalt  }
0x6c: {  	_ =	shalt  }
0x6d: {  	_ =	shalt  }
0x6e: {  	_ =	shalt  }
0x6f: {  	_ =	shalt  }
0x70: {  	_ =	shalt  }
0x71: {  	_ =	shalt  }
0x72: {  	_ =	shalt  }
0x73: {  	_ =	shalt  }
0x74: {  	_ =	shalt  }
0x75: {  	_ =	shalt  }
0x76: {  	_ =	shalt  }
0x77: {  	_ =	shalt  }
0x78: {  	_ =	shalt  }
0x79: {  	_ =	shalt  }
0x7a: {  	_ =	shalt  }
0x7b: {  	_ =	shalt  }
0x7c: {  	_ =	shalt  }
0x7d: {  	_ =	shalt  }
0x7e: {  	_ =	shalt  }
0x7f: {  	_ =	shalt  }
0x80: {  	_ =	shalt  }
0x81: {  	_ =	shalt  }
0x82: {  	_ =	shalt  }
0x83: {  	_ =	shalt  }
0x84: {  	_ =	shalt  }
0x85: {  	_ =	shalt  }
0x86: {  	_ =	shalt  }
0x87: {  	_ =	shalt  }
.Lfunc_end0:
.L_simem_size_0:
called_computation_lowered:
.L_overlay_start_0:
0x88: {  	s2 =	sld [smem:$0x3FD9]  }
0x89: {  	s3 =	sld [smem:$0x3FFE];
	_ =	sdelay $0x1  }
0x8a: {  	s1 =	srdreg.scid  }
0x8b: {  	s0 =	sand.u32 $0x1, s1  }
0x8c: {  	s17 =	sshll.u32 s0, $0xA;
	s2 =	sadd.s32 s3, s2  }
0x8d: {  	s2 =	sadd.s32 s2, s17  }
0x8e: {  	[smem:$0x3FBD] =	sst s2  }
0x8f: {  	_ = 	snop  }
0x90: {  	(tm) =	ssettm $0x1  }
0x91: {  	s18 =	sld [smem:$0x3FFB];
	_ =	sdelay $0x3  }
0x92: {  	_ =	strace s18  }
0x93: {  	s2 =	sld [smem:$0x3FFC];
	_ =	sdelay $0x3  }
0x94: {  	_ =	strace s2  }
0x95: {  	s2 =	sld [smem:$0x3FFD];
	_ =	sdelay $0x3  }
0x96: {  	_ =	strace s2  }
0x97: {  	_ =	strace $0x8FFFFFFF  }
0x98: {  	s19 =	sld [smem:$0x3FDB];
	_ =	sdelay $0x1  }
0x99: {  	s20 =	simm.s32 $_scs_section_size  }
0x9a: {  	s4 =	simm.s32 $_size__tile_overlayer_lowered;
	s5 =	simm.s32 $_tile_overlayer_lowered  }
0x9b: {  	s6 =	simm.s32 $0x1BFF;
	s21 =	sshll.u32 s5, $0x1;
	s3 =	sadd.s32 s20, s19  }
0x9c: {  	s22 =	simm.s32 $0x0;
	s4 =	sshll.u32 s4, $0x1;
	s5 =	sadd.s32 s21, s3  }
0x9d: {  	[timem:s22], [sflag:s6] =	dma.local [hbm:s5], s4  }
0x9e: {  	_ =	swait.ge [sflag:s6], s4  }
0x9f: {  	s4 =	ssub.s32 $0x0, s4;
	[sflag:s6] =	ssyncset.done $0x0  }
0xa0: {  	[sflag:s6] =	ssyncadd.s32 s4;
	_ =	sdelay $0x1  }
0xa1: {  	s23 =	simm.s32 $0x1B8B  }
0xa2: {  	_ =	swait.ge [sflag:s23], $0x1  }
0xa3: {  	[sflag:s23] =	ssyncset.done $0x0  }
0xa4: {  	[sflag:s23] =	ssyncadd.s32 $0xFFFFFFFF  }
0xa5: {  	s4 =	sld [smem:$0x0]  }
0xa6: {  	s5 =	sand.u32 $0xFFFFFFFE, s1  }
0xa7: {  	p0 =	sne.s32 s1, s5  }
0xa8: {  	s5 =	sshll.u32 @p0 s5, $0xE  }
0xa9: {  	s5 =	sadd.s32 @p0 $0x11B8D, s5;
	s6 =	sshll.u32 @p0 s4, $0x11  }
0xaa: {  	s5 =	sor.u32 @p0 s6, s5  }
0xab: {  	[sflag:s5] =	ssyncadd.remote.s32 @p0 $0x1;
	_ =	sdelay $0x1  }
0xac: {  	s5 =	simm.s32 @p0 $0x1B8D  }
0xad: {  	_ =	swait.eq @p0 [sflag:s5], $0x1  }
0xae: {  	[sflag:s5] =	ssyncadd.s32 @p0 $0xFFFFFFFF  }
0xaf: {  	s6 =	sshll.u32 @!p0 s1, $0xE  }
0xb0: {  	s6 =	sor.u32 @!p0 $0x4000, s6;
	s5 =	simm.s32 @!p0 $0x1B8D  }
0xb1: {  	s4 =	sshll.u32 @!p0 s4, $0x11;
	s6 =	sadd.s32 @!p0 $0x11B8D, s6;
	_ =	swait.eq @!p0 [sflag:s5], $0x1  }
0xb2: {  	s4 =	sor.u32 @!p0 s4, s6;
	[sflag:s5] =	ssyncadd.s32 @!p0 $0xFFFFFFFF  }
0xb3: {  	s25 =	simm.s32 $0x1B8E;
	s24 =	sld [smem:$0x3FFE];
	[sflag:s4] =	ssyncadd.remote.s32 @!p0 $0x1  }
0xb4: {  	s26 =	simm.s32 $execute0_lowered;
	[smem:$0x3FD2] =	sst s25  }
0xb5: {  	s5 =	sshll.u32 s26, $0x1;
	_ =	strace $0x80000049;
	[dreg:$0x1] =	wrdreg $0xFFFFFFFF  }
0xb6: {  	s28 =	simm.s32 $_size_execute0_lowered;
	s3 =	sadd.s32 s3, s5;
	[dreg:$0x0] =	wrdreg $0x0  }
0xb7: {  	s5 =	sshll.u32 s28, $0x1;
	[dreg:$0x2] =	wrdreg s3  }
0xb8: {  	[dreg:$0x3] =	wrdreg s5  }
0xb9: {  	[dreg:$0x4] =	wrdreg $0xC0  }
0xba: {  	_ =	task [dreg:s22], $0x5FFFF  }
0xbb: {  	[dreg:$0x1] =	wrdreg $0xFFFFFFFF  }
0xbc: {  	[dreg:$0x0] =	wrdreg $0x60  }
0xbd: {  	[dreg:$0x2] =	wrdreg s24  }
0xbe: {  	[dreg:$0x3] =	wrdreg $0x58000  }
0xbf: {  	[dreg:$0x4] =	wrdreg $0x9  }
0xc0: {  	_ =	task.clear_ibuf [dreg:s22], $0x5FFFF;
	_ =	strace $0x90000049  }
0xc1: {  	s29 =	simm.s32 $0x9;
	_ =	strace $0x8000004B  }
0xc2: {  	_ =	swait.ge [sflag:s29], $0x1  }
0xc3: {  	[sflag:s29] =	ssyncadd.s32 $0xFFFFFFFF  }
0xc4: {  	_ =	strace $0x9000004B  }
0xc5: {  	_ =	sfence  }
0xc6: {  	s30 =	sld [smem:$0x0];
	_ =	sdelay $0x2  }
0xc7: {  	s31 =	sshll.u32 s1, $0xD;
	s1 =	sshrl.u32 s1, $0x2  }
0xc8: {  	s4 =	sand.u32 $0x4000, s31;
	s1 =	sadd.s32 s1, s30  }
0xc9: {  	s0 =	sor.u32 s4, s0;
	s1 =	sshll.u32 s1, $0x11  }
0xca: {  	s0 =	sor.u32 s1, s0  }
0xcb: {  	s0 =	sadd.s32 $0x8F2B, s0  }
0xcc: {  	[sflag:s0] =	ssyncadd.remote.s32 $0x1  }
0xcd: {  	_ =	sfence.sel $0xFFFF  }
0xce: {  	[dreg:$0x0] =	wrdreg $0xFFFFFFFF;
	(pc) =	sbr.abs _section_cstart, $3  }
0xcf: {  	[dreg:$0x1] =	wrdreg $0xFFFFFFFF  }
0xd0: {  	_ =	task.clear_ibuf [dreg:s22], $0x2FFFF;
	_ =	strace $0x9FFFFFFF  }
0xd1: {  	(tm) =	ssettm $0x7FFFFFFF  }
tec
execute0_lowered:
.L_overlay_start_1:
0x0: {  	(tag) =	ssettag $0x1  }
0x1: {  	s6 =	rddreg [dreg:$0x0]  }
0x2: {  	s0 =	srdreg.scid;
	s2 =	rddreg [dreg:$0x1]  }
0x3: {  	s3 =	simm.s32 $0x0;
	s5 =	sand.u32 $0x1, s0;
	s0 =	stileid.u32  }
0x4: {  	[smem:$0x7FF] =	sst s3;
	s7 =	smul.u32 $0xA000, s0  }
0x5: {  	s15 =	sadd.s32 $0x52800, s6;
	s1 =	sshll.u32 s5, $0x4;
	s14 =	smul.u32 $0x2800, s5  }
0x6: {  	s9 =	ssub.s32 $0x2, s5;
	s5 =	sadd.s32 $0x52400, s6;
	s13 =	smul.u32 $0x280, s0  }
0x7: {  	s25 =	sshll.u32 s0, $0x6;
	s4 =	sor.u32 s0, s1;
	s1 =	rddreg [dreg:$0x2]  }
0x8: {  	_ =	strace $0x8000004A;
	s10 =	sshrl.u32 s9, $0x1;
	s4 =	smul.u32 $0xA00, s4  }
0x9: {  	s10 =	ssub.s32 s9, s10;
	s24 =	sshrl.u32 s7, $0x2;
	s26 =	sadd.s32 s14, s13  }
0xa: {  	s7 =	sor.u32 $0x1C01, s25;
	s12 =	sadd.s32 $0x80, s13;
	s19 =	sadd.s32 $0x100, s13  }
0xb: {  	s22 =	sadd.s32 $0x180, s13;
	s9 =	sshll.u32 s26, $0x1;
	s10 =	smax.u32 s10, $0x1  }
0xc: {  	s11 =	sadd.s32 s14, s12;
	s21 =	sadd.s32 s14, s19;
	s12 =	sshll.u32 s12, $0x4  }
0xd: {  	s28 =	sadd.s32 s14, s22;
	s19 =	sshll.u32 s19, $0x4;
	s29 =	sshll.u32 s22, $0x4  }
0xe: {  	s8 =	sadd.s32 s4, s6;
	s4 =	sadd.s32 $0x52600, s6;
	s6 =	sadd.s32 s24, s2  }
0xf: {  	s9 =	sadd.s32 s15, s9;
	s11 =	sshll.u32 s11, $0x1;
	s21 =	sshll.u32 s21, $0x1  }
0x10: {  	s23 =	sadd.s32 s12, s2;
	s24 =	sadd.s32 $0x200, s13;
	s25 =	sadd.s32 s19, s2  }
0x11: {  	s31 =	sadd.s32 s29, s2;
	s8 =	sadd.s32 $0x16400, s8;
	s16 =	sadd.s32 $0x800, s6  }
0x12: {  	s17 =	sadd.s32 $0x1000, s6;
	s18 =	sadd.s32 $0x1800, s6;
	s20 =	sadd.s32 $0x2000, s6  }
0x13: {  	s11 =	sadd.s32 s15, s11;
	s12 =	sadd.s32 s15, s21;
	s21 =	sshll.u32 s28, $0x1  }
0x14: {  	s14 =	sadd.s32 s14, s24;
	s30 =	sshll.u32 s24, $0x4;
	s22 =	sshrl.u32 s23, $0x3  }
0x15: {  	s23 =	sshrl.u32 s25, $0x3;
	s24 =	sshrl.u32 s31, $0x3;
	s13 =	sadd.s32 s15, s21  }
0x16: {  	s14 =	sshll.u32 s14, $0x1;
	s26 =	sadd.s32 s30, s2;
	s16 =	sshrl.u32 s16, $0x3  }
0x17: {  	s17 =	sshrl.u32 s17, $0x3;
	s18 =	sshrl.u32 s18, $0x3;
	s19 =	sshrl.u32 s20, $0x3  }
0x18: {  	s20 =	simm.s32 $0x5000;
	s21 =	simm.s32 $0x80;
	s14 =	sadd.s32 s15, s14  }
0x19: {  	s15 =	simm.s32 $0x1;
	s25 =	sshrl.u32 s26, $0x3;
	s26 =	simm.s32 $0x0  }
.LBB2_1:
0x1a: {  	s28 =	sshrl.u32 s6, $0x3  }
0x1b: {  	[spmem:s28], [sflag:s7] =	dma.local [hbm:s4], $0x100  }
0x1c: {  	_ =	swait.ge [sflag:s15], $0x100  }
0x1d: {  	[sflag:s15] =	ssyncset.done $0x0  }
0x1e: {  	[sflag:s15] =	ssyncadd.s32 $0xFFFFFF00  }
0x1f: {  	[spmem:s16], [sflag:s7] =	dma.local [hbm:s4], $0x100  }
0x20: {  	_ =	swait.ge [sflag:s15], $0x100  }
0x21: {  	[sflag:s15] =	ssyncset.done $0x0  }
0x22: {  	[sflag:s15] =	ssyncadd.s32 $0xFFFFFF00  }
0x23: {  	[spmem:s17], [sflag:s7] =	dma.local [hbm:s4], $0x100  }
0x24: {  	_ =	swait.ge [sflag:s15], $0x100  }
0x25: {  	[sflag:s15] =	ssyncset.done $0x0  }
0x26: {  	[sflag:s15] =	ssyncadd.s32 $0xFFFFFF00  }
0x27: {  	[spmem:s18], [sflag:s7] =	dma.local [hbm:s4], $0x100  }
0x28: {  	_ =	swait.ge [sflag:s15], $0x100  }
0x29: {  	[sflag:s15] =	ssyncset.done $0x0  }
0x2a: {  	[sflag:s15] =	ssyncadd.s32 $0xFFFFFF00  }
0x2b: {  	[spmem:s19], [sflag:s7] =	dma.local [hbm:s4], $0x100  }
0x2c: {  	_ =	swait.ge [sflag:s15], $0x100  }
0x2d: {  	[sflag:s15] =	ssyncset.done $0x0  }
0x2e: {  	[sflag:s15] =	ssyncadd.s32 $0xFFFFFF00  }
0x2f: {  	[tilespmem:s20], [sflag:$0x1] =	stream.linear.gather [hbm4b:s5+s3], $0x800, $0x38;
	[tilespmem:$0x8000] =	vst v63  }
0x30: {  	_ =	swait.ge [sflag:s15], $0x800  }
0x31: {  	[sflag:s15] =	ssyncset.done $0x0  }
0x32: {  	[sflag:s15] =	ssyncadd.s32 $0xFFFFF800  }
0x33: {  	[tilespmem:s3], [sflag:$0x1] =	stream.linear.gather [hbm4b:s8+s3], $0x5000, $0x38;
	[tilespmem:$0x8000] =	vst v63  }
0x34: {  	_ =	swait.ge [sflag:s15], $0x5000  }
0x35: {  	[sflag:s15] =	ssyncset.done $0x0  }
0x36: {  	[sflag:s15] =	ssyncadd.s32 $0xFFFFB000  }
0x37: {  	s29 =	simm.s32 $0x80;
	[bflag:$0x0] =	sbarrier.arrive $0xFFFF  }
0x38: {  	[spmem:s2] =	stream.indirect.scatter.add.f32 [tilespmem:s20], [sflag:$0x1], $0x10, s29, s21, $0xb8;
	[tilespmem:$0x8000] =	vst v63  }
0x39: {  	_ =	swait.ge [sflag:s15], $0x800  }
0x3a: {  	s29 =	simm.s32 $0x600;
	[sflag:s15] =	ssyncset.done $0x0  }
.LBB2_2:
0x3b: {  	s30 =	sshra.s32 s29, $0x2;
	[sflag:s15] =	ssyncadd.s32 $0xFFFFF800;
	p0 =	sne.s32 s29, $0x13E00  }
0x3c: {  	[spmem:s2] =	stream.indirect.scatter.add.f32 [tilespmem:s20], [sflag:$0x1], $0x10, s30, s21, $0xb8;
	[tilespmem:$0x8000] =	vst v63  }
.Ltmp0:
0x3d: {  	_ = 	snop;
	(pc) =	sbr.rel @p0 .LBB2_2-.Ltmp0, $4  }
0x3e: {  	_ = 	snop  }
0x3f: {  	s29 =	sadd.s32 $0x400, s29  }
0x40: {  	_ =	swait.ge [sflag:s15], $0x800  }
0x41: {  	[sflag:s15] =	ssyncset.done $0x0  }
0x42: {  	[sflag:s15] =	ssyncadd.s32 $0xFFFFF800  }
0x43: {  	[bflag:$0x0] =	sbarrier.arrive $0xFFFF  }
0x44: {  	[hbm:s9], [sflag:s7] =	dma.local [spmem:s28], $0x100  }
0x45: {  	_ =	swait.ge [sflag:s15], $0x100  }
0x46: {  	[sflag:s15] =	ssyncset.done $0x0  }
0x47: {  	[sflag:s15] =	ssyncadd.s32 $0xFFFFFF00  }
0x48: {  	[hbm:s11], [sflag:s7] =	dma.local [spmem:s22], $0x100  }
0x49: {  	_ =	swait.ge [sflag:s15], $0x100  }
0x4a: {  	[sflag:s15] =	ssyncset.done $0x0  }
0x4b: {  	[sflag:s15] =	ssyncadd.s32 $0xFFFFFF00  }
0x4c: {  	[hbm:s12], [sflag:s7] =	dma.local [spmem:s23], $0x100  }
0x4d: {  	_ =	swait.ge [sflag:s15], $0x100  }
0x4e: {  	[sflag:s15] =	ssyncset.done $0x0  }
0x4f: {  	[sflag:s15] =	ssyncadd.s32 $0xFFFFFF00  }
0x50: {  	[hbm:s13], [sflag:s7] =	dma.local [spmem:s24], $0x100  }
0x51: {  	s26 =	sadd.s32 $0x1, s26;
	_ =	swait.ge [sflag:s15], $0x100  }
0x52: {  	p0 =	sne.s32 s26, s10;
	[sflag:s15] =	ssyncset.done $0x0  }
.Ltmp1:
0x53: {  	[sflag:s15] =	ssyncadd.s32 $0xFFFFFF00;
	(pc) =	sbr.rel @p0 .LBB2_1-.Ltmp1, $4  }
0x54: {  	[hbm:s14], [sflag:s7] =	dma.local [spmem:s25], $0x100  }
0x55: {  	_ =	swait.ge [sflag:s15], $0x100  }
0x56: {  	[sflag:s15] =	ssyncset.done $0x0  }
0x57: {  	[sflag:s15] =	ssyncadd.s32 $0xFFFFFF00  }
0x58: {  	_ =	sfence.sel $0x180000  }
0x59: {  	[bflag:$0x0] =	sbarrier.arrive $0xFFFF  }
0x5a: {  	p0 =	sne.s32 s0, $0x0;
	_ =	strace $0x9000004A  }
0x5b: {  	s0 =	sadd.s32 @!p0 $0x100000, s1;
	[bflag:$0x2] =	sbarrier.arrive $0xFFFF  }
0x5c: {  	[sflag:s0] =	ssyncadd.tile.s32 @!p0 $0x1;
	_ =	shalt  }
.Lfunc_end2:
_tile_overlayer_lowered:
.L_overlay_start_2:
0x5d: {  	(tag) =	ssettag $0x2  }
0x5e: {  	s0 =	rddreg [dreg:$0x0];
	s2 =	stileid.u32  }
0x5f: {  	s1 =	rddreg [dreg:$0x1];
	p0 =	sne.s32 s2, $0x0  }
0x60: {  	s3 =	rddreg [dreg:$0x2];
	[bflag:$0x3] =	sbarrier.arrive $0xFFFF;
	s2 =	simm.s32 @!p0 $0x1C01  }
0x61: {  	[timem:s3], [sflag:s2] =	dma.local @!p0 [hbm:s0], s1  }
0x62: {  	s0 =	simm.s32 @!p0 $0x1  }
0x63: {  	_ =	swait.ge @!p0 [sflag:s0], s1  }
0x64: {  	s1 =	ssub.s32 @!p0 $0x0, s1;
	[sflag:s0] =	ssyncset.done @!p0 $0x0  }
0x65: {  	[sflag:s0] =	ssyncadd.s32 @!p0 s1  }
0x66: {  	[bflag:$0x3] =	sbarrier.arrive $0xFFFF  }
0x67: {  	_ =	shalt  }

// kernel: kernel.13.cloned.1.call-start
scs
__scs_entry_jumppad:
0x0: {  	(pc) =	sbr.rel $0x88, $3  }
0x1: {  	(tag) =	ssettag $0x0;
	lr =	simm.s32 $0x1  }
0x2: {  	[smem:$0x3F96] =	sst lr;
	_ =	strace $0xD0000000  }
0x3: {  	_ = 	snop  }
0x4: {  	_ = 	snop  }
0x5: {  	_ = 	snop  }
0x6: {  	_ = 	snop  }
0x7: {  	_ = 	snop  }
__scs_overlays_trampoline_lowered:
0x8: {  	[smem:$0x3FA5] =	sst s0  }
0x9: {  	[smem:$0x3FA6] =	sst s1  }
0xa: {  	[smem:$0x3FA7] =	sst s2  }
0xb: {  	[smem:$0x3FA8] =	sst s3  }
0xc: {  	[smem:$0x3FA9] =	sst s4  }
0xd: {  	[smem:$0x3FAA] =	sst s5  }
0xe: {  	[smem:$0x3FAB] =	sst s6  }
0xf: {  	[smem:$0x3FAC] =	sst s7  }
0x10: {  	[smem:$0x3FAD] =	sst s8  }
0x11: {  	[smem:$0x3FAE] =	sst s9;
	s0 =	simm.s32 @!p0 $0x0  }
0x12: {  	s1 =	sld [smem:$0x3F94];
	s0 =	simm.s32 @p0 $0x1  }
0x13: {  	[smem:$0x3FAF] =	sst s0;
	s0 =	simm.s32 @!p1 $0x0  }
0x14: {  	s2 =	sld [smem:$0x3F93];
	s0 =	simm.s32 @p1 $0x1  }
0x15: {  	[smem:$0x3FB0] =	sst s0;
	s0 =	simm.s32 @!p2 $0x0  }
0x16: {  	s3 =	sld [smem:$0x3FDB];
	s0 =	simm.s32 @p2 $0x1  }
0x17: {  	s4 =	simm.s32 $0x1BF5;
	[smem:$0x3FB2] =	sst s0  }
0x18: {  	s0 =	sld [smem:$0x3F95];
	_ =	swait.ge [sflag:s4], $0x0  }
0x19: {  	s7 =	sld [smem:$0x3F96]  }
0x1a: {  	s8 =	sadd.s32 $0xFFFFE003, lr  }
0x1b: {  	s9 =	sadd.s32 $0xFFFFFEF7, lr;
	s5 =	simm.s32 $0xFFFFFFFF;
	p2 =	slt.u32 s8, $0xFFFFF086  }
0x1c: {  	p1 =	slt.u32 s9, $0xF7A;
	s5 =	simm.s32 @!p2 $0x0  }
0x1d: {  	s5 =	simm.s32 @p1 $0x1;
	p0 =	seq.s32 s7, s2  }
0x1e: {  	s7 =	smul.u32 @!p0 $0xF7A, s2;
	p2 =	seq.s32 @!p0 s5, $0x0  }
0x1f: {  	s9 =	smul.u32 $0xF7A, s1;
	s8 =	simm.s32 @!p0 $0x1BF5;
	p2 =	por !p2, p0  }
0x20: {  	[sflag:s8] =	ssyncset.s32 @!p0 $0xFFFFF086;
	s6 =	sadd.s32 @!p0 s3, s7;
	s7 =	simm.s32 @!p0 $0x108  }
0x21: {  	s3 =	sadd.s32 s3, s9;
	s6 =	sadd.s32 @!p0 $0x88, s6;
	s7 =	simm.s32 @p2 $0x1082  }
0x22: {  	[simem:s7], [sflag:s8] =	dma.local @!p0 [hbm:s6], $0xF7A  }
0x23: {  	s9 =	sor.u32 $0xD0000000, s2;
	s6 =	simm.s32 $0x108;
	_ =	swait.ge @!p0 [sflag:s8], $0x0  }
0x24: {  	s3 =	sadd.s32 $0x88, s3;
	s6 =	simm.s32 @!p1 $0x1082;
	[sflag:s4] =	ssyncset.s32 $0xFFFFF086  }
0x25: {  	[simem:s6], [sflag:s4] =	dma.local [hbm:s3], $0xF7A  }
0x26: {  	[smem:$0x3F96] =	sst s1;
	(tag) =	ssettag s2;
	_ =	strace s9  }
0x27: {  	s1 =	sld [smem:$0x3FA6]  }
0x28: {  	s2 =	sld [smem:$0x3FA7]  }
0x29: {  	s4 =	sld [smem:$0x3FA9]  }
0x2a: {  	p0 =	seq.s32 s5, $0x0;
	s5 =	sld [smem:$0x3FAA]  }
0x2b: {  	s6 =	sld [smem:$0x3FAB]  }
0x2c: {  	s7 =	sld [smem:$0x3FAC]  }
0x2d: {  	s3 =	simm.s32 $0x108;
	s8 =	sld [smem:$0x3FAD]  }
0x2e: {  	s3 =	simm.s32 @!p0 $0x1082;
	s9 =	sld [smem:$0x3FAE]  }
0x2f: {  	lr =	sadd.s32 s0, s3;
	s0 =	sld [smem:$0x3FA5]  }
0x30: {  	s3 =	sld [smem:$0x3FA8]  }
0x31: {  	[smem:$0x3FB1] =	sst s10  }
0x32: {  	s10 =	sld [smem:$0x3FAF];
	_ =	sdelay $0x3  }
0x33: {  	p0 =	seq.s32 s10, $0x1;
	s10 =	sld [smem:$0x3FB1];
	_ =	sdelay $0x3  }
0x34: {  	[smem:$0x3FB1] =	sst s10  }
0x35: {  	s10 =	sld [smem:$0x3FB0];
	_ =	sdelay $0x3  }
0x36: {  	p1 =	seq.s32 s10, $0x1;
	s10 =	sld [smem:$0x3FB1];
	_ =	sdelay $0x3  }
0x37: {  	[smem:$0x3FB1] =	sst s10  }
0x38: {  	s10 =	sld [smem:$0x3FB2]  }
0x39: {  	_ = 	snop;
	(pc) =	sbr.ind lr, $3  }
0x3a: {  	_ = 	snop  }
0x3b: {  	_ = 	snop  }
0x3c: {  	p2 =	seq.s32 s10, $0x1;
	s10 =	sld [smem:$0x3FB1]  }
0x3d: {  	_ =	shalt  }
0x3e: {  	_ =	shalt  }
0x3f: {  	_ =	shalt  }
0x40: {  	_ =	shalt  }
0x41: {  	_ =	shalt  }
0x42: {  	_ =	shalt  }
0x43: {  	_ =	shalt  }
0x44: {  	_ =	shalt  }
0x45: {  	_ =	shalt  }
0x46: {  	_ =	shalt  }
0x47: {  	_ =	shalt  }
0x48: {  	_ =	shalt  }
0x49: {  	_ =	shalt  }
0x4a: {  	_ =	shalt  }
0x4b: {  	_ =	shalt  }
0x4c: {  	_ =	shalt  }
0x4d: {  	_ =	shalt  }
0x4e: {  	_ =	shalt  }
0x4f: {  	_ =	shalt  }
0x50: {  	_ =	shalt  }
0x51: {  	_ =	shalt  }
0x52: {  	_ =	shalt  }
0x53: {  	_ =	shalt  }
0x54: {  	_ =	shalt  }
0x55: {  	_ =	shalt  }
0x56: {  	_ =	shalt  }
0x57: {  	_ =	shalt  }
0x58: {  	_ =	shalt  }
0x59: {  	_ =	shalt  }
0x5a: {  	_ =	shalt  }
0x5b: {  	_ =	shalt  }
0x5c: {  	_ =	shalt  }
0x5d: {  	_ =	shalt  }
0x5e: {  	_ =	shalt  }
0x5f: {  	_ =	shalt  }
0x60: {  	_ =	shalt  }
0x61: {  	_ =	shalt  }
0x62: {  	_ =	shalt  }
0x63: {  	_ =	shalt  }
0x64: {  	_ =	shalt  }
0x65: {  	_ =	shalt  }
0x66: {  	_ =	shalt  }
0x67: {  	_ =	shalt  }
0x68: {  	_ =	shalt  }
0x69: {  	_ =	shalt  }
0x6a: {  	_ =	shalt  }
0x6b: {  	_ =	shalt  }
0x6c: {  	_ =	shalt  }
0x6d: {  	_ =	shalt  }
0x6e: {  	_ =	shalt  }
0x6f: {  	_ =	shalt  }
0x70: {  	_ =	shalt  }
0x71: {  	_ =	shalt  }
0x72: {  	_ =	shalt  }
0x73: {  	_ =	shalt  }
0x74: {  	_ =	shalt  }
0x75: {  	_ =	shalt  }
0x76: {  	_ =	shalt  }
0x77: {  	_ =	shalt  }
0x78: {  	_ =	shalt  }
0x79: {  	_ =	shalt  }
0x7a: {  	_ =	shalt  }
0x7b: {  	_ =	shalt  }
0x7c: {  	_ =	shalt  }
0x7d: {  	_ =	shalt  }
0x7e: {  	_ =	shalt  }
0x7f: {  	_ =	shalt  }
0x80: {  	_ =	shalt  }
0x81: {  	_ =	shalt  }
0x82: {  	_ =	shalt  }
0x83: {  	_ =	shalt  }
0x84: {  	_ =	shalt  }
0x85: {  	_ =	shalt  }
0x86: {  	_ =	shalt  }
0x87: {  	_ =	shalt  }
.Lfunc_end0:
.L_simem_size_0:
called_computation.1_lowered:
.L_overlay_start_0:
0x88: {  	s2 =	sld [smem:$0x3FD9]  }
0x89: {  	s3 =	sld [smem:$0x3FFE];
	_ =	sdelay $0x1  }
0x8a: {  	s1 =	srdreg.scid  }
0x8b: {  	s0 =	sand.u32 $0x1, s1  }
0x8c: {  	s16 =	sshll.u32 s0, $0xA;
	s2 =	sadd.s32 s3, s2  }
0x8d: {  	s2 =	sadd.s32 s2, s16  }
0x8e: {  	[smem:$0x3FBD] =	sst s2  }
0x8f: {  	_ = 	snop  }
0x90: {  	(tm) =	ssettm $0x1  }
0x91: {  	s17 =	sld [smem:$0x3FFB];
	_ =	sdelay $0x3  }
0x92: {  	_ =	strace s17  }
0x93: {  	s2 =	sld [smem:$0x3FFC];
	_ =	sdelay $0x3  }
0x94: {  	_ =	strace s2  }
0x95: {  	s2 =	sld [smem:$0x3FFD];
	_ =	sdelay $0x3  }
0x96: {  	_ =	strace s2  }
0x97: {  	_ =	strace $0x8FFFFFFF  }
0x98: {  	s18 =	sld [smem:$0x3FDB];
	_ =	sdelay $0x1  }
0x99: {  	s19 =	simm.s32 $_scs_section_size  }
0x9a: {  	s4 =	simm.s32 $_size__tile_overlayer_lowered;
	s5 =	simm.s32 $_tile_overlayer_lowered  }
0x9b: {  	s22 =	simm.s32 $0x1BFF;
	s21 =	sshll.u32 s5, $0x1;
	s2 =	sadd.s32 s19, s18  }
0x9c: {  	s6 =	simm.s32 $0x0;
	s20 =	sshll.u32 s4, $0x1;
	s4 =	sadd.s32 s21, s2  }
0x9d: {  	[timem:s6], [sflag:s22] =	dma.local [hbm:s4], s20  }
0x9e: {  	_ =	swait.ge [sflag:s22], s20  }
0x9f: {  	s3 =	ssub.s32 $0x0, s20;
	[sflag:s22] =	ssyncset.done $0x0  }
0xa0: {  	[sflag:s22] =	ssyncadd.s32 s3;
	_ =	sdelay $0x1  }
0xa1: {  	s23 =	simm.s32 $0x1B8B  }
0xa2: {  	_ =	swait.ge [sflag:s23], $0x1  }
0xa3: {  	[sflag:s23] =	ssyncset.done $0x0  }
0xa4: {  	s25 =	simm.s32 $0x1B8E;
	s24 =	sld [smem:$0x3FFE];
	[sflag:s23] =	ssyncadd.s32 $0xFFFFFFFF  }
0xa5: {  	s26 =	simm.s32 $execute0_lowered;
	[smem:$0x3FD2] =	sst s25  }
0xa6: {  	s4 =	sshll.u32 s26, $0x1;
	_ =	strace $0x80000046;
	[dreg:$0x1] =	wrdreg $0xFFFFFFFF  }
0xa7: {  	s28 =	simm.s32 $_size_execute0_lowered;
	s2 =	sadd.s32 s2, s4;
	[dreg:$0x0] =	wrdreg $0x0  }
0xa8: {  	s4 =	sshll.u32 s28, $0x1;
	[dreg:$0x2] =	wrdreg s2  }
0xa9: {  	[dreg:$0x3] =	wrdreg s4  }
0xaa: {  	[dreg:$0x4] =	wrdreg $0xC0  }
0xab: {  	_ =	task [dreg:s6], $0x5FFFF  }
0xac: {  	[dreg:$0x1] =	wrdreg $0xFFFFFFFF  }
0xad: {  	[dreg:$0x0] =	wrdreg $0x60  }
0xae: {  	[dreg:$0x2] =	wrdreg s24  }
0xaf: {  	[dreg:$0x3] =	wrdreg $0xF8000  }
0xb0: {  	[dreg:$0x4] =	wrdreg $0xA  }
0xb1: {  	_ =	task.clear_ibuf [dreg:s6], $0x5FFFF;
	_ =	strace $0x90000046  }
0xb2: {  	s29 =	simm.s32 $0xA;
	_ =	strace $0x80000048  }
0xb3: {  	_ =	swait.ge [sflag:s29], $0x1  }
0xb4: {  	[sflag:s29] =	ssyncadd.s32 $0xFFFFFFFF  }
0xb5: {  	_ =	strace $0x90000048  }
0xb6: {  	_ =	sfence  }
0xb7: {  	s30 =	sld [smem:$0x0];
	_ =	sdelay $0x2  }
0xb8: {  	s31 =	sshll.u32 s1, $0xD;
	s1 =	sshrl.u32 s1, $0x2  }
0xb9: {  	s3 =	sand.u32 $0x4000, s31;
	s1 =	sadd.s32 s1, s30  }
0xba: {  	s0 =	sor.u32 s3, s0;
	s1 =	sshll.u32 s1, $0x11  }
0xbb: {  	s0 =	sor.u32 s1, s0  }
0xbc: {  	s0 =	sadd.s32 $0x8F2B, s0  }
0xbd: {  	[sflag:s0] =	ssyncadd.remote.s32 $0x1  }
0xbe: {  	_ =	sfence.sel $0xFFFF  }
0xbf: {  	[dreg:$0x0] =	wrdreg $0xFFFFFFFF;
	(pc) =	sbr.abs _section_cstart, $3  }
0xc0: {  	[dreg:$0x1] =	wrdreg $0xFFFFFFFF  }
0xc1: {  	_ =	task.clear_ibuf [dreg:s6], $0x2FFFF;
	_ =	strace $0x9FFFFFFF  }
0xc2: {  	(tm) =	ssettm $0x7FFFFFFF  }
0xc3: {  	_ =	shalt  }
tec
execute0_lowered:
.L_overlay_start_1:
0x0: {  	(tag) =	ssettag $0x1  }
0x1: {  	s11 =	stileid.u32;
	s3 =	rddreg [dreg:$0x0]  }
0x2: {  	s0 =	srdreg.scid;
	s2 =	rddreg [dreg:$0x1];
	s5 =	simm.s32 $0x0  }
0x3: {  	s9 =	simm.s32 $0x1E;
	s17 =	simm.s32 $0x9;
	s28 =	simm.s32 $0x7800  }
0x4: {  	s30 =	simm.s32 $0x9800;
	s29 =	simm.s32 $0xD800;
	s1 =	smul.u32 $0x28, s11  }
0x5: {  	s31 =	simm.s32 $0x2;
	s0 =	sand.u32 $0x1, s0;
	s4 =	smul.u32 $0x78, s11  }
0x6: {  	[smem:$0x7FF] =	sst s5;
	s5 =	sadd.s32 $0x16000, s3;
	s6 =	smul.u32 $0x28000, s11  }
0x7: {  	s10 =	smul.u32 $0x280, s11;
	s24 =	sshll.u32 s11, $0x6;
	p0 =	seq.s32 s0, $0x0  }
0x8: {  	_ =	strace $0x80000047;
	s7 =	ssub.s32 $0x2, s0;
	s0 =	smul.u32 $0x2800, s0  }
0x9: {  	s1 =	sadd.s32 $0x780, s1;
	s8 =	sshrl.u32 s7, $0x1;
	s9 =	simm.s32 @!p0 $0xA  }
0xa: {  	s6 =	sshrl.u32 s6, $0x2;
	s18 =	sadd.s32 $0x80, s10;
	s14 =	sadd.s32 $0x100, s10  }
0xb: {  	s21 =	sadd.s32 $0x180, s10;
	s1 =	smov.u32 @p0 s4;
	s4 =	sadd.s32 $0x2600, s3  }
0xc: {  	s7 =	ssub.s32 s7, s8;
	s23 =	sadd.s32 $0xFFFFFFFF, s9;
	s12 =	sadd.s32 s6, s2  }
0xd: {  	s25 =	sadd.s32 s0, s10;
	s8 =	sor.u32 $0x1C09, s24;
	s13 =	sadd.s32 s0, s18  }
0xe: {  	s11 =	sshll.u32 s18, $0x6;
	s15 =	sadd.s32 s0, s14;
	s20 =	sshll.u32 s14, $0x6  }
0xf: {  	s22 =	sadd.s32 s0, s21;
	s10 =	sadd.s32 $0x200, s10;
	s14 =	sshll.u32 s21, $0x6  }
0x10: {  	s24 =	sshll.u32 s9, $0xC;
	s9 =	simm.s32 $0x4;
	s1 =	sshll.u32 s1, $0x5  }
0x11: {  	[dreg:$0x3] =	wrdreg s23;
	s26 =	sshll.u32 s25, $0x3;
	s6 =	smax.u32 s7, $0x1  }
0x12: {  	s7 =	sadd.s32 $0x2000, s12;
	s25 =	sadd.s32 $0x4000, s12;
	[dreg:$0x4] =	wrdreg s12  }
0x13: {  	s13 =	sshll.u32 s13, $0x3;
	s11 =	sadd.s32 s11, s2;
	s19 =	sshll.u32 s15, $0x3  }
0x14: {  	s15 =	sshll.u32 s22, $0x3;
	s0 =	sadd.s32 s0, s10;
	s14 =	sadd.s32 s14, s2  }
0x15: {  	s23 =	sshll.u32 s10, $0x6;
	s16 =	sadd.s32 $0xFFFFE000, s24;
	s10 =	simm.s32 $0x7  }
0x16: {  	s1 =	sadd.s32 s1, s3;
	s3 =	sadd.s32 $0x2A400, s3;
	[dreg:$0x7] =	wrdreg s6  }
0x17: {  	s0 =	sshll.u32 s0, $0x3;
	s25 =	sshrl.u32 s25, $0x3;
	s22 =	sshrl.u32 s11, $0x3  }
0x18: {  	s24 =	sshrl.u32 s14, $0x3;
	s1 =	sadd.s32 $0x16400, s1;
	[dreg:$0xd] =	wrdreg s25  }
0x19: {  	s6 =	simm.s32 $0x3;
	s13 =	sadd.s32 s3, s13;
	[dreg:$0x5] =	wrdreg s1  }
0x1a: {  	s11 =	simm.s32 $0x8;
	s15 =	sadd.s32 s3, s15;
	[dreg:$0x8] =	wrdreg s13  }
0x1b: {  	s0 =	sadd.s32 s3, s0;
	s1 =	sadd.s32 s3, s26;
	[dreg:$0xa] =	wrdreg s15  }
0x1c: {  	s26 =	sadd.s32 $0x6000, s12;
	s12 =	sadd.s32 $0x8000, s12;
	[dreg:$0xb] =	wrdreg s0  }
0x1d: {  	s13 =	sadd.s32 s3, s19;
	s0 =	sadd.s32 s23, s2;
	[dreg:$0x6] =	wrdreg s1  }
0x1e: {  	s3 =	simm.s32 $0x6;
	[dreg:$0x9] =	wrdreg s13;
	s13 =	sadd.s32 s20, s2  }
0x1f: {  	s1 =	sshrl.u32 s7, $0x3;
	s26 =	sshrl.u32 s26, $0x3;
	s21 =	sshrl.u32 s12, $0x3  }
0x20: {  	s25 =	sshrl.u32 s0, $0x3;
	s0 =	simm.s32 $0x5;
	[dreg:$0xc] =	wrdreg s1  }
0x21: {  	s12 =	simm.s32 $0x1;
	[dreg:$0xe] =	wrdreg s26;
	s23 =	sshrl.u32 s13, $0x3  }
0x22: {  	s26 =	simm.s32 $0x80;
	s1 =	simm.s32 $0xB800;
	s13 =	simm.s32 $0x0  }
.LBB2_1:
0x23: {  	s7 =	rddreg [dreg:$0x4]  }
0x24: {  	s14 =	sshrl.u32 s7, $0x3  }
0x25: {  	[spmem:s14], [sflag:s8] =	dma.local [hbm:s5], $0x400  }
0x26: {  	_ =	swait.ge [sflag:s17], $0x400  }
0x27: {  	[sflag:s17] =	ssyncset.done $0x0  }
0x28: {  	s15 =	rddreg [dreg:$0xc];
	[sflag:s17] =	ssyncadd.s32 $0xFFFFFC00  }
0x29: {  	[spmem:s15], [sflag:s8] =	dma.local [hbm:s5], $0x400  }
0x2a: {  	_ =	swait.ge [sflag:s17], $0x400  }
0x2b: {  	[sflag:s17] =	ssyncset.done $0x0  }
0x2c: {  	s18 =	rddreg [dreg:$0xd];
	[sflag:s17] =	ssyncadd.s32 $0xFFFFFC00  }
0x2d: {  	[spmem:s18], [sflag:s8] =	dma.local [hbm:s5], $0x400  }
0x2e: {  	_ =	swait.ge [sflag:s17], $0x400  }
0x2f: {  	[sflag:s17] =	ssyncset.done $0x0  }
0x30: {  	s19 =	rddreg [dreg:$0xe];
	[sflag:s17] =	ssyncadd.s32 $0xFFFFFC00  }
0x31: {  	[spmem:s19], [sflag:s8] =	dma.local [hbm:s5], $0x400  }
0x32: {  	_ =	swait.ge [sflag:s17], $0x400  }
0x33: {  	[sflag:s17] =	ssyncset.done $0x0  }
0x34: {  	[sflag:s17] =	ssyncadd.s32 $0xFFFFFC00  }
0x35: {  	[spmem:s21], [sflag:s8] =	dma.local [hbm:s5], $0x400  }
0x36: {  	_ =	swait.ge [sflag:s17], $0x400  }
0x37: {  	[sflag:s17] =	ssyncset.done $0x0  }
0x38: {  	s20 =	simm.s32 $0x0;
	s15 =	rddreg [dreg:$0x5];
	[sflag:s17] =	ssyncadd.s32 $0xFFFFFC00  }
0x39: {  	[tilespmem:s20], [sflag:$0x9] =	stream.linear.gather [hbm4b:s15+s20], $0x7800, $0x38;
	[tilespmem:$0x19800] =	vst v63  }
0x3a: {  	_ =	swait.ge [sflag:s17], $0x7800  }
0x3b: {  	[sflag:s17] =	ssyncset.done $0x0  }
0x3c: {  	[sflag:s17] =	ssyncadd.s32 $0xFFFF8800  }
0x3d: {  	[bflag:$0x0] =	sbarrier.arrive $0xFFFF  }
0x3e: {  	[tilespmem:s28], [sflag:$0x1] =	stream.indirect.gather [hbm4b:s4+s26], $0x40, s20, s26, $0xb8;
	[tilespmem:$0x19800] =	vst v63  }
0x3f: {  	s18 =	simm.s32 $0x100  }
0x40: {  	[tilespmem:s30], [sflag:$0x2] =	stream.indirect.gather [hbm4b:s4+s26], $0x40, s18, s26, $0xb8;
	[tilespmem:$0x19800] =	vst v63  }
0x41: {  	s19 =	simm.s32 $0x200  }
0x42: {  	[tilespmem:s1], [sflag:$0x3] =	stream.indirect.gather [hbm4b:s4+s26], $0x40, s19, s26, $0xb8;
	[tilespmem:$0x19800] =	vst v63  }
0x43: {  	s20 =	simm.s32 $0x300  }
0x44: {  	[tilespmem:s29], [sflag:$0x4] =	stream.indirect.gather [hbm4b:s4+s26], $0x40, s20, s26, $0xb8;
	[tilespmem:$0x19800] =	vst v63  }
0x45: {  	_ =	swait.ge [sflag:s12], $0x2000  }
0x46: {  	[sflag:s12] =	ssyncset.done $0x0  }
0x47: {  	[sflag:s12] =	ssyncadd.s32 $0xFFFFE000  }
0x48: {  	[spmem:s2] =	stream.indirect.scatter.add.bf16 [tilespmem:s28], [sflag:$0x5], $0x40, s26, s26, $0xb8;
	[tilespmem:$0x19800] =	vst v63  }
0x49: {  	_ =	swait.ge [sflag:s31], $0x2000  }
0x4a: {  	[sflag:s31] =	ssyncset.done $0x0  }
0x4b: {  	s15 =	simm.s32 $0x180;
	[sflag:s31] =	ssyncadd.s32 $0xFFFFE000  }
0x4c: {  	[spmem:s2] =	stream.indirect.scatter.add.bf16 [tilespmem:s30], [sflag:$0x6], $0x40, s15, s26, $0xb8;
	[tilespmem:$0x19800] =	vst v63  }
0x4d: {  	_ =	swait.ge [sflag:s0], $0x2000  }
0x4e: {  	[sflag:s0] =	ssyncset.done $0x0  }
0x4f: {  	s18 =	simm.s32 $0x400;
	[sflag:s0] =	ssyncadd.s32 $0xFFFFE000  }
0x50: {  	[tilespmem:s28], [sflag:$0x1] =	stream.indirect.gather [hbm4b:s4+s26], $0x40, s18, s26, $0xb8;
	[tilespmem:$0x19800] =	vst v63  }
0x51: {  	_ =	swait.ge [sflag:s3], $0x2000  }
0x52: {  	[sflag:s3] =	ssyncset.done $0x0  }
0x53: {  	s19 =	simm.s32 $0x500;
	[sflag:s3] =	ssyncadd.s32 $0xFFFFE000  }
0x54: {  	[tilespmem:s30], [sflag:$0x2] =	stream.indirect.gather [hbm4b:s4+s26], $0x40, s19, s26, $0xb8;
	[tilespmem:$0x19800] =	vst v63  }
0x55: {  	_ =	swait.ge [sflag:s6], $0x2000  }
0x56: {  	[sflag:s6] =	ssyncset.done $0x0  }
0x57: {  	s20 =	simm.s32 $0x280;
	[sflag:s6] =	ssyncadd.s32 $0xFFFFE000  }
0x58: {  	[spmem:s2] =	stream.indirect.scatter.add.bf16 [tilespmem:s1], [sflag:$0x7], $0x40, s20, s26, $0xb8;
	[tilespmem:$0x19800] =	vst v63  }
0x59: {  	_ =	swait.ge [sflag:s9], $0x2000  }
0x5a: {  	[sflag:s9] =	ssyncset.done $0x0  }
0x5b: {  	s15 =	simm.s32 $0x380;
	[sflag:s9] =	ssyncadd.s32 $0xFFFFE000  }
0x5c: {  	[spmem:s2] =	stream.indirect.scatter.add.bf16 [tilespmem:s29], [sflag:$0x8], $0x40, s15, s26, $0xb8;
	[tilespmem:$0x19800] =	vst v63  }
0x5d: {  	_ =	swait.ge [sflag:s10], $0x2000  }
0x5e: {  	[sflag:s10] =	ssyncset.done $0x0  }
0x5f: {  	s18 =	simm.s32 $0x600;
	[sflag:s10] =	ssyncadd.s32 $0xFFFFE000  }
0x60: {  	[tilespmem:s1], [sflag:$0x3] =	stream.indirect.gather [hbm4b:s4+s26], $0x40, s18, s26, $0xb8;
	[tilespmem:$0x19800] =	vst v63  }
0x61: {  	_ =	swait.ge [sflag:s11], $0x2000  }
0x62: {  	[sflag:s11] =	ssyncset.done $0x0  }
0x63: {  	s19 =	simm.s32 $0x700;
	[sflag:s11] =	ssyncadd.s32 $0xFFFFE000  }
0x64: {  	[tilespmem:s29], [sflag:$0x4] =	stream.indirect.gather [hbm4b:s4+s26], $0x40, s19, s26, $0xb8;
	[tilespmem:$0x19800] =	vst v63  }
0x65: {  	_ =	swait.ge [sflag:s12], $0x2000  }
0x66: {  	[sflag:s12] =	ssyncset.done $0x0  }
0x67: {  	s20 =	simm.s32 $0x480;
	[sflag:s12] =	ssyncadd.s32 $0xFFFFE000  }
0x68: {  	[spmem:s2] =	stream.indirect.scatter.add.bf16 [tilespmem:s28], [sflag:$0x5], $0x40, s20, s26, $0xb8;
	[tilespmem:$0x19800] =	vst v63  }
0x69: {  	_ =	swait.ge [sflag:s31], $0x2000  }
0x6a: {  	[sflag:s31] =	ssyncset.done $0x0  }
0x6b: {  	s15 =	simm.s32 $0x580;
	[sflag:s31] =	ssyncadd.s32 $0xFFFFE000  }
0x6c: {  	[spmem:s2] =	stream.indirect.scatter.add.bf16 [tilespmem:s30], [sflag:$0x6], $0x40, s15, s26, $0xb8;
	[tilespmem:$0x19800] =	vst v63  }
0x6d: {  	_ =	swait.ge [sflag:s0], $0x2000  }
0x6e: {  	[sflag:s0] =	ssyncset.done $0x0  }
0x6f: {  	s18 =	simm.s32 $0x800;
	[sflag:s0] =	ssyncadd.s32 $0xFFFFE000  }
0x70: {  	[tilespmem:s28], [sflag:$0x1] =	stream.indirect.gather [hbm4b:s4+s26], $0x40, s18, s26, $0xb8;
	[tilespmem:$0x19800] =	vst v63  }
0x71: {  	_ =	swait.ge [sflag:s3], $0x2000  }
0x72: {  	[sflag:s3] =	ssyncset.done $0x0  }
0x73: {  	s19 =	simm.s32 $0x900;
	[sflag:s3] =	ssyncadd.s32 $0xFFFFE000  }
0x74: {  	[tilespmem:s30], [sflag:$0x2] =	stream.indirect.gather [hbm4b:s4+s26], $0x40, s19, s26, $0xb8;
	[tilespmem:$0x19800] =	vst v63  }
0x75: {  	_ =	swait.ge [sflag:s6], $0x2000  }
0x76: {  	p0 =	sne.s32 s16, $0x1000;
	[sflag:s6] =	ssyncset.done $0x0  }
.Ltmp0:
0x77: {  	s20 =	simm.s32 $0x680;
	[sflag:s6] =	ssyncadd.s32 $0xFFFFE000;
	(pc) =	sbr.rel @!p0 .LBB2_3-.Ltmp0, $4  }
0x78: {  	[spmem:s2] =	stream.indirect.scatter.add.bf16 [tilespmem:s1], [sflag:$0x7], $0x40, s20, s26, $0xb8;
	[tilespmem:$0x19800] =	vst v63  }
0x79: {  	_ =	swait.ge [sflag:s9], $0x2000  }
0x7a: {  	s7 =	simm.s32 $0x2;
	[sflag:s9] =	ssyncset.done $0x0  }
0x7b: {  	s15 =	simm.s32 $0x1000;
	s18 =	simm.s32 $0x780;
	[sflag:s9] =	ssyncadd.s32 $0xFFFFE000  }
.LBB2_2:
0x7c: {  	[spmem:s2] =	stream.indirect.scatter.add.bf16 [tilespmem:s29], [sflag:$0x8], $0x40, s18, s26, $0xb8;
	[tilespmem:$0x19800] =	vst v63  }
0x7d: {  	s18 =	smov.u32 s15;
	s15 =	sadd.s32 $0x1000, s15;
	_ =	swait.ge [sflag:s10], $0x2000  }
0x7e: {  	s18 =	sshra.s32 s18, $0x2;
	p0 =	sne.s32 s16, s15;
	[sflag:s10] =	ssyncset.done $0x0  }
0x7f: {  	s19 =	sadd.s32 $0x600, s18;
	[sflag:s10] =	ssyncadd.s32 $0xFFFFE000  }
0x80: {  	[tilespmem:s1], [sflag:$0x3] =	stream.indirect.gather [hbm4b:s4+s26], $0x40, s19, s26, $0xb8;
	[tilespmem:$0x19800] =	vst v63  }
0x81: {  	_ =	swait.ge [sflag:s11], $0x2000  }
0x82: {  	[sflag:s11] =	ssyncset.done $0x0  }
0x83: {  	s19 =	sadd.s32 $0x700, s18;
	[sflag:s11] =	ssyncadd.s32 $0xFFFFE000  }
0x84: {  	[tilespmem:s29], [sflag:$0x4] =	stream.indirect.gather [hbm4b:s4+s26], $0x40, s19, s26, $0xb8;
	[tilespmem:$0x19800] =	vst v63  }
0x85: {  	_ =	swait.ge [sflag:s12], $0x2000  }
0x86: {  	[sflag:s12] =	ssyncset.done $0x0  }
0x87: {  	s19 =	sadd.s32 $0x480, s18;
	[sflag:s12] =	ssyncadd.s32 $0xFFFFE000  }
0x88: {  	[spmem:s2] =	stream.indirect.scatter.add.bf16 [tilespmem:s28], [sflag:$0x5], $0x40, s19, s26, $0xb8;
	[tilespmem:$0x19800] =	vst v63  }
0x89: {  	_ =	swait.ge [sflag:s31], $0x2000  }
0x8a: {  	[sflag:s31] =	ssyncset.done $0x0  }
0x8b: {  	s19 =	sadd.s32 $0x580, s18;
	[sflag:s31] =	ssyncadd.s32 $0xFFFFE000  }
0x8c: {  	[spmem:s2] =	stream.indirect.scatter.add.bf16 [tilespmem:s30], [sflag:$0x6], $0x40, s19, s26, $0xb8;
	[tilespmem:$0x19800] =	vst v63  }
0x8d: {  	_ =	swait.ge [sflag:s0], $0x2000  }
0x8e: {  	[sflag:s0] =	ssyncset.done $0x0  }
0x8f: {  	s19 =	sadd.s32 $0x800, s18;
	[sflag:s0] =	ssyncadd.s32 $0xFFFFE000  }
0x90: {  	[tilespmem:s28], [sflag:$0x1] =	stream.indirect.gather [hbm4b:s4+s26], $0x40, s19, s26, $0xb8;
	[tilespmem:$0x19800] =	vst v63  }
0x91: {  	_ =	swait.ge [sflag:s3], $0x2000  }
0x92: {  	[sflag:s3] =	ssyncset.done $0x0  }
0x93: {  	s19 =	sadd.s32 $0x900, s18;
	[sflag:s3] =	ssyncadd.s32 $0xFFFFE000  }
0x94: {  	[tilespmem:s30], [sflag:$0x2] =	stream.indirect.gather [hbm4b:s4+s26], $0x40, s19, s26, $0xb8;
	[tilespmem:$0x19800] =	vst v63  }
0x95: {  	_ =	swait.ge [sflag:s6], $0x2000  }
0x96: {  	[sflag:s6] =	ssyncset.done $0x0  }
.Ltmp1:
0x97: {  	s19 =	sadd.s32 $0x680, s18;
	[sflag:s6] =	ssyncadd.s32 $0xFFFFE000;
	(pc) =	sbr.rel @p0 .LBB2_2-.Ltmp1, $4  }
0x98: {  	[spmem:s2] =	stream.indirect.scatter.add.bf16 [tilespmem:s1], [sflag:$0x7], $0x40, s19, s26, $0xb8;
	[tilespmem:$0x19800] =	vst v63  }
0x99: {  	_ =	swait.ge [sflag:s9], $0x2000  }
0x9a: {  	[sflag:s9] =	ssyncset.done $0x0  }
0x9b: {  	s7 =	sadd.s32 $0x1, s7;
	s18 =	sadd.s32 $0x780, s18;
	[sflag:s9] =	ssyncadd.s32 $0xFFFFE000  }
.LBB2_3:
0x9c: {  	[spmem:s2] =	stream.indirect.scatter.add.bf16 [tilespmem:s29], [sflag:$0x8], $0x40, s18, s26, $0xb8;
	[tilespmem:$0x19800] =	vst v63  }
0x9d: {  	_ =	swait.ge [sflag:s10], $0x2000  }
0x9e: {  	s18 =	sshra.s32 s15, $0x2;
	[sflag:s10] =	ssyncset.done $0x0  }
0x9f: {  	s19 =	sadd.s32 $0x600, s18;
	[sflag:s10] =	ssyncadd.s32 $0xFFFFE000  }
0xa0: {  	[tilespmem:s1], [sflag:$0x3] =	stream.indirect.gather [hbm4b:s4+s26], $0x40, s19, s26, $0xb8;
	[tilespmem:$0x19800] =	vst v63  }
0xa1: {  	_ =	swait.ge [sflag:s11], $0x2000  }
0xa2: {  	[sflag:s11] =	ssyncset.done $0x0  }
0xa3: {  	s20 =	sadd.s32 $0x700, s18;
	[sflag:s11] =	ssyncadd.s32 $0xFFFFE000  }
0xa4: {  	[tilespmem:s29], [sflag:$0x4] =	stream.indirect.gather [hbm4b:s4+s26], $0x40, s20, s26, $0xb8;
	[tilespmem:$0x19800] =	vst v63  }
0xa5: {  	_ =	swait.ge [sflag:s12], $0x2000  }
0xa6: {  	[sflag:s12] =	ssyncset.done $0x0  }
0xa7: {  	s20 =	sadd.s32 $0x480, s18;
	[sflag:s12] =	ssyncadd.s32 $0xFFFFE000  }
0xa8: {  	[spmem:s2] =	stream.indirect.scatter.add.bf16 [tilespmem:s28], [sflag:$0x5], $0x40, s20, s26, $0xb8;
	[tilespmem:$0x19800] =	vst v63  }
0xa9: {  	_ =	swait.ge [sflag:s31], $0x2000  }
0xaa: {  	[sflag:s31] =	ssyncset.done $0x0  }
0xab: {  	s20 =	sadd.s32 $0x580, s18;
	[sflag:s31] =	ssyncadd.s32 $0xFFFFE000  }
0xac: {  	[spmem:s2] =	stream.indirect.scatter.add.bf16 [tilespmem:s30], [sflag:$0x6], $0x40, s20, s26, $0xb8;
	[tilespmem:$0x19800] =	vst v63  }
0xad: {  	s20 =	rddreg [dreg:$0x3]  }
0xae: {  	p0 =	sge.u32 s7, s20  }
0xaf: {  	s7 =	simm.s32 @!p0 $0x5  }
0xb0: {  	_ =	swait.ge @!p0 [sflag:s7], $0x2000  }
0xb1: {  	[sflag:s7] =	ssyncset.done @!p0 $0x0  }
0xb2: {  	[sflag:s7] =	ssyncadd.s32 @!p0 $0xFFFFE000;
	s7 =	sshra.s32 @!p0 s15, $0x2  }
0xb3: {  	s19 =	simm.s32 @!p0 $0x80;
	s20 =	simm.s32 @!p0 $0x7800;
	s15 =	sadd.s32 @!p0 $0x800, s7  }
0xb4: {  	[tilespmem:s20], [sflag:$0x1] =	stream.indirect.gather @!p0 [hbm4b:s4+s19], $0x40, s15, s19, $0xb8;
	[tilespmem:$0x19800] =	vst v63  }
0xb5: {  	s15 =	simm.s32 @!p0 $0x6  }
0xb6: {  	_ =	swait.ge @!p0 [sflag:s15], $0x2000  }
0xb7: {  	[sflag:s15] =	ssyncset.done @!p0 $0x0  }
0xb8: {  	s7 =	sadd.s32 @!p0 $0x900, s7;
	[sflag:s15] =	ssyncadd.s32 @!p0 $0xFFFFE000;
	s15 =	simm.s32 @!p0 $0x9800  }
0xb9: {  	[tilespmem:s15], [sflag:$0x2] =	stream.indirect.gather @!p0 [hbm4b:s4+s19], $0x40, s7, s19, $0xb8;
	[tilespmem:$0x19800] =	vst v63  }
0xba: {  	_ =	swait.ge [sflag:s6], $0x2000  }
0xbb: {  	[sflag:s6] =	ssyncset.done $0x0  }
0xbc: {  	s15 =	sadd.s32 $0x680, s18;
	[sflag:s6] =	ssyncadd.s32 $0xFFFFE000  }
0xbd: {  	[spmem:s2] =	stream.indirect.scatter.add.bf16 [tilespmem:s1], [sflag:$0x7], $0x40, s15, s26, $0xb8;
	[tilespmem:$0x19800] =	vst v63  }
0xbe: {  	_ =	swait.ge [sflag:s9], $0x2000  }
0xbf: {  	[sflag:s9] =	ssyncset.done $0x0  }
0xc0: {  	s19 =	sadd.s32 $0x780, s18;
	[sflag:s9] =	ssyncadd.s32 $0xFFFFE000  }
0xc1: {  	[spmem:s2] =	stream.indirect.scatter.add.bf16 [tilespmem:s29], [sflag:$0x8], $0x40, s19, s26, $0xb8;
	[tilespmem:$0x19800] =	vst v63  }
0xc2: {  	_ =	swait.ge [sflag:s0], $0x2000  }
0xc3: {  	[sflag:s0] =	ssyncset.done $0x0  }
0xc4: {  	[sflag:s0] =	ssyncadd.s32 $0xFFFFE000  }
0xc5: {  	_ =	swait.ge [sflag:s10], $0x2000  }
0xc6: {  	[sflag:s10] =	ssyncset.done $0x0  }
0xc7: {  	[sflag:s10] =	ssyncadd.s32 $0xFFFFE000  }
0xc8: {  	_ =	swait.ge [sflag:s3], $0x2000  }
0xc9: {  	[sflag:s3] =	ssyncset.done $0x0  }
0xca: {  	[sflag:s3] =	ssyncadd.s32 $0xFFFFE000  }
0xcb: {  	_ =	swait.ge [sflag:s11], $0x2000  }
0xcc: {  	[sflag:s11] =	ssyncset.done $0x0  }
0xcd: {  	[sflag:s11] =	ssyncadd.s32 $0xFFFFE000  }
0xce: {  	[bflag:$0x0] =	sbarrier.arrive $0xFFFF  }
0xcf: {  	s20 =	rddreg [dreg:$0x6]  }
0xd0: {  	[hbm:s20], [sflag:s8] =	dma.local [spmem:s14], $0x400  }
0xd1: {  	_ =	swait.ge [sflag:s17], $0x400  }
0xd2: {  	[sflag:s17] =	ssyncset.done $0x0  }
0xd3: {  	s14 =	rddreg [dreg:$0x8];
	[sflag:s17] =	ssyncadd.s32 $0xFFFFFC00  }
0xd4: {  	[hbm:s14], [sflag:s8] =	dma.local [spmem:s22], $0x400  }
0xd5: {  	_ =	swait.ge [sflag:s17], $0x400  }
0xd6: {  	[sflag:s17] =	ssyncset.done $0x0  }
0xd7: {  	s15 =	rddreg [dreg:$0x9];
	[sflag:s17] =	ssyncadd.s32 $0xFFFFFC00  }
0xd8: {  	[hbm:s15], [sflag:s8] =	dma.local [spmem:s23], $0x400  }
0xd9: {  	_ =	swait.ge [sflag:s17], $0x400  }
0xda: {  	[sflag:s17] =	ssyncset.done $0x0  }
0xdb: {  	s18 =	rddreg [dreg:$0xa];
	[sflag:s17] =	ssyncadd.s32 $0xFFFFFC00  }
0xdc: {  	[hbm:s18], [sflag:s8] =	dma.local [spmem:s24], $0x400  }
0xdd: {  	_ =	swait.ge [sflag:s17], $0x400  }
0xde: {  	[sflag:s17] =	ssyncset.done $0x0  }
0xdf: {  	s19 =	rddreg [dreg:$0xb];
	[sflag:s17] =	ssyncadd.s32 $0xFFFFFC00  }
0xe0: {  	[hbm:s19], [sflag:s8] =	dma.local [spmem:s25], $0x400  }
0xe1: {  	_ =	swait.ge [sflag:s17], $0x400  }
0xe2: {  	s13 =	sadd.s32 $0x1, s13;
	s20 =	rddreg [dreg:$0x7]  }
0xe3: {  	p0 =	sne.s32 s13, s20  }
.Ltmp2:
0xe4: {  	_ = 	snop;
	(pc) =	sbr.rel @p0 .LBB2_1-.Ltmp2, $3  }
0xe5: {  	_ =	sdelay $0x1  }
0xe6: {  	[sflag:s17] =	ssyncset.done $0x0  }
0xe7: {  	[sflag:s17] =	ssyncadd.s32 $0xFFFFFC00  }
0xe8: {  	_ =	sfence.sel $0x180000  }
0xe9: {  	[bflag:$0x0] =	sbarrier.arrive $0xFFFF  }
0xea: {  	_ =	strace $0x90000047  }
0xeb: {  	s0 =	stileid.u32;
	[bflag:$0x2] =	sbarrier.arrive $0xFFFF  }
0xec: {  	p0 =	sne.s32 s0, $0x0;
	s0 =	rddreg [dreg:$0x2]  }
0xed: {  	s0 =	sadd.s32 @!p0 $0x100000, s0  }
0xee: {  	[sflag:s0] =	ssyncadd.tile.s32 @!p0 $0x1;
	_ =	shalt  }
.Lfunc_end2:
_tile_overlayer_lowered:
.L_overlay_start_2:
0xef: {  	(tag) =	ssettag $0x2  }
0xf0: {  	s0 =	rddreg [dreg:$0x0];
	s2 =	stileid.u32  }
0xf1: {  	s1 =	rddreg [dreg:$0x1];
	p0 =	sne.s32 s2, $0x0  }
0xf2: {  	s3 =	rddreg [dreg:$0x2];
	[bflag:$0x3] =	sbarrier.arrive $0xFFFF;
	s2 =	simm.s32 @!p0 $0x1C09  }
0xf3: {  	[timem:s3], [sflag:s2] =	dma.local @!p0 [hbm:s0], s1  }
0xf4: {  	s0 =	simm.s32 @!p0 $0x9  }
0xf5: {  	_ =	swait.ge @!p0 [sflag:s0], s1  }
0xf6: {  	s1 =	ssub.s32 @!p0 $0x0, s1;
	[sflag:s0] =	ssyncset.done @!p0 $0x0  }
0xf7: {  	[sflag:s0] =	ssyncadd.s32 @!p0 s1  }
0xf8: {  	[bflag:$0x3] =	sbarrier.arrive $0xFFFF  }
0xf9: {  	_ =	shalt  }

// kernel: kernel.16.cloned.1.call-start
scs
__scs_entry_jumppad:
0x0: {  	(pc) =	sbr.rel $0x88, $3  }
0x1: {  	(tag) =	ssettag $0x0;
	lr =	simm.s32 $0x1  }
0x2: {  	[smem:$0x3F96] =	sst lr;
	_ =	strace $0xD0000000  }
0x3: {  	_ = 	snop  }
0x4: {  	_ = 	snop  }
0x5: {  	_ = 	snop  }
0x6: {  	_ = 	snop  }
0x7: {  	_ = 	snop  }
__scs_overlays_trampoline_lowered:
0x8: {  	[smem:$0x3FA5] =	sst s0  }
0x9: {  	[smem:$0x3FA6] =	sst s1  }
0xa: {  	[smem:$0x3FA7] =	sst s2  }
0xb: {  	[smem:$0x3FA8] =	sst s3  }
0xc: {  	[smem:$0x3FA9] =	sst s4  }
0xd: {  	[smem:$0x3FAA] =	sst s5  }
0xe: {  	[smem:$0x3FAB] =	sst s6  }
0xf: {  	[smem:$0x3FAC] =	sst s7  }
0x10: {  	[smem:$0x3FAD] =	sst s8  }
0x11: {  	[smem:$0x3FAE] =	sst s9;
	s0 =	simm.s32 @!p0 $0x0  }
0x12: {  	s1 =	sld [smem:$0x3F94];
	s0 =	simm.s32 @p0 $0x1  }
0x13: {  	[smem:$0x3FAF] =	sst s0;
	s0 =	simm.s32 @!p1 $0x0  }
0x14: {  	s2 =	sld [smem:$0x3F93];
	s0 =	simm.s32 @p1 $0x1  }
0x15: {  	[smem:$0x3FB0] =	sst s0;
	s0 =	simm.s32 @!p2 $0x0  }
0x16: {  	s3 =	sld [smem:$0x3FDB];
	s0 =	simm.s32 @p2 $0x1  }
0x17: {  	s4 =	simm.s32 $0x1BF5;
	[smem:$0x3FB2] =	sst s0  }
0x18: {  	s0 =	sld [smem:$0x3F95];
	_ =	swait.ge [sflag:s4], $0x0  }
0x19: {  	s7 =	sld [smem:$0x3F96]  }
0x1a: {  	s8 =	sadd.s32 $0xFFFFE003, lr  }
0x1b: {  	s9 =	sadd.s32 $0xFFFFFEF7, lr;
	s5 =	simm.s32 $0xFFFFFFFF;
	p2 =	slt.u32 s8, $0xFFFFF086  }
0x1c: {  	p1 =	slt.u32 s9, $0xF7A;
	s5 =	simm.s32 @!p2 $0x0  }
0x1d: {  	s5 =	simm.s32 @p1 $0x1;
	p0 =	seq.s32 s7, s2  }
0x1e: {  	s7 =	smul.u32 @!p0 $0xF7A, s2;
	p2 =	seq.s32 @!p0 s5, $0x0  }
0x1f: {  	s9 =	smul.u32 $0xF7A, s1;
	s8 =	simm.s32 @!p0 $0x1BF5;
	p2 =	por !p2, p0  }
0x20: {  	[sflag:s8] =	ssyncset.s32 @!p0 $0xFFFFF086;
	s6 =	sadd.s32 @!p0 s3, s7;
	s7 =	simm.s32 @!p0 $0x108  }
0x21: {  	s3 =	sadd.s32 s3, s9;
	s6 =	sadd.s32 @!p0 $0x88, s6;
	s7 =	simm.s32 @p2 $0x1082  }
0x22: {  	[simem:s7], [sflag:s8] =	dma.local @!p0 [hbm:s6], $0xF7A  }
0x23: {  	s9 =	sor.u32 $0xD0000000, s2;
	s6 =	simm.s32 $0x108;
	_ =	swait.ge @!p0 [sflag:s8], $0x0  }
0x24: {  	s3 =	sadd.s32 $0x88, s3;
	s6 =	simm.s32 @!p1 $0x1082;
	[sflag:s4] =	ssyncset.s32 $0xFFFFF086  }
0x25: {  	[simem:s6], [sflag:s4] =	dma.local [hbm:s3], $0xF7A  }
0x26: {  	[smem:$0x3F96] =	sst s1;
	(tag) =	ssettag s2;
	_ =	strace s9  }
0x27: {  	s1 =	sld [smem:$0x3FA6]  }
0x28: {  	s2 =	sld [smem:$0x3FA7]  }
0x29: {  	s4 =	sld [smem:$0x3FA9]  }
0x2a: {  	p0 =	seq.s32 s5, $0x0;
	s5 =	sld [smem:$0x3FAA]  }
0x2b: {  	s6 =	sld [smem:$0x3FAB]  }
0x2c: {  	s7 =	sld [smem:$0x3FAC]  }
0x2d: {  	s3 =	simm.s32 $0x108;
	s8 =	sld [smem:$0x3FAD]  }
0x2e: {  	s3 =	simm.s32 @!p0 $0x1082;
	s9 =	sld [smem:$0x3FAE]  }
0x2f: {  	lr =	sadd.s32 s0, s3;
	s0 =	sld [smem:$0x3FA5]  }
0x30: {  	s3 =	sld [smem:$0x3FA8]  }
0x31: {  	[smem:$0x3FB1] =	sst s10  }
0x32: {  	s10 =	sld [smem:$0x3FAF];
	_ =	sdelay $0x3  }
0x33: {  	p0 =	seq.s32 s10, $0x1;
	s10 =	sld [smem:$0x3FB1];
	_ =	sdelay $0x3  }
0x34: {  	[smem:$0x3FB1] =	sst s10  }
0x35: {  	s10 =	sld [smem:$0x3FB0];
	_ =	sdelay $0x3  }
0x36: {  	p1 =	seq.s32 s10, $0x1;
	s10 =	sld [smem:$0x3FB1];
	_ =	sdelay $0x3  }
0x37: {  	[smem:$0x3FB1] =	sst s10  }
0x38: {  	s10 =	sld [smem:$0x3FB2]  }
0x39: {  	_ = 	snop;
	(pc) =	sbr.ind lr, $3  }
0x3a: {  	_ = 	snop  }
0x3b: {  	_ = 	snop  }
0x3c: {  	p2 =	seq.s32 s10, $0x1;
	s10 =	sld [smem:$0x3FB1]  }
0x3d: {  	_ =	shalt  }
0x3e: {  	_ =	shalt  }
0x3f: {  	_ =	shalt  }
0x40: {  	_ =	shalt  }
0x41: {  	_ =	shalt  }
0x42: {  	_ =	shalt  }
0x43: {  	_ =	shalt  }
0x44: {  	_ =	shalt  }
0x45: {  	_ =	shalt  }
0x46: {  	_ =	shalt  }
0x47: {  	_ =	shalt  }
0x48: {  	_ =	shalt  }
0x49: {  	_ =	shalt  }
0x4a: {  	_ =	shalt  }
0x4b: {  	_ =	shalt  }
0x4c: {  	_ =	shalt  }
0x4d: {  	_ =	shalt  }
0x4e: {  	_ =	shalt  }
0x4f: {  	_ =	shalt  }
0x50: {  	_ =	shalt  }
0x51: {  	_ =	shalt  }
0x52: {  	_ =	shalt  }
0x53: {  	_ =	shalt  }
0x54: {  	_ =	shalt  }
0x55: {  	_ =	shalt  }
0x56: {  	_ =	shalt  }
0x57: {  	_ =	shalt  }
0x58: {  	_ =	shalt  }
0x59: {  	_ =	shalt  }
0x5a: {  	_ =	shalt  }
0x5b: {  	_ =	shalt  }
0x5c: {  	_ =	shalt  }
0x5d: {  	_ =	shalt  }
0x5e: {  	_ =	shalt  }
0x5f: {  	_ =	shalt  }
0x60: {  	_ =	shalt  }
0x61: {  	_ =	shalt  }
0x62: {  	_ =	shalt  }
0x63: {  	_ =	shalt  }
0x64: {  	_ =	shalt  }
0x65: {  	_ =	shalt  }
0x66: {  	_ =	shalt  }
0x67: {  	_ =	shalt  }
0x68: {  	_ =	shalt  }
0x69: {  	_ =	shalt  }
0x6a: {  	_ =	shalt  }
0x6b: {  	_ =	shalt  }
0x6c: {  	_ =	shalt  }
0x6d: {  	_ =	shalt  }
0x6e: {  	_ =	shalt  }
0x6f: {  	_ =	shalt  }
0x70: {  	_ =	shalt  }
0x71: {  	_ =	shalt  }
0x72: {  	_ =	shalt  }
0x73: {  	_ =	shalt  }
0x74: {  	_ =	shalt  }
0x75: {  	_ =	shalt  }
0x76: {  	_ =	shalt  }
0x77: {  	_ =	shalt  }
0x78: {  	_ =	shalt  }
0x79: {  	_ =	shalt  }
0x7a: {  	_ =	shalt  }
0x7b: {  	_ =	shalt  }
0x7c: {  	_ =	shalt  }
0x7d: {  	_ =	shalt  }
0x7e: {  	_ =	shalt  }
0x7f: {  	_ =	shalt  }
0x80: {  	_ =	shalt  }
0x81: {  	_ =	shalt  }
0x82: {  	_ =	shalt  }
0x83: {  	_ =	shalt  }
0x84: {  	_ =	shalt  }
0x85: {  	_ =	shalt  }
0x86: {  	_ =	shalt  }
0x87: {  	_ =	shalt  }
.Lfunc_end0:
.L_simem_size_0:
called_computation.2_lowered:
.L_overlay_start_0:
0x88: {  	s2 =	sld [smem:$0x3FD9]  }
0x89: {  	s3 =	sld [smem:$0x3FFE];
	_ =	sdelay $0x1  }
0x8a: {  	s1 =	srdreg.scid  }
0x8b: {  	s0 =	sand.u32 $0x1, s1  }
0x8c: {  	s16 =	sshll.u32 s0, $0xA;
	s2 =	sadd.s32 s3, s2  }
0x8d: {  	s2 =	sadd.s32 s2, s16  }
0x8e: {  	[smem:$0x3FBD] =	sst s2  }
0x8f: {  	_ = 	snop  }
0x90: {  	(tm) =	ssettm $0x1  }
0x91: {  	s17 =	sld [smem:$0x3FFB];
	_ =	sdelay $0x3  }
0x92: {  	_ =	strace s17  }
0x93: {  	s2 =	sld [smem:$0x3FFC];
	_ =	sdelay $0x3  }
0x94: {  	_ =	strace s2  }
0x95: {  	s2 =	sld [smem:$0x3FFD];
	_ =	sdelay $0x3  }
0x96: {  	_ =	strace s2  }
0x97: {  	_ =	strace $0x8FFFFFFF  }
0x98: {  	s18 =	sld [smem:$0x3FDB];
	_ =	sdelay $0x1  }
0x99: {  	s19 =	simm.s32 $_scs_section_size  }
0x9a: {  	s4 =	simm.s32 $_size__tile_overlayer_lowered;
	s5 =	simm.s32 $_tile_overlayer_lowered  }
0x9b: {  	s22 =	simm.s32 $0x1BFF;
	s21 =	sshll.u32 s5, $0x1;
	s2 =	sadd.s32 s19, s18  }
0x9c: {  	s6 =	simm.s32 $0x0;
	s20 =	sshll.u32 s4, $0x1;
	s4 =	sadd.s32 s21, s2  }
0x9d: {  	[timem:s6], [sflag:s22] =	dma.local [hbm:s4], s20  }
0x9e: {  	_ =	swait.ge [sflag:s22], s20  }
0x9f: {  	s3 =	ssub.s32 $0x0, s20;
	[sflag:s22] =	ssyncset.done $0x0  }
0xa0: {  	[sflag:s22] =	ssyncadd.s32 s3;
	_ =	sdelay $0x1  }
0xa1: {  	s23 =	simm.s32 $0x1B8B  }
0xa2: {  	_ =	swait.ge [sflag:s23], $0x1  }
0xa3: {  	[sflag:s23] =	ssyncset.done $0x0  }
0xa4: {  	s25 =	simm.s32 $0x1B8E;
	s24 =	sld [smem:$0x3FFE];
	[sflag:s23] =	ssyncadd.s32 $0xFFFFFFFF  }
0xa5: {  	s26 =	simm.s32 $execute0_lowered;
	[smem:$0x3FD2] =	sst s25  }
0xa6: {  	s4 =	sshll.u32 s26, $0x1;
	_ =	strace $0x8000004C;
	[dreg:$0x1] =	wrdreg $0xFFFFFFFF  }
0xa7: {  	s28 =	simm.s32 $_size_execute0_lowered;
	s2 =	sadd.s32 s2, s4;
	[dreg:$0x0] =	wrdreg $0x0  }
0xa8: {  	s4 =	sshll.u32 s28, $0x1;
	[dreg:$0x2] =	wrdreg s2  }
0xa9: {  	[dreg:$0x3] =	wrdreg s4  }
0xaa: {  	[dreg:$0x4] =	wrdreg $0xC0  }
0xab: {  	_ =	task [dreg:s6], $0x5FFFF  }
0xac: {  	[dreg:$0x1] =	wrdreg $0xFFFFFFFF  }
0xad: {  	[dreg:$0x0] =	wrdreg $0x60  }
0xae: {  	[dreg:$0x2] =	wrdreg s24  }
0xaf: {  	[dreg:$0x3] =	wrdreg $0xF8000  }
0xb0: {  	[dreg:$0x4] =	wrdreg $0x9  }
0xb1: {  	_ =	task.clear_ibuf [dreg:s6], $0x5FFFF;
	_ =	strace $0x9000004C  }
0xb2: {  	s29 =	simm.s32 $0x9;
	_ =	strace $0x8000004E  }
0xb3: {  	_ =	swait.ge [sflag:s29], $0x1  }
0xb4: {  	[sflag:s29] =	ssyncadd.s32 $0xFFFFFFFF  }
0xb5: {  	_ =	strace $0x9000004E  }
0xb6: {  	_ =	sfence  }
0xb7: {  	s30 =	sld [smem:$0x0];
	_ =	sdelay $0x2  }
0xb8: {  	s31 =	sshll.u32 s1, $0xD;
	s1 =	sshrl.u32 s1, $0x2  }
0xb9: {  	s3 =	sand.u32 $0x4000, s31;
	s1 =	sadd.s32 s1, s30  }
0xba: {  	s0 =	sor.u32 s3, s0;
	s1 =	sshll.u32 s1, $0x11  }
0xbb: {  	s0 =	sor.u32 s1, s0  }
0xbc: {  	s0 =	sadd.s32 $0x8F2B, s0  }
0xbd: {  	[sflag:s0] =	ssyncadd.remote.s32 $0x1  }
0xbe: {  	_ =	sfence.sel $0xFFFF  }
0xbf: {  	[dreg:$0x0] =	wrdreg $0xFFFFFFFF;
	(pc) =	sbr.abs _section_cstart, $3  }
0xc0: {  	[dreg:$0x1] =	wrdreg $0xFFFFFFFF  }
0xc1: {  	_ =	task.clear_ibuf [dreg:s6], $0x2FFFF;
	_ =	strace $0x9FFFFFFF  }
0xc2: {  	(tm) =	ssettm $0x7FFFFFFF  }
0xc3: {  	_ =	shalt  }
tec
execute0_lowered:
.L_overlay_start_1:
0x0: {  	(tag) =	ssettag $0x1  }
0x1: {  	s11 =	stileid.u32;
	s3 =	rddreg [dreg:$0x0]  }
0x2: {  	s0 =	srdreg.scid;
	s2 =	rddreg [dreg:$0x1];
	s5 =	simm.s32 $0x0  }
0x3: {  	s9 =	simm.s32 $0x1E;
	s17 =	simm.s32 $0x9;
	s28 =	simm.s32 $0x7800  }
0x4: {  	s30 =	simm.s32 $0x9800;
	s29 =	simm.s32 $0xD800;
	s1 =	smul.u32 $0x28, s11  }
0x5: {  	s31 =	simm.s32 $0x2;
	s0 =	sand.u32 $0x1, s0;
	s4 =	smul.u32 $0x78, s11  }
0x6: {  	[smem:$0x7FF] =	sst s5;
	s5 =	sadd.s32 $0x16000, s3;
	s6 =	smul.u32 $0x28000, s11  }
0x7: {  	s10 =	smul.u32 $0x280, s11;
	s24 =	sshll.u32 s11, $0x6;
	p0 =	seq.s32 s0, $0x0  }
0x8: {  	_ =	strace $0x8000004D;
	s7 =	ssub.s32 $0x2, s0;
	s0 =	smul.u32 $0x2800, s0  }
0x9: {  	s1 =	sadd.s32 $0x780, s1;
	s8 =	sshrl.u32 s7, $0x1;
	s9 =	simm.s32 @!p0 $0xA  }
0xa: {  	s6 =	sshrl.u32 s6, $0x2;
	s18 =	sadd.s32 $0x80, s10;
	s14 =	sadd.s32 $0x100, s10  }
0xb: {  	s21 =	sadd.s32 $0x180, s10;
	s1 =	smov.u32 @p0 s4;
	s4 =	sadd.s32 $0x2600, s3  }
0xc: {  	s7 =	ssub.s32 s7, s8;
	s23 =	sadd.s32 $0xFFFFFFFF, s9;
	s12 =	sadd.s32 s6, s2  }
0xd: {  	s25 =	sadd.s32 s0, s10;
	s8 =	sor.u32 $0x1C09, s24;
	s13 =	sadd.s32 s0, s18  }
0xe: {  	s11 =	sshll.u32 s18, $0x6;
	s15 =	sadd.s32 s0, s14;
	s20 =	sshll.u32 s14, $0x6  }
0xf: {  	s22 =	sadd.s32 s0, s21;
	s10 =	sadd.s32 $0x200, s10;
	s14 =	sshll.u32 s21, $0x6  }
0x10: {  	s24 =	sshll.u32 s9, $0xC;
	s9 =	simm.s32 $0x4;
	s1 =	sshll.u32 s1, $0x5  }
0x11: {  	[dreg:$0x3] =	wrdreg s23;
	s26 =	sshll.u32 s25, $0x3;
	s6 =	smax.u32 s7, $0x1  }
0x12: {  	s7 =	sadd.s32 $0x2000, s12;
	s25 =	sadd.s32 $0x4000, s12;
	[dreg:$0x4] =	wrdreg s12  }
0x13: {  	s13 =	sshll.u32 s13, $0x3;
	s11 =	sadd.s32 s11, s2;
	s19 =	sshll.u32 s15, $0x3  }
0x14: {  	s15 =	sshll.u32 s22, $0x3;
	s0 =	sadd.s32 s0, s10;
	s14 =	sadd.s32 s14, s2  }
0x15: {  	s23 =	sshll.u32 s10, $0x6;
	s16 =	sadd.s32 $0xFFFFE000, s24;
	s10 =	simm.s32 $0x7  }
0x16: {  	s1 =	sadd.s32 s1, s3;
	s3 =	sadd.s32 $0x2A400, s3;
	[dreg:$0x7] =	wrdreg s6  }
0x17: {  	s0 =	sshll.u32 s0, $0x3;
	s25 =	sshrl.u32 s25, $0x3;
	s22 =	sshrl.u32 s11, $0x3  }
0x18: {  	s24 =	sshrl.u32 s14, $0x3;
	s1 =	sadd.s32 $0x16400, s1;
	[dreg:$0xd] =	wrdreg s25  }
0x19: {  	s6 =	simm.s32 $0x3;
	s13 =	sadd.s32 s3, s13;
	[dreg:$0x5] =	wrdreg s1  }
0x1a: {  	s11 =	simm.s32 $0x8;
	s15 =	sadd.s32 s3, s15;
	[dreg:$0x8] =	wrdreg s13  }
0x1b: {  	s0 =	sadd.s32 s3, s0;
	s1 =	sadd.s32 s3, s26;
	[dreg:$0xa] =	wrdreg s15  }
0x1c: {  	s26 =	sadd.s32 $0x6000, s12;
	s12 =	sadd.s32 $0x8000, s12;
	[dreg:$0xb] =	wrdreg s0  }
0x1d: {  	s13 =	sadd.s32 s3, s19;
	s0 =	sadd.s32 s23, s2;
	[dreg:$0x6] =	wrdreg s1  }
0x1e: {  	s3 =	simm.s32 $0x6;
	[dreg:$0x9] =	wrdreg s13;
	s13 =	sadd.s32 s20, s2  }
0x1f: {  	s1 =	sshrl.u32 s7, $0x3;
	s26 =	sshrl.u32 s26, $0x3;
	s21 =	sshrl.u32 s12, $0x3  }
0x20: {  	s25 =	sshrl.u32 s0, $0x3;
	s0 =	simm.s32 $0x5;
	[dreg:$0xc] =	wrdreg s1  }
0x21: {  	s12 =	simm.s32 $0x1;
	[dreg:$0xe] =	wrdreg s26;
	s23 =	sshrl.u32 s13, $0x3  }
0x22: {  	s26 =	simm.s32 $0x80;
	s1 =	simm.s32 $0xB800;
	s13 =	simm.s32 $0x0  }
.LBB2_1:
0x23: {  	s7 =	rddreg [dreg:$0x4]  }
0x24: {  	s14 =	sshrl.u32 s7, $0x3  }
0x25: {  	[spmem:s14], [sflag:s8] =	dma.local [hbm:s5], $0x400  }
0x26: {  	_ =	swait.ge [sflag:s17], $0x400  }
0x27: {  	[sflag:s17] =	ssyncset.done $0x0  }
0x28: {  	s15 =	rddreg [dreg:$0xc];
	[sflag:s17] =	ssyncadd.s32 $0xFFFFFC00  }
0x29: {  	[spmem:s15], [sflag:s8] =	dma.local [hbm:s5], $0x400  }
0x2a: {  	_ =	swait.ge [sflag:s17], $0x400  }
0x2b: {  	[sflag:s17] =	ssyncset.done $0x0  }
0x2c: {  	s18 =	rddreg [dreg:$0xd];
	[sflag:s17] =	ssyncadd.s32 $0xFFFFFC00  }
0x2d: {  	[spmem:s18], [sflag:s8] =	dma.local [hbm:s5], $0x400  }
0x2e: {  	_ =	swait.ge [sflag:s17], $0x400  }
0x2f: {  	[sflag:s17] =	ssyncset.done $0x0  }
0x30: {  	s19 =	rddreg [dreg:$0xe];
	[sflag:s17] =	ssyncadd.s32 $0xFFFFFC00  }
0x31: {  	[spmem:s19], [sflag:s8] =	dma.local [hbm:s5], $0x400  }
0x32: {  	_ =	swait.ge [sflag:s17], $0x400  }
0x33: {  	[sflag:s17] =	ssyncset.done $0x0  }
0x34: {  	[sflag:s17] =	ssyncadd.s32 $0xFFFFFC00  }
0x35: {  	[spmem:s21], [sflag:s8] =	dma.local [hbm:s5], $0x400  }
0x36: {  	_ =	swait.ge [sflag:s17], $0x400  }
0x37: {  	[sflag:s17] =	ssyncset.done $0x0  }
0x38: {  	s20 =	simm.s32 $0x0;
	s15 =	rddreg [dreg:$0x5];
	[sflag:s17] =	ssyncadd.s32 $0xFFFFFC00  }
0x39: {  	[tilespmem:s20], [sflag:$0x9] =	stream.linear.gather [hbm4b:s15+s20], $0x7800, $0x38;
	[tilespmem:$0x19800] =	vst v63  }
0x3a: {  	_ =	swait.ge [sflag:s17], $0x7800  }
0x3b: {  	[sflag:s17] =	ssyncset.done $0x0  }
0x3c: {  	[sflag:s17] =	ssyncadd.s32 $0xFFFF8800  }
0x3d: {  	[bflag:$0x0] =	sbarrier.arrive $0xFFFF  }
0x3e: {  	[tilespmem:s28], [sflag:$0x1] =	stream.indirect.gather [hbm4b:s4+s26], $0x40, s20, s26, $0xb8;
	[tilespmem:$0x19800] =	vst v63  }
0x3f: {  	s18 =	simm.s32 $0x100  }
0x40: {  	[tilespmem:s30], [sflag:$0x2] =	stream.indirect.gather [hbm4b:s4+s26], $0x40, s18, s26, $0xb8;
	[tilespmem:$0x19800] =	vst v63  }
0x41: {  	s19 =	simm.s32 $0x200  }
0x42: {  	[tilespmem:s1], [sflag:$0x3] =	stream.indirect.gather [hbm4b:s4+s26], $0x40, s19, s26, $0xb8;
	[tilespmem:$0x19800] =	vst v63  }
0x43: {  	s20 =	simm.s32 $0x300  }
0x44: {  	[tilespmem:s29], [sflag:$0x4] =	stream.indirect.gather [hbm4b:s4+s26], $0x40, s20, s26, $0xb8;
	[tilespmem:$0x19800] =	vst v63  }
0x45: {  	_ =	swait.ge [sflag:s12], $0x2000  }
0x46: {  	[sflag:s12] =	ssyncset.done $0x0  }
0x47: {  	[sflag:s12] =	ssyncadd.s32 $0xFFFFE000  }
0x48: {  	[spmem:s2] =	stream.indirect.scatter.add.bf16 [tilespmem:s28], [sflag:$0x5], $0x40, s26, s26, $0xb8;
	[tilespmem:$0x19800] =	vst v63  }
0x49: {  	_ =	swait.ge [sflag:s31], $0x2000  }
0x4a: {  	[sflag:s31] =	ssyncset.done $0x0  }
0x4b: {  	s15 =	simm.s32 $0x180;
	[sflag:s31] =	ssyncadd.s32 $0xFFFFE000  }
0x4c: {  	[spmem:s2] =	stream.indirect.scatter.add.bf16 [tilespmem:s30], [sflag:$0x6], $0x40, s15, s26, $0xb8;
	[tilespmem:$0x19800] =	vst v63  }
0x4d: {  	_ =	swait.ge [sflag:s0], $0x2000  }
0x4e: {  	[sflag:s0] =	ssyncset.done $0x0  }
0x4f: {  	s18 =	simm.s32 $0x400;
	[sflag:s0] =	ssyncadd.s32 $0xFFFFE000  }
0x50: {  	[tilespmem:s28], [sflag:$0x1] =	stream.indirect.gather [hbm4b:s4+s26], $0x40, s18, s26, $0xb8;
	[tilespmem:$0x19800] =	vst v63  }
0x51: {  	_ =	swait.ge [sflag:s3], $0x2000  }
0x52: {  	[sflag:s3] =	ssyncset.done $0x0  }
0x53: {  	s19 =	simm.s32 $0x500;
	[sflag:s3] =	ssyncadd.s32 $0xFFFFE000  }
0x54: {  	[tilespmem:s30], [sflag:$0x2] =	stream.indirect.gather [hbm4b:s4+s26], $0x40, s19, s26, $0xb8;
	[tilespmem:$0x19800] =	vst v63  }
0x55: {  	_ =	swait.ge [sflag:s6], $0x2000  }
0x56: {  	[sflag:s6] =	ssyncset.done $0x0  }
0x57: {  	s20 =	simm.s32 $0x280;
	[sflag:s6] =	ssyncadd.s32 $0xFFFFE000  }
0x58: {  	[spmem:s2] =	stream.indirect.scatter.add.bf16 [tilespmem:s1], [sflag:$0x7], $0x40, s20, s26, $0xb8;
	[tilespmem:$0x19800] =	vst v63  }
0x59: {  	_ =	swait.ge [sflag:s9], $0x2000  }
0x5a: {  	[sflag:s9] =	ssyncset.done $0x0  }
0x5b: {  	s15 =	simm.s32 $0x380;
	[sflag:s9] =	ssyncadd.s32 $0xFFFFE000  }
0x5c: {  	[spmem:s2] =	stream.indirect.scatter.add.bf16 [tilespmem:s29], [sflag:$0x8], $0x40, s15, s26, $0xb8;
	[tilespmem:$0x19800] =	vst v63  }
0x5d: {  	_ =	swait.ge [sflag:s10], $0x2000  }
0x5e: {  	[sflag:s10] =	ssyncset.done $0x0  }
0x5f: {  	s18 =	simm.s32 $0x600;
	[sflag:s10] =	ssyncadd.s32 $0xFFFFE000  }
0x60: {  	[tilespmem:s1], [sflag:$0x3] =	stream.indirect.gather [hbm4b:s4+s26], $0x40, s18, s26, $0xb8;
	[tilespmem:$0x19800] =	vst v63  }
0x61: {  	_ =	swait.ge [sflag:s11], $0x2000  }
0x62: {  	[sflag:s11] =	ssyncset.done $0x0  }
0x63: {  	s19 =	simm.s32 $0x700;
	[sflag:s11] =	ssyncadd.s32 $0xFFFFE000  }
0x64: {  	[tilespmem:s29], [sflag:$0x4] =	stream.indirect.gather [hbm4b:s4+s26], $0x40, s19, s26, $0xb8;
	[tilespmem:$0x19800] =	vst v63  }
0x65: {  	_ =	swait.ge [sflag:s12], $0x2000  }
0x66: {  	[sflag:s12] =	ssyncset.done $0x0  }
0x67: {  	s20 =	simm.s32 $0x480;
	[sflag:s12] =	ssyncadd.s32 $0xFFFFE000  }
0x68: {  	[spmem:s2] =	stream.indirect.scatter.add.bf16 [tilespmem:s28], [sflag:$0x5], $0x40, s20, s26, $0xb8;
	[tilespmem:$0x19800] =	vst v63  }
0x69: {  	_ =	swait.ge [sflag:s31], $0x2000  }
0x6a: {  	[sflag:s31] =	ssyncset.done $0x0  }
0x6b: {  	s15 =	simm.s32 $0x580;
	[sflag:s31] =	ssyncadd.s32 $0xFFFFE000  }
0x6c: {  	[spmem:s2] =	stream.indirect.scatter.add.bf16 [tilespmem:s30], [sflag:$0x6], $0x40, s15, s26, $0xb8;
	[tilespmem:$0x19800] =	vst v63  }
0x6d: {  	_ =	swait.ge [sflag:s0], $0x2000  }
0x6e: {  	[sflag:s0] =	ssyncset.done $0x0  }
0x6f: {  	s18 =	simm.s32 $0x800;
	[sflag:s0] =	ssyncadd.s32 $0xFFFFE000  }
0x70: {  	[tilespmem:s28], [sflag:$0x1] =	stream.indirect.gather [hbm4b:s4+s26], $0x40, s18, s26, $0xb8;
	[tilespmem:$0x19800] =	vst v63  }
0x71: {  	_ =	swait.ge [sflag:s3], $0x2000  }
0x72: {  	[sflag:s3] =	ssyncset.done $0x0  }
0x73: {  	s19 =	simm.s32 $0x900;
	[sflag:s3] =	ssyncadd.s32 $0xFFFFE000  }
0x74: {  	[tilespmem:s30], [sflag:$0x2] =	stream.indirect.gather [hbm4b:s4+s26], $0x40, s19, s26, $0xb8;
	[tilespmem:$0x19800] =	vst v63  }
0x75: {  	_ =	swait.ge [sflag:s6], $0x2000  }
0x76: {  	p0 =	sne.s32 s16, $0x1000;
	[sflag:s6] =	ssyncset.done $0x0  }
.Ltmp0:
0x77: {  	s20 =	simm.s32 $0x680;
	[sflag:s6] =	ssyncadd.s32 $0xFFFFE000;
	(pc) =	sbr.rel @!p0 .LBB2_3-.Ltmp0, $4  }
0x78: {  	[spmem:s2] =	stream.indirect.scatter.add.bf16 [tilespmem:s1], [sflag:$0x7], $0x40, s20, s26, $0xb8;
	[tilespmem:$0x19800] =	vst v63  }
0x79: {  	_ =	swait.ge [sflag:s9], $0x2000  }
0x7a: {  	s7 =	simm.s32 $0x2;
	[sflag:s9] =	ssyncset.done $0x0  }
0x7b: {  	s15 =	simm.s32 $0x1000;
	s18 =	simm.s32 $0x780;
	[sflag:s9] =	ssyncadd.s32 $0xFFFFE000  }
.LBB2_2:
0x7c: {  	[spmem:s2] =	stream.indirect.scatter.add.bf16 [tilespmem:s29], [sflag:$0x8], $0x40, s18, s26, $0xb8;
	[tilespmem:$0x19800] =	vst v63  }
0x7d: {  	s18 =	smov.u32 s15;
	s15 =	sadd.s32 $0x1000, s15;
	_ =	swait.ge [sflag:s10], $0x2000  }
0x7e: {  	s18 =	sshra.s32 s18, $0x2;
	p0 =	sne.s32 s16, s15;
	[sflag:s10] =	ssyncset.done $0x0  }
0x7f: {  	s19 =	sadd.s32 $0x600, s18;
	[sflag:s10] =	ssyncadd.s32 $0xFFFFE000  }
0x80: {  	[tilespmem:s1], [sflag:$0x3] =	stream.indirect.gather [hbm4b:s4+s26], $0x40, s19, s26, $0xb8;
	[tilespmem:$0x19800] =	vst v63  }
0x81: {  	_ =	swait.ge [sflag:s11], $0x2000  }
0x82: {  	[sflag:s11] =	ssyncset.done $0x0  }
0x83: {  	s19 =	sadd.s32 $0x700, s18;
	[sflag:s11] =	ssyncadd.s32 $0xFFFFE000  }
0x84: {  	[tilespmem:s29], [sflag:$0x4] =	stream.indirect.gather [hbm4b:s4+s26], $0x40, s19, s26, $0xb8;
	[tilespmem:$0x19800] =	vst v63  }
0x85: {  	_ =	swait.ge [sflag:s12], $0x2000  }
0x86: {  	[sflag:s12] =	ssyncset.done $0x0  }
0x87: {  	s19 =	sadd.s32 $0x480, s18;
	[sflag:s12] =	ssyncadd.s32 $0xFFFFE000  }
0x88: {  	[spmem:s2] =	stream.indirect.scatter.add.bf16 [tilespmem:s28], [sflag:$0x5], $0x40, s19, s26, $0xb8;
	[tilespmem:$0x19800] =	vst v63  }
0x89: {  	_ =	swait.ge [sflag:s31], $0x2000  }
0x8a: {  	[sflag:s31] =	ssyncset.done $0x0  }
0x8b: {  	s19 =	sadd.s32 $0x580, s18;
	[sflag:s31] =	ssyncadd.s32 $0xFFFFE000  }
0x8c: {  	[spmem:s2] =	stream.indirect.scatter.add.bf16 [tilespmem:s30], [sflag:$0x6], $0x40, s19, s26, $0xb8;
	[tilespmem:$0x19800] =	vst v63  }
0x8d: {  	_ =	swait.ge [sflag:s0], $0x2000  }
0x8e: {  	[sflag:s0] =	ssyncset.done $0x0  }
0x8f: {  	s19 =	sadd.s32 $0x800, s18;
	[sflag:s0] =	ssyncadd.s32 $0xFFFFE000  }
0x90: {  	[tilespmem:s28], [sflag:$0x1] =	stream.indirect.gather [hbm4b:s4+s26], $0x40, s19, s26, $0xb8;
	[tilespmem:$0x19800] =	vst v63  }
0x91: {  	_ =	swait.ge [sflag:s3], $0x2000  }
0x92: {  	[sflag:s3] =	ssyncset.done $0x0  }
0x93: {  	s19 =	sadd.s32 $0x900, s18;
	[sflag:s3] =	ssyncadd.s32 $0xFFFFE000  }
0x94: {  	[tilespmem:s30], [sflag:$0x2] =	stream.indirect.gather [hbm4b:s4+s26], $0x40, s19, s26, $0xb8;
	[tilespmem:$0x19800] =	vst v63  }
0x95: {  	_ =	swait.ge [sflag:s6], $0x2000  }
0x96: {  	[sflag:s6] =	ssyncset.done $0x0  }
.Ltmp1:
0x97: {  	s19 =	sadd.s32 $0x680, s18;
	[sflag:s6] =	ssyncadd.s32 $0xFFFFE000;
	(pc) =	sbr.rel @p0 .LBB2_2-.Ltmp1, $4  }
0x98: {  	[spmem:s2] =	stream.indirect.scatter.add.bf16 [tilespmem:s1], [sflag:$0x7], $0x40, s19, s26, $0xb8;
	[tilespmem:$0x19800] =	vst v63  }
0x99: {  	_ =	swait.ge [sflag:s9], $0x2000  }
0x9a: {  	[sflag:s9] =	ssyncset.done $0x0  }
0x9b: {  	s7 =	sadd.s32 $0x1, s7;
	s18 =	sadd.s32 $0x780, s18;
	[sflag:s9] =	ssyncadd.s32 $0xFFFFE000  }
.LBB2_3:
0x9c: {  	[spmem:s2] =	stream.indirect.scatter.add.bf16 [tilespmem:s29], [sflag:$0x8], $0x40, s18, s26, $0xb8;
	[tilespmem:$0x19800] =	vst v63  }
0x9d: {  	_ =	swait.ge [sflag:s10], $0x2000  }
0x9e: {  	s18 =	sshra.s32 s15, $0x2;
	[sflag:s10] =	ssyncset.done $0x0  }
0x9f: {  	s19 =	sadd.s32 $0x600, s18;
	[sflag:s10] =	ssyncadd.s32 $0xFFFFE000  }
0xa0: {  	[tilespmem:s1], [sflag:$0x3] =	stream.indirect.gather [hbm4b:s4+s26], $0x40, s19, s26, $0xb8;
	[tilespmem:$0x19800] =	vst v63  }
0xa1: {  	_ =	swait.ge [sflag:s11], $0x2000  }
0xa2: {  	[sflag:s11] =	ssyncset.done $0x0  }
0xa3: {  	s20 =	sadd.s32 $0x700, s18;
	[sflag:s11] =	ssyncadd.s32 $0xFFFFE000  }
0xa4: {  	[tilespmem:s29], [sflag:$0x4] =	stream.indirect.gather [hbm4b:s4+s26], $0x40, s20, s26, $0xb8;
	[tilespmem:$0x19800] =	vst v63  }
0xa5: {  	_ =	swait.ge [sflag:s12], $0x2000  }
0xa6: {  	[sflag:s12] =	ssyncset.done $0x0  }
0xa7: {  	s20 =	sadd.s32 $0x480, s18;
	[sflag:s12] =	ssyncadd.s32 $0xFFFFE000  }
0xa8: {  	[spmem:s2] =	stream.indirect.scatter.add.bf16 [tilespmem:s28], [sflag:$0x5], $0x40, s20, s26, $0xb8;
	[tilespmem:$0x19800] =	vst v63  }
0xa9: {  	_ =	swait.ge [sflag:s31], $0x2000  }
0xaa: {  	[sflag:s31] =	ssyncset.done $0x0  }
0xab: {  	s20 =	sadd.s32 $0x580, s18;
	[sflag:s31] =	ssyncadd.s32 $0xFFFFE000  }
0xac: {  	[spmem:s2] =	stream.indirect.scatter.add.bf16 [tilespmem:s30], [sflag:$0x6], $0x40, s20, s26, $0xb8;
	[tilespmem:$0x19800] =	vst v63  }
0xad: {  	s20 =	rddreg [dreg:$0x3]  }
0xae: {  	p0 =	sge.u32 s7, s20  }
0xaf: {  	s7 =	simm.s32 @!p0 $0x5  }
0xb0: {  	_ =	swait.ge @!p0 [sflag:s7], $0x2000  }
0xb1: {  	[sflag:s7] =	ssyncset.done @!p0 $0x0  }
0xb2: {  	[sflag:s7] =	ssyncadd.s32 @!p0 $0xFFFFE000;
	s7 =	sshra.s32 @!p0 s15, $0x2  }
0xb3: {  	s19 =	simm.s32 @!p0 $0x80;
	s20 =	simm.s32 @!p0 $0x7800;
	s15 =	sadd.s32 @!p0 $0x800, s7  }
0xb4: {  	[tilespmem:s20], [sflag:$0x1] =	stream.indirect.gather @!p0 [hbm4b:s4+s19], $0x40, s15, s19, $0xb8;
	[tilespmem:$0x19800] =	vst v63  }
0xb5: {  	s15 =	simm.s32 @!p0 $0x6  }
0xb6: {  	_ =	swait.ge @!p0 [sflag:s15], $0x2000  }
0xb7: {  	[sflag:s15] =	ssyncset.done @!p0 $0x0  }
0xb8: {  	s7 =	sadd.s32 @!p0 $0x900, s7;
	[sflag:s15] =	ssyncadd.s32 @!p0 $0xFFFFE000;
	s15 =	simm.s32 @!p0 $0x9800  }
0xb9: {  	[tilespmem:s15], [sflag:$0x2] =	stream.indirect.gather @!p0 [hbm4b:s4+s19], $0x40, s7, s19, $0xb8;
	[tilespmem:$0x19800] =	vst v63  }
0xba: {  	_ =	swait.ge [sflag:s6], $0x2000  }
0xbb: {  	[sflag:s6] =	ssyncset.done $0x0  }
0xbc: {  	s15 =	sadd.s32 $0x680, s18;
	[sflag:s6] =	ssyncadd.s32 $0xFFFFE000  }
0xbd: {  	[spmem:s2] =	stream.indirect.scatter.add.bf16 [tilespmem:s1], [sflag:$0x7], $0x40, s15, s26, $0xb8;
	[tilespmem:$0x19800] =	vst v63  }
0xbe: {  	_ =	swait.ge [sflag:s9], $0x2000  }
0xbf: {  	[sflag:s9] =	ssyncset.done $0x0  }
0xc0: {  	s19 =	sadd.s32 $0x780, s18;
	[sflag:s9] =	ssyncadd.s32 $0xFFFFE000  }
0xc1: {  	[spmem:s2] =	stream.indirect.scatter.add.bf16 [tilespmem:s29], [sflag:$0x8], $0x40, s19, s26, $0xb8;
	[tilespmem:$0x19800] =	vst v63  }
0xc2: {  	_ =	swait.ge [sflag:s0], $0x2000  }
0xc3: {  	[sflag:s0] =	ssyncset.done $0x0  }
0xc4: {  	[sflag:s0] =	ssyncadd.s32 $0xFFFFE000  }
0xc5: {  	_ =	swait.ge [sflag:s10], $0x2000  }
0xc6: {  	[sflag:s10] =	ssyncset.done $0x0  }
0xc7: {  	[sflag:s10] =	ssyncadd.s32 $0xFFFFE000  }
0xc8: {  	_ =	swait.ge [sflag:s3], $0x2000  }
0xc9: {  	[sflag:s3] =	ssyncset.done $0x0  }
0xca: {  	[sflag:s3] =	ssyncadd.s32 $0xFFFFE000  }
0xcb: {  	_ =	swait.ge [sflag:s11], $0x2000  }
0xcc: {  	[sflag:s11] =	ssyncset.done $0x0  }
0xcd: {  	[sflag:s11] =	ssyncadd.s32 $0xFFFFE000  }
0xce: {  	[bflag:$0x0] =	sbarrier.arrive $0xFFFF  }
0xcf: {  	s20 =	rddreg [dreg:$0x6]  }
0xd0: {  	[hbm:s20], [sflag:s8] =	dma.local [spmem:s14], $0x400  }
0xd1: {  	_ =	swait.ge [sflag:s17], $0x400  }
0xd2: {  	[sflag:s17] =	ssyncset.done $0x0  }
0xd3: {  	s14 =	rddreg [dreg:$0x8];
	[sflag:s17] =	ssyncadd.s32 $0xFFFFFC00  }
0xd4: {  	[hbm:s14], [sflag:s8] =	dma.local [spmem:s22], $0x400  }
0xd5: {  	_ =	swait.ge [sflag:s17], $0x400  }
0xd6: {  	[sflag:s17] =	ssyncset.done $0x0  }
0xd7: {  	s15 =	rddreg [dreg:$0x9];
	[sflag:s17] =	ssyncadd.s32 $0xFFFFFC00  }
0xd8: {  	[hbm:s15], [sflag:s8] =	dma.local [spmem:s23], $0x400  }
0xd9: {  	_ =	swait.ge [sflag:s17], $0x400  }
0xda: {  	[sflag:s17] =	ssyncset.done $0x0  }
0xdb: {  	s18 =	rddreg [dreg:$0xa];
	[sflag:s17] =	ssyncadd.s32 $0xFFFFFC00  }
0xdc: {  	[hbm:s18], [sflag:s8] =	dma.local [spmem:s24], $0x400  }
0xdd: {  	_ =	swait.ge [sflag:s17], $0x400  }
0xde: {  	[sflag:s17] =	ssyncset.done $0x0  }
0xdf: {  	s19 =	rddreg [dreg:$0xb];
	[sflag:s17] =	ssyncadd.s32 $0xFFFFFC00  }
0xe0: {  	[hbm:s19], [sflag:s8] =	dma.local [spmem:s25], $0x400  }
0xe1: {  	_ =	swait.ge [sflag:s17], $0x400  }
0xe2: {  	s13 =	sadd.s32 $0x1, s13;
	s20 =	rddreg [dreg:$0x7]  }
0xe3: {  	p0 =	sne.s32 s13, s20  }
.Ltmp2:
0xe4: {  	_ = 	snop;
	(pc) =	sbr.rel @p0 .LBB2_1-.Ltmp2, $3  }
0xe5: {  	_ =	sdelay $0x1  }
0xe6: {  	[sflag:s17] =	ssyncset.done $0x0  }
0xe7: {  	[sflag:s17] =	ssyncadd.s32 $0xFFFFFC00  }
0xe8: {  	_ =	sfence.sel $0x180000  }
0xe9: {  	[bflag:$0x0] =	sbarrier.arrive $0xFFFF  }
0xea: {  	_ =	strace $0x9000004D  }
0xeb: {  	s0 =	stileid.u32;
	[bflag:$0x2] =	sbarrier.arrive $0xFFFF  }
0xec: {  	p0 =	sne.s32 s0, $0x0;
	s0 =	rddreg [dreg:$0x2]  }
0xed: {  	s0 =	sadd.s32 @!p0 $0x100000, s0  }
0xee: {  	[sflag:s0] =	ssyncadd.tile.s32 @!p0 $0x1;
	_ =	shalt  }
.Lfunc_end2:
_tile_overlayer_lowered:
.L_overlay_start_2:
0xef: {  	(tag) =	ssettag $0x2  }
0xf0: {  	s0 =	rddreg [dreg:$0x0];
	s2 =	stileid.u32  }
0xf1: {  	s1 =	rddreg [dreg:$0x1];
	p0 =	sne.s32 s2, $0x0  }
0xf2: {  	s3 =	rddreg [dreg:$0x2];
	[bflag:$0x3] =	sbarrier.arrive $0xFFFF;
	s2 =	simm.s32 @!p0 $0x1C09  }
0xf3: {  	[timem:s3], [sflag:s2] =	dma.local @!p0 [hbm:s0], s1  }
0xf4: {  	s0 =	simm.s32 @!p0 $0x9  }
0xf5: {  	_ =	swait.ge @!p0 [sflag:s0], s1  }
0xf6: {  	s1 =	ssub.s32 @!p0 $0x0, s1;
	[sflag:s0] =	ssyncset.done @!p0 $0x0  }
0xf7: {  	[sflag:s0] =	ssyncadd.s32 @!p0 s1  }
0xf8: {  	[bflag:$0x3] =	sbarrier.arrive $0xFFFF  }
0xf9: {  	_ =	shalt  }

// kernel: kernel.19.cloned.1.call-start
scs
__scs_entry_jumppad:
0x0: {  	(pc) =	sbr.rel $0x88, $3  }
0x1: {  	(tag) =	ssettag $0x0;
	lr =	simm.s32 $0x1  }
0x2: {  	[smem:$0x3F96] =	sst lr;
	_ =	strace $0xD0000000  }
0x3: {  	_ = 	snop  }
0x4: {  	_ = 	snop  }
0x5: {  	_ = 	snop  }
0x6: {  	_ = 	snop  }
0x7: {  	_ = 	snop  }
__scs_overlays_trampoline_lowered:
0x8: {  	[smem:$0x3FA5] =	sst s0  }
0x9: {  	[smem:$0x3FA6] =	sst s1  }
0xa: {  	[smem:$0x3FA7] =	sst s2  }
0xb: {  	[smem:$0x3FA8] =	sst s3  }
0xc: {  	[smem:$0x3FA9] =	sst s4  }
0xd: {  	[smem:$0x3FAA] =	sst s5  }
0xe: {  	[smem:$0x3FAB] =	sst s6  }
0xf: {  	[smem:$0x3FAC] =	sst s7  }
0x10: {  	[smem:$0x3FAD] =	sst s8  }
0x11: {  	[smem:$0x3FAE] =	sst s9;
	s0 =	simm.s32 @!p0 $0x0  }
0x12: {  	s1 =	sld [smem:$0x3F94];
	s0 =	simm.s32 @p0 $0x1  }
0x13: {  	[smem:$0x3FAF] =	sst s0;
	s0 =	simm.s32 @!p1 $0x0  }
0x14: {  	s2 =	sld [smem:$0x3F93];
	s0 =	simm.s32 @p1 $0x1  }
0x15: {  	[smem:$0x3FB0] =	sst s0;
	s0 =	simm.s32 @!p2 $0x0  }
0x16: {  	s3 =	sld [smem:$0x3FDB];
	s0 =	simm.s32 @p2 $0x1  }
0x17: {  	s4 =	simm.s32 $0x1BF5;
	[smem:$0x3FB2] =	sst s0  }
0x18: {  	s0 =	sld [smem:$0x3F95];
	_ =	swait.ge [sflag:s4], $0x0  }
0x19: {  	s7 =	sld [smem:$0x3F96]  }
0x1a: {  	s8 =	sadd.s32 $0xFFFFE003, lr  }
0x1b: {  	s9 =	sadd.s32 $0xFFFFFEF7, lr;
	s5 =	simm.s32 $0xFFFFFFFF;
	p2 =	slt.u32 s8, $0xFFFFF086  }
0x1c: {  	p1 =	slt.u32 s9, $0xF7A;
	s5 =	simm.s32 @!p2 $0x0  }
0x1d: {  	s5 =	simm.s32 @p1 $0x1;
	p0 =	seq.s32 s7, s2  }
0x1e: {  	s7 =	smul.u32 @!p0 $0xF7A, s2;
	p2 =	seq.s32 @!p0 s5, $0x0  }
0x1f: {  	s9 =	smul.u32 $0xF7A, s1;
	s8 =	simm.s32 @!p0 $0x1BF5;
	p2 =	por !p2, p0  }
0x20: {  	[sflag:s8] =	ssyncset.s32 @!p0 $0xFFFFF086;
	s6 =	sadd.s32 @!p0 s3, s7;
	s7 =	simm.s32 @!p0 $0x108  }
0x21: {  	s3 =	sadd.s32 s3, s9;
	s6 =	sadd.s32 @!p0 $0x88, s6;
	s7 =	simm.s32 @p2 $0x1082  }
0x22: {  	[simem:s7], [sflag:s8] =	dma.local @!p0 [hbm:s6], $0xF7A  }
0x23: {  	s9 =	sor.u32 $0xD0000000, s2;
	s6 =	simm.s32 $0x108;
	_ =	swait.ge @!p0 [sflag:s8], $0x0  }
0x24: {  	s3 =	sadd.s32 $0x88, s3;
	s6 =	simm.s32 @!p1 $0x1082;
	[sflag:s4] =	ssyncset.s32 $0xFFFFF086  }
0x25: {  	[simem:s6], [sflag:s4] =	dma.local [hbm:s3], $0xF7A  }
0x26: {  	[smem:$0x3F96] =	sst s1;
	(tag) =	ssettag s2;
	_ =	strace s9  }
0x27: {  	s1 =	sld [smem:$0x3FA6]  }
0x28: {  	s2 =	sld [smem:$0x3FA7]  }
0x29: {  	s4 =	sld [smem:$0x3FA9]  }
0x2a: {  	p0 =	seq.s32 s5, $0x0;
	s5 =	sld [smem:$0x3FAA]  }
0x2b: {  	s6 =	sld [smem:$0x3FAB]  }
0x2c: {  	s7 =	sld [smem:$0x3FAC]  }
0x2d: {  	s3 =	simm.s32 $0x108;
	s8 =	sld [smem:$0x3FAD]  }
0x2e: {  	s3 =	simm.s32 @!p0 $0x1082;
	s9 =	sld [smem:$0x3FAE]  }
0x2f: {  	lr =	sadd.s32 s0, s3;
	s0 =	sld [smem:$0x3FA5]  }
0x30: {  	s3 =	sld [smem:$0x3FA8]  }
0x31: {  	[smem:$0x3FB1] =	sst s10  }
0x32: {  	s10 =	sld [smem:$0x3FAF];
	_ =	sdelay $0x3  }
0x33: {  	p0 =	seq.s32 s10, $0x1;
	s10 =	sld [smem:$0x3FB1];
	_ =	sdelay $0x3  }
0x34: {  	[smem:$0x3FB1] =	sst s10  }
0x35: {  	s10 =	sld [smem:$0x3FB0];
	_ =	sdelay $0x3  }
0x36: {  	p1 =	seq.s32 s10, $0x1;
	s10 =	sld [smem:$0x3FB1];
	_ =	sdelay $0x3  }
0x37: {  	[smem:$0x3FB1] =	sst s10  }
0x38: {  	s10 =	sld [smem:$0x3FB2]  }
0x39: {  	_ = 	snop;
	(pc) =	sbr.ind lr, $3  }
0x3a: {  	_ = 	snop  }
0x3b: {  	_ = 	snop  }
0x3c: {  	p2 =	seq.s32 s10, $0x1;
	s10 =	sld [smem:$0x3FB1]  }
0x3d: {  	_ =	shalt  }
0x3e: {  	_ =	shalt  }
0x3f: {  	_ =	shalt  }
0x40: {  	_ =	shalt  }
0x41: {  	_ =	shalt  }
0x42: {  	_ =	shalt  }
0x43: {  	_ =	shalt  }
0x44: {  	_ =	shalt  }
0x45: {  	_ =	shalt  }
0x46: {  	_ =	shalt  }
0x47: {  	_ =	shalt  }
0x48: {  	_ =	shalt  }
0x49: {  	_ =	shalt  }
0x4a: {  	_ =	shalt  }
0x4b: {  	_ =	shalt  }
0x4c: {  	_ =	shalt  }
0x4d: {  	_ =	shalt  }
0x4e: {  	_ =	shalt  }
0x4f: {  	_ =	shalt  }
0x50: {  	_ =	shalt  }
0x51: {  	_ =	shalt  }
0x52: {  	_ =	shalt  }
0x53: {  	_ =	shalt  }
0x54: {  	_ =	shalt  }
0x55: {  	_ =	shalt  }
0x56: {  	_ =	shalt  }
0x57: {  	_ =	shalt  }
0x58: {  	_ =	shalt  }
0x59: {  	_ =	shalt  }
0x5a: {  	_ =	shalt  }
0x5b: {  	_ =	shalt  }
0x5c: {  	_ =	shalt  }
0x5d: {  	_ =	shalt  }
0x5e: {  	_ =	shalt  }
0x5f: {  	_ =	shalt  }
0x60: {  	_ =	shalt  }
0x61: {  	_ =	shalt  }
0x62: {  	_ =	shalt  }
0x63: {  	_ =	shalt  }
0x64: {  	_ =	shalt  }
0x65: {  	_ =	shalt  }
0x66: {  	_ =	shalt  }
0x67: {  	_ =	shalt  }
0x68: {  	_ =	shalt  }
0x69: {  	_ =	shalt  }
0x6a: {  	_ =	shalt  }
0x6b: {  	_ =	shalt  }
0x6c: {  	_ =	shalt  }
0x6d: {  	_ =	shalt  }
0x6e: {  	_ =	shalt  }
0x6f: {  	_ =	shalt  }
0x70: {  	_ =	shalt  }
0x71: {  	_ =	shalt  }
0x72: {  	_ =	shalt  }
0x73: {  	_ =	shalt  }
0x74: {  	_ =	shalt  }
0x75: {  	_ =	shalt  }
0x76: {  	_ =	shalt  }
0x77: {  	_ =	shalt  }
0x78: {  	_ =	shalt  }
0x79: {  	_ =	shalt  }
0x7a: {  	_ =	shalt  }
0x7b: {  	_ =	shalt  }
0x7c: {  	_ =	shalt  }
0x7d: {  	_ =	shalt  }
0x7e: {  	_ =	shalt  }
0x7f: {  	_ =	shalt  }
0x80: {  	_ =	shalt  }
0x81: {  	_ =	shalt  }
0x82: {  	_ =	shalt  }
0x83: {  	_ =	shalt  }
0x84: {  	_ =	shalt  }
0x85: {  	_ =	shalt  }
0x86: {  	_ =	shalt  }
0x87: {  	_ =	shalt  }
.Lfunc_end0:
.L_simem_size_0:
called_computation.3_lowered:
.L_overlay_start_0:
0x88: {  	s2 =	sld [smem:$0x3FD9]  }
0x89: {  	s3 =	sld [smem:$0x3FFE];
	_ =	sdelay $0x1  }
0x8a: {  	s1 =	srdreg.scid  }
0x8b: {  	s0 =	sand.u32 $0x1, s1  }
0x8c: {  	s17 =	sshll.u32 s0, $0xA;
	s2 =	sadd.s32 s3, s2  }
0x8d: {  	s2 =	sadd.s32 s2, s17  }
0x8e: {  	[smem:$0x3FBD] =	sst s2  }
0x8f: {  	_ = 	snop  }
0x90: {  	s2 =	sld [smem:$0x3FD0];
	(tm) =	ssettm $0x1  }
0x91: {  	s18 =	sld [smem:$0x3FFB];
	_ =	sdelay $0x3  }
0x92: {  	_ =	strace s18  }
0x93: {  	s3 =	sld [smem:$0x3FFC];
	_ =	sdelay $0x3  }
0x94: {  	_ =	strace s3  }
0x95: {  	s3 =	sld [smem:$0x3FFD];
	_ =	sdelay $0x3  }
0x96: {  	_ =	strace s3  }
0x97: {  	_ =	strace $0x8FFFFFFF  }
0x98: {  	s19 =	sld [smem:$0x3FDB];
	_ =	sdelay $0x1  }
0x99: {  	s4 =	simm.s32 $_scs_section_size  }
0x9a: {  	s5 =	simm.s32 $_size__tile_overlayer_lowered;
	s6 =	simm.s32 $_tile_overlayer_lowered  }
0x9b: {  	s22 =	simm.s32 $0x1BFF;
	s21 =	sshll.u32 s6, $0x1;
	s3 =	sadd.s32 s4, s19  }
0x9c: {  	s7 =	simm.s32 $0x0;
	s20 =	sshll.u32 s5, $0x1;
	s5 =	sadd.s32 s21, s3  }
0x9d: {  	[timem:s7], [sflag:s22] =	dma.local [hbm:s5], s20  }
0x9e: {  	_ =	swait.ge [sflag:s22], s20  }
0x9f: {  	s4 =	ssub.s32 $0x0, s20;
	[sflag:s22] =	ssyncset.done $0x0  }
0xa0: {  	[sflag:s22] =	ssyncadd.s32 s4;
	_ =	sdelay $0x1  }
0xa1: {  	s23 =	simm.s32 $0x1B8B  }
0xa2: {  	_ =	swait.ge [sflag:s23], $0x1  }
0xa3: {  	[sflag:s23] =	ssyncset.done $0x0  }
0xa4: {  	s25 =	simm.s32 $0x1B8E;
	s24 =	sld [smem:$0x3FFE];
	[sflag:s23] =	ssyncadd.s32 $0xFFFFFFFF  }
0xa5: {  	s26 =	simm.s32 $execute0_lowered;
	[smem:$0x3FD2] =	sst s25  }
0xa6: {  	s5 =	sshll.u32 s26, $0x1;
	_ =	strace $0x8000004F;
	[dreg:$0x1] =	wrdreg $0xFFFFFFFF  }
0xa7: {  	s28 =	simm.s32 $_size_execute0_lowered;
	s3 =	sadd.s32 s3, s5;
	[dreg:$0x0] =	wrdreg $0x0  }
0xa8: {  	s5 =	sshll.u32 s28, $0x1;
	[dreg:$0x2] =	wrdreg s3  }
0xa9: {  	[dreg:$0x3] =	wrdreg s5  }
0xaa: {  	[dreg:$0x4] =	wrdreg $0xC0  }
0xab: {  	_ =	task [dreg:s7], $0x5FFFF  }
0xac: {  	[dreg:$0x1] =	wrdreg $0xFFFFFFFF  }
0xad: {  	[dreg:$0x0] =	wrdreg $0x60  }
0xae: {  	[dreg:$0x2] =	wrdreg s2  }
0xaf: {  	[dreg:$0x3] =	wrdreg s24  }
0xb0: {  	[dreg:$0x4] =	wrdreg $0xF8000  }
0xb1: {  	[dreg:$0x5] =	wrdreg $0x9  }
0xb2: {  	_ =	task.clear_ibuf [dreg:s7], $0x6FFFF;
	_ =	strace $0x9000004F  }
0xb3: {  	s29 =	simm.s32 $0x9;
	_ =	strace $0x80000051  }
0xb4: {  	_ =	swait.ge [sflag:s29], $0x1  }
0xb5: {  	[sflag:s29] =	ssyncadd.s32 $0xFFFFFFFF  }
0xb6: {  	_ =	strace $0x90000051  }
0xb7: {  	_ =	sfence  }
0xb8: {  	s30 =	sld [smem:$0x0];
	_ =	sdelay $0x2  }
0xb9: {  	s31 =	sshll.u32 s1, $0xD;
	s1 =	sshrl.u32 s1, $0x2  }
0xba: {  	s3 =	sand.u32 $0x4000, s31;
	s1 =	sadd.s32 s1, s30  }
0xbb: {  	s0 =	sor.u32 s3, s0;
	s1 =	sshll.u32 s1, $0x11  }
0xbc: {  	s0 =	sor.u32 s1, s0  }
0xbd: {  	s0 =	sadd.s32 $0x8F2B, s0  }
0xbe: {  	[sflag:s0] =	ssyncadd.remote.s32 $0x1  }
0xbf: {  	_ =	sfence.sel $0xFFFF  }
0xc0: {  	[dreg:$0x0] =	wrdreg $0xFFFFFFFF;
	(pc) =	sbr.abs _section_cstart, $3  }
0xc1: {  	[dreg:$0x1] =	wrdreg $0xFFFFFFFF  }
0xc2: {  	_ =	task.clear_ibuf [dreg:s7], $0x2FFFF;
	_ =	strace $0x9FFFFFFF  }
0xc3: {  	(tm) =	ssettm $0x7FFFFFFF  }
tec
execute0_lowered:
.L_overlay_start_1:
0x0: {  	(tag) =	ssettag $0x1  }
0x1: {  	s1 =	rddreg [dreg:$0x0]  }
0x2: {  	s11 =	stileid.u32;
	s4 =	rddreg [dreg:$0x1]  }
0x3: {  	s0 =	srdreg.scid;
	s3 =	rddreg [dreg:$0x2]  }
0x4: {  	s6 =	simm.s32 $0x0;
	s9 =	simm.s32 $0x1E;
	s17 =	simm.s32 $0x9  }
0x5: {  	s28 =	simm.s32 $0x7800;
	s30 =	simm.s32 $0x9800;
	s2 =	smul.u32 $0x28, s11  }
0x6: {  	s29 =	simm.s32 $0xD800;
	s31 =	simm.s32 $0x2;
	s5 =	smul.u32 $0x78, s11  }
0x7: {  	s0 =	sand.u32 $0x1, s0;
	[smem:$0x7FF] =	sst s6;
	s22 =	smul.u32 $0x28000, s11  }
0x8: {  	s10 =	smul.u32 $0x280, s11;
	s24 =	sshll.u32 s11, $0x6;
	p0 =	seq.s32 s0, $0x0  }
0x9: {  	_ =	strace $0x80000050;
	s7 =	ssub.s32 $0x2, s0;
	s0 =	smul.u32 $0x2800, s0  }
0xa: {  	s2 =	sadd.s32 $0x780, s2;
	s8 =	sshrl.u32 s7, $0x1;
	s9 =	simm.s32 @!p0 $0xA  }
0xb: {  	s6 =	sshrl.u32 s22, $0x2;
	s18 =	sadd.s32 $0x80, s10;
	s14 =	sadd.s32 $0x100, s10  }
0xc: {  	s21 =	sadd.s32 $0x180, s10;
	s2 =	smov.u32 @p0 s5;
	s5 =	sadd.s32 $0x16000, s4  }
0xd: {  	s7 =	ssub.s32 s7, s8;
	s23 =	sadd.s32 $0xFFFFFFFF, s9;
	s12 =	sadd.s32 s6, s3  }
0xe: {  	s25 =	sadd.s32 s0, s10;
	s8 =	sor.u32 $0x1C09, s24;
	s13 =	sadd.s32 s0, s18  }
0xf: {  	s11 =	sshll.u32 s18, $0x6;
	s15 =	sadd.s32 s0, s14;
	s20 =	sshll.u32 s14, $0x6  }
0x10: {  	s22 =	sadd.s32 s0, s21;
	s10 =	sadd.s32 $0x200, s10;
	s14 =	sshll.u32 s21, $0x6  }
0x11: {  	s24 =	sshll.u32 s9, $0xC;
	s9 =	simm.s32 $0x4;
	s2 =	sshll.u32 s2, $0x5  }
0x12: {  	[dreg:$0x4] =	wrdreg s23;
	s26 =	sshll.u32 s25, $0x3;
	s6 =	smax.u32 s7, $0x1  }
0x13: {  	s7 =	sadd.s32 $0x2000, s12;
	s25 =	sadd.s32 $0x4000, s12;
	[dreg:$0x5] =	wrdreg s12  }
0x14: {  	s13 =	sshll.u32 s13, $0x3;
	s11 =	sadd.s32 s11, s3;
	s19 =	sshll.u32 s15, $0x3  }
0x15: {  	s15 =	sshll.u32 s22, $0x3;
	s0 =	sadd.s32 s0, s10;
	s14 =	sadd.s32 s14, s3  }
0x16: {  	s23 =	sshll.u32 s10, $0x6;
	s16 =	sadd.s32 $0xFFFFE000, s24;
	s10 =	simm.s32 $0x7  }
0x17: {  	s2 =	sadd.s32 s2, s4;
	s4 =	sadd.s32 $0x2A400, s4;
	[dreg:$0x8] =	wrdreg s6  }
0x18: {  	s0 =	sshll.u32 s0, $0x3;
	s25 =	sshrl.u32 s25, $0x3;
	s22 =	sshrl.u32 s11, $0x3  }
0x19: {  	s24 =	sshrl.u32 s14, $0x3;
	s2 =	sadd.s32 $0x16400, s2;
	[dreg:$0xe] =	wrdreg s25  }
0x1a: {  	s6 =	simm.s32 $0x3;
	s13 =	sadd.s32 s4, s13;
	[dreg:$0x6] =	wrdreg s2  }
0x1b: {  	s11 =	simm.s32 $0x8;
	s15 =	sadd.s32 s4, s15;
	[dreg:$0x9] =	wrdreg s13  }
0x1c: {  	s0 =	sadd.s32 s4, s0;
	s2 =	sadd.s32 s4, s26;
	[dreg:$0xb] =	wrdreg s15  }
0x1d: {  	s26 =	sadd.s32 $0x6000, s12;
	s12 =	sadd.s32 $0x8000, s12;
	[dreg:$0xc] =	wrdreg s0  }
0x1e: {  	s13 =	sadd.s32 s4, s19;
	s0 =	sadd.s32 s23, s3;
	[dreg:$0x7] =	wrdreg s2  }
0x1f: {  	s4 =	simm.s32 $0x6;
	[dreg:$0xa] =	wrdreg s13;
	s13 =	sadd.s32 s20, s3  }
0x20: {  	s2 =	sshrl.u32 s7, $0x3;
	s26 =	sshrl.u32 s26, $0x3;
	s21 =	sshrl.u32 s12, $0x3  }
0x21: {  	s25 =	sshrl.u32 s0, $0x3;
	s0 =	simm.s32 $0x5;
	[dreg:$0xd] =	wrdreg s2  }
0x22: {  	s12 =	simm.s32 $0x1;
	[dreg:$0xf] =	wrdreg s26;
	s23 =	sshrl.u32 s13, $0x3  }
0x23: {  	s26 =	simm.s32 $0x80;
	s2 =	simm.s32 $0xB800;
	s13 =	simm.s32 $0x0  }
.LBB2_1:
0x24: {  	s7 =	rddreg [dreg:$0x5]  }
0x25: {  	s14 =	sshrl.u32 s7, $0x3  }
0x26: {  	[spmem:s14], [sflag:s8] =	dma.local [hbm:s5], $0x400  }
0x27: {  	_ =	swait.ge [sflag:s17], $0x400  }
0x28: {  	[sflag:s17] =	ssyncset.done $0x0  }
0x29: {  	s15 =	rddreg [dreg:$0xd];
	[sflag:s17] =	ssyncadd.s32 $0xFFFFFC00  }
0x2a: {  	[spmem:s15], [sflag:s8] =	dma.local [hbm:s5], $0x400  }
0x2b: {  	_ =	swait.ge [sflag:s17], $0x400  }
0x2c: {  	[sflag:s17] =	ssyncset.done $0x0  }
0x2d: {  	s18 =	rddreg [dreg:$0xe];
	[sflag:s17] =	ssyncadd.s32 $0xFFFFFC00  }
0x2e: {  	[spmem:s18], [sflag:s8] =	dma.local [hbm:s5], $0x400  }
0x2f: {  	_ =	swait.ge [sflag:s17], $0x400  }
0x30: {  	[sflag:s17] =	ssyncset.done $0x0  }
0x31: {  	s19 =	rddreg [dreg:$0xf];
	[sflag:s17] =	ssyncadd.s32 $0xFFFFFC00  }
0x32: {  	[spmem:s19], [sflag:s8] =	dma.local [hbm:s5], $0x400  }
0x33: {  	_ =	swait.ge [sflag:s17], $0x400  }
0x34: {  	[sflag:s17] =	ssyncset.done $0x0  }
0x35: {  	[sflag:s17] =	ssyncadd.s32 $0xFFFFFC00  }
0x36: {  	[spmem:s21], [sflag:s8] =	dma.local [hbm:s5], $0x400  }
0x37: {  	_ =	swait.ge [sflag:s17], $0x400  }
0x38: {  	[sflag:s17] =	ssyncset.done $0x0  }
0x39: {  	s20 =	simm.s32 $0x0;
	s15 =	rddreg [dreg:$0x6];
	[sflag:s17] =	ssyncadd.s32 $0xFFFFFC00  }
0x3a: {  	[tilespmem:s20], [sflag:$0x9] =	stream.linear.gather [hbm4b:s15+s20], $0x7800, $0x38;
	[tilespmem:$0x19800] =	vst v63  }
0x3b: {  	_ =	swait.ge [sflag:s17], $0x7800  }
0x3c: {  	[sflag:s17] =	ssyncset.done $0x0  }
0x3d: {  	[sflag:s17] =	ssyncadd.s32 $0xFFFF8800  }
0x3e: {  	[bflag:$0x0] =	sbarrier.arrive $0xFFFF  }
0x3f: {  	[tilespmem:s28], [sflag:$0x1] =	stream.indirect.gather [hbm4b:s1+s26], $0x40, s20, s26, $0xb8;
	[tilespmem:$0x19800] =	vst v63  }
0x40: {  	s18 =	simm.s32 $0x100  }
0x41: {  	[tilespmem:s30], [sflag:$0x2] =	stream.indirect.gather [hbm4b:s1+s26], $0x40, s18, s26, $0xb8;
	[tilespmem:$0x19800] =	vst v63  }
0x42: {  	s19 =	simm.s32 $0x200  }
0x43: {  	[tilespmem:s2], [sflag:$0x3] =	stream.indirect.gather [hbm4b:s1+s26], $0x40, s19, s26, $0xb8;
	[tilespmem:$0x19800] =	vst v63  }
0x44: {  	s20 =	simm.s32 $0x300  }
0x45: {  	[tilespmem:s29], [sflag:$0x4] =	stream.indirect.gather [hbm4b:s1+s26], $0x40, s20, s26, $0xb8;
	[tilespmem:$0x19800] =	vst v63  }
0x46: {  	_ =	swait.ge [sflag:s12], $0x2000  }
0x47: {  	[sflag:s12] =	ssyncset.done $0x0  }
0x48: {  	[sflag:s12] =	ssyncadd.s32 $0xFFFFE000  }
0x49: {  	[spmem:s3] =	stream.indirect.scatter.add.bf16 [tilespmem:s28], [sflag:$0x5], $0x40, s26, s26, $0xb8;
	[tilespmem:$0x19800] =	vst v63  }
0x4a: {  	_ =	swait.ge [sflag:s31], $0x2000  }
0x4b: {  	[sflag:s31] =	ssyncset.done $0x0  }
0x4c: {  	s15 =	simm.s32 $0x180;
	[sflag:s31] =	ssyncadd.s32 $0xFFFFE000  }
0x4d: {  	[spmem:s3] =	stream.indirect.scatter.add.bf16 [tilespmem:s30], [sflag:$0x6], $0x40, s15, s26, $0xb8;
	[tilespmem:$0x19800] =	vst v63  }
0x4e: {  	_ =	swait.ge [sflag:s0], $0x2000  }
0x4f: {  	[sflag:s0] =	ssyncset.done $0x0  }
0x50: {  	s18 =	simm.s32 $0x400;
	[sflag:s0] =	ssyncadd.s32 $0xFFFFE000  }
0x51: {  	[tilespmem:s28], [sflag:$0x1] =	stream.indirect.gather [hbm4b:s1+s26], $0x40, s18, s26, $0xb8;
	[tilespmem:$0x19800] =	vst v63  }
0x52: {  	_ =	swait.ge [sflag:s4], $0x2000  }
0x53: {  	[sflag:s4] =	ssyncset.done $0x0  }
0x54: {  	s19 =	simm.s32 $0x500;
	[sflag:s4] =	ssyncadd.s32 $0xFFFFE000  }
0x55: {  	[tilespmem:s30], [sflag:$0x2] =	stream.indirect.gather [hbm4b:s1+s26], $0x40, s19, s26, $0xb8;
	[tilespmem:$0x19800] =	vst v63  }
0x56: {  	_ =	swait.ge [sflag:s6], $0x2000  }
0x57: {  	[sflag:s6] =	ssyncset.done $0x0  }
0x58: {  	s20 =	simm.s32 $0x280;
	[sflag:s6] =	ssyncadd.s32 $0xFFFFE000  }
0x59: {  	[spmem:s3] =	stream.indirect.scatter.add.bf16 [tilespmem:s2], [sflag:$0x7], $0x40, s20, s26, $0xb8;
	[tilespmem:$0x19800] =	vst v63  }
0x5a: {  	_ =	swait.ge [sflag:s9], $0x2000  }
0x5b: {  	[sflag:s9] =	ssyncset.done $0x0  }
0x5c: {  	s15 =	simm.s32 $0x380;
	[sflag:s9] =	ssyncadd.s32 $0xFFFFE000  }
0x5d: {  	[spmem:s3] =	stream.indirect.scatter.add.bf16 [tilespmem:s29], [sflag:$0x8], $0x40, s15, s26, $0xb8;
	[tilespmem:$0x19800] =	vst v63  }
0x5e: {  	_ =	swait.ge [sflag:s10], $0x2000  }
0x5f: {  	[sflag:s10] =	ssyncset.done $0x0  }
0x60: {  	s18 =	simm.s32 $0x600;
	[sflag:s10] =	ssyncadd.s32 $0xFFFFE000  }
0x61: {  	[tilespmem:s2], [sflag:$0x3] =	stream.indirect.gather [hbm4b:s1+s26], $0x40, s18, s26, $0xb8;
	[tilespmem:$0x19800] =	vst v63  }
0x62: {  	_ =	swait.ge [sflag:s11], $0x2000  }
0x63: {  	[sflag:s11] =	ssyncset.done $0x0  }
0x64: {  	s19 =	simm.s32 $0x700;
	[sflag:s11] =	ssyncadd.s32 $0xFFFFE000  }
0x65: {  	[tilespmem:s29], [sflag:$0x4] =	stream.indirect.gather [hbm4b:s1+s26], $0x40, s19, s26, $0xb8;
	[tilespmem:$0x19800] =	vst v63  }
0x66: {  	_ =	swait.ge [sflag:s12], $0x2000  }
0x67: {  	[sflag:s12] =	ssyncset.done $0x0  }
0x68: {  	s20 =	simm.s32 $0x480;
	[sflag:s12] =	ssyncadd.s32 $0xFFFFE000  }
0x69: {  	[spmem:s3] =	stream.indirect.scatter.add.bf16 [tilespmem:s28], [sflag:$0x5], $0x40, s20, s26, $0xb8;
	[tilespmem:$0x19800] =	vst v63  }
0x6a: {  	_ =	swait.ge [sflag:s31], $0x2000  }
0x6b: {  	[sflag:s31] =	ssyncset.done $0x0  }
0x6c: {  	s15 =	simm.s32 $0x580;
	[sflag:s31] =	ssyncadd.s32 $0xFFFFE000  }
0x6d: {  	[spmem:s3] =	stream.indirect.scatter.add.bf16 [tilespmem:s30], [sflag:$0x6], $0x40, s15, s26, $0xb8;
	[tilespmem:$0x19800] =	vst v63  }
0x6e: {  	_ =	swait.ge [sflag:s0], $0x2000  }
0x6f: {  	[sflag:s0] =	ssyncset.done $0x0  }
0x70: {  	s18 =	simm.s32 $0x800;
	[sflag:s0] =	ssyncadd.s32 $0xFFFFE000  }
0x71: {  	[tilespmem:s28], [sflag:$0x1] =	stream.indirect.gather [hbm4b:s1+s26], $0x40, s18, s26, $0xb8;
	[tilespmem:$0x19800] =	vst v63  }
0x72: {  	_ =	swait.ge [sflag:s4], $0x2000  }
0x73: {  	[sflag:s4] =	ssyncset.done $0x0  }
0x74: {  	s19 =	simm.s32 $0x900;
	[sflag:s4] =	ssyncadd.s32 $0xFFFFE000  }
0x75: {  	[tilespmem:s30], [sflag:$0x2] =	stream.indirect.gather [hbm4b:s1+s26], $0x40, s19, s26, $0xb8;
	[tilespmem:$0x19800] =	vst v63  }
0x76: {  	_ =	swait.ge [sflag:s6], $0x2000  }
0x77: {  	p0 =	sne.s32 s16, $0x1000;
	[sflag:s6] =	ssyncset.done $0x0  }
.Ltmp0:
0x78: {  	s20 =	simm.s32 $0x680;
	[sflag:s6] =	ssyncadd.s32 $0xFFFFE000;
	(pc) =	sbr.rel @!p0 .LBB2_3-.Ltmp0, $4  }
0x79: {  	[spmem:s3] =	stream.indirect.scatter.add.bf16 [tilespmem:s2], [sflag:$0x7], $0x40, s20, s26, $0xb8;
	[tilespmem:$0x19800] =	vst v63  }
0x7a: {  	_ =	swait.ge [sflag:s9], $0x2000  }
0x7b: {  	s7 =	simm.s32 $0x2;
	[sflag:s9] =	ssyncset.done $0x0  }
0x7c: {  	s15 =	simm.s32 $0x1000;
	s18 =	simm.s32 $0x780;
	[sflag:s9] =	ssyncadd.s32 $0xFFFFE000  }
.LBB2_2:
0x7d: {  	[spmem:s3] =	stream.indirect.scatter.add.bf16 [tilespmem:s29], [sflag:$0x8], $0x40, s18, s26, $0xb8;
	[tilespmem:$0x19800] =	vst v63  }
0x7e: {  	s18 =	smov.u32 s15;
	s15 =	sadd.s32 $0x1000, s15;
	_ =	swait.ge [sflag:s10], $0x2000  }
0x7f: {  	s18 =	sshra.s32 s18, $0x2;
	p0 =	sne.s32 s16, s15;
	[sflag:s10] =	ssyncset.done $0x0  }
0x80: {  	s19 =	sadd.s32 $0x600, s18;
	[sflag:s10] =	ssyncadd.s32 $0xFFFFE000  }
0x81: {  	[tilespmem:s2], [sflag:$0x3] =	stream.indirect.gather [hbm4b:s1+s26], $0x40, s19, s26, $0xb8;
	[tilespmem:$0x19800] =	vst v63  }
0x82: {  	_ =	swait.ge [sflag:s11], $0x2000  }
0x83: {  	[sflag:s11] =	ssyncset.done $0x0  }
0x84: {  	s19 =	sadd.s32 $0x700, s18;
	[sflag:s11] =	ssyncadd.s32 $0xFFFFE000  }
0x85: {  	[tilespmem:s29], [sflag:$0x4] =	stream.indirect.gather [hbm4b:s1+s26], $0x40, s19, s26, $0xb8;
	[tilespmem:$0x19800] =	vst v63  }
0x86: {  	_ =	swait.ge [sflag:s12], $0x2000  }
0x87: {  	[sflag:s12] =	ssyncset.done $0x0  }
0x88: {  	s19 =	sadd.s32 $0x480, s18;
	[sflag:s12] =	ssyncadd.s32 $0xFFFFE000  }
0x89: {  	[spmem:s3] =	stream.indirect.scatter.add.bf16 [tilespmem:s28], [sflag:$0x5], $0x40, s19, s26, $0xb8;
	[tilespmem:$0x19800] =	vst v63  }
0x8a: {  	_ =	swait.ge [sflag:s31], $0x2000  }
0x8b: {  	[sflag:s31] =	ssyncset.done $0x0  }
0x8c: {  	s19 =	sadd.s32 $0x580, s18;
	[sflag:s31] =	ssyncadd.s32 $0xFFFFE000  }
0x8d: {  	[spmem:s3] =	stream.indirect.scatter.add.bf16 [tilespmem:s30], [sflag:$0x6], $0x40, s19, s26, $0xb8;
	[tilespmem:$0x19800] =	vst v63  }
0x8e: {  	_ =	swait.ge [sflag:s0], $0x2000  }
0x8f: {  	[sflag:s0] =	ssyncset.done $0x0  }
0x90: {  	s19 =	sadd.s32 $0x800, s18;
	[sflag:s0] =	ssyncadd.s32 $0xFFFFE000  }
0x91: {  	[tilespmem:s28], [sflag:$0x1] =	stream.indirect.gather [hbm4b:s1+s26], $0x40, s19, s26, $0xb8;
	[tilespmem:$0x19800] =	vst v63  }
0x92: {  	_ =	swait.ge [sflag:s4], $0x2000  }
0x93: {  	[sflag:s4] =	ssyncset.done $0x0  }
0x94: {  	s19 =	sadd.s32 $0x900, s18;
	[sflag:s4] =	ssyncadd.s32 $0xFFFFE000  }
0x95: {  	[tilespmem:s30], [sflag:$0x2] =	stream.indirect.gather [hbm4b:s1+s26], $0x40, s19, s26, $0xb8;
	[tilespmem:$0x19800] =	vst v63  }
0x96: {  	_ =	swait.ge [sflag:s6], $0x2000  }
0x97: {  	[sflag:s6] =	ssyncset.done $0x0  }
.Ltmp1:
0x98: {  	s19 =	sadd.s32 $0x680, s18;
	[sflag:s6] =	ssyncadd.s32 $0xFFFFE000;
	(pc) =	sbr.rel @p0 .LBB2_2-.Ltmp1, $4  }
0x99: {  	[spmem:s3] =	stream.indirect.scatter.add.bf16 [tilespmem:s2], [sflag:$0x7], $0x40, s19, s26, $0xb8;
	[tilespmem:$0x19800] =	vst v63  }
0x9a: {  	_ =	swait.ge [sflag:s9], $0x2000  }
0x9b: {  	[sflag:s9] =	ssyncset.done $0x0  }
0x9c: {  	s7 =	sadd.s32 $0x1, s7;
	s18 =	sadd.s32 $0x780, s18;
	[sflag:s9] =	ssyncadd.s32 $0xFFFFE000  }
.LBB2_3:
0x9d: {  	[spmem:s3] =	stream.indirect.scatter.add.bf16 [tilespmem:s29], [sflag:$0x8], $0x40, s18, s26, $0xb8;
	[tilespmem:$0x19800] =	vst v63  }
0x9e: {  	_ =	swait.ge [sflag:s10], $0x2000  }
0x9f: {  	s18 =	sshra.s32 s15, $0x2;
	[sflag:s10] =	ssyncset.done $0x0  }
0xa0: {  	s19 =	sadd.s32 $0x600, s18;
	[sflag:s10] =	ssyncadd.s32 $0xFFFFE000  }
0xa1: {  	[tilespmem:s2], [sflag:$0x3] =	stream.indirect.gather [hbm4b:s1+s26], $0x40, s19, s26, $0xb8;
	[tilespmem:$0x19800] =	vst v63  }
0xa2: {  	_ =	swait.ge [sflag:s11], $0x2000  }
0xa3: {  	[sflag:s11] =	ssyncset.done $0x0  }
0xa4: {  	s20 =	sadd.s32 $0x700, s18;
	[sflag:s11] =	ssyncadd.s32 $0xFFFFE000  }
0xa5: {  	[tilespmem:s29], [sflag:$0x4] =	stream.indirect.gather [hbm4b:s1+s26], $0x40, s20, s26, $0xb8;
	[tilespmem:$0x19800] =	vst v63  }
0xa6: {  	_ =	swait.ge [sflag:s12], $0x2000  }
0xa7: {  	[sflag:s12] =	ssyncset.done $0x0  }
0xa8: {  	s20 =	sadd.s32 $0x480, s18;
	[sflag:s12] =	ssyncadd.s32 $0xFFFFE000  }
0xa9: {  	[spmem:s3] =	stream.indirect.scatter.add.bf16 [tilespmem:s28], [sflag:$0x5], $0x40, s20, s26, $0xb8;
	[tilespmem:$0x19800] =	vst v63  }
0xaa: {  	_ =	swait.ge [sflag:s31], $0x2000  }
0xab: {  	[sflag:s31] =	ssyncset.done $0x0  }
0xac: {  	s20 =	sadd.s32 $0x580, s18;
	[sflag:s31] =	ssyncadd.s32 $0xFFFFE000  }
0xad: {  	[spmem:s3] =	stream.indirect.scatter.add.bf16 [tilespmem:s30], [sflag:$0x6], $0x40, s20, s26, $0xb8;
	[tilespmem:$0x19800] =	vst v63  }
0xae: {  	s20 =	rddreg [dreg:$0x4]  }
0xaf: {  	p0 =	sge.u32 s7, s20  }
0xb0: {  	s7 =	simm.s32 @!p0 $0x5  }
0xb1: {  	_ =	swait.ge @!p0 [sflag:s7], $0x2000  }
0xb2: {  	[sflag:s7] =	ssyncset.done @!p0 $0x0  }
0xb3: {  	[sflag:s7] =	ssyncadd.s32 @!p0 $0xFFFFE000;
	s7 =	sshra.s32 @!p0 s15, $0x2  }
0xb4: {  	s19 =	simm.s32 @!p0 $0x80;
	s20 =	simm.s32 @!p0 $0x7800;
	s15 =	sadd.s32 @!p0 $0x800, s7  }
0xb5: {  	[tilespmem:s20], [sflag:$0x1] =	stream.indirect.gather @!p0 [hbm4b:s1+s19], $0x40, s15, s19, $0xb8;
	[tilespmem:$0x19800] =	vst v63  }
0xb6: {  	s15 =	simm.s32 @!p0 $0x6  }
0xb7: {  	_ =	swait.ge @!p0 [sflag:s15], $0x2000  }
0xb8: {  	[sflag:s15] =	ssyncset.done @!p0 $0x0  }
0xb9: {  	s7 =	sadd.s32 @!p0 $0x900, s7;
	[sflag:s15] =	ssyncadd.s32 @!p0 $0xFFFFE000;
	s15 =	simm.s32 @!p0 $0x9800  }
0xba: {  	[tilespmem:s15], [sflag:$0x2] =	stream.indirect.gather @!p0 [hbm4b:s1+s19], $0x40, s7, s19, $0xb8;
	[tilespmem:$0x19800] =	vst v63  }
0xbb: {  	_ =	swait.ge [sflag:s6], $0x2000  }
0xbc: {  	[sflag:s6] =	ssyncset.done $0x0  }
0xbd: {  	s15 =	sadd.s32 $0x680, s18;
	[sflag:s6] =	ssyncadd.s32 $0xFFFFE000  }
0xbe: {  	[spmem:s3] =	stream.indirect.scatter.add.bf16 [tilespmem:s2], [sflag:$0x7], $0x40, s15, s26, $0xb8;
	[tilespmem:$0x19800] =	vst v63  }
0xbf: {  	_ =	swait.ge [sflag:s9], $0x2000  }
0xc0: {  	[sflag:s9] =	ssyncset.done $0x0  }
0xc1: {  	s19 =	sadd.s32 $0x780, s18;
	[sflag:s9] =	ssyncadd.s32 $0xFFFFE000  }
0xc2: {  	[spmem:s3] =	stream.indirect.scatter.add.bf16 [tilespmem:s29], [sflag:$0x8], $0x40, s19, s26, $0xb8;
	[tilespmem:$0x19800] =	vst v63  }
0xc3: {  	_ =	swait.ge [sflag:s0], $0x2000  }
0xc4: {  	[sflag:s0] =	ssyncset.done $0x0  }
0xc5: {  	[sflag:s0] =	ssyncadd.s32 $0xFFFFE000  }
0xc6: {  	_ =	swait.ge [sflag:s10], $0x2000  }
0xc7: {  	[sflag:s10] =	ssyncset.done $0x0  }
0xc8: {  	[sflag:s10] =	ssyncadd.s32 $0xFFFFE000  }
0xc9: {  	_ =	swait.ge [sflag:s4], $0x2000  }
0xca: {  	[sflag:s4] =	ssyncset.done $0x0  }
0xcb: {  	[sflag:s4] =	ssyncadd.s32 $0xFFFFE000  }
0xcc: {  	_ =	swait.ge [sflag:s11], $0x2000  }
0xcd: {  	[sflag:s11] =	ssyncset.done $0x0  }
0xce: {  	[sflag:s11] =	ssyncadd.s32 $0xFFFFE000  }
0xcf: {  	[bflag:$0x0] =	sbarrier.arrive $0xFFFF  }
0xd0: {  	s20 =	rddreg [dreg:$0x7]  }
0xd1: {  	[hbm:s20], [sflag:s8] =	dma.local [spmem:s14], $0x400  }
0xd2: {  	_ =	swait.ge [sflag:s17], $0x400  }
0xd3: {  	[sflag:s17] =	ssyncset.done $0x0  }
0xd4: {  	s14 =	rddreg [dreg:$0x9];
	[sflag:s17] =	ssyncadd.s32 $0xFFFFFC00  }
0xd5: {  	[hbm:s14], [sflag:s8] =	dma.local [spmem:s22], $0x400  }
0xd6: {  	_ =	swait.ge [sflag:s17], $0x400  }
0xd7: {  	[sflag:s17] =	ssyncset.done $0x0  }
0xd8: {  	s15 =	rddreg [dreg:$0xa];
	[sflag:s17] =	ssyncadd.s32 $0xFFFFFC00  }
0xd9: {  	[hbm:s15], [sflag:s8] =	dma.local [spmem:s23], $0x400  }
0xda: {  	_ =	swait.ge [sflag:s17], $0x400  }
0xdb: {  	[sflag:s17] =	ssyncset.done $0x0  }
0xdc: {  	s18 =	rddreg [dreg:$0xb];
	[sflag:s17] =	ssyncadd.s32 $0xFFFFFC00  }
0xdd: {  	[hbm:s18], [sflag:s8] =	dma.local [spmem:s24], $0x400  }
0xde: {  	_ =	swait.ge [sflag:s17], $0x400  }
0xdf: {  	[sflag:s17] =	ssyncset.done $0x0  }
0xe0: {  	s19 =	rddreg [dreg:$0xc];
	[sflag:s17] =	ssyncadd.s32 $0xFFFFFC00  }
0xe1: {  	[hbm:s19], [sflag:s8] =	dma.local [spmem:s25], $0x400  }
0xe2: {  	_ =	swait.ge [sflag:s17], $0x400  }
0xe3: {  	s13 =	sadd.s32 $0x1, s13;
	s20 =	rddreg [dreg:$0x8]  }
0xe4: {  	p0 =	sne.s32 s13, s20  }
.Ltmp2:
0xe5: {  	_ = 	snop;
	(pc) =	sbr.rel @p0 .LBB2_1-.Ltmp2, $3  }
0xe6: {  	_ =	sdelay $0x1  }
0xe7: {  	[sflag:s17] =	ssyncset.done $0x0  }
0xe8: {  	[sflag:s17] =	ssyncadd.s32 $0xFFFFFC00  }
0xe9: {  	_ =	sfence.sel $0x180000  }
0xea: {  	[bflag:$0x0] =	sbarrier.arrive $0xFFFF  }
0xeb: {  	_ =	strace $0x90000050  }
0xec: {  	s0 =	stileid.u32;
	[bflag:$0x2] =	sbarrier.arrive $0xFFFF  }
0xed: {  	p0 =	sne.s32 s0, $0x0;
	s0 =	rddreg [dreg:$0x3]  }
0xee: {  	s0 =	sadd.s32 @!p0 $0x100000, s0  }
0xef: {  	[sflag:s0] =	ssyncadd.tile.s32 @!p0 $0x1;
	_ =	shalt  }
.Lfunc_end2:
_tile_overlayer_lowered:
.L_overlay_start_2:
0xf0: {  	(tag) =	ssettag $0x2  }
0xf1: {  	s0 =	rddreg [dreg:$0x0];
	s2 =	stileid.u32  }
0xf2: {  	s1 =	rddreg [dreg:$0x1];
	p0 =	sne.s32 s2, $0x0  }
0xf3: {  	s3 =	rddreg [dreg:$0x2];
	[bflag:$0x3] =	sbarrier.arrive $0xFFFF;
	s2 =	simm.s32 @!p0 $0x1C09  }
0xf4: {  	[timem:s3], [sflag:s2] =	dma.local @!p0 [hbm:s0], s1  }
0xf5: {  	s0 =	simm.s32 @!p0 $0x9  }
0xf6: {  	_ =	swait.ge @!p0 [sflag:s0], s1  }
0xf7: {  	s1 =	ssub.s32 @!p0 $0x0, s1;
	[sflag:s0] =	ssyncset.done @!p0 $0x0  }
0xf8: {  	[sflag:s0] =	ssyncadd.s32 @!p0 s1  }
0xf9: {  	[bflag:$0x3] =	sbarrier.arrive $0xFFFF  }
0xfa: {  	_ =	shalt  }

</sc_bundles>
